<compile_context>
chip_gen: v7x
topology: tpu7x:2x2x1
jax: 0.10.2.dev20260603
libtpu: 0.0.44.dev20260713+nightly
codegen_flags: <defaults>
</compile_context>

<pallas_src>
import functools

import jax
import jax.numpy as jnp
from jax import lax
from jax.experimental import pallas as pl
from jax.experimental.pallas import tpu as pltpu
from jax.experimental.pallas import tpu_sc as plsc

_EMB_DIM = 128
_B_POS = 16384
_B_NEG = 81920
_B_TOT = _B_POS + _B_NEG
_LANES = 16
_K = _EMB_DIM // _LANES
_GRP = _EMB_DIM // _LANES
_OUT_ROWS = _B_TOT * _LANES // _EMB_DIM

_NW = 32
_CHUNK = 128
_RPC = _CHUNK // _GRP
_POS_PER_W = _B_POS // _NW
_NEG_PER_W = _B_NEG // _NW
_POS_CHUNKS = _POS_PER_W // _CHUNK
_NEG_CHUNKS = _NEG_PER_W // _CHUNK
_N_CHUNKS = _POS_CHUNKS + _NEG_CHUNKS
_POS_ROWS = _POS_PER_W // _GRP
_NEG_ROWS = _NEG_PER_W // _GRP


@functools.cache
def _make_sc_scores():
    mesh = plsc.VectorSubcoreMesh(core_axis_name="c", subcore_axis_name="s")

    @functools.partial(
        pl.kernel,
        mesh=mesh,
        out_type=jax.ShapeDtypeStruct((_OUT_ROWS, _EMB_DIM), jnp.float32),
        scratch_types=[
            pltpu.VMEM((_N_CHUNKS * _CHUNK,), jnp.int32),
            pltpu.VMEM((_N_CHUNKS * _CHUNK,), jnp.int32),
            pltpu.VMEM((_CHUNK, _EMB_DIM), jnp.float32),
            pltpu.VMEM((_CHUNK, _EMB_DIM), jnp.float32),
            pltpu.VMEM((_CHUNK, _EMB_DIM), jnp.float32),
            pltpu.VMEM((_CHUNK, _EMB_DIM), jnp.float32),
            pltpu.VMEM((_CHUNK, _EMB_DIM), jnp.float32),
            pltpu.VMEM((_CHUNK, _EMB_DIM), jnp.float32),
            pltpu.VMEM((_RPC, _EMB_DIM), jnp.float32),
            pltpu.VMEM((_RPC, _EMB_DIM), jnp.float32),
            pltpu.VMEM((_RPC, _EMB_DIM), jnp.float32),
            pltpu.SemaphoreType.DMA,
            pltpu.SemaphoreType.DMA,
            pltpu.SemaphoreType.DMA,
            pltpu.SemaphoreType.DMA,
            pltpu.SemaphoreType.DMA,
            pltpu.SemaphoreType.DMA,
        ],
    )
    def sc_scores(pos_w1d, pos_v1d, neg_w1d, neg_v1d, w_emb, v_emb, out,
                  idx_a, idx_b, rows_a0, rows_b0, rows_a1, rows_b1,
                  rows_a2, rows_b2, part0, part1, part2,
                  sem0, sem1, sem2, semo0, semo1, semo2):
        wid = lax.axis_index("s") * 2 + lax.axis_index("c")
        rbufs = ((rows_a0, rows_b0, part0, sem0, semo0),
                 (rows_a1, rows_b1, part1, sem1, semo1),
                 (rows_a2, rows_b2, part2, sem2, semo2))

        stages = (
            (pos_w1d.at[pl.ds(wid * _POS_PER_W, _POS_PER_W)],
             idx_a.at[pl.ds(0, _POS_PER_W)]),
            (pos_v1d.at[pl.ds(wid * _POS_PER_W, _POS_PER_W)],
             idx_b.at[pl.ds(0, _POS_PER_W)]),
            (neg_w1d.at[pl.ds(wid * _NEG_PER_W, _NEG_PER_W)],
             idx_a.at[pl.ds(_POS_PER_W, _NEG_PER_W)]),
            (neg_v1d.at[pl.ds(wid * _NEG_PER_W, _NEG_PER_W)],
             idx_b.at[pl.ds(_POS_PER_W, _NEG_PER_W)]),
        )
        cps = [pltpu.async_copy(src, dst, semo0) for src, dst in stages]
        for cp in cps:
            cp.wait()

        def fetch(c, buf):
            rows_a, rows_b, _, sem, _ = buf
            ia = idx_a.at[pl.ds(c * _CHUNK, _CHUNK)]
            ib = idx_b.at[pl.ds(c * _CHUNK, _CHUNK)]

            @pl.when(c < _POS_CHUNKS)
            def _():
                pltpu.async_copy(w_emb.at[ia], rows_a, sem)

            @pl.when(c >= _POS_CHUNKS)
            def _():
                pltpu.async_copy(v_emb.at[ia], rows_a, sem)

            pltpu.async_copy(v_emb.at[ib], rows_b, sem)

        def consume(c, buf):
            rows_a, rows_b, part, sem, semo = buf
            ia = idx_a.at[pl.ds(c * _CHUNK, _CHUNK)]
            ib = idx_b.at[pl.ds(c * _CHUNK, _CHUNK)]
            pltpu.make_async_copy(v_emb.at[ia], rows_a, sem).wait()
            pltpu.make_async_copy(v_emb.at[ib], rows_b, sem).wait()

            @pl.when(c >= 3)
            def _():
                pltpu.make_async_copy(
                    part, out.at[pl.ds(0, _RPC), :], semo).wait()

            def row_body(rr, carry):
                for g in range(_GRP):
                    r = rr * _GRP + g
                    acc = (rows_a[r, pl.ds(0, _LANES)]
                           * rows_b[r, pl.ds(0, _LANES)])
                    for k in range(1, _K):
                        acc = acc + (rows_a[r, pl.ds(k * _LANES, _LANES)]
                                     * rows_b[r, pl.ds(k * _LANES, _LANES)])
                    part[rr, pl.ds(g * _LANES, _LANES)] = acc
                return carry

            lax.fori_loop(0, _RPC, row_body, 0)

            out_row = jnp.where(
                c < _POS_CHUNKS,
                wid * _POS_ROWS + c * _RPC,
                _B_POS // _GRP + wid * _NEG_ROWS + (c - _POS_CHUNKS) * _RPC)
            pltpu.async_copy(part, out.at[pl.ds(out_row, _RPC), :], semo)

        fetch(0, rbufs[0])
        fetch(1, rbufs[1])

        def body(i, carry):
            for b in range(3):
                cc = 3 * i + b
                nxt = cc + 2

                @pl.when(nxt < _N_CHUNKS)
                def _():
                    fetch(nxt, rbufs[(b + 2) % 3])

                consume(cc, rbufs[b])
            return carry

        lax.fori_loop(0, _N_CHUNKS // 3, body, 0)

        for b in range(3):
            _, _, part, _, semo = rbufs[b]
            pltpu.make_async_copy(part, out.at[pl.ds(0, _RPC), :], semo).wait()

    return sc_scores


def _tc_loss_body(x_ref, o_ref):
    x = x_ref[:]
    col = lax.broadcasted_iota(jnp.int32, (_EMB_DIM, _GRP), 0)
    grp = lax.broadcasted_iota(jnp.int32, (_EMB_DIM, _GRP), 1)
    sel = jnp.where(col // _LANES == grp, 1.0, 0.0).astype(jnp.float32)
    s = jnp.dot(x, sel, preferred_element_type=jnp.float32)
    s = jnp.clip(s, -10.0, 10.0)
    row = lax.broadcasted_iota(jnp.int32, s.shape, 0)
    sign = jnp.where(row < _B_POS // _GRP, 1.0, -1.0)
    ls = jax.nn.log_sigmoid(s * sign)
    o_ref[0, 0] = -jnp.sum(ls)


_tc_loss = pl.pallas_call(
    _tc_loss_body,
    out_shape=jax.ShapeDtypeStruct((1, 1), jnp.float32),
    out_specs=pl.BlockSpec(memory_space=pltpu.SMEM),
)


def kernel(pos_w, pos_v, neg_w, neg_v, w_embedding, v_embedding):
    scores16 = _make_sc_scores()(
        pos_w.astype(jnp.int32), pos_v.astype(jnp.int32),
        neg_w.astype(jnp.int32), neg_v.astype(jnp.int32),
        w_embedding, v_embedding)
    return _tc_loss(scores16)[0, 0]

# --- scband reference (transcript-rebuilt; emitter-appended) ---
"""Pipeline reference for scband-skip-gram-model-78632261255850 (READ-ONLY COPY).

The authoritative reference and input builder live on the scoring server;
editing this copy changes nothing except your own understanding.
"""

import jax, jax.numpy as jnp
import numpy as np

EMB_SIZE = 100000
EMB_DIM = 128
N_ROWS = 2 * EMB_SIZE - 1
B_POS = 16384
B_NEG = 81920


def setup_inputs(seed: int = 0) -> dict:
    key = jax.random.key(seed)
    k1, k2, k3, k4, k5, k6 = jax.random.split(key, 6)
    pos_w = jax.random.randint(k1, (B_POS,), 0, N_ROWS, dtype=jnp.int64 if jax.config.jax_enable_x64 else jnp.int32)
    pos_v = jax.random.randint(k2, (B_POS,), 0, N_ROWS, dtype=jnp.int64 if jax.config.jax_enable_x64 else jnp.int32)
    neg_w = jax.random.randint(k3, (B_NEG,), 0, N_ROWS, dtype=jnp.int64 if jax.config.jax_enable_x64 else jnp.int32)
    neg_v = jax.random.randint(k4, (B_NEG,), 0, N_ROWS, dtype=jnp.int64 if jax.config.jax_enable_x64 else jnp.int32)
    initrange = 0.5 / EMB_DIM
    w_embedding = jax.random.uniform(k5, (N_ROWS, EMB_DIM), jnp.float32, -initrange, initrange)
    # v_embedding initialized to zeros in the original; use small random so scores are nontrivial
    v_embedding = jax.random.uniform(k6, (N_ROWS, EMB_DIM), jnp.float32, -initrange, initrange)
    return {"pos_w": pos_w, "pos_v": pos_v, "neg_w": neg_w, "neg_v": neg_v,
            "w_embedding": w_embedding, "v_embedding": v_embedding}


def reference(pos_w, pos_v, neg_w, neg_v, w_embedding, v_embedding):
    emb_w = jnp.take(w_embedding, pos_w, axis=0)
    neg_emb_w = jnp.take(v_embedding, neg_w, axis=0)
    emb_v = jnp.take(v_embedding, pos_v, axis=0)
    neg_emb_v = jnp.take(v_embedding, neg_v, axis=0)

    score = jnp.sum(emb_w * emb_v, axis=1)
    score = jnp.clip(score, -10.0, 10.0)
    score = jax.nn.log_sigmoid(score)

    neg_score = jnp.sum(neg_emb_w * neg_emb_v, axis=1)
    neg_score = jnp.clip(neg_score, -10.0, 10.0)
    neg_score = jax.nn.log_sigmoid(-neg_score)

    loss = -1.0 * (jnp.sum(score) + jnp.sum(neg_score))
    return loss

if __name__ == "__main__":
    import jax
    _d = setup_inputs()
    print(jax.jit(kernel)(*tuple(_d.values())))

</pallas_src>

<mosaic_0001>
#map = affine_map<(d0, d1) -> (0)>
#map1 = affine_map<(d0, d1) -> (0, 0)>
module attributes {stable_mosaic.version = 14 : i64} {
  func.func @sc_scores(%arg0: i32, %arg1: i32, %arg2: memref<16384xi32, #tpu.memory_space<hbm>>, %arg3: memref<16384xi32, #tpu.memory_space<hbm>>, %arg4: memref<81920xi32, #tpu.memory_space<hbm>>, %arg5: memref<81920xi32, #tpu.memory_space<hbm>>, %arg6: memref<199999x128xf32, #tpu.memory_space<hbm>>, %arg7: memref<199999x128xf32, #tpu.memory_space<hbm>>, %arg8: memref<12288x128xf32, #tpu.memory_space<hbm>>, %arg9: memref<3072xi32, #tpu.memory_space<vmem>>, %arg10: memref<3072xi32, #tpu.memory_space<vmem>>, %arg11: memref<128x128xf32, #tpu.memory_space<vmem>>, %arg12: memref<128x128xf32, #tpu.memory_space<vmem>>, %arg13: memref<128x128xf32, #tpu.memory_space<vmem>>, %arg14: memref<128x128xf32, #tpu.memory_space<vmem>>, %arg15: memref<128x128xf32, #tpu.memory_space<vmem>>, %arg16: memref<128x128xf32, #tpu.memory_space<vmem>>, %arg17: memref<16x128xf32, #tpu.memory_space<vmem>>, %arg18: memref<16x128xf32, #tpu.memory_space<vmem>>, %arg19: memref<16x128xf32, #tpu.memory_space<vmem>>, %arg20: memref<!tpu.dma_semaphore, #tpu.memory_space<semaphore_mem>>, %arg21: memref<!tpu.dma_semaphore, #tpu.memory_space<semaphore_mem>>, %arg22: memref<!tpu.dma_semaphore, #tpu.memory_space<semaphore_mem>>, %arg23: memref<!tpu.dma_semaphore, #tpu.memory_space<semaphore_mem>>, %arg24: memref<!tpu.dma_semaphore, #tpu.memory_space<semaphore_mem>>, %arg25: memref<!tpu.dma_semaphore, #tpu.memory_space<semaphore_mem>>) attributes {dimension_semantics = [#tpu.dimension_semantics<core_parallel>, #tpu.dimension_semantics<subcore_parallel>], iteration_bounds = array<i64: 2, 16>, scalar_prefetch = 0 : i64, scratch_operands = 17 : i64, tpu.core_type = #tpu.core_type<sc_vector_subcore>, window_params = [{transform_indices = #map}, {transform_indices = #map}, {transform_indices = #map}, {transform_indices = #map}, {transform_indices = #map1}, {transform_indices = #map1}, {transform_indices = #map1}]} {
    %mul3A = arith.constant 2 : i32
    %mul3A_0 = arith.muli %arg1, %mul3A : i32
    %add3A = arith.addi %mul3A_0, %arg0 : i32
    %mul3A_1 = arith.constant 512 : i32
    %mul3A_2 = arith.muli %add3A, %mul3A_1 : i32
    %mul3A_3 = arith.constant 512 : i32
    %mul3A_4 = arith.muli %add3A, %mul3A_3 : i32
    %mul3A_5 = arith.constant 2560 : i32
    %mul3A_6 = arith.muli %add3A, %mul3A_5 : i32
    %mul3A_7 = arith.constant 2560 : i32
    %mul3A_8 = arith.muli %add3A, %mul3A_7 : i32
    %dma_start3A = arith.constant 0 : i32
    %dma_start3A_9 = tpu.memref_slice %arg9[%dma_start3A] : memref<3072xi32, #tpu.memory_space<vmem>> -> memref<512xi32, #tpu.memory_space<vmem>>
    %dma_start3A_10 = tpu.memref_slice %arg2[%mul3A_2] : memref<16384xi32, #tpu.memory_space<hbm>> -> memref<512xi32, #tpu.memory_space<hbm>>
    %dma_start3A_11 = arith.constant 0 : i32
    %dma_start3A_12 = tpu.memref_slice %arg9[%dma_start3A_11] : memref<3072xi32, #tpu.memory_space<vmem>> -> memref<512xi32, #tpu.memory_space<vmem>>
    %dma_start3A_13 = tpu.memref_slice %arg2[%mul3A_2] : memref<16384xi32, #tpu.memory_space<hbm>> -> memref<512xi32, #tpu.memory_space<hbm>>
    tpu.enqueue_dma source(%dma_start3A_13 : memref<512xi32, #tpu.memory_space<hbm>>) target(%dma_start3A_12 : memref<512xi32, #tpu.memory_space<vmem>>) target_semaphore(%arg23 : memref<!tpu.dma_semaphore, #tpu.memory_space<semaphore_mem>>)
    %dma_start3A_14 = arith.constant 0 : i32
    %dma_start3A_15 = tpu.memref_slice %arg10[%dma_start3A_14] : memref<3072xi32, #tpu.memory_space<vmem>> -> memref<512xi32, #tpu.memory_space<vmem>>
    %dma_start3A_16 = tpu.memref_slice %arg3[%mul3A_4] : memref<16384xi32, #tpu.memory_space<hbm>> -> memref<512xi32, #tpu.memory_space<hbm>>
    %dma_start3A_17 = arith.constant 0 : i32
    %dma_start3A_18 = tpu.memref_slice %arg10[%dma_start3A_17] : memref<3072xi32, #tpu.memory_space<vmem>> -> memref<512xi32, #tpu.memory_space<vmem>>
    %dma_start3A_19 = tpu.memref_slice %arg3[%mul3A_4] : memref<16384xi32, #tpu.memory_space<hbm>> -> memref<512xi32, #tpu.memory_space<hbm>>
    tpu.enqueue_dma source(%dma_start3A_19 : memref<512xi32, #tpu.memory_space<hbm>>) target(%dma_start3A_18 : memref<512xi32, #tpu.memory_space<vmem>>) target_semaphore(%arg23 : memref<!tpu.dma_semaphore, #tpu.memory_space<semaphore_mem>>)
    %dma_start3A_20 = arith.constant 512 : i32
    %dma_start3A_21 = tpu.memref_slice %arg9[%dma_start3A_20] : memref<3072xi32, #tpu.memory_space<vmem>> -> memref<2560xi32, #tpu.memory_space<vmem>>
    %dma_start3A_22 = tpu.memref_slice %arg4[%mul3A_6] : memref<81920xi32, #tpu.memory_space<hbm>> -> memref<2560xi32, #tpu.memory_space<hbm>>
    %dma_start3A_23 = arith.constant 512 : i32
    %dma_start3A_24 = tpu.memref_slice %arg9[%dma_start3A_23] : memref<3072xi32, #tpu.memory_space<vmem>> -> memref<2560xi32, #tpu.memory_space<vmem>>
    %dma_start3A_25 = tpu.memref_slice %arg4[%mul3A_6] : memref<81920xi32, #tpu.memory_space<hbm>> -> memref<2560xi32, #tpu.memory_space<hbm>>
    tpu.enqueue_dma source(%dma_start3A_25 : memref<2560xi32, #tpu.memory_space<hbm>>) target(%dma_start3A_24 : memref<2560xi32, #tpu.memory_space<vmem>>) target_semaphore(%arg23 : memref<!tpu.dma_semaphore, #tpu.memory_space<semaphore_mem>>)
    %dma_start3A_26 = arith.constant 512 : i32
    %dma_start3A_27 = tpu.memref_slice %arg10[%dma_start3A_26] : memref<3072xi32, #tpu.memory_space<vmem>> -> memref<2560xi32, #tpu.memory_space<vmem>>
    %dma_start3A_28 = tpu.memref_slice %arg5[%mul3A_8] : memref<81920xi32, #tpu.memory_space<hbm>> -> memref<2560xi32, #tpu.memory_space<hbm>>
    %dma_start3A_29 = arith.constant 512 : i32
    %dma_start3A_30 = tpu.memref_slice %arg10[%dma_start3A_29] : memref<3072xi32, #tpu.memory_space<vmem>> -> memref<2560xi32, #tpu.memory_space<vmem>>
    %dma_start3A_31 = tpu.memref_slice %arg5[%mul3A_8] : memref<81920xi32, #tpu.memory_space<hbm>> -> memref<2560xi32, #tpu.memory_space<hbm>>
    tpu.enqueue_dma source(%dma_start3A_31 : memref<2560xi32, #tpu.memory_space<hbm>>) target(%dma_start3A_30 : memref<2560xi32, #tpu.memory_space<vmem>>) target_semaphore(%arg23 : memref<!tpu.dma_semaphore, #tpu.memory_space<semaphore_mem>>)
    %dma_wait3A = arith.constant 0 : i32
    %dma_wait3A_32 = tpu.memref_slice %arg9[%dma_wait3A] : memref<3072xi32, #tpu.memory_space<vmem>> -> memref<512xi32, #tpu.memory_space<vmem>>
    %dma_wait3A_33 = tpu.memref_slice %arg2[%mul3A_2] : memref<16384xi32, #tpu.memory_space<hbm>> -> memref<512xi32, #tpu.memory_space<hbm>>
    %dma_wait3A_34 = arith.constant 0 : i32
    %dma_wait3A_35 = tpu.memref_slice %arg9[%dma_wait3A_34] : memref<3072xi32, #tpu.memory_space<vmem>> -> memref<512xi32, #tpu.memory_space<vmem>>
    %dma_wait3A_36 = tpu.memref_slice %arg2[%mul3A_2] : memref<16384xi32, #tpu.memory_space<hbm>> -> memref<512xi32, #tpu.memory_space<hbm>>
    tpu.wait_dma2 semaphore(%arg23 : memref<!tpu.dma_semaphore, #tpu.memory_space<semaphore_mem>>) src(%dma_wait3A_36 : memref<512xi32, #tpu.memory_space<hbm>>) dst(%dma_wait3A_35 : memref<512xi32, #tpu.memory_space<vmem>>)
    %dma_wait3A_37 = arith.constant 0 : i32
    %dma_wait3A_38 = tpu.memref_slice %arg10[%dma_wait3A_37] : memref<3072xi32, #tpu.memory_space<vmem>> -> memref<512xi32, #tpu.memory_space<vmem>>
    %dma_wait3A_39 = tpu.memref_slice %arg3[%mul3A_4] : memref<16384xi32, #tpu.memory_space<hbm>> -> memref<512xi32, #tpu.memory_space<hbm>>
    %dma_wait3A_40 = arith.constant 0 : i32
    %dma_wait3A_41 = tpu.memref_slice %arg10[%dma_wait3A_40] : memref<3072xi32, #tpu.memory_space<vmem>> -> memref<512xi32, #tpu.memory_space<vmem>>
    %dma_wait3A_42 = tpu.memref_slice %arg3[%mul3A_4] : memref<16384xi32, #tpu.memory_space<hbm>> -> memref<512xi32, #tpu.memory_space<hbm>>
    tpu.wait_dma2 semaphore(%arg23 : memref<!tpu.dma_semaphore, #tpu.memory_space<semaphore_mem>>) src(%dma_wait3A_42 : memref<512xi32, #tpu.memory_space<hbm>>) dst(%dma_wait3A_41 : memref<512xi32, #tpu.memory_space<vmem>>)
    %dma_wait3A_43 = arith.constant 512 : i32
    %dma_wait3A_44 = tpu.memref_slice %arg9[%dma_wait3A_43] : memref<3072xi32, #tpu.memory_space<vmem>> -> memref<2560xi32, #tpu.memory_space<vmem>>
    %dma_wait3A_45 = tpu.memref_slice %arg4[%mul3A_6] : memref<81920xi32, #tpu.memory_space<hbm>> -> memref<2560xi32, #tpu.memory_space<hbm>>
    %dma_wait3A_46 = arith.constant 512 : i32
    %dma_wait3A_47 = tpu.memref_slice %arg9[%dma_wait3A_46] : memref<3072xi32, #tpu.memory_space<vmem>> -> memref<2560xi32, #tpu.memory_space<vmem>>
    %dma_wait3A_48 = tpu.memref_slice %arg4[%mul3A_6] : memref<81920xi32, #tpu.memory_space<hbm>> -> memref<2560xi32, #tpu.memory_space<hbm>>
    tpu.wait_dma2 semaphore(%arg23 : memref<!tpu.dma_semaphore, #tpu.memory_space<semaphore_mem>>) src(%dma_wait3A_48 : memref<2560xi32, #tpu.memory_space<hbm>>) dst(%dma_wait3A_47 : memref<2560xi32, #tpu.memory_space<vmem>>)
    %dma_wait3A_49 = arith.constant 512 : i32
    %dma_wait3A_50 = tpu.memref_slice %arg10[%dma_wait3A_49] : memref<3072xi32, #tpu.memory_space<vmem>> -> memref<2560xi32, #tpu.memory_space<vmem>>
    %dma_wait3A_51 = tpu.memref_slice %arg5[%mul3A_8] : memref<81920xi32, #tpu.memory_space<hbm>> -> memref<2560xi32, #tpu.memory_space<hbm>>
    %dma_wait3A_52 = arith.constant 512 : i32
    %dma_wait3A_53 = tpu.memref_slice %arg10[%dma_wait3A_52] : memref<3072xi32, #tpu.memory_space<vmem>> -> memref<2560xi32, #tpu.memory_space<vmem>>
    %dma_wait3A_54 = tpu.memref_slice %arg5[%mul3A_8] : memref<81920xi32, #tpu.memory_space<hbm>> -> memref<2560xi32, #tpu.memory_space<hbm>>
    tpu.wait_dma2 semaphore(%arg23 : memref<!tpu.dma_semaphore, #tpu.memory_space<semaphore_mem>>) src(%dma_wait3A_54 : memref<2560xi32, #tpu.memory_space<hbm>>) dst(%dma_wait3A_53 : memref<2560xi32, #tpu.memory_space<vmem>>)
    %dma_start3A_55 = arith.constant 0 : i32
    %dma_start3A_56 = tpu.memref_slice %arg9[%dma_start3A_55] : memref<3072xi32, #tpu.memory_space<vmem>> -> memref<128xi32, #tpu.memory_space<vmem>>
    %dma_start3A_57 = arith.constant 0 : i32
    %dma_start3A_58 = arith.constant 0 : i32
    %dma_start3A_59 = tpu.memref_slice %arg6[%dma_start3A_57, %dma_start3A_58] : memref<199999x128xf32, #tpu.memory_space<hbm>> -> memref<199999x128xf32, #tpu.memory_space<hbm>>
    tpu.enqueue_indirect_dma source(%dma_start3A_59 : memref<199999x128xf32, #tpu.memory_space<hbm>>) target(%arg11 : memref<128x128xf32, #tpu.memory_space<vmem>>) offsets(%dma_start3A_56 : memref<128xi32, #tpu.memory_space<vmem>>) semaphore(%arg20 : memref<!tpu.dma_semaphore, #tpu.memory_space<semaphore_mem>>)
    %dma_start3A_60 = arith.constant 0 : i32
    %dma_start3A_61 = tpu.memref_slice %arg10[%dma_start3A_60] : memref<3072xi32, #tpu.memory_space<vmem>> -> memref<128xi32, #tpu.memory_space<vmem>>
    %dma_start3A_62 = arith.constant 0 : i32
    %dma_start3A_63 = arith.constant 0 : i32
    %dma_start3A_64 = tpu.memref_slice %arg7[%dma_start3A_62, %dma_start3A_63] : memref<199999x128xf32, #tpu.memory_space<hbm>> -> memref<199999x128xf32, #tpu.memory_space<hbm>>
    tpu.enqueue_indirect_dma source(%dma_start3A_64 : memref<199999x128xf32, #tpu.memory_space<hbm>>) target(%arg12 : memref<128x128xf32, #tpu.memory_space<vmem>>) offsets(%dma_start3A_61 : memref<128xi32, #tpu.memory_space<vmem>>) semaphore(%arg20 : memref<!tpu.dma_semaphore, #tpu.memory_space<semaphore_mem>>)
    %dma_start3A_65 = arith.constant 128 : i32
    %dma_start3A_66 = tpu.memref_slice %arg9[%dma_start3A_65] : memref<3072xi32, #tpu.memory_space<vmem>> -> memref<128xi32, #tpu.memory_space<vmem>>
    %dma_start3A_67 = arith.constant 0 : i32
    %dma_start3A_68 = arith.constant 0 : i32
    %dma_start3A_69 = tpu.memref_slice %arg6[%dma_start3A_67, %dma_start3A_68] : memref<199999x128xf32, #tpu.memory_space<hbm>> -> memref<199999x128xf32, #tpu.memory_space<hbm>>
    tpu.enqueue_indirect_dma source(%dma_start3A_69 : memref<199999x128xf32, #tpu.memory_space<hbm>>) target(%arg13 : memref<128x128xf32, #tpu.memory_space<vmem>>) offsets(%dma_start3A_66 : memref<128xi32, #tpu.memory_space<vmem>>) semaphore(%arg21 : memref<!tpu.dma_semaphore, #tpu.memory_space<semaphore_mem>>)
    %dma_start3A_70 = arith.constant 128 : i32
    %dma_start3A_71 = tpu.memref_slice %arg10[%dma_start3A_70] : memref<3072xi32, #tpu.memory_space<vmem>> -> memref<128xi32, #tpu.memory_space<vmem>>
    %dma_start3A_72 = arith.constant 0 : i32
    %dma_start3A_73 = arith.constant 0 : i32
    %dma_start3A_74 = tpu.memref_slice %arg7[%dma_start3A_72, %dma_start3A_73] : memref<199999x128xf32, #tpu.memory_space<hbm>> -> memref<199999x128xf32, #tpu.memory_space<hbm>>
    tpu.enqueue_indirect_dma source(%dma_start3A_74 : memref<199999x128xf32, #tpu.memory_space<hbm>>) target(%arg14 : memref<128x128xf32, #tpu.memory_space<vmem>>) offsets(%dma_start3A_71 : memref<128xi32, #tpu.memory_space<vmem>>) semaphore(%arg21 : memref<!tpu.dma_semaphore, #tpu.memory_space<semaphore_mem>>)
    %scan3A = arith.constant 0 : i32
    %scan3A_75 = arith.constant 0 : i32
    %scan3A_76 = arith.constant 8 : i32
    %scan3A_77 = arith.addi %scan3A_75, %scan3A_76 : i32
    %scan3A_78 = arith.constant 1 : i32
    scf.for %scan3A_98 = %scan3A_75 to %scan3A_77 step %scan3A_78  : i32 {
      %mul3A_99 = arith.constant 3 : i32
      %mul3A_100 = arith.muli %mul3A_99, %scan3A_98 : i32
      %add3A_101 = arith.constant 0 : i32
      %add3A_102 = arith.addi %mul3A_100, %add3A_101 : i32
      %add3A_103 = arith.constant 2 : i32
      %add3A_104 = arith.addi %add3A_102, %add3A_103 : i32
      %lt3A = arith.constant 24 : i32
      %lt3A_105 = arith.cmpi slt, %add3A_104, %lt3A : i32
      %convert_element_type3A = arith.extui %lt3A_105 : i1 to i32
      %cond3A = arith.constant 0 : i32
      %cond3A_106 = arith.cmpi ne, %convert_element_type3A, %cond3A : i32
      scf.if %cond3A_106 {
        %mul3A_258 = arith.constant 128 : i32
        %mul3A_259 = arith.muli %add3A_104, %mul3A_258 : i32
        %mul3A_260 = arith.constant 128 : i32
        %mul3A_261 = arith.muli %add3A_104, %mul3A_260 : i32
        %lt3A_262 = arith.constant 4 : i32
        %lt3A_263 = arith.cmpi slt, %add3A_104, %lt3A_262 : i32
        %convert_element_type3A_264 = arith.extui %lt3A_263 : i1 to i32
        %cond3A_265 = arith.constant 0 : i32
        %cond3A_266 = arith.cmpi ne, %convert_element_type3A_264, %cond3A_265 : i32
        scf.if %cond3A_266 {
          %dma_start3A_276 = tpu.memref_slice %arg9[%mul3A_259] : memref<3072xi32, #tpu.memory_space<vmem>> -> memref<128xi32, #tpu.memory_space<vmem>>
          %dma_start3A_277 = arith.constant 0 : i32
          %dma_start3A_278 = arith.constant 0 : i32
          %dma_start3A_279 = tpu.memref_slice %arg6[%dma_start3A_277, %dma_start3A_278] : memref<199999x128xf32, #tpu.memory_space<hbm>> -> memref<199999x128xf32, #tpu.memory_space<hbm>>
          tpu.enqueue_indirect_dma source(%dma_start3A_279 : memref<199999x128xf32, #tpu.memory_space<hbm>>) target(%arg15 : memref<128x128xf32, #tpu.memory_space<vmem>>) offsets(%dma_start3A_276 : memref<128xi32, #tpu.memory_space<vmem>>) semaphore(%arg22 : memref<!tpu.dma_semaphore, #tpu.memory_space<semaphore_mem>>)
        } else {
        }
        %ge3A_267 = arith.constant 4 : i32
        %ge3A_268 = arith.cmpi sge, %add3A_104, %ge3A_267 : i32
        %convert_element_type3A_269 = arith.extui %ge3A_268 : i1 to i32
        %cond3A_270 = arith.constant 0 : i32
        %cond3A_271 = arith.cmpi ne, %convert_element_type3A_269, %cond3A_270 : i32
        scf.if %cond3A_271 {
          %dma_start3A_276 = tpu.memref_slice %arg9[%mul3A_259] : memref<3072xi32, #tpu.memory_space<vmem>> -> memref<128xi32, #tpu.memory_space<vmem>>
          %dma_start3A_277 = arith.constant 0 : i32
          %dma_start3A_278 = arith.constant 0 : i32
          %dma_start3A_279 = tpu.memref_slice %arg7[%dma_start3A_277, %dma_start3A_278] : memref<199999x128xf32, #tpu.memory_space<hbm>> -> memref<199999x128xf32, #tpu.memory_space<hbm>>
          tpu.enqueue_indirect_dma source(%dma_start3A_279 : memref<199999x128xf32, #tpu.memory_space<hbm>>) target(%arg15 : memref<128x128xf32, #tpu.memory_space<vmem>>) offsets(%dma_start3A_276 : memref<128xi32, #tpu.memory_space<vmem>>) semaphore(%arg22 : memref<!tpu.dma_semaphore, #tpu.memory_space<semaphore_mem>>)
        } else {
        }
        %dma_start3A_272 = tpu.memref_slice %arg10[%mul3A_261] : memref<3072xi32, #tpu.memory_space<vmem>> -> memref<128xi32, #tpu.memory_space<vmem>>
        %dma_start3A_273 = arith.constant 0 : i32
        %dma_start3A_274 = arith.constant 0 : i32
        %dma_start3A_275 = tpu.memref_slice %arg7[%dma_start3A_273, %dma_start3A_274] : memref<199999x128xf32, #tpu.memory_space<hbm>> -> memref<199999x128xf32, #tpu.memory_space<hbm>>
        tpu.enqueue_indirect_dma source(%dma_start3A_275 : memref<199999x128xf32, #tpu.memory_space<hbm>>) target(%arg16 : memref<128x128xf32, #tpu.memory_space<vmem>>) offsets(%dma_start3A_272 : memref<128xi32, #tpu.memory_space<vmem>>) semaphore(%arg22 : memref<!tpu.dma_semaphore, #tpu.memory_space<semaphore_mem>>)
      } else {
      }
      %mul3A_107 = arith.constant 128 : i32
      %mul3A_108 = arith.muli %add3A_102, %mul3A_107 : i32
      %mul3A_109 = arith.constant 128 : i32
      %mul3A_110 = arith.muli %add3A_102, %mul3A_109 : i32
      %dma_wait3A_111 = tpu.memref_slice %arg9[%mul3A_108] : memref<3072xi32, #tpu.memory_space<vmem>> -> memref<128xi32, #tpu.memory_space<vmem>>
      %dma_wait3A_112 = arith.constant 0 : i32
      %dma_wait3A_113 = arith.constant 0 : i32
      %dma_wait3A_114 = tpu.memref_slice %arg7[%dma_wait3A_112, %dma_wait3A_113] : memref<199999x128xf32, #tpu.memory_space<hbm>> -> memref<199999x128xf32, #tpu.memory_space<hbm>>
      tpu.wait_indirect_dma semaphore(%arg20 : memref<!tpu.dma_semaphore, #tpu.memory_space<semaphore_mem>>) src(%dma_wait3A_114 : memref<199999x128xf32, #tpu.memory_space<hbm>>) dst(%arg11 : memref<128x128xf32, #tpu.memory_space<vmem>>)
      %dma_wait3A_115 = tpu.memref_slice %arg10[%mul3A_110] : memref<3072xi32, #tpu.memory_space<vmem>> -> memref<128xi32, #tpu.memory_space<vmem>>
      %dma_wait3A_116 = arith.constant 0 : i32
      %dma_wait3A_117 = arith.constant 0 : i32
      %dma_wait3A_118 = tpu.memref_slice %arg7[%dma_wait3A_116, %dma_wait3A_117] : memref<199999x128xf32, #tpu.memory_space<hbm>> -> memref<199999x128xf32, #tpu.memory_space<hbm>>
      tpu.wait_indirect_dma semaphore(%arg20 : memref<!tpu.dma_semaphore, #tpu.memory_space<semaphore_mem>>) src(%dma_wait3A_118 : memref<199999x128xf32, #tpu.memory_space<hbm>>) dst(%arg12 : memref<128x128xf32, #tpu.memory_space<vmem>>)
      %ge3A = arith.constant 3 : i32
      %ge3A_119 = arith.cmpi sge, %add3A_102, %ge3A : i32
      %convert_element_type3A_120 = arith.extui %ge3A_119 : i1 to i32
      %cond3A_121 = arith.constant 0 : i32
      %cond3A_122 = arith.cmpi ne, %convert_element_type3A_120, %cond3A_121 : i32
      scf.if %cond3A_122 {
        %dma_wait3A_258 = arith.constant 0 : i32
        %dma_wait3A_259 = arith.constant 0 : i32
        %dma_wait3A_260 = tpu.memref_slice %arg8[%dma_wait3A_258, %dma_wait3A_259] : memref<12288x128xf32, #tpu.memory_space<hbm>> -> memref<16x128xf32, #tpu.memory_space<hbm>>
        %dma_wait3A_261 = arith.constant 0 : i32
        %dma_wait3A_262 = arith.constant 0 : i32
        %dma_wait3A_263 = tpu.memref_slice %arg8[%dma_wait3A_261, %dma_wait3A_262] : memref<12288x128xf32, #tpu.memory_space<hbm>> -> memref<16x128xf32, #tpu.memory_space<hbm>>
        tpu.wait_dma2 semaphore(%arg23 : memref<!tpu.dma_semaphore, #tpu.memory_space<semaphore_mem>>) src(%arg17 : memref<16x128xf32, #tpu.memory_space<vmem>>) dst(%dma_wait3A_263 : memref<16x128xf32, #tpu.memory_space<hbm>>)
      } else {
      }
      %scan3A_123 = arith.constant 0 : i32
      %scan3A_124 = arith.constant 0 : i32
      %scan3A_125 = arith.constant 16 : i32
      %scan3A_126 = arith.addi %scan3A_124, %scan3A_125 : i32
      %scan3A_127 = arith.constant 1 : i32
      scf.for %scan3A_258 = %scan3A_124 to %scan3A_126 step %scan3A_127  : i32 {
        %mul3A_259 = arith.constant 8 : i32
        %mul3A_260 = arith.muli %scan3A_258, %mul3A_259 : i32
        %add3A_261 = arith.constant 0 : i32
        %add3A_262 = arith.addi %mul3A_260, %add3A_261 : i32
        %get3A = arith.index_cast %add3A_262 : i32 to index
        %get3A_263 = arith.constant 0 : index
        %get3A_264 = tpu.vector_load %arg11[%get3A, %get3A_263] {strides = array<i32>} : memref<128x128xf32, #tpu.memory_space<vmem>>, vector<1x16xf32>,
        %get3A_265 = vector.shape_cast %get3A_264 : vector<1x16xf32> to vector<16xf32>
        %get3A_266 = arith.index_cast %add3A_262 : i32 to index
        %get3A_267 = arith.constant 0 : index
        %get3A_268 = tpu.vector_load %arg12[%get3A_266, %get3A_267] {strides = array<i32>} : memref<128x128xf32, #tpu.memory_space<vmem>>, vector<1x16xf32>,
        %get3A_269 = vector.shape_cast %get3A_268 : vector<1x16xf32> to vector<16xf32>
        %mul3A_270 = arith.mulf %get3A_265, %get3A_269 : vector<16xf32>
        %get3A_271 = arith.index_cast %add3A_262 : i32 to index
        %get3A_272 = arith.constant 16 : index
        %get3A_273 = tpu.vector_load %arg11[%get3A_271, %get3A_272] {strides = array<i32>} : memref<128x128xf32, #tpu.memory_space<vmem>>, vector<1x16xf32>,
        %get3A_274 = vector.shape_cast %get3A_273 : vector<1x16xf32> to vector<16xf32>
        %get3A_275 = arith.index_cast %add3A_262 : i32 to index
        %get3A_276 = arith.constant 16 : index
        %get3A_277 = tpu.vector_load %arg12[%get3A_275, %get3A_276] {strides = array<i32>} : memref<128x128xf32, #tpu.memory_space<vmem>>, vector<1x16xf32>,
        %get3A_278 = vector.shape_cast %get3A_277 : vector<1x16xf32> to vector<16xf32>
        %mul3A_279 = arith.mulf %get3A_274, %get3A_278 : vector<16xf32>
        %add3A_280 = arith.addf %mul3A_270, %mul3A_279 : vector<16xf32>
        %get3A_281 = arith.index_cast %add3A_262 : i32 to index
        %get3A_282 = arith.constant 32 : index
        %get3A_283 = tpu.vector_load %arg11[%get3A_281, %get3A_282] {strides = array<i32>} : memref<128x128xf32, #tpu.memory_space<vmem>>, vector<1x16xf32>,
        %get3A_284 = vector.shape_cast %get3A_283 : vector<1x16xf32> to vector<16xf32>
        %get3A_285 = arith.index_cast %add3A_262 : i32 to index
        %get3A_286 = arith.constant 32 : index
        %get3A_287 = tpu.vector_load %arg12[%get3A_285, %get3A_286] {strides = array<i32>} : memref<128x128xf32, #tpu.memory_space<vmem>>, vector<1x16xf32>,
        %get3A_288 = vector.shape_cast %get3A_287 : vector<1x16xf32> to vector<16xf32>
        %mul3A_289 = arith.mulf %get3A_284, %get3A_288 : vector<16xf32>
        %add3A_290 = arith.addf %add3A_280, %mul3A_289 : vector<16xf32>
        %get3A_291 = arith.index_cast %add3A_262 : i32 to index
        %get3A_292 = arith.constant 48 : index
        %get3A_293 = tpu.vector_load %arg11[%get3A_291, %get3A_292] {strides = array<i32>} : memref<128x128xf32, #tpu.memory_space<vmem>>, vector<1x16xf32>,
        %get3A_294 = vector.shape_cast %get3A_293 : vector<1x16xf32> to vector<16xf32>
        %get3A_295 = arith.index_cast %add3A_262 : i32 to index
        %get3A_296 = arith.constant 48 : index
        %get3A_297 = tpu.vector_load %arg12[%get3A_295, %get3A_296] {strides = array<i32>} : memref<128x128xf32, #tpu.memory_space<vmem>>, vector<1x16xf32>,
        %get3A_298 = vector.shape_cast %get3A_297 : vector<1x16xf32> to vector<16xf32>
        %mul3A_299 = arith.mulf %get3A_294, %get3A_298 : vector<16xf32>
        %add3A_300 = arith.addf %add3A_290, %mul3A_299 : vector<16xf32>
        %get3A_301 = arith.index_cast %add3A_262 : i32 to index
        %get3A_302 = arith.constant 64 : index
        %get3A_303 = tpu.vector_load %arg11[%get3A_301, %get3A_302] {strides = array<i32>} : memref<128x128xf32, #tpu.memory_space<vmem>>, vector<1x16xf32>,
        %get3A_304 = vector.shape_cast %get3A_303 : vector<1x16xf32> to vector<16xf32>
        %get3A_305 = arith.index_cast %add3A_262 : i32 to index
        %get3A_306 = arith.constant 64 : index
        %get3A_307 = tpu.vector_load %arg12[%get3A_305, %get3A_306] {strides = array<i32>} : memref<128x128xf32, #tpu.memory_space<vmem>>, vector<1x16xf32>,
        %get3A_308 = vector.shape_cast %get3A_307 : vector<1x16xf32> to vector<16xf32>
        %mul3A_309 = arith.mulf %get3A_304, %get3A_308 : vector<16xf32>
        %add3A_310 = arith.addf %add3A_300, %mul3A_309 : vector<16xf32>
        %get3A_311 = arith.index_cast %add3A_262 : i32 to index
        %get3A_312 = arith.constant 80 : index
        %get3A_313 = tpu.vector_load %arg11[%get3A_311, %get3A_312] {strides = array<i32>} : memref<128x128xf32, #tpu.memory_space<vmem>>, vector<1x16xf32>,
        %get3A_314 = vector.shape_cast %get3A_313 : vector<1x16xf32> to vector<16xf32>
        %get3A_315 = arith.index_cast %add3A_262 : i32 to index
        %get3A_316 = arith.constant 80 : index
        %get3A_317 = tpu.vector_load %arg12[%get3A_315, %get3A_316] {strides = array<i32>} : memref<128x128xf32, #tpu.memory_space<vmem>>, vector<1x16xf32>,
        %get3A_318 = vector.shape_cast %get3A_317 : vector<1x16xf32> to vector<16xf32>
        %mul3A_319 = arith.mulf %get3A_314, %get3A_318 : vector<16xf32>
        %add3A_320 = arith.addf %add3A_310, %mul3A_319 : vector<16xf32>
        %get3A_321 = arith.index_cast %add3A_262 : i32 to index
        %get3A_322 = arith.constant 96 : index
        %get3A_323 = tpu.vector_load %arg11[%get3A_321, %get3A_322] {strides = array<i32>} : memref<128x128xf32, #tpu.memory_space<vmem>>, vector<1x16xf32>,
        %get3A_324 = vector.shape_cast %get3A_323 : vector<1x16xf32> to vector<16xf32>
        %get3A_325 = arith.index_cast %add3A_262 : i32 to index
        %get3A_326 = arith.constant 96 : index
        %get3A_327 = tpu.vector_load %arg12[%get3A_325, %get3A_326] {strides = array<i32>} : memref<128x128xf32, #tpu.memory_space<vmem>>, vector<1x16xf32>,
        %get3A_328 = vector.shape_cast %get3A_327 : vector<1x16xf32> to vector<16xf32>
        %mul3A_329 = arith.mulf %get3A_324, %get3A_328 : vector<16xf32>
        %add3A_330 = arith.addf %add3A_320, %mul3A_329 : vector<16xf32>
        %get3A_331 = arith.index_cast %add3A_262 : i32 to index
        %get3A_332 = arith.constant 112 : index
        %get3A_333 = tpu.vector_load %arg11[%get3A_331, %get3A_332] {strides = array<i32>} : memref<128x128xf32, #tpu.memory_space<vmem>>, vector<1x16xf32>,
        %get3A_334 = vector.shape_cast %get3A_333 : vector<1x16xf32> to vector<16xf32>
        %get3A_335 = arith.index_cast %add3A_262 : i32 to index
        %get3A_336 = arith.constant 112 : index
        %get3A_337 = tpu.vector_load %arg12[%get3A_335, %get3A_336] {strides = array<i32>} : memref<128x128xf32, #tpu.memory_space<vmem>>, vector<1x16xf32>,
        %get3A_338 = vector.shape_cast %get3A_337 : vector<1x16xf32> to vector<16xf32>
        %mul3A_339 = arith.mulf %get3A_334, %get3A_338 : vector<16xf32>
        %add3A_340 = arith.addf %add3A_330, %mul3A_339 : vector<16xf32>
        %swap3A = arith.index_cast %scan3A_258 : i32 to index
        %swap3A_341 = arith.constant 0 : index
        %swap3A_342 = tpu.vector_load %arg17[%swap3A, %swap3A_341] {strides = array<i32>} : memref<16x128xf32, #tpu.memory_space<vmem>>, vector<1x16xf32>,
        %swap3A_343 = vector.shape_cast %swap3A_342 : vector<1x16xf32> to vector<16xf32>
        %swap3A_344 = vector.shape_cast %add3A_340 : vector<16xf32> to vector<1x16xf32>
        tpu.vector_store %arg17[%swap3A, %swap3A_341], %swap3A_344 {strides = array<i32>} : memref<16x128xf32, #tpu.memory_space<vmem>>, vector<1x16xf32>,
        %mul3A_345 = arith.constant 8 : i32
        %mul3A_346 = arith.muli %scan3A_258, %mul3A_345 : i32
        %add3A_347 = arith.constant 1 : i32
        %add3A_348 = arith.addi %mul3A_346, %add3A_347 : i32
        %get3A_349 = arith.index_cast %add3A_348 : i32 to index
        %get3A_350 = arith.constant 0 : index
        %get3A_351 = tpu.vector_load %arg11[%get3A_349, %get3A_350] {strides = array<i32>} : memref<128x128xf32, #tpu.memory_space<vmem>>, vector<1x16xf32>,
        %get3A_352 = vector.shape_cast %get3A_351 : vector<1x16xf32> to vector<16xf32>
        %get3A_353 = arith.index_cast %add3A_348 : i32 to index
        %get3A_354 = arith.constant 0 : index
        %get3A_355 = tpu.vector_load %arg12[%get3A_353, %get3A_354] {strides = array<i32>} : memref<128x128xf32, #tpu.memory_space<vmem>>, vector<1x16xf32>,
        %get3A_356 = vector.shape_cast %get3A_355 : vector<1x16xf32> to vector<16xf32>
        %mul3A_357 = arith.mulf %get3A_352, %get3A_356 : vector<16xf32>
        %get3A_358 = arith.index_cast %add3A_348 : i32 to index
        %get3A_359 = arith.constant 16 : index
        %get3A_360 = tpu.vector_load %arg11[%get3A_358, %get3A_359] {strides = array<i32>} : memref<128x128xf32, #tpu.memory_space<vmem>>, vector<1x16xf32>,
        %get3A_361 = vector.shape_cast %get3A_360 : vector<1x16xf32> to vector<16xf32>
        %get3A_362 = arith.index_cast %add3A_348 : i32 to index
        %get3A_363 = arith.constant 16 : index
        %get3A_364 = tpu.vector_load %arg12[%get3A_362, %get3A_363] {strides = array<i32>} : memref<128x128xf32, #tpu.memory_space<vmem>>, vector<1x16xf32>,
        %get3A_365 = vector.shape_cast %get3A_364 : vector<1x16xf32> to vector<16xf32>
        %mul3A_366 = arith.mulf %get3A_361, %get3A_365 : vector<16xf32>
        %add3A_367 = arith.addf %mul3A_357, %mul3A_366 : vector<16xf32>
        %get3A_368 = arith.index_cast %add3A_348 : i32 to index
        %get3A_369 = arith.constant 32 : index
        %get3A_370 = tpu.vector_load %arg11[%get3A_368, %get3A_369] {strides = array<i32>} : memref<128x128xf32, #tpu.memory_space<vmem>>, vector<1x16xf32>,
        %get3A_371 = vector.shape_cast %get3A_370 : vector<1x16xf32> to vector<16xf32>
        %get3A_372 = arith.index_cast %add3A_348 : i32 to index
        %get3A_373 = arith.constant 32 : index
        %get3A_374 = tpu.vector_load %arg12[%get3A_372, %get3A_373] {strides = array<i32>} : memref<128x128xf32, #tpu.memory_space<vmem>>, vector<1x16xf32>,
        %get3A_375 = vector.shape_cast %get3A_374 : vector<1x16xf32> to vector<16xf32>
        %mul3A_376 = arith.mulf %get3A_371, %get3A_375 : vector<16xf32>
        %add3A_377 = arith.addf %add3A_367, %mul3A_376 : vector<16xf32>
        %get3A_378 = arith.index_cast %add3A_348 : i32 to index
        %get3A_379 = arith.constant 48 : index
        %get3A_380 = tpu.vector_load %arg11[%get3A_378, %get3A_379] {strides = array<i32>} : memref<128x128xf32, #tpu.memory_space<vmem>>, vector<1x16xf32>,
        %get3A_381 = vector.shape_cast %get3A_380 : vector<1x16xf32> to vector<16xf32>
        %get3A_382 = arith.index_cast %add3A_348 : i32 to index
        %get3A_383 = arith.constant 48 : index
        %get3A_384 = tpu.vector_load %arg12[%get3A_382, %get3A_383] {strides = array<i32>} : memref<128x128xf32, #tpu.memory_space<vmem>>, vector<1x16xf32>,
        %get3A_385 = vector.shape_cast %get3A_384 : vector<1x16xf32> to vector<16xf32>
        %mul3A_386 = arith.mulf %get3A_381, %get3A_385 : vector<16xf32>
        %add3A_387 = arith.addf %add3A_377, %mul3A_386 : vector<16xf32>
        %get3A_388 = arith.index_cast %add3A_348 : i32 to index
        %get3A_389 = arith.constant 64 : index
        %get3A_390 = tpu.vector_load %arg11[%get3A_388, %get3A_389] {strides = array<i32>} : memref<128x128xf32, #tpu.memory_space<vmem>>, vector<1x16xf32>,
        %get3A_391 = vector.shape_cast %get3A_390 : vector<1x16xf32> to vector<16xf32>
        %get3A_392 = arith.index_cast %add3A_348 : i32 to index
        %get3A_393 = arith.constant 64 : index
        %get3A_394 = tpu.vector_load %arg12[%get3A_392, %get3A_393] {strides = array<i32>} : memref<128x128xf32, #tpu.memory_space<vmem>>, vector<1x16xf32>,
        %get3A_395 = vector.shape_cast %get3A_394 : vector<1x16xf32> to vector<16xf32>
        %mul3A_396 = arith.mulf %get3A_391, %get3A_395 : vector<16xf32>
        %add3A_397 = arith.addf %add3A_387, %mul3A_396 : vector<16xf32>
        %get3A_398 = arith.index_cast %add3A_348 : i32 to index
        %get3A_399 = arith.constant 80 : index
        %get3A_400 = tpu.vector_load %arg11[%get3A_398, %get3A_399] {strides = array<i32>} : memref<128x128xf32, #tpu.memory_space<vmem>>, vector<1x16xf32>,
        %get3A_401 = vector.shape_cast %get3A_400 : vector<1x16xf32> to vector<16xf32>
        %get3A_402 = arith.index_cast %add3A_348 : i32 to index
        %get3A_403 = arith.constant 80 : index
        %get3A_404 = tpu.vector_load %arg12[%get3A_402, %get3A_403] {strides = array<i32>} : memref<128x128xf32, #tpu.memory_space<vmem>>, vector<1x16xf32>,
        %get3A_405 = vector.shape_cast %get3A_404 : vector<1x16xf32> to vector<16xf32>
        %mul3A_406 = arith.mulf %get3A_401, %get3A_405 : vector<16xf32>
        %add3A_407 = arith.addf %add3A_397, %mul3A_406 : vector<16xf32>
        %get3A_408 = arith.index_cast %add3A_348 : i32 to index
        %get3A_409 = arith.constant 96 : index
        %get3A_410 = tpu.vector_load %arg11[%get3A_408, %get3A_409] {strides = array<i32>} : memref<128x128xf32, #tpu.memory_space<vmem>>, vector<1x16xf32>,
        %get3A_411 = vector.shape_cast %get3A_410 : vector<1x16xf32> to vector<16xf32>
        %get3A_412 = arith.index_cast %add3A_348 : i32 to index
        %get3A_413 = arith.constant 96 : index
        %get3A_414 = tpu.vector_load %arg12[%get3A_412, %get3A_413] {strides = array<i32>} : memref<128x128xf32, #tpu.memory_space<vmem>>, vector<1x16xf32>,
        %get3A_415 = vector.shape_cast %get3A_414 : vector<1x16xf32> to vector<16xf32>
        %mul3A_416 = arith.mulf %get3A_411, %get3A_415 : vector<16xf32>
        %add3A_417 = arith.addf %add3A_407, %mul3A_416 : vector<16xf32>
        %get3A_418 = arith.index_cast %add3A_348 : i32 to index
        %get3A_419 = arith.constant 112 : index
        %get3A_420 = tpu.vector_load %arg11[%get3A_418, %get3A_419] {strides = array<i32>} : memref<128x128xf32, #tpu.memory_space<vmem>>, vector<1x16xf32>,
        %get3A_421 = vector.shape_cast %get3A_420 : vector<1x16xf32> to vector<16xf32>
        %get3A_422 = arith.index_cast %add3A_348 : i32 to index
        %get3A_423 = arith.constant 112 : index
        %get3A_424 = tpu.vector_load %arg12[%get3A_422, %get3A_423] {strides = array<i32>} : memref<128x128xf32, #tpu.memory_space<vmem>>, vector<1x16xf32>,
        %get3A_425 = vector.shape_cast %get3A_424 : vector<1x16xf32> to vector<16xf32>
        %mul3A_426 = arith.mulf %get3A_421, %get3A_425 : vector<16xf32>
        %add3A_427 = arith.addf %add3A_417, %mul3A_426 : vector<16xf32>
        %swap3A_428 = arith.index_cast %scan3A_258 : i32 to index
        %swap3A_429 = arith.constant 16 : index
        %swap3A_430 = tpu.vector_load %arg17[%swap3A_428, %swap3A_429] {strides = array<i32>} : memref<16x128xf32, #tpu.memory_space<vmem>>, vector<1x16xf32>,
        %swap3A_431 = vector.shape_cast %swap3A_430 : vector<1x16xf32> to vector<16xf32>
        %swap3A_432 = vector.shape_cast %add3A_427 : vector<16xf32> to vector<1x16xf32>
        tpu.vector_store %arg17[%swap3A_428, %swap3A_429], %swap3A_432 {strides = array<i32>} : memref<16x128xf32, #tpu.memory_space<vmem>>, vector<1x16xf32>,
        %mul3A_433 = arith.constant 8 : i32
        %mul3A_434 = arith.muli %scan3A_258, %mul3A_433 : i32
        %add3A_435 = arith.constant 2 : i32
        %add3A_436 = arith.addi %mul3A_434, %add3A_435 : i32
        %get3A_437 = arith.index_cast %add3A_436 : i32 to index
        %get3A_438 = arith.constant 0 : index
        %get3A_439 = tpu.vector_load %arg11[%get3A_437, %get3A_438] {strides = array<i32>} : memref<128x128xf32, #tpu.memory_space<vmem>>, vector<1x16xf32>,
        %get3A_440 = vector.shape_cast %get3A_439 : vector<1x16xf32> to vector<16xf32>
        %get3A_441 = arith.index_cast %add3A_436 : i32 to index
        %get3A_442 = arith.constant 0 : index
        %get3A_443 = tpu.vector_load %arg12[%get3A_441, %get3A_442] {strides = array<i32>} : memref<128x128xf32, #tpu.memory_space<vmem>>, vector<1x16xf32>,
        %get3A_444 = vector.shape_cast %get3A_443 : vector<1x16xf32> to vector<16xf32>
        %mul3A_445 = arith.mulf %get3A_440, %get3A_444 : vector<16xf32>
        %get3A_446 = arith.index_cast %add3A_436 : i32 to index
        %get3A_447 = arith.constant 16 : index
        %get3A_448 = tpu.vector_load %arg11[%get3A_446, %get3A_447] {strides = array<i32>} : memref<128x128xf32, #tpu.memory_space<vmem>>, vector<1x16xf32>,
        %get3A_449 = vector.shape_cast %get3A_448 : vector<1x16xf32> to vector<16xf32>
        %get3A_450 = arith.index_cast %add3A_436 : i32 to index
        %get3A_451 = arith.constant 16 : index
        %get3A_452 = tpu.vector_load %arg12[%get3A_450, %get3A_451] {strides = array<i32>} : memref<128x128xf32, #tpu.memory_space<vmem>>, vector<1x16xf32>,
        %get3A_453 = vector.shape_cast %get3A_452 : vector<1x16xf32> to vector<16xf32>
        %mul3A_454 = arith.mulf %get3A_449, %get3A_453 : vector<16xf32>
        %add3A_455 = arith.addf %mul3A_445, %mul3A_454 : vector<16xf32>
        %get3A_456 = arith.index_cast %add3A_436 : i32 to index
        %get3A_457 = arith.constant 32 : index
        %get3A_458 = tpu.vector_load %arg11[%get3A_456, %get3A_457] {strides = array<i32>} : memref<128x128xf32, #tpu.memory_space<vmem>>, vector<1x16xf32>,
        %get3A_459 = vector.shape_cast %get3A_458 : vector<1x16xf32> to vector<16xf32>
        %get3A_460 = arith.index_cast %add3A_436 : i32 to index
        %get3A_461 = arith.constant 32 : index
        %get3A_462 = tpu.vector_load %arg12[%get3A_460, %get3A_461] {strides = array<i32>} : memref<128x128xf32, #tpu.memory_space<vmem>>, vector<1x16xf32>,
        %get3A_463 = vector.shape_cast %get3A_462 : vector<1x16xf32> to vector<16xf32>
        %mul3A_464 = arith.mulf %get3A_459, %get3A_463 : vector<16xf32>
        %add3A_465 = arith.addf %add3A_455, %mul3A_464 : vector<16xf32>
        %get3A_466 = arith.index_cast %add3A_436 : i32 to index
        %get3A_467 = arith.constant 48 : index
        %get3A_468 = tpu.vector_load %arg11[%get3A_466, %get3A_467] {strides = array<i32>} : memref<128x128xf32, #tpu.memory_space<vmem>>, vector<1x16xf32>,
        %get3A_469 = vector.shape_cast %get3A_468 : vector<1x16xf32> to vector<16xf32>
        %get3A_470 = arith.index_cast %add3A_436 : i32 to index
        %get3A_471 = arith.constant 48 : index
        %get3A_472 = tpu.vector_load %arg12[%get3A_470, %get3A_471] {strides = array<i32>} : memref<128x128xf32, #tpu.memory_space<vmem>>, vector<1x16xf32>,
        %get3A_473 = vector.shape_cast %get3A_472 : vector<1x16xf32> to vector<16xf32>
        %mul3A_474 = arith.mulf %get3A_469, %get3A_473 : vector<16xf32>
        %add3A_475 = arith.addf %add3A_465, %mul3A_474 : vector<16xf32>
        %get3A_476 = arith.index_cast %add3A_436 : i32 to index
        %get3A_477 = arith.constant 64 : index
        %get3A_478 = tpu.vector_load %arg11[%get3A_476, %get3A_477] {strides = array<i32>} : memref<128x128xf32, #tpu.memory_space<vmem>>, vector<1x16xf32>,
        %get3A_479 = vector.shape_cast %get3A_478 : vector<1x16xf32> to vector<16xf32>
        %get3A_480 = arith.index_cast %add3A_436 : i32 to index
        %get3A_481 = arith.constant 64 : index
        %get3A_482 = tpu.vector_load %arg12[%get3A_480, %get3A_481] {strides = array<i32>} : memref<128x128xf32, #tpu.memory_space<vmem>>, vector<1x16xf32>,
        %get3A_483 = vector.shape_cast %get3A_482 : vector<1x16xf32> to vector<16xf32>
        %mul3A_484 = arith.mulf %get3A_479, %get3A_483 : vector<16xf32>
        %add3A_485 = arith.addf %add3A_475, %mul3A_484 : vector<16xf32>
        %get3A_486 = arith.index_cast %add3A_436 : i32 to index
        %get3A_487 = arith.constant 80 : index
        %get3A_488 = tpu.vector_load %arg11[%get3A_486, %get3A_487] {strides = array<i32>} : memref<128x128xf32, #tpu.memory_space<vmem>>, vector<1x16xf32>,
        %get3A_489 = vector.shape_cast %get3A_488 : vector<1x16xf32> to vector<16xf32>
        %get3A_490 = arith.index_cast %add3A_436 : i32 to index
        %get3A_491 = arith.constant 80 : index
        %get3A_492 = tpu.vector_load %arg12[%get3A_490, %get3A_491] {strides = array<i32>} : memref<128x128xf32, #tpu.memory_space<vmem>>, vector<1x16xf32>,
        %get3A_493 = vector.shape_cast %get3A_492 : vector<1x16xf32> to vector<16xf32>
        %mul3A_494 = arith.mulf %get3A_489, %get3A_493 : vector<16xf32>
        %add3A_495 = arith.addf %add3A_485, %mul3A_494 : vector<16xf32>
        %get3A_496 = arith.index_cast %add3A_436 : i32 to index
        %get3A_497 = arith.constant 96 : index
        %get3A_498 = tpu.vector_load %arg11[%get3A_496, %get3A_497] {strides = array<i32>} : memref<128x128xf32, #tpu.memory_space<vmem>>, vector<1x16xf32>,
        %get3A_499 = vector.shape_cast %get3A_498 : vector<1x16xf32> to vector<16xf32>
        %get3A_500 = arith.index_cast %add3A_436 : i32 to index
        %get3A_501 = arith.constant 96 : index
        %get3A_502 = tpu.vector_load %arg12[%get3A_500, %get3A_501] {strides = array<i32>} : memref<128x128xf32, #tpu.memory_space<vmem>>, vector<1x16xf32>,
        %get3A_503 = vector.shape_cast %get3A_502 : vector<1x16xf32> to vector<16xf32>
        %mul3A_504 = arith.mulf %get3A_499, %get3A_503 : vector<16xf32>
        %add3A_505 = arith.addf %add3A_495, %mul3A_504 : vector<16xf32>
        %get3A_506 = arith.index_cast %add3A_436 : i32 to index
        %get3A_507 = arith.constant 112 : index
        %get3A_508 = tpu.vector_load %arg11[%get3A_506, %get3A_507] {strides = array<i32>} : memref<128x128xf32, #tpu.memory_space<vmem>>, vector<1x16xf32>,
        %get3A_509 = vector.shape_cast %get3A_508 : vector<1x16xf32> to vector<16xf32>
        %get3A_510 = arith.index_cast %add3A_436 : i32 to index
        %get3A_511 = arith.constant 112 : index
        %get3A_512 = tpu.vector_load %arg12[%get3A_510, %get3A_511] {strides = array<i32>} : memref<128x128xf32, #tpu.memory_space<vmem>>, vector<1x16xf32>,
        %get3A_513 = vector.shape_cast %get3A_512 : vector<1x16xf32> to vector<16xf32>
        %mul3A_514 = arith.mulf %get3A_509, %get3A_513 : vector<16xf32>
        %add3A_515 = arith.addf %add3A_505, %mul3A_514 : vector<16xf32>
        %swap3A_516 = arith.index_cast %scan3A_258 : i32 to index
        %swap3A_517 = arith.constant 32 : index
        %swap3A_518 = tpu.vector_load %arg17[%swap3A_516, %swap3A_517] {strides = array<i32>} : memref<16x128xf32, #tpu.memory_space<vmem>>, vector<1x16xf32>,
        %swap3A_519 = vector.shape_cast %swap3A_518 : vector<1x16xf32> to vector<16xf32>
        %swap3A_520 = vector.shape_cast %add3A_515 : vector<16xf32> to vector<1x16xf32>
        tpu.vector_store %arg17[%swap3A_516, %swap3A_517], %swap3A_520 {strides = array<i32>} : memref<16x128xf32, #tpu.memory_space<vmem>>, vector<1x16xf32>,
        %mul3A_521 = arith.constant 8 : i32
        %mul3A_522 = arith.muli %scan3A_258, %mul3A_521 : i32
        %add3A_523 = arith.constant 3 : i32
        %add3A_524 = arith.addi %mul3A_522, %add3A_523 : i32
        %get3A_525 = arith.index_cast %add3A_524 : i32 to index
        %get3A_526 = arith.constant 0 : index
        %get3A_527 = tpu.vector_load %arg11[%get3A_525, %get3A_526] {strides = array<i32>} : memref<128x128xf32, #tpu.memory_space<vmem>>, vector<1x16xf32>,
        %get3A_528 = vector.shape_cast %get3A_527 : vector<1x16xf32> to vector<16xf32>
        %get3A_529 = arith.index_cast %add3A_524 : i32 to index
        %get3A_530 = arith.constant 0 : index
        %get3A_531 = tpu.vector_load %arg12[%get3A_529, %get3A_530] {strides = array<i32>} : memref<128x128xf32, #tpu.memory_space<vmem>>, vector<1x16xf32>,
        %get3A_532 = vector.shape_cast %get3A_531 : vector<1x16xf32> to vector<16xf32>
        %mul3A_533 = arith.mulf %get3A_528, %get3A_532 : vector<16xf32>
        %get3A_534 = arith.index_cast %add3A_524 : i32 to index
        %get3A_535 = arith.constant 16 : index
        %get3A_536 = tpu.vector_load %arg11[%get3A_534, %get3A_535] {strides = array<i32>} : memref<128x128xf32, #tpu.memory_space<vmem>>, vector<1x16xf32>,
        %get3A_537 = vector.shape_cast %get3A_536 : vector<1x16xf32> to vector<16xf32>
        %get3A_538 = arith.index_cast %add3A_524 : i32 to index
        %get3A_539 = arith.constant 16 : index
        %get3A_540 = tpu.vector_load %arg12[%get3A_538, %get3A_539] {strides = array<i32>} : memref<128x128xf32, #tpu.memory_space<vmem>>, vector<1x16xf32>,
        %get3A_541 = vector.shape_cast %get3A_540 : vector<1x16xf32> to vector<16xf32>
        %mul3A_542 = arith.mulf %get3A_537, %get3A_541 : vector<16xf32>
        %add3A_543 = arith.addf %mul3A_533, %mul3A_542 : vector<16xf32>
        %get3A_544 = arith.index_cast %add3A_524 : i32 to index
        %get3A_545 = arith.constant 32 : index
        %get3A_546 = tpu.vector_load %arg11[%get3A_544, %get3A_545] {strides = array<i32>} : memref<128x128xf32, #tpu.memory_space<vmem>>, vector<1x16xf32>,
        %get3A_547 = vector.shape_cast %get3A_546 : vector<1x16xf32> to vector<16xf32>
        %get3A_548 = arith.index_cast %add3A_524 : i32 to index
        %get3A_549 = arith.constant 32 : index
        %get3A_550 = tpu.vector_load %arg12[%get3A_548, %get3A_549] {strides = array<i32>} : memref<128x128xf32, #tpu.memory_space<vmem>>, vector<1x16xf32>,
        %get3A_551 = vector.shape_cast %get3A_550 : vector<1x16xf32> to vector<16xf32>
        %mul3A_552 = arith.mulf %get3A_547, %get3A_551 : vector<16xf32>
        %add3A_553 = arith.addf %add3A_543, %mul3A_552 : vector<16xf32>
        %get3A_554 = arith.index_cast %add3A_524 : i32 to index
        %get3A_555 = arith.constant 48 : index
        %get3A_556 = tpu.vector_load %arg11[%get3A_554, %get3A_555] {strides = array<i32>} : memref<128x128xf32, #tpu.memory_space<vmem>>, vector<1x16xf32>,
        %get3A_557 = vector.shape_cast %get3A_556 : vector<1x16xf32> to vector<16xf32>
        %get3A_558 = arith.index_cast %add3A_524 : i32 to index
        %get3A_559 = arith.constant 48 : index
        %get3A_560 = tpu.vector_load %arg12[%get3A_558, %get3A_559] {strides = array<i32>} : memref<128x128xf32, #tpu.memory_space<vmem>>, vector<1x16xf32>,
        %get3A_561 = vector.shape_cast %get3A_560 : vector<1x16xf32> to vector<16xf32>
        %mul3A_562 = arith.mulf %get3A_557, %get3A_561 : vector<16xf32>
        %add3A_563 = arith.addf %add3A_553, %mul3A_562 : vector<16xf32>
        %get3A_564 = arith.index_cast %add3A_524 : i32 to index
        %get3A_565 = arith.constant 64 : index
        %get3A_566 = tpu.vector_load %arg11[%get3A_564, %get3A_565] {strides = array<i32>} : memref<128x128xf32, #tpu.memory_space<vmem>>, vector<1x16xf32>,
        %get3A_567 = vector.shape_cast %get3A_566 : vector<1x16xf32> to vector<16xf32>
        %get3A_568 = arith.index_cast %add3A_524 : i32 to index
        %get3A_569 = arith.constant 64 : index
        %get3A_570 = tpu.vector_load %arg12[%get3A_568, %get3A_569] {strides = array<i32>} : memref<128x128xf32, #tpu.memory_space<vmem>>, vector<1x16xf32>,
        %get3A_571 = vector.shape_cast %get3A_570 : vector<1x16xf32> to vector<16xf32>
        %mul3A_572 = arith.mulf %get3A_567, %get3A_571 : vector<16xf32>
        %add3A_573 = arith.addf %add3A_563, %mul3A_572 : vector<16xf32>
        %get3A_574 = arith.index_cast %add3A_524 : i32 to index
        %get3A_575 = arith.constant 80 : index
        %get3A_576 = tpu.vector_load %arg11[%get3A_574, %get3A_575] {strides = array<i32>} : memref<128x128xf32, #tpu.memory_space<vmem>>, vector<1x16xf32>,
        %get3A_577 = vector.shape_cast %get3A_576 : vector<1x16xf32> to vector<16xf32>
        %get3A_578 = arith.index_cast %add3A_524 : i32 to index
        %get3A_579 = arith.constant 80 : index
        %get3A_580 = tpu.vector_load %arg12[%get3A_578, %get3A_579] {strides = array<i32>} : memref<128x128xf32, #tpu.memory_space<vmem>>, vector<1x16xf32>,
        %get3A_581 = vector.shape_cast %get3A_580 : vector<1x16xf32> to vector<16xf32>
        %mul3A_582 = arith.mulf %get3A_577, %get3A_581 : vector<16xf32>
        %add3A_583 = arith.addf %add3A_573, %mul3A_582 : vector<16xf32>
        %get3A_584 = arith.index_cast %add3A_524 : i32 to index
        %get3A_585 = arith.constant 96 : index
        %get3A_586 = tpu.vector_load %arg11[%get3A_584, %get3A_585] {strides = array<i32>} : memref<128x128xf32, #tpu.memory_space<vmem>>, vector<1x16xf32>,
        %get3A_587 = vector.shape_cast %get3A_586 : vector<1x16xf32> to vector<16xf32>
        %get3A_588 = arith.index_cast %add3A_524 : i32 to index
        %get3A_589 = arith.constant 96 : index
        %get3A_590 = tpu.vector_load %arg12[%get3A_588, %get3A_589] {strides = array<i32>} : memref<128x128xf32, #tpu.memory_space<vmem>>, vector<1x16xf32>,
        %get3A_591 = vector.shape_cast %get3A_590 : vector<1x16xf32> to vector<16xf32>
        %mul3A_592 = arith.mulf %get3A_587, %get3A_591 : vector<16xf32>
        %add3A_593 = arith.addf %add3A_583, %mul3A_592 : vector<16xf32>
        %get3A_594 = arith.index_cast %add3A_524 : i32 to index
        %get3A_595 = arith.constant 112 : index
        %get3A_596 = tpu.vector_load %arg11[%get3A_594, %get3A_595] {strides = array<i32>} : memref<128x128xf32, #tpu.memory_space<vmem>>, vector<1x16xf32>,
        %get3A_597 = vector.shape_cast %get3A_596 : vector<1x16xf32> to vector<16xf32>
        %get3A_598 = arith.index_cast %add3A_524 : i32 to index
        %get3A_599 = arith.constant 112 : index
        %get3A_600 = tpu.vector_load %arg12[%get3A_598, %get3A_599] {strides = array<i32>} : memref<128x128xf32, #tpu.memory_space<vmem>>, vector<1x16xf32>,
        %get3A_601 = vector.shape_cast %get3A_600 : vector<1x16xf32> to vector<16xf32>
        %mul3A_602 = arith.mulf %get3A_597, %get3A_601 : vector<16xf32>
        %add3A_603 = arith.addf %add3A_593, %mul3A_602 : vector<16xf32>
        %swap3A_604 = arith.index_cast %scan3A_258 : i32 to index
        %swap3A_605 = arith.constant 48 : index
        %swap3A_606 = tpu.vector_load %arg17[%swap3A_604, %swap3A_605] {strides = array<i32>} : memref<16x128xf32, #tpu.memory_space<vmem>>, vector<1x16xf32>,
        %swap3A_607 = vector.shape_cast %swap3A_606 : vector<1x16xf32> to vector<16xf32>
        %swap3A_608 = vector.shape_cast %add3A_603 : vector<16xf32> to vector<1x16xf32>
        tpu.vector_store %arg17[%swap3A_604, %swap3A_605], %swap3A_608 {strides = array<i32>} : memref<16x128xf32, #tpu.memory_space<vmem>>, vector<1x16xf32>,
        %mul3A_609 = arith.constant 8 : i32
        %mul3A_610 = arith.muli %scan3A_258, %mul3A_609 : i32
        %add3A_611 = arith.constant 4 : i32
        %add3A_612 = arith.addi %mul3A_610, %add3A_611 : i32
        %get3A_613 = arith.index_cast %add3A_612 : i32 to index
        %get3A_614 = arith.constant 0 : index
        %get3A_615 = tpu.vector_load %arg11[%get3A_613, %get3A_614] {strides = array<i32>} : memref<128x128xf32, #tpu.memory_space<vmem>>, vector<1x16xf32>,
        %get3A_616 = vector.shape_cast %get3A_615 : vector<1x16xf32> to vector<16xf32>
        %get3A_617 = arith.index_cast %add3A_612 : i32 to index
        %get3A_618 = arith.constant 0 : index
        %get3A_619 = tpu.vector_load %arg12[%get3A_617, %get3A_618] {strides = array<i32>} : memref<128x128xf32, #tpu.memory_space<vmem>>, vector<1x16xf32>,
        %get3A_620 = vector.shape_cast %get3A_619 : vector<1x16xf32> to vector<16xf32>
        %mul3A_621 = arith.mulf %get3A_616, %get3A_620 : vector<16xf32>
        %get3A_622 = arith.index_cast %add3A_612 : i32 to index
        %get3A_623 = arith.constant 16 : index
        %get3A_624 = tpu.vector_load %arg11[%get3A_622, %get3A_623] {strides = array<i32>} : memref<128x128xf32, #tpu.memory_space<vmem>>, vector<1x16xf32>,
        %get3A_625 = vector.shape_cast %get3A_624 : vector<1x16xf32> to vector<16xf32>
        %get3A_626 = arith.index_cast %add3A_612 : i32 to index
        %get3A_627 = arith.constant 16 : index
        %get3A_628 = tpu.vector_load %arg12[%get3A_626, %get3A_627] {strides = array<i32>} : memref<128x128xf32, #tpu.memory_space<vmem>>, vector<1x16xf32>,
        %get3A_629 = vector.shape_cast %get3A_628 : vector<1x16xf32> to vector<16xf32>
        %mul3A_630 = arith.mulf %get3A_625, %get3A_629 : vector<16xf32>
        %add3A_631 = arith.addf %mul3A_621, %mul3A_630 : vector<16xf32>
        %get3A_632 = arith.index_cast %add3A_612 : i32 to index
        %get3A_633 = arith.constant 32 : index
        %get3A_634 = tpu.vector_load %arg11[%get3A_632, %get3A_633] {strides = array<i32>} : memref<128x128xf32, #tpu.memory_space<vmem>>, vector<1x16xf32>,
        %get3A_635 = vector.shape_cast %get3A_634 : vector<1x16xf32> to vector<16xf32>
        %get3A_636 = arith.index_cast %add3A_612 : i32 to index
        %get3A_637 = arith.constant 32 : index
        %get3A_638 = tpu.vector_load %arg12[%get3A_636, %get3A_637] {strides = array<i32>} : memref<128x128xf32, #tpu.memory_space<vmem>>, vector<1x16xf32>,
        %get3A_639 = vector.shape_cast %get3A_638 : vector<1x16xf32> to vector<16xf32>
        %mul3A_640 = arith.mulf %get3A_635, %get3A_639 : vector<16xf32>
        %add3A_641 = arith.addf %add3A_631, %mul3A_640 : vector<16xf32>
        %get3A_642 = arith.index_cast %add3A_612 : i32 to index
        %get3A_643 = arith.constant 48 : index
        %get3A_644 = tpu.vector_load %arg11[%get3A_642, %get3A_643] {strides = array<i32>} : memref<128x128xf32, #tpu.memory_space<vmem>>, vector<1x16xf32>,
        %get3A_645 = vector.shape_cast %get3A_644 : vector<1x16xf32> to vector<16xf32>
        %get3A_646 = arith.index_cast %add3A_612 : i32 to index
        %get3A_647 = arith.constant 48 : index
        %get3A_648 = tpu.vector_load %arg12[%get3A_646, %get3A_647] {strides = array<i32>} : memref<128x128xf32, #tpu.memory_space<vmem>>, vector<1x16xf32>,
        %get3A_649 = vector.shape_cast %get3A_648 : vector<1x16xf32> to vector<16xf32>
        %mul3A_650 = arith.mulf %get3A_645, %get3A_649 : vector<16xf32>
        %add3A_651 = arith.addf %add3A_641, %mul3A_650 : vector<16xf32>
        %get3A_652 = arith.index_cast %add3A_612 : i32 to index
        %get3A_653 = arith.constant 64 : index
        %get3A_654 = tpu.vector_load %arg11[%get3A_652, %get3A_653] {strides = array<i32>} : memref<128x128xf32, #tpu.memory_space<vmem>>, vector<1x16xf32>,
        %get3A_655 = vector.shape_cast %get3A_654 : vector<1x16xf32> to vector<16xf32>
        %get3A_656 = arith.index_cast %add3A_612 : i32 to index
        %get3A_657 = arith.constant 64 : index
        %get3A_658 = tpu.vector_load %arg12[%get3A_656, %get3A_657] {strides = array<i32>} : memref<128x128xf32, #tpu.memory_space<vmem>>, vector<1x16xf32>,
        %get3A_659 = vector.shape_cast %get3A_658 : vector<1x16xf32> to vector<16xf32>
        %mul3A_660 = arith.mulf %get3A_655, %get3A_659 : vector<16xf32>
        %add3A_661 = arith.addf %add3A_651, %mul3A_660 : vector<16xf32>
        %get3A_662 = arith.index_cast %add3A_612 : i32 to index
        %get3A_663 = arith.constant 80 : index
        %get3A_664 = tpu.vector_load %arg11[%get3A_662, %get3A_663] {strides = array<i32>} : memref<128x128xf32, #tpu.memory_space<vmem>>, vector<1x16xf32>,
        %get3A_665 = vector.shape_cast %get3A_664 : vector<1x16xf32> to vector<16xf32>
        %get3A_666 = arith.index_cast %add3A_612 : i32 to index
        %get3A_667 = arith.constant 80 : index
        %get3A_668 = tpu.vector_load %arg12[%get3A_666, %get3A_667] {strides = array<i32>} : memref<128x128xf32, #tpu.memory_space<vmem>>, vector<1x16xf32>,
        %get3A_669 = vector.shape_cast %get3A_668 : vector<1x16xf32> to vector<16xf32>
        %mul3A_670 = arith.mulf %get3A_665, %get3A_669 : vector<16xf32>
        %add3A_671 = arith.addf %add3A_661, %mul3A_670 : vector<16xf32>
        %get3A_672 = arith.index_cast %add3A_612 : i32 to index
        %get3A_673 = arith.constant 96 : index
        %get3A_674 = tpu.vector_load %arg11[%get3A_672, %get3A_673] {strides = array<i32>} : memref<128x128xf32, #tpu.memory_space<vmem>>, vector<1x16xf32>,
        %get3A_675 = vector.shape_cast %get3A_674 : vector<1x16xf32> to vector<16xf32>
        %get3A_676 = arith.index_cast %add3A_612 : i32 to index
        %get3A_677 = arith.constant 96 : index
        %get3A_678 = tpu.vector_load %arg12[%get3A_676, %get3A_677] {strides = array<i32>} : memref<128x128xf32, #tpu.memory_space<vmem>>, vector<1x16xf32>,
        %get3A_679 = vector.shape_cast %get3A_678 : vector<1x16xf32> to vector<16xf32>
        %mul3A_680 = arith.mulf %get3A_675, %get3A_679 : vector<16xf32>
        %add3A_681 = arith.addf %add3A_671, %mul3A_680 : vector<16xf32>
        %get3A_682 = arith.index_cast %add3A_612 : i32 to index
        %get3A_683 = arith.constant 112 : index
        %get3A_684 = tpu.vector_load %arg11[%get3A_682, %get3A_683] {strides = array<i32>} : memref<128x128xf32, #tpu.memory_space<vmem>>, vector<1x16xf32>,
        %get3A_685 = vector.shape_cast %get3A_684 : vector<1x16xf32> to vector<16xf32>
        %get3A_686 = arith.index_cast %add3A_612 : i32 to index
        %get3A_687 = arith.constant 112 : index
        %get3A_688 = tpu.vector_load %arg12[%get3A_686, %get3A_687] {strides = array<i32>} : memref<128x128xf32, #tpu.memory_space<vmem>>, vector<1x16xf32>,
        %get3A_689 = vector.shape_cast %get3A_688 : vector<1x16xf32> to vector<16xf32>
        %mul3A_690 = arith.mulf %get3A_685, %get3A_689 : vector<16xf32>
        %add3A_691 = arith.addf %add3A_681, %mul3A_690 : vector<16xf32>
        %swap3A_692 = arith.index_cast %scan3A_258 : i32 to index
        %swap3A_693 = arith.constant 64 : index
        %swap3A_694 = tpu.vector_load %arg17[%swap3A_692, %swap3A_693] {strides = array<i32>} : memref<16x128xf32, #tpu.memory_space<vmem>>, vector<1x16xf32>,
        %swap3A_695 = vector.shape_cast %swap3A_694 : vector<1x16xf32> to vector<16xf32>
        %swap3A_696 = vector.shape_cast %add3A_691 : vector<16xf32> to vector<1x16xf32>
        tpu.vector_store %arg17[%swap3A_692, %swap3A_693], %swap3A_696 {strides = array<i32>} : memref<16x128xf32, #tpu.memory_space<vmem>>, vector<1x16xf32>,
        %mul3A_697 = arith.constant 8 : i32
        %mul3A_698 = arith.muli %scan3A_258, %mul3A_697 : i32
        %add3A_699 = arith.constant 5 : i32
        %add3A_700 = arith.addi %mul3A_698, %add3A_699 : i32
        %get3A_701 = arith.index_cast %add3A_700 : i32 to index
        %get3A_702 = arith.constant 0 : index
        %get3A_703 = tpu.vector_load %arg11[%get3A_701, %get3A_702] {strides = array<i32>} : memref<128x128xf32, #tpu.memory_space<vmem>>, vector<1x16xf32>,
        %get3A_704 = vector.shape_cast %get3A_703 : vector<1x16xf32> to vector<16xf32>
        %get3A_705 = arith.index_cast %add3A_700 : i32 to index
        %get3A_706 = arith.constant 0 : index
        %get3A_707 = tpu.vector_load %arg12[%get3A_705, %get3A_706] {strides = array<i32>} : memref<128x128xf32, #tpu.memory_space<vmem>>, vector<1x16xf32>,
        %get3A_708 = vector.shape_cast %get3A_707 : vector<1x16xf32> to vector<16xf32>
        %mul3A_709 = arith.mulf %get3A_704, %get3A_708 : vector<16xf32>
        %get3A_710 = arith.index_cast %add3A_700 : i32 to index
        %get3A_711 = arith.constant 16 : index
        %get3A_712 = tpu.vector_load %arg11[%get3A_710, %get3A_711] {strides = array<i32>} : memref<128x128xf32, #tpu.memory_space<vmem>>, vector<1x16xf32>,
        %get3A_713 = vector.shape_cast %get3A_712 : vector<1x16xf32> to vector<16xf32>
        %get3A_714 = arith.index_cast %add3A_700 : i32 to index
        %get3A_715 = arith.constant 16 : index
        %get3A_716 = tpu.vector_load %arg12[%get3A_714, %get3A_715] {strides = array<i32>} : memref<128x128xf32, #tpu.memory_space<vmem>>, vector<1x16xf32>,
        %get3A_717 = vector.shape_cast %get3A_716 : vector<1x16xf32> to vector<16xf32>
        %mul3A_718 = arith.mulf %get3A_713, %get3A_717 : vector<16xf32>
        %add3A_719 = arith.addf %mul3A_709, %mul3A_718 : vector<16xf32>
        %get3A_720 = arith.index_cast %add3A_700 : i32 to index
        %get3A_721 = arith.constant 32 : index
        %get3A_722 = tpu.vector_load %arg11[%get3A_720, %get3A_721] {strides = array<i32>} : memref<128x128xf32, #tpu.memory_space<vmem>>, vector<1x16xf32>,
        %get3A_723 = vector.shape_cast %get3A_722 : vector<1x16xf32> to vector<16xf32>
        %get3A_724 = arith.index_cast %add3A_700 : i32 to index
        %get3A_725 = arith.constant 32 : index
        %get3A_726 = tpu.vector_load %arg12[%get3A_724, %get3A_725] {strides = array<i32>} : memref<128x128xf32, #tpu.memory_space<vmem>>, vector<1x16xf32>,
        %get3A_727 = vector.shape_cast %get3A_726 : vector<1x16xf32> to vector<16xf32>
        %mul3A_728 = arith.mulf %get3A_723, %get3A_727 : vector<16xf32>
        %add3A_729 = arith.addf %add3A_719, %mul3A_728 : vector<16xf32>
        %get3A_730 = arith.index_cast %add3A_700 : i32 to index
        %get3A_731 = arith.constant 48 : index
        %get3A_732 = tpu.vector_load %arg11[%get3A_730, %get3A_731] {strides = array<i32>} : memref<128x128xf32, #tpu.memory_space<vmem>>, vector<1x16xf32>,
        %get3A_733 = vector.shape_cast %get3A_732 : vector<1x16xf32> to vector<16xf32>
        %get3A_734 = arith.index_cast %add3A_700 : i32 to index
        %get3A_735 = arith.constant 48 : index
        %get3A_736 = tpu.vector_load %arg12[%get3A_734, %get3A_735] {strides = array<i32>} : memref<128x128xf32, #tpu.memory_space<vmem>>, vector<1x16xf32>,
        %get3A_737 = vector.shape_cast %get3A_736 : vector<1x16xf32> to vector<16xf32>
        %mul3A_738 = arith.mulf %get3A_733, %get3A_737 : vector<16xf32>
        %add3A_739 = arith.addf %add3A_729, %mul3A_738 : vector<16xf32>
        %get3A_740 = arith.index_cast %add3A_700 : i32 to index
        %get3A_741 = arith.constant 64 : index
        %get3A_742 = tpu.vector_load %arg11[%get3A_740, %get3A_741] {strides = array<i32>} : memref<128x128xf32, #tpu.memory_space<vmem>>, vector<1x16xf32>,
        %get3A_743 = vector.shape_cast %get3A_742 : vector<1x16xf32> to vector<16xf32>
        %get3A_744 = arith.index_cast %add3A_700 : i32 to index
        %get3A_745 = arith.constant 64 : index
        %get3A_746 = tpu.vector_load %arg12[%get3A_744, %get3A_745] {strides = array<i32>} : memref<128x128xf32, #tpu.memory_space<vmem>>, vector<1x16xf32>,
        %get3A_747 = vector.shape_cast %get3A_746 : vector<1x16xf32> to vector<16xf32>
        %mul3A_748 = arith.mulf %get3A_743, %get3A_747 : vector<16xf32>
        %add3A_749 = arith.addf %add3A_739, %mul3A_748 : vector<16xf32>
        %get3A_750 = arith.index_cast %add3A_700 : i32 to index
        %get3A_751 = arith.constant 80 : index
        %get3A_752 = tpu.vector_load %arg11[%get3A_750, %get3A_751] {strides = array<i32>} : memref<128x128xf32, #tpu.memory_space<vmem>>, vector<1x16xf32>,
        %get3A_753 = vector.shape_cast %get3A_752 : vector<1x16xf32> to vector<16xf32>
        %get3A_754 = arith.index_cast %add3A_700 : i32 to index
        %get3A_755 = arith.constant 80 : index
        %get3A_756 = tpu.vector_load %arg12[%get3A_754, %get3A_755] {strides = array<i32>} : memref<128x128xf32, #tpu.memory_space<vmem>>, vector<1x16xf32>,
        %get3A_757 = vector.shape_cast %get3A_756 : vector<1x16xf32> to vector<16xf32>
        %mul3A_758 = arith.mulf %get3A_753, %get3A_757 : vector<16xf32>
        %add3A_759 = arith.addf %add3A_749, %mul3A_758 : vector<16xf32>
        %get3A_760 = arith.index_cast %add3A_700 : i32 to index
        %get3A_761 = arith.constant 96 : index
        %get3A_762 = tpu.vector_load %arg11[%get3A_760, %get3A_761] {strides = array<i32>} : memref<128x128xf32, #tpu.memory_space<vmem>>, vector<1x16xf32>,
        %get3A_763 = vector.shape_cast %get3A_762 : vector<1x16xf32> to vector<16xf32>
        %get3A_764 = arith.index_cast %add3A_700 : i32 to index
        %get3A_765 = arith.constant 96 : index
        %get3A_766 = tpu.vector_load %arg12[%get3A_764, %get3A_765] {strides = array<i32>} : memref<128x128xf32, #tpu.memory_space<vmem>>, vector<1x16xf32>,
        %get3A_767 = vector.shape_cast %get3A_766 : vector<1x16xf32> to vector<16xf32>
        %mul3A_768 = arith.mulf %get3A_763, %get3A_767 : vector<16xf32>
        %add3A_769 = arith.addf %add3A_759, %mul3A_768 : vector<16xf32>
        %get3A_770 = arith.index_cast %add3A_700 : i32 to index
        %get3A_771 = arith.constant 112 : index
        %get3A_772 = tpu.vector_load %arg11[%get3A_770, %get3A_771] {strides = array<i32>} : memref<128x128xf32, #tpu.memory_space<vmem>>, vector<1x16xf32>,
        %get3A_773 = vector.shape_cast %get3A_772 : vector<1x16xf32> to vector<16xf32>
        %get3A_774 = arith.index_cast %add3A_700 : i32 to index
        %get3A_775 = arith.constant 112 : index
        %get3A_776 = tpu.vector_load %arg12[%get3A_774, %get3A_775] {strides = array<i32>} : memref<128x128xf32, #tpu.memory_space<vmem>>, vector<1x16xf32>,
        %get3A_777 = vector.shape_cast %get3A_776 : vector<1x16xf32> to vector<16xf32>
        %mul3A_778 = arith.mulf %get3A_773, %get3A_777 : vector<16xf32>
        %add3A_779 = arith.addf %add3A_769, %mul3A_778 : vector<16xf32>
        %swap3A_780 = arith.index_cast %scan3A_258 : i32 to index
        %swap3A_781 = arith.constant 80 : index
        %swap3A_782 = tpu.vector_load %arg17[%swap3A_780, %swap3A_781] {strides = array<i32>} : memref<16x128xf32, #tpu.memory_space<vmem>>, vector<1x16xf32>,
        %swap3A_783 = vector.shape_cast %swap3A_782 : vector<1x16xf32> to vector<16xf32>
        %swap3A_784 = vector.shape_cast %add3A_779 : vector<16xf32> to vector<1x16xf32>
        tpu.vector_store %arg17[%swap3A_780, %swap3A_781], %swap3A_784 {strides = array<i32>} : memref<16x128xf32, #tpu.memory_space<vmem>>, vector<1x16xf32>,
        %mul3A_785 = arith.constant 8 : i32
        %mul3A_786 = arith.muli %scan3A_258, %mul3A_785 : i32
        %add3A_787 = arith.constant 6 : i32
        %add3A_788 = arith.addi %mul3A_786, %add3A_787 : i32
        %get3A_789 = arith.index_cast %add3A_788 : i32 to index
        %get3A_790 = arith.constant 0 : index
        %get3A_791 = tpu.vector_load %arg11[%get3A_789, %get3A_790] {strides = array<i32>} : memref<128x128xf32, #tpu.memory_space<vmem>>, vector<1x16xf32>,
        %get3A_792 = vector.shape_cast %get3A_791 : vector<1x16xf32> to vector<16xf32>
        %get3A_793 = arith.index_cast %add3A_788 : i32 to index
        %get3A_794 = arith.constant 0 : index
        %get3A_795 = tpu.vector_load %arg12[%get3A_793, %get3A_794] {strides = array<i32>} : memref<128x128xf32, #tpu.memory_space<vmem>>, vector<1x16xf32>,
        %get3A_796 = vector.shape_cast %get3A_795 : vector<1x16xf32> to vector<16xf32>
        %mul3A_797 = arith.mulf %get3A_792, %get3A_796 : vector<16xf32>
        %get3A_798 = arith.index_cast %add3A_788 : i32 to index
        %get3A_799 = arith.constant 16 : index
        %get3A_800 = tpu.vector_load %arg11[%get3A_798, %get3A_799] {strides = array<i32>} : memref<128x128xf32, #tpu.memory_space<vmem>>, vector<1x16xf32>,
        %get3A_801 = vector.shape_cast %get3A_800 : vector<1x16xf32> to vector<16xf32>
        %get3A_802 = arith.index_cast %add3A_788 : i32 to index
        %get3A_803 = arith.constant 16 : index
        %get3A_804 = tpu.vector_load %arg12[%get3A_802, %get3A_803] {strides = array<i32>} : memref<128x128xf32, #tpu.memory_space<vmem>>, vector<1x16xf32>,
        %get3A_805 = vector.shape_cast %get3A_804 : vector<1x16xf32> to vector<16xf32>
        %mul3A_806 = arith.mulf %get3A_801, %get3A_805 : vector<16xf32>
        %add3A_807 = arith.addf %mul3A_797, %mul3A_806 : vector<16xf32>
        %get3A_808 = arith.index_cast %add3A_788 : i32 to index
        %get3A_809 = arith.constant 32 : index
        %get3A_810 = tpu.vector_load %arg11[%get3A_808, %get3A_809] {strides = array<i32>} : memref<128x128xf32, #tpu.memory_space<vmem>>, vector<1x16xf32>,
        %get3A_811 = vector.shape_cast %get3A_810 : vector<1x16xf32> to vector<16xf32>
        %get3A_812 = arith.index_cast %add3A_788 : i32 to index
        %get3A_813 = arith.constant 32 : index
        %get3A_814 = tpu.vector_load %arg12[%get3A_812, %get3A_813] {strides = array<i32>} : memref<128x128xf32, #tpu.memory_space<vmem>>, vector<1x16xf32>,
        %get3A_815 = vector.shape_cast %get3A_814 : vector<1x16xf32> to vector<16xf32>
        %mul3A_816 = arith.mulf %get3A_811, %get3A_815 : vector<16xf32>
        %add3A_817 = arith.addf %add3A_807, %mul3A_816 : vector<16xf32>
        %get3A_818 = arith.index_cast %add3A_788 : i32 to index
        %get3A_819 = arith.constant 48 : index
        %get3A_820 = tpu.vector_load %arg11[%get3A_818, %get3A_819] {strides = array<i32>} : memref<128x128xf32, #tpu.memory_space<vmem>>, vector<1x16xf32>,
        %get3A_821 = vector.shape_cast %get3A_820 : vector<1x16xf32> to vector<16xf32>
        %get3A_822 = arith.index_cast %add3A_788 : i32 to index
        %get3A_823 = arith.constant 48 : index
        %get3A_824 = tpu.vector_load %arg12[%get3A_822, %get3A_823] {strides = array<i32>} : memref<128x128xf32, #tpu.memory_space<vmem>>, vector<1x16xf32>,
        %get3A_825 = vector.shape_cast %get3A_824 : vector<1x16xf32> to vector<16xf32>
        %mul3A_826 = arith.mulf %get3A_821, %get3A_825 : vector<16xf32>
        %add3A_827 = arith.addf %add3A_817, %mul3A_826 : vector<16xf32>
        %get3A_828 = arith.index_cast %add3A_788 : i32 to index
        %get3A_829 = arith.constant 64 : index
        %get3A_830 = tpu.vector_load %arg11[%get3A_828, %get3A_829] {strides = array<i32>} : memref<128x128xf32, #tpu.memory_space<vmem>>, vector<1x16xf32>,
        %get3A_831 = vector.shape_cast %get3A_830 : vector<1x16xf32> to vector<16xf32>
        %get3A_832 = arith.index_cast %add3A_788 : i32 to index
        %get3A_833 = arith.constant 64 : index
        %get3A_834 = tpu.vector_load %arg12[%get3A_832, %get3A_833] {strides = array<i32>} : memref<128x128xf32, #tpu.memory_space<vmem>>, vector<1x16xf32>,
        %get3A_835 = vector.shape_cast %get3A_834 : vector<1x16xf32> to vector<16xf32>
        %mul3A_836 = arith.mulf %get3A_831, %get3A_835 : vector<16xf32>
        %add3A_837 = arith.addf %add3A_827, %mul3A_836 : vector<16xf32>
        %get3A_838 = arith.index_cast %add3A_788 : i32 to index
        %get3A_839 = arith.constant 80 : index
        %get3A_840 = tpu.vector_load %arg11[%get3A_838, %get3A_839] {strides = array<i32>} : memref<128x128xf32, #tpu.memory_space<vmem>>, vector<1x16xf32>,
        %get3A_841 = vector.shape_cast %get3A_840 : vector<1x16xf32> to vector<16xf32>
        %get3A_842 = arith.index_cast %add3A_788 : i32 to index
        %get3A_843 = arith.constant 80 : index
        %get3A_844 = tpu.vector_load %arg12[%get3A_842, %get3A_843] {strides = array<i32>} : memref<128x128xf32, #tpu.memory_space<vmem>>, vector<1x16xf32>,
        %get3A_845 = vector.shape_cast %get3A_844 : vector<1x16xf32> to vector<16xf32>
        %mul3A_846 = arith.mulf %get3A_841, %get3A_845 : vector<16xf32>
        %add3A_847 = arith.addf %add3A_837, %mul3A_846 : vector<16xf32>
        %get3A_848 = arith.index_cast %add3A_788 : i32 to index
        %get3A_849 = arith.constant 96 : index
        %get3A_850 = tpu.vector_load %arg11[%get3A_848, %get3A_849] {strides = array<i32>} : memref<128x128xf32, #tpu.memory_space<vmem>>, vector<1x16xf32>,
        %get3A_851 = vector.shape_cast %get3A_850 : vector<1x16xf32> to vector<16xf32>
        %get3A_852 = arith.index_cast %add3A_788 : i32 to index
        %get3A_853 = arith.constant 96 : index
        %get3A_854 = tpu.vector_load %arg12[%get3A_852, %get3A_853] {strides = array<i32>} : memref<128x128xf32, #tpu.memory_space<vmem>>, vector<1x16xf32>,
        %get3A_855 = vector.shape_cast %get3A_854 : vector<1x16xf32> to vector<16xf32>
        %mul3A_856 = arith.mulf %get3A_851, %get3A_855 : vector<16xf32>
        %add3A_857 = arith.addf %add3A_847, %mul3A_856 : vector<16xf32>
        %get3A_858 = arith.index_cast %add3A_788 : i32 to index
        %get3A_859 = arith.constant 112 : index
        %get3A_860 = tpu.vector_load %arg11[%get3A_858, %get3A_859] {strides = array<i32>} : memref<128x128xf32, #tpu.memory_space<vmem>>, vector<1x16xf32>,
        %get3A_861 = vector.shape_cast %get3A_860 : vector<1x16xf32> to vector<16xf32>
        %get3A_862 = arith.index_cast %add3A_788 : i32 to index
        %get3A_863 = arith.constant 112 : index
        %get3A_864 = tpu.vector_load %arg12[%get3A_862, %get3A_863] {strides = array<i32>} : memref<128x128xf32, #tpu.memory_space<vmem>>, vector<1x16xf32>,
        %get3A_865 = vector.shape_cast %get3A_864 : vector<1x16xf32> to vector<16xf32>
        %mul3A_866 = arith.mulf %get3A_861, %get3A_865 : vector<16xf32>
        %add3A_867 = arith.addf %add3A_857, %mul3A_866 : vector<16xf32>
        %swap3A_868 = arith.index_cast %scan3A_258 : i32 to index
        %swap3A_869 = arith.constant 96 : index
        %swap3A_870 = tpu.vector_load %arg17[%swap3A_868, %swap3A_869] {strides = array<i32>} : memref<16x128xf32, #tpu.memory_space<vmem>>, vector<1x16xf32>,
        %swap3A_871 = vector.shape_cast %swap3A_870 : vector<1x16xf32> to vector<16xf32>
        %swap3A_872 = vector.shape_cast %add3A_867 : vector<16xf32> to vector<1x16xf32>
        tpu.vector_store %arg17[%swap3A_868, %swap3A_869], %swap3A_872 {strides = array<i32>} : memref<16x128xf32, #tpu.memory_space<vmem>>, vector<1x16xf32>,
        %mul3A_873 = arith.constant 8 : i32
        %mul3A_874 = arith.muli %scan3A_258, %mul3A_873 : i32
        %add3A_875 = arith.constant 7 : i32
        %add3A_876 = arith.addi %mul3A_874, %add3A_875 : i32
        %get3A_877 = arith.index_cast %add3A_876 : i32 to index
        %get3A_878 = arith.constant 0 : index
        %get3A_879 = tpu.vector_load %arg11[%get3A_877, %get3A_878] {strides = array<i32>} : memref<128x128xf32, #tpu.memory_space<vmem>>, vector<1x16xf32>,
        %get3A_880 = vector.shape_cast %get3A_879 : vector<1x16xf32> to vector<16xf32>
        %get3A_881 = arith.index_cast %add3A_876 : i32 to index
        %get3A_882 = arith.constant 0 : index
        %get3A_883 = tpu.vector_load %arg12[%get3A_881, %get3A_882] {strides = array<i32>} : memref<128x128xf32, #tpu.memory_space<vmem>>, vector<1x16xf32>,
        %get3A_884 = vector.shape_cast %get3A_883 : vector<1x16xf32> to vector<16xf32>
        %mul3A_885 = arith.mulf %get3A_880, %get3A_884 : vector<16xf32>
        %get3A_886 = arith.index_cast %add3A_876 : i32 to index
        %get3A_887 = arith.constant 16 : index
        %get3A_888 = tpu.vector_load %arg11[%get3A_886, %get3A_887] {strides = array<i32>} : memref<128x128xf32, #tpu.memory_space<vmem>>, vector<1x16xf32>,
        %get3A_889 = vector.shape_cast %get3A_888 : vector<1x16xf32> to vector<16xf32>
        %get3A_890 = arith.index_cast %add3A_876 : i32 to index
        %get3A_891 = arith.constant 16 : index
        %get3A_892 = tpu.vector_load %arg12[%get3A_890, %get3A_891] {strides = array<i32>} : memref<128x128xf32, #tpu.memory_space<vmem>>, vector<1x16xf32>,
        %get3A_893 = vector.shape_cast %get3A_892 : vector<1x16xf32> to vector<16xf32>
        %mul3A_894 = arith.mulf %get3A_889, %get3A_893 : vector<16xf32>
        %add3A_895 = arith.addf %mul3A_885, %mul3A_894 : vector<16xf32>
        %get3A_896 = arith.index_cast %add3A_876 : i32 to index
        %get3A_897 = arith.constant 32 : index
        %get3A_898 = tpu.vector_load %arg11[%get3A_896, %get3A_897] {strides = array<i32>} : memref<128x128xf32, #tpu.memory_space<vmem>>, vector<1x16xf32>,
        %get3A_899 = vector.shape_cast %get3A_898 : vector<1x16xf32> to vector<16xf32>
        %get3A_900 = arith.index_cast %add3A_876 : i32 to index
        %get3A_901 = arith.constant 32 : index
        %get3A_902 = tpu.vector_load %arg12[%get3A_900, %get3A_901] {strides = array<i32>} : memref<128x128xf32, #tpu.memory_space<vmem>>, vector<1x16xf32>,
        %get3A_903 = vector.shape_cast %get3A_902 : vector<1x16xf32> to vector<16xf32>
        %mul3A_904 = arith.mulf %get3A_899, %get3A_903 : vector<16xf32>
        %add3A_905 = arith.addf %add3A_895, %mul3A_904 : vector<16xf32>
        %get3A_906 = arith.index_cast %add3A_876 : i32 to index
        %get3A_907 = arith.constant 48 : index
        %get3A_908 = tpu.vector_load %arg11[%get3A_906, %get3A_907] {strides = array<i32>} : memref<128x128xf32, #tpu.memory_space<vmem>>, vector<1x16xf32>,
        %get3A_909 = vector.shape_cast %get3A_908 : vector<1x16xf32> to vector<16xf32>
        %get3A_910 = arith.index_cast %add3A_876 : i32 to index
        %get3A_911 = arith.constant 48 : index
        %get3A_912 = tpu.vector_load %arg12[%get3A_910, %get3A_911] {strides = array<i32>} : memref<128x128xf32, #tpu.memory_space<vmem>>, vector<1x16xf32>,
        %get3A_913 = vector.shape_cast %get3A_912 : vector<1x16xf32> to vector<16xf32>
        %mul3A_914 = arith.mulf %get3A_909, %get3A_913 : vector<16xf32>
        %add3A_915 = arith.addf %add3A_905, %mul3A_914 : vector<16xf32>
        %get3A_916 = arith.index_cast %add3A_876 : i32 to index
        %get3A_917 = arith.constant 64 : index
        %get3A_918 = tpu.vector_load %arg11[%get3A_916, %get3A_917] {strides = array<i32>} : memref<128x128xf32, #tpu.memory_space<vmem>>, vector<1x16xf32>,
        %get3A_919 = vector.shape_cast %get3A_918 : vector<1x16xf32> to vector<16xf32>
        %get3A_920 = arith.index_cast %add3A_876 : i32 to index
        %get3A_921 = arith.constant 64 : index
        %get3A_922 = tpu.vector_load %arg12[%get3A_920, %get3A_921] {strides = array<i32>} : memref<128x128xf32, #tpu.memory_space<vmem>>, vector<1x16xf32>,
        %get3A_923 = vector.shape_cast %get3A_922 : vector<1x16xf32> to vector<16xf32>
        %mul3A_924 = arith.mulf %get3A_919, %get3A_923 : vector<16xf32>
        %add3A_925 = arith.addf %add3A_915, %mul3A_924 : vector<16xf32>
        %get3A_926 = arith.index_cast %add3A_876 : i32 to index
        %get3A_927 = arith.constant 80 : index
        %get3A_928 = tpu.vector_load %arg11[%get3A_926, %get3A_927] {strides = array<i32>} : memref<128x128xf32, #tpu.memory_space<vmem>>, vector<1x16xf32>,
        %get3A_929 = vector.shape_cast %get3A_928 : vector<1x16xf32> to vector<16xf32>
        %get3A_930 = arith.index_cast %add3A_876 : i32 to index
        %get3A_931 = arith.constant 80 : index
        %get3A_932 = tpu.vector_load %arg12[%get3A_930, %get3A_931] {strides = array<i32>} : memref<128x128xf32, #tpu.memory_space<vmem>>, vector<1x16xf32>,
        %get3A_933 = vector.shape_cast %get3A_932 : vector<1x16xf32> to vector<16xf32>
        %mul3A_934 = arith.mulf %get3A_929, %get3A_933 : vector<16xf32>
        %add3A_935 = arith.addf %add3A_925, %mul3A_934 : vector<16xf32>
        %get3A_936 = arith.index_cast %add3A_876 : i32 to index
        %get3A_937 = arith.constant 96 : index
        %get3A_938 = tpu.vector_load %arg11[%get3A_936, %get3A_937] {strides = array<i32>} : memref<128x128xf32, #tpu.memory_space<vmem>>, vector<1x16xf32>,
        %get3A_939 = vector.shape_cast %get3A_938 : vector<1x16xf32> to vector<16xf32>
        %get3A_940 = arith.index_cast %add3A_876 : i32 to index
        %get3A_941 = arith.constant 96 : index
        %get3A_942 = tpu.vector_load %arg12[%get3A_940, %get3A_941] {strides = array<i32>} : memref<128x128xf32, #tpu.memory_space<vmem>>, vector<1x16xf32>,
        %get3A_943 = vector.shape_cast %get3A_942 : vector<1x16xf32> to vector<16xf32>
        %mul3A_944 = arith.mulf %get3A_939, %get3A_943 : vector<16xf32>
        %add3A_945 = arith.addf %add3A_935, %mul3A_944 : vector<16xf32>
        %get3A_946 = arith.index_cast %add3A_876 : i32 to index
        %get3A_947 = arith.constant 112 : index
        %get3A_948 = tpu.vector_load %arg11[%get3A_946, %get3A_947] {strides = array<i32>} : memref<128x128xf32, #tpu.memory_space<vmem>>, vector<1x16xf32>,
        %get3A_949 = vector.shape_cast %get3A_948 : vector<1x16xf32> to vector<16xf32>
        %get3A_950 = arith.index_cast %add3A_876 : i32 to index
        %get3A_951 = arith.constant 112 : index
        %get3A_952 = tpu.vector_load %arg12[%get3A_950, %get3A_951] {strides = array<i32>} : memref<128x128xf32, #tpu.memory_space<vmem>>, vector<1x16xf32>,
        %get3A_953 = vector.shape_cast %get3A_952 : vector<1x16xf32> to vector<16xf32>
        %mul3A_954 = arith.mulf %get3A_949, %get3A_953 : vector<16xf32>
        %add3A_955 = arith.addf %add3A_945, %mul3A_954 : vector<16xf32>
        %swap3A_956 = arith.index_cast %scan3A_258 : i32 to index
        %swap3A_957 = arith.constant 112 : index
        %swap3A_958 = tpu.vector_load %arg17[%swap3A_956, %swap3A_957] {strides = array<i32>} : memref<16x128xf32, #tpu.memory_space<vmem>>, vector<1x16xf32>,
        %swap3A_959 = vector.shape_cast %swap3A_958 : vector<1x16xf32> to vector<16xf32>
        %swap3A_960 = vector.shape_cast %add3A_955 : vector<16xf32> to vector<1x16xf32>
        tpu.vector_store %arg17[%swap3A_956, %swap3A_957], %swap3A_960 {strides = array<i32>} : memref<16x128xf32, #tpu.memory_space<vmem>>, vector<1x16xf32>,
      }
      %scan3A_128 = arith.constant 16 : i32
      %lt3A_129 = arith.constant 4 : i32
      %lt3A_130 = arith.cmpi slt, %add3A_102, %lt3A_129 : i32
      %mul3A_131 = arith.constant 64 : i32
      %mul3A_132 = arith.muli %add3A, %mul3A_131 : i32
      %mul3A_133 = arith.constant 16 : i32
      %mul3A_134 = arith.muli %add3A_102, %mul3A_133 : i32
      %add3A_135 = arith.addi %mul3A_132, %mul3A_134 : i32
      %mul3A_136 = arith.constant 320 : i32
      %mul3A_137 = arith.muli %add3A, %mul3A_136 : i32
      %add3A_138 = arith.constant 2048 : i32
      %add3A_139 = arith.addi %add3A_138, %mul3A_137 : i32
      %sub3A = arith.constant 4 : i32
      %sub3A_140 = arith.subi %add3A_102, %sub3A : i32
      %mul3A_141 = arith.constant 16 : i32
      %mul3A_142 = arith.muli %sub3A_140, %mul3A_141 : i32
      %add3A_143 = arith.addi %add3A_139, %mul3A_142 : i32
      %select_n3A = arith.select %lt3A_130, %add3A_135, %add3A_143 : i32
      %dma_start3A_144 = arith.constant 0 : i32
      %dma_start3A_145 = tpu.memref_slice %arg8[%select_n3A, %dma_start3A_144] : memref<12288x128xf32, #tpu.memory_space<hbm>> -> memref<16x128xf32, #tpu.memory_space<hbm>>
      %dma_start3A_146 = arith.constant 0 : i32
      %dma_start3A_147 = tpu.memref_slice %arg8[%select_n3A, %dma_start3A_146] : memref<12288x128xf32, #tpu.memory_space<hbm>> -> memref<16x128xf32, #tpu.memory_space<hbm>>
      tpu.enqueue_dma source(%arg17 : memref<16x128xf32, #tpu.memory_space<vmem>>) target(%dma_start3A_147 : memref<16x128xf32, #tpu.memory_space<hbm>>) target_semaphore(%arg23 : memref<!tpu.dma_semaphore, #tpu.memory_space<semaphore_mem>>)
      %mul3A_148 = arith.constant 3 : i32
      %mul3A_149 = arith.muli %mul3A_148, %scan3A_98 : i32
      %add3A_150 = arith.constant 1 : i32
      %add3A_151 = arith.addi %mul3A_149, %add3A_150 : i32
      %add3A_152 = arith.constant 2 : i32
      %add3A_153 = arith.addi %add3A_151, %add3A_152 : i32
      %lt3A_154 = arith.constant 24 : i32
      %lt3A_155 = arith.cmpi slt, %add3A_153, %lt3A_154 : i32
      %convert_element_type3A_156 = arith.extui %lt3A_155 : i1 to i32
      %cond3A_157 = arith.constant 0 : i32
      %cond3A_158 = arith.cmpi ne, %convert_element_type3A_156, %cond3A_157 : i32
      scf.if %cond3A_158 {
        %mul3A_258 = arith.constant 128 : i32
        %mul3A_259 = arith.muli %add3A_153, %mul3A_258 : i32
        %mul3A_260 = arith.constant 128 : i32
        %mul3A_261 = arith.muli %add3A_153, %mul3A_260 : i32
        %lt3A_262 = arith.constant 4 : i32
        %lt3A_263 = arith.cmpi slt, %add3A_153, %lt3A_262 : i32
        %convert_element_type3A_264 = arith.extui %lt3A_263 : i1 to i32
        %cond3A_265 = arith.constant 0 : i32
        %cond3A_266 = arith.cmpi ne, %convert_element_type3A_264, %cond3A_265 : i32
        scf.if %cond3A_266 {
          %dma_start3A_276 = tpu.memref_slice %arg9[%mul3A_259] : memref<3072xi32, #tpu.memory_space<vmem>> -> memref<128xi32, #tpu.memory_space<vmem>>
          %dma_start3A_277 = arith.constant 0 : i32
          %dma_start3A_278 = arith.constant 0 : i32
          %dma_start3A_279 = tpu.memref_slice %arg6[%dma_start3A_277, %dma_start3A_278] : memref<199999x128xf32, #tpu.memory_space<hbm>> -> memref<199999x128xf32, #tpu.memory_space<hbm>>
          tpu.enqueue_indirect_dma source(%dma_start3A_279 : memref<199999x128xf32, #tpu.memory_space<hbm>>) target(%arg11 : memref<128x128xf32, #tpu.memory_space<vmem>>) offsets(%dma_start3A_276 : memref<128xi32, #tpu.memory_space<vmem>>) semaphore(%arg20 : memref<!tpu.dma_semaphore, #tpu.memory_space<semaphore_mem>>)
        } else {
        }
        %ge3A_267 = arith.constant 4 : i32
        %ge3A_268 = arith.cmpi sge, %add3A_153, %ge3A_267 : i32
        %convert_element_type3A_269 = arith.extui %ge3A_268 : i1 to i32
        %cond3A_270 = arith.constant 0 : i32
        %cond3A_271 = arith.cmpi ne, %convert_element_type3A_269, %cond3A_270 : i32
        scf.if %cond3A_271 {
          %dma_start3A_276 = tpu.memref_slice %arg9[%mul3A_259] : memref<3072xi32, #tpu.memory_space<vmem>> -> memref<128xi32, #tpu.memory_space<vmem>>
          %dma_start3A_277 = arith.constant 0 : i32
          %dma_start3A_278 = arith.constant 0 : i32
          %dma_start3A_279 = tpu.memref_slice %arg7[%dma_start3A_277, %dma_start3A_278] : memref<199999x128xf32, #tpu.memory_space<hbm>> -> memref<199999x128xf32, #tpu.memory_space<hbm>>
          tpu.enqueue_indirect_dma source(%dma_start3A_279 : memref<199999x128xf32, #tpu.memory_space<hbm>>) target(%arg11 : memref<128x128xf32, #tpu.memory_space<vmem>>) offsets(%dma_start3A_276 : memref<128xi32, #tpu.memory_space<vmem>>) semaphore(%arg20 : memref<!tpu.dma_semaphore, #tpu.memory_space<semaphore_mem>>)
        } else {
        }
        %dma_start3A_272 = tpu.memref_slice %arg10[%mul3A_261] : memref<3072xi32, #tpu.memory_space<vmem>> -> memref<128xi32, #tpu.memory_space<vmem>>
        %dma_start3A_273 = arith.constant 0 : i32
        %dma_start3A_274 = arith.constant 0 : i32
        %dma_start3A_275 = tpu.memref_slice %arg7[%dma_start3A_273, %dma_start3A_274] : memref<199999x128xf32, #tpu.memory_space<hbm>> -> memref<199999x128xf32, #tpu.memory_space<hbm>>
        tpu.enqueue_indirect_dma source(%dma_start3A_275 : memref<199999x128xf32, #tpu.memory_space<hbm>>) target(%arg12 : memref<128x128xf32, #tpu.memory_space<vmem>>) offsets(%dma_start3A_272 : memref<128xi32, #tpu.memory_space<vmem>>) semaphore(%arg20 : memref<!tpu.dma_semaphore, #tpu.memory_space<semaphore_mem>>)
      } else {
      }
      %mul3A_159 = arith.constant 128 : i32
      %mul3A_160 = arith.muli %add3A_151, %mul3A_159 : i32
      %mul3A_161 = arith.constant 128 : i32
      %mul3A_162 = arith.muli %add3A_151, %mul3A_161 : i32
      %dma_wait3A_163 = tpu.memref_slice %arg9[%mul3A_160] : memref<3072xi32, #tpu.memory_space<vmem>> -> memref<128xi32, #tpu.memory_space<vmem>>
      %dma_wait3A_164 = arith.constant 0 : i32
      %dma_wait3A_165 = arith.constant 0 : i32
      %dma_wait3A_166 = tpu.memref_slice %arg7[%dma_wait3A_164, %dma_wait3A_165] : memref<199999x128xf32, #tpu.memory_space<hbm>> -> memref<199999x128xf32, #tpu.memory_space<hbm>>
      tpu.wait_indirect_dma semaphore(%arg21 : memref<!tpu.dma_semaphore, #tpu.memory_space<semaphore_mem>>) src(%dma_wait3A_166 : memref<199999x128xf32, #tpu.memory_space<hbm>>) dst(%arg13 : memref<128x128xf32, #tpu.memory_space<vmem>>)
      %dma_wait3A_167 = tpu.memref_slice %arg10[%mul3A_162] : memref<3072xi32, #tpu.memory_space<vmem>> -> memref<128xi32, #tpu.memory_space<vmem>>
      %dma_wait3A_168 = arith.constant 0 : i32
      %dma_wait3A_169 = arith.constant 0 : i32
      %dma_wait3A_170 = tpu.memref_slice %arg7[%dma_wait3A_168, %dma_wait3A_169] : memref<199999x128xf32, #tpu.memory_space<hbm>> -> memref<199999x128xf32, #tpu.memory_space<hbm>>
      tpu.wait_indirect_dma semaphore(%arg21 : memref<!tpu.dma_semaphore, #tpu.memory_space<semaphore_mem>>) src(%dma_wait3A_170 : memref<199999x128xf32, #tpu.memory_space<hbm>>) dst(%arg14 : memref<128x128xf32, #tpu.memory_space<vmem>>)
      %ge3A_171 = arith.constant 3 : i32
      %ge3A_172 = arith.cmpi sge, %add3A_151, %ge3A_171 : i32
      %convert_element_type3A_173 = arith.extui %ge3A_172 : i1 to i32
      %cond3A_174 = arith.constant 0 : i32
      %cond3A_175 = arith.cmpi ne, %convert_element_type3A_173, %cond3A_174 : i32
      scf.if %cond3A_175 {
        %dma_wait3A_258 = arith.constant 0 : i32
        %dma_wait3A_259 = arith.constant 0 : i32
        %dma_wait3A_260 = tpu.memref_slice %arg8[%dma_wait3A_258, %dma_wait3A_259] : memref<12288x128xf32, #tpu.memory_space<hbm>> -> memref<16x128xf32, #tpu.memory_space<hbm>>
        %dma_wait3A_261 = arith.constant 0 : i32
        %dma_wait3A_262 = arith.constant 0 : i32
        %dma_wait3A_263 = tpu.memref_slice %arg8[%dma_wait3A_261, %dma_wait3A_262] : memref<12288x128xf32, #tpu.memory_space<hbm>> -> memref<16x128xf32, #tpu.memory_space<hbm>>
        tpu.wait_dma2 semaphore(%arg24 : memref<!tpu.dma_semaphore, #tpu.memory_space<semaphore_mem>>) src(%arg18 : memref<16x128xf32, #tpu.memory_space<vmem>>) dst(%dma_wait3A_263 : memref<16x128xf32, #tpu.memory_space<hbm>>)
      } else {
      }
      %scan3A_176 = arith.constant 0 : i32
      %scan3A_177 = arith.constant 0 : i32
      %scan3A_178 = arith.constant 16 : i32
      %scan3A_179 = arith.addi %scan3A_177, %scan3A_178 : i32
      %scan3A_180 = arith.constant 1 : i32
      scf.for %scan3A_258 = %scan3A_177 to %scan3A_179 step %scan3A_180  : i32 {
        %mul3A_259 = arith.constant 8 : i32
        %mul3A_260 = arith.muli %scan3A_258, %mul3A_259 : i32
        %add3A_261 = arith.constant 0 : i32
        %add3A_262 = arith.addi %mul3A_260, %add3A_261 : i32
        %get3A = arith.index_cast %add3A_262 : i32 to index
        %get3A_263 = arith.constant 0 : index
        %get3A_264 = tpu.vector_load %arg13[%get3A, %get3A_263] {strides = array<i32>} : memref<128x128xf32, #tpu.memory_space<vmem>>, vector<1x16xf32>,
        %get3A_265 = vector.shape_cast %get3A_264 : vector<1x16xf32> to vector<16xf32>
        %get3A_266 = arith.index_cast %add3A_262 : i32 to index
        %get3A_267 = arith.constant 0 : index
        %get3A_268 = tpu.vector_load %arg14[%get3A_266, %get3A_267] {strides = array<i32>} : memref<128x128xf32, #tpu.memory_space<vmem>>, vector<1x16xf32>,
        %get3A_269 = vector.shape_cast %get3A_268 : vector<1x16xf32> to vector<16xf32>
        %mul3A_270 = arith.mulf %get3A_265, %get3A_269 : vector<16xf32>
        %get3A_271 = arith.index_cast %add3A_262 : i32 to index
        %get3A_272 = arith.constant 16 : index
        %get3A_273 = tpu.vector_load %arg13[%get3A_271, %get3A_272] {strides = array<i32>} : memref<128x128xf32, #tpu.memory_space<vmem>>, vector<1x16xf32>,
        %get3A_274 = vector.shape_cast %get3A_273 : vector<1x16xf32> to vector<16xf32>
        %get3A_275 = arith.index_cast %add3A_262 : i32 to index
        %get3A_276 = arith.constant 16 : index
        %get3A_277 = tpu.vector_load %arg14[%get3A_275, %get3A_276] {strides = array<i32>} : memref<128x128xf32, #tpu.memory_space<vmem>>, vector<1x16xf32>,
        %get3A_278 = vector.shape_cast %get3A_277 : vector<1x16xf32> to vector<16xf32>
        %mul3A_279 = arith.mulf %get3A_274, %get3A_278 : vector<16xf32>
        %add3A_280 = arith.addf %mul3A_270, %mul3A_279 : vector<16xf32>
        %get3A_281 = arith.index_cast %add3A_262 : i32 to index
        %get3A_282 = arith.constant 32 : index
        %get3A_283 = tpu.vector_load %arg13[%get3A_281, %get3A_282] {strides = array<i32>} : memref<128x128xf32, #tpu.memory_space<vmem>>, vector<1x16xf32>,
        %get3A_284 = vector.shape_cast %get3A_283 : vector<1x16xf32> to vector<16xf32>
        %get3A_285 = arith.index_cast %add3A_262 : i32 to index
        %get3A_286 = arith.constant 32 : index
        %get3A_287 = tpu.vector_load %arg14[%get3A_285, %get3A_286] {strides = array<i32>} : memref<128x128xf32, #tpu.memory_space<vmem>>, vector<1x16xf32>,
        %get3A_288 = vector.shape_cast %get3A_287 : vector<1x16xf32> to vector<16xf32>
        %mul3A_289 = arith.mulf %get3A_284, %get3A_288 : vector<16xf32>
        %add3A_290 = arith.addf %add3A_280, %mul3A_289 : vector<16xf32>
        %get3A_291 = arith.index_cast %add3A_262 : i32 to index
        %get3A_292 = arith.constant 48 : index
        %get3A_293 = tpu.vector_load %arg13[%get3A_291, %get3A_292] {strides = array<i32>} : memref<128x128xf32, #tpu.memory_space<vmem>>, vector<1x16xf32>,
        %get3A_294 = vector.shape_cast %get3A_293 : vector<1x16xf32> to vector<16xf32>
        %get3A_295 = arith.index_cast %add3A_262 : i32 to index
        %get3A_296 = arith.constant 48 : index
        %get3A_297 = tpu.vector_load %arg14[%get3A_295, %get3A_296] {strides = array<i32>} : memref<128x128xf32, #tpu.memory_space<vmem>>, vector<1x16xf32>,
        %get3A_298 = vector.shape_cast %get3A_297 : vector<1x16xf32> to vector<16xf32>
        %mul3A_299 = arith.mulf %get3A_294, %get3A_298 : vector<16xf32>
        %add3A_300 = arith.addf %add3A_290, %mul3A_299 : vector<16xf32>
        %get3A_301 = arith.index_cast %add3A_262 : i32 to index
        %get3A_302 = arith.constant 64 : index
        %get3A_303 = tpu.vector_load %arg13[%get3A_301, %get3A_302] {strides = array<i32>} : memref<128x128xf32, #tpu.memory_space<vmem>>, vector<1x16xf32>,
        %get3A_304 = vector.shape_cast %get3A_303 : vector<1x16xf32> to vector<16xf32>
        %get3A_305 = arith.index_cast %add3A_262 : i32 to index
        %get3A_306 = arith.constant 64 : index
        %get3A_307 = tpu.vector_load %arg14[%get3A_305, %get3A_306] {strides = array<i32>} : memref<128x128xf32, #tpu.memory_space<vmem>>, vector<1x16xf32>,
        %get3A_308 = vector.shape_cast %get3A_307 : vector<1x16xf32> to vector<16xf32>
        %mul3A_309 = arith.mulf %get3A_304, %get3A_308 : vector<16xf32>
        %add3A_310 = arith.addf %add3A_300, %mul3A_309 : vector<16xf32>
        %get3A_311 = arith.index_cast %add3A_262 : i32 to index
        %get3A_312 = arith.constant 80 : index
        %get3A_313 = tpu.vector_load %arg13[%get3A_311, %get3A_312] {strides = array<i32>} : memref<128x128xf32, #tpu.memory_space<vmem>>, vector<1x16xf32>,
        %get3A_314 = vector.shape_cast %get3A_313 : vector<1x16xf32> to vector<16xf32>
        %get3A_315 = arith.index_cast %add3A_262 : i32 to index
        %get3A_316 = arith.constant 80 : index
        %get3A_317 = tpu.vector_load %arg14[%get3A_315, %get3A_316] {strides = array<i32>} : memref<128x128xf32, #tpu.memory_space<vmem>>, vector<1x16xf32>,
        %get3A_318 = vector.shape_cast %get3A_317 : vector<1x16xf32> to vector<16xf32>
        %mul3A_319 = arith.mulf %get3A_314, %get3A_318 : vector<16xf32>
        %add3A_320 = arith.addf %add3A_310, %mul3A_319 : vector<16xf32>
        %get3A_321 = arith.index_cast %add3A_262 : i32 to index
        %get3A_322 = arith.constant 96 : index
        %get3A_323 = tpu.vector_load %arg13[%get3A_321, %get3A_322] {strides = array<i32>} : memref<128x128xf32, #tpu.memory_space<vmem>>, vector<1x16xf32>,
        %get3A_324 = vector.shape_cast %get3A_323 : vector<1x16xf32> to vector<16xf32>
        %get3A_325 = arith.index_cast %add3A_262 : i32 to index
        %get3A_326 = arith.constant 96 : index
        %get3A_327 = tpu.vector_load %arg14[%get3A_325, %get3A_326] {strides = array<i32>} : memref<128x128xf32, #tpu.memory_space<vmem>>, vector<1x16xf32>,
        %get3A_328 = vector.shape_cast %get3A_327 : vector<1x16xf32> to vector<16xf32>
        %mul3A_329 = arith.mulf %get3A_324, %get3A_328 : vector<16xf32>
        %add3A_330 = arith.addf %add3A_320, %mul3A_329 : vector<16xf32>
        %get3A_331 = arith.index_cast %add3A_262 : i32 to index
        %get3A_332 = arith.constant 112 : index
        %get3A_333 = tpu.vector_load %arg13[%get3A_331, %get3A_332] {strides = array<i32>} : memref<128x128xf32, #tpu.memory_space<vmem>>, vector<1x16xf32>,
        %get3A_334 = vector.shape_cast %get3A_333 : vector<1x16xf32> to vector<16xf32>
        %get3A_335 = arith.index_cast %add3A_262 : i32 to index
        %get3A_336 = arith.constant 112 : index
        %get3A_337 = tpu.vector_load %arg14[%get3A_335, %get3A_336] {strides = array<i32>} : memref<128x128xf32, #tpu.memory_space<vmem>>, vector<1x16xf32>,
        %get3A_338 = vector.shape_cast %get3A_337 : vector<1x16xf32> to vector<16xf32>
        %mul3A_339 = arith.mulf %get3A_334, %get3A_338 : vector<16xf32>
        %add3A_340 = arith.addf %add3A_330, %mul3A_339 : vector<16xf32>
        %swap3A = arith.index_cast %scan3A_258 : i32 to index
        %swap3A_341 = arith.constant 0 : index
        %swap3A_342 = tpu.vector_load %arg18[%swap3A, %swap3A_341] {strides = array<i32>} : memref<16x128xf32, #tpu.memory_space<vmem>>, vector<1x16xf32>,
        %swap3A_343 = vector.shape_cast %swap3A_342 : vector<1x16xf32> to vector<16xf32>
        %swap3A_344 = vector.shape_cast %add3A_340 : vector<16xf32> to vector<1x16xf32>
        tpu.vector_store %arg18[%swap3A, %swap3A_341], %swap3A_344 {strides = array<i32>} : memref<16x128xf32, #tpu.memory_space<vmem>>, vector<1x16xf32>,
        %mul3A_345 = arith.constant 8 : i32
        %mul3A_346 = arith.muli %scan3A_258, %mul3A_345 : i32
        %add3A_347 = arith.constant 1 : i32
        %add3A_348 = arith.addi %mul3A_346, %add3A_347 : i32
        %get3A_349 = arith.index_cast %add3A_348 : i32 to index
        %get3A_350 = arith.constant 0 : index
        %get3A_351 = tpu.vector_load %arg13[%get3A_349, %get3A_350] {strides = array<i32>} : memref<128x128xf32, #tpu.memory_space<vmem>>, vector<1x16xf32>,
        %get3A_352 = vector.shape_cast %get3A_351 : vector<1x16xf32> to vector<16xf32>
        %get3A_353 = arith.index_cast %add3A_348 : i32 to index
        %get3A_354 = arith.constant 0 : index
        %get3A_355 = tpu.vector_load %arg14[%get3A_353, %get3A_354] {strides = array<i32>} : memref<128x128xf32, #tpu.memory_space<vmem>>, vector<1x16xf32>,
        %get3A_356 = vector.shape_cast %get3A_355 : vector<1x16xf32> to vector<16xf32>
        %mul3A_357 = arith.mulf %get3A_352, %get3A_356 : vector<16xf32>
        %get3A_358 = arith.index_cast %add3A_348 : i32 to index
        %get3A_359 = arith.constant 16 : index
        %get3A_360 = tpu.vector_load %arg13[%get3A_358, %get3A_359] {strides = array<i32>} : memref<128x128xf32, #tpu.memory_space<vmem>>, vector<1x16xf32>,
        %get3A_361 = vector.shape_cast %get3A_360 : vector<1x16xf32> to vector<16xf32>
        %get3A_362 = arith.index_cast %add3A_348 : i32 to index
        %get3A_363 = arith.constant 16 : index
        %get3A_364 = tpu.vector_load %arg14[%get3A_362, %get3A_363] {strides = array<i32>} : memref<128x128xf32, #tpu.memory_space<vmem>>, vector<1x16xf32>,
        %get3A_365 = vector.shape_cast %get3A_364 : vector<1x16xf32> to vector<16xf32>
        %mul3A_366 = arith.mulf %get3A_361, %get3A_365 : vector<16xf32>
        %add3A_367 = arith.addf %mul3A_357, %mul3A_366 : vector<16xf32>
        %get3A_368 = arith.index_cast %add3A_348 : i32 to index
        %get3A_369 = arith.constant 32 : index
        %get3A_370 = tpu.vector_load %arg13[%get3A_368, %get3A_369] {strides = array<i32>} : memref<128x128xf32, #tpu.memory_space<vmem>>, vector<1x16xf32>,
        %get3A_371 = vector.shape_cast %get3A_370 : vector<1x16xf32> to vector<16xf32>
        %get3A_372 = arith.index_cast %add3A_348 : i32 to index
        %get3A_373 = arith.constant 32 : index
        %get3A_374 = tpu.vector_load %arg14[%get3A_372, %get3A_373] {strides = array<i32>} : memref<128x128xf32, #tpu.memory_space<vmem>>, vector<1x16xf32>,
        %get3A_375 = vector.shape_cast %get3A_374 : vector<1x16xf32> to vector<16xf32>
        %mul3A_376 = arith.mulf %get3A_371, %get3A_375 : vector<16xf32>
        %add3A_377 = arith.addf %add3A_367, %mul3A_376 : vector<16xf32>
        %get3A_378 = arith.index_cast %add3A_348 : i32 to index
        %get3A_379 = arith.constant 48 : index
        %get3A_380 = tpu.vector_load %arg13[%get3A_378, %get3A_379] {strides = array<i32>} : memref<128x128xf32, #tpu.memory_space<vmem>>, vector<1x16xf32>,
        %get3A_381 = vector.shape_cast %get3A_380 : vector<1x16xf32> to vector<16xf32>
        %get3A_382 = arith.index_cast %add3A_348 : i32 to index
        %get3A_383 = arith.constant 48 : index
        %get3A_384 = tpu.vector_load %arg14[%get3A_382, %get3A_383] {strides = array<i32>} : memref<128x128xf32, #tpu.memory_space<vmem>>, vector<1x16xf32>,
        %get3A_385 = vector.shape_cast %get3A_384 : vector<1x16xf32> to vector<16xf32>
        %mul3A_386 = arith.mulf %get3A_381, %get3A_385 : vector<16xf32>
        %add3A_387 = arith.addf %add3A_377, %mul3A_386 : vector<16xf32>
        %get3A_388 = arith.index_cast %add3A_348 : i32 to index
        %get3A_389 = arith.constant 64 : index
        %get3A_390 = tpu.vector_load %arg13[%get3A_388, %get3A_389] {strides = array<i32>} : memref<128x128xf32, #tpu.memory_space<vmem>>, vector<1x16xf32>,
        %get3A_391 = vector.shape_cast %get3A_390 : vector<1x16xf32> to vector<16xf32>
        %get3A_392 = arith.index_cast %add3A_348 : i32 to index
        %get3A_393 = arith.constant 64 : index
        %get3A_394 = tpu.vector_load %arg14[%get3A_392, %get3A_393] {strides = array<i32>} : memref<128x128xf32, #tpu.memory_space<vmem>>, vector<1x16xf32>,
        %get3A_395 = vector.shape_cast %get3A_394 : vector<1x16xf32> to vector<16xf32>
        %mul3A_396 = arith.mulf %get3A_391, %get3A_395 : vector<16xf32>
        %add3A_397 = arith.addf %add3A_387, %mul3A_396 : vector<16xf32>
        %get3A_398 = arith.index_cast %add3A_348 : i32 to index
        %get3A_399 = arith.constant 80 : index
        %get3A_400 = tpu.vector_load %arg13[%get3A_398, %get3A_399] {strides = array<i32>} : memref<128x128xf32, #tpu.memory_space<vmem>>, vector<1x16xf32>,
        %get3A_401 = vector.shape_cast %get3A_400 : vector<1x16xf32> to vector<16xf32>
        %get3A_402 = arith.index_cast %add3A_348 : i32 to index
        %get3A_403 = arith.constant 80 : index
        %get3A_404 = tpu.vector_load %arg14[%get3A_402, %get3A_403] {strides = array<i32>} : memref<128x128xf32, #tpu.memory_space<vmem>>, vector<1x16xf32>,
        %get3A_405 = vector.shape_cast %get3A_404 : vector<1x16xf32> to vector<16xf32>
        %mul3A_406 = arith.mulf %get3A_401, %get3A_405 : vector<16xf32>
        %add3A_407 = arith.addf %add3A_397, %mul3A_406 : vector<16xf32>
        %get3A_408 = arith.index_cast %add3A_348 : i32 to index
        %get3A_409 = arith.constant 96 : index
        %get3A_410 = tpu.vector_load %arg13[%get3A_408, %get3A_409] {strides = array<i32>} : memref<128x128xf32, #tpu.memory_space<vmem>>, vector<1x16xf32>,
        %get3A_411 = vector.shape_cast %get3A_410 : vector<1x16xf32> to vector<16xf32>
        %get3A_412 = arith.index_cast %add3A_348 : i32 to index
        %get3A_413 = arith.constant 96 : index
        %get3A_414 = tpu.vector_load %arg14[%get3A_412, %get3A_413] {strides = array<i32>} : memref<128x128xf32, #tpu.memory_space<vmem>>, vector<1x16xf32>,
        %get3A_415 = vector.shape_cast %get3A_414 : vector<1x16xf32> to vector<16xf32>
        %mul3A_416 = arith.mulf %get3A_411, %get3A_415 : vector<16xf32>
        %add3A_417 = arith.addf %add3A_407, %mul3A_416 : vector<16xf32>
        %get3A_418 = arith.index_cast %add3A_348 : i32 to index
        %get3A_419 = arith.constant 112 : index
        %get3A_420 = tpu.vector_load %arg13[%get3A_418, %get3A_419] {strides = array<i32>} : memref<128x128xf32, #tpu.memory_space<vmem>>, vector<1x16xf32>,
        %get3A_421 = vector.shape_cast %get3A_420 : vector<1x16xf32> to vector<16xf32>
        %get3A_422 = arith.index_cast %add3A_348 : i32 to index
        %get3A_423 = arith.constant 112 : index
        %get3A_424 = tpu.vector_load %arg14[%get3A_422, %get3A_423] {strides = array<i32>} : memref<128x128xf32, #tpu.memory_space<vmem>>, vector<1x16xf32>,
        %get3A_425 = vector.shape_cast %get3A_424 : vector<1x16xf32> to vector<16xf32>
        %mul3A_426 = arith.mulf %get3A_421, %get3A_425 : vector<16xf32>
        %add3A_427 = arith.addf %add3A_417, %mul3A_426 : vector<16xf32>
        %swap3A_428 = arith.index_cast %scan3A_258 : i32 to index
        %swap3A_429 = arith.constant 16 : index
        %swap3A_430 = tpu.vector_load %arg18[%swap3A_428, %swap3A_429] {strides = array<i32>} : memref<16x128xf32, #tpu.memory_space<vmem>>, vector<1x16xf32>,
        %swap3A_431 = vector.shape_cast %swap3A_430 : vector<1x16xf32> to vector<16xf32>
        %swap3A_432 = vector.shape_cast %add3A_427 : vector<16xf32> to vector<1x16xf32>
        tpu.vector_store %arg18[%swap3A_428, %swap3A_429], %swap3A_432 {strides = array<i32>} : memref<16x128xf32, #tpu.memory_space<vmem>>, vector<1x16xf32>,
        %mul3A_433 = arith.constant 8 : i32
        %mul3A_434 = arith.muli %scan3A_258, %mul3A_433 : i32
        %add3A_435 = arith.constant 2 : i32
        %add3A_436 = arith.addi %mul3A_434, %add3A_435 : i32
        %get3A_437 = arith.index_cast %add3A_436 : i32 to index
        %get3A_438 = arith.constant 0 : index
        %get3A_439 = tpu.vector_load %arg13[%get3A_437, %get3A_438] {strides = array<i32>} : memref<128x128xf32, #tpu.memory_space<vmem>>, vector<1x16xf32>,
        %get3A_440 = vector.shape_cast %get3A_439 : vector<1x16xf32> to vector<16xf32>
        %get3A_441 = arith.index_cast %add3A_436 : i32 to index
        %get3A_442 = arith.constant 0 : index
        %get3A_443 = tpu.vector_load %arg14[%get3A_441, %get3A_442] {strides = array<i32>} : memref<128x128xf32, #tpu.memory_space<vmem>>, vector<1x16xf32>,
        %get3A_444 = vector.shape_cast %get3A_443 : vector<1x16xf32> to vector<16xf32>
        %mul3A_445 = arith.mulf %get3A_440, %get3A_444 : vector<16xf32>
        %get3A_446 = arith.index_cast %add3A_436 : i32 to index
        %get3A_447 = arith.constant 16 : index
        %get3A_448 = tpu.vector_load %arg13[%get3A_446, %get3A_447] {strides = array<i32>} : memref<128x128xf32, #tpu.memory_space<vmem>>, vector<1x16xf32>,
        %get3A_449 = vector.shape_cast %get3A_448 : vector<1x16xf32> to vector<16xf32>
        %get3A_450 = arith.index_cast %add3A_436 : i32 to index
        %get3A_451 = arith.constant 16 : index
        %get3A_452 = tpu.vector_load %arg14[%get3A_450, %get3A_451] {strides = array<i32>} : memref<128x128xf32, #tpu.memory_space<vmem>>, vector<1x16xf32>,
        %get3A_453 = vector.shape_cast %get3A_452 : vector<1x16xf32> to vector<16xf32>
        %mul3A_454 = arith.mulf %get3A_449, %get3A_453 : vector<16xf32>
        %add3A_455 = arith.addf %mul3A_445, %mul3A_454 : vector<16xf32>
        %get3A_456 = arith.index_cast %add3A_436 : i32 to index
        %get3A_457 = arith.constant 32 : index
        %get3A_458 = tpu.vector_load %arg13[%get3A_456, %get3A_457] {strides = array<i32>} : memref<128x128xf32, #tpu.memory_space<vmem>>, vector<1x16xf32>,
        %get3A_459 = vector.shape_cast %get3A_458 : vector<1x16xf32> to vector<16xf32>
        %get3A_460 = arith.index_cast %add3A_436 : i32 to index
        %get3A_461 = arith.constant 32 : index
        %get3A_462 = tpu.vector_load %arg14[%get3A_460, %get3A_461] {strides = array<i32>} : memref<128x128xf32, #tpu.memory_space<vmem>>, vector<1x16xf32>,
        %get3A_463 = vector.shape_cast %get3A_462 : vector<1x16xf32> to vector<16xf32>
        %mul3A_464 = arith.mulf %get3A_459, %get3A_463 : vector<16xf32>
        %add3A_465 = arith.addf %add3A_455, %mul3A_464 : vector<16xf32>
        %get3A_466 = arith.index_cast %add3A_436 : i32 to index
        %get3A_467 = arith.constant 48 : index
        %get3A_468 = tpu.vector_load %arg13[%get3A_466, %get3A_467] {strides = array<i32>} : memref<128x128xf32, #tpu.memory_space<vmem>>, vector<1x16xf32>,
        %get3A_469 = vector.shape_cast %get3A_468 : vector<1x16xf32> to vector<16xf32>
        %get3A_470 = arith.index_cast %add3A_436 : i32 to index
        %get3A_471 = arith.constant 48 : index
        %get3A_472 = tpu.vector_load %arg14[%get3A_470, %get3A_471] {strides = array<i32>} : memref<128x128xf32, #tpu.memory_space<vmem>>, vector<1x16xf32>,
        %get3A_473 = vector.shape_cast %get3A_472 : vector<1x16xf32> to vector<16xf32>
        %mul3A_474 = arith.mulf %get3A_469, %get3A_473 : vector<16xf32>
        %add3A_475 = arith.addf %add3A_465, %mul3A_474 : vector<16xf32>
        %get3A_476 = arith.index_cast %add3A_436 : i32 to index
        %get3A_477 = arith.constant 64 : index
        %get3A_478 = tpu.vector_load %arg13[%get3A_476, %get3A_477] {strides = array<i32>} : memref<128x128xf32, #tpu.memory_space<vmem>>, vector<1x16xf32>,
        %get3A_479 = vector.shape_cast %get3A_478 : vector<1x16xf32> to vector<16xf32>
        %get3A_480 = arith.index_cast %add3A_436 : i32 to index
        %get3A_481 = arith.constant 64 : index
        %get3A_482 = tpu.vector_load %arg14[%get3A_480, %get3A_481] {strides = array<i32>} : memref<128x128xf32, #tpu.memory_space<vmem>>, vector<1x16xf32>,
        %get3A_483 = vector.shape_cast %get3A_482 : vector<1x16xf32> to vector<16xf32>
        %mul3A_484 = arith.mulf %get3A_479, %get3A_483 : vector<16xf32>
        %add3A_485 = arith.addf %add3A_475, %mul3A_484 : vector<16xf32>
        %get3A_486 = arith.index_cast %add3A_436 : i32 to index
        %get3A_487 = arith.constant 80 : index
        %get3A_488 = tpu.vector_load %arg13[%get3A_486, %get3A_487] {strides = array<i32>} : memref<128x128xf32, #tpu.memory_space<vmem>>, vector<1x16xf32>,
        %get3A_489 = vector.shape_cast %get3A_488 : vector<1x16xf32> to vector<16xf32>
        %get3A_490 = arith.index_cast %add3A_436 : i32 to index
        %get3A_491 = arith.constant 80 : index
        %get3A_492 = tpu.vector_load %arg14[%get3A_490, %get3A_491] {strides = array<i32>} : memref<128x128xf32, #tpu.memory_space<vmem>>, vector<1x16xf32>,
        %get3A_493 = vector.shape_cast %get3A_492 : vector<1x16xf32> to vector<16xf32>
        %mul3A_494 = arith.mulf %get3A_489, %get3A_493 : vector<16xf32>
        %add3A_495 = arith.addf %add3A_485, %mul3A_494 : vector<16xf32>
        %get3A_496 = arith.index_cast %add3A_436 : i32 to index
        %get3A_497 = arith.constant 96 : index
        %get3A_498 = tpu.vector_load %arg13[%get3A_496, %get3A_497] {strides = array<i32>} : memref<128x128xf32, #tpu.memory_space<vmem>>, vector<1x16xf32>,
        %get3A_499 = vector.shape_cast %get3A_498 : vector<1x16xf32> to vector<16xf32>
        %get3A_500 = arith.index_cast %add3A_436 : i32 to index
        %get3A_501 = arith.constant 96 : index
        %get3A_502 = tpu.vector_load %arg14[%get3A_500, %get3A_501] {strides = array<i32>} : memref<128x128xf32, #tpu.memory_space<vmem>>, vector<1x16xf32>,
        %get3A_503 = vector.shape_cast %get3A_502 : vector<1x16xf32> to vector<16xf32>
        %mul3A_504 = arith.mulf %get3A_499, %get3A_503 : vector<16xf32>
        %add3A_505 = arith.addf %add3A_495, %mul3A_504 : vector<16xf32>
        %get3A_506 = arith.index_cast %add3A_436 : i32 to index
        %get3A_507 = arith.constant 112 : index
        %get3A_508 = tpu.vector_load %arg13[%get3A_506, %get3A_507] {strides = array<i32>} : memref<128x128xf32, #tpu.memory_space<vmem>>, vector<1x16xf32>,
        %get3A_509 = vector.shape_cast %get3A_508 : vector<1x16xf32> to vector<16xf32>
        %get3A_510 = arith.index_cast %add3A_436 : i32 to index
        %get3A_511 = arith.constant 112 : index
        %get3A_512 = tpu.vector_load %arg14[%get3A_510, %get3A_511] {strides = array<i32>} : memref<128x128xf32, #tpu.memory_space<vmem>>, vector<1x16xf32>,
        %get3A_513 = vector.shape_cast %get3A_512 : vector<1x16xf32> to vector<16xf32>
        %mul3A_514 = arith.mulf %get3A_509, %get3A_513 : vector<16xf32>
        %add3A_515 = arith.addf %add3A_505, %mul3A_514 : vector<16xf32>
        %swap3A_516 = arith.index_cast %scan3A_258 : i32 to index
        %swap3A_517 = arith.constant 32 : index
        %swap3A_518 = tpu.vector_load %arg18[%swap3A_516, %swap3A_517] {strides = array<i32>} : memref<16x128xf32, #tpu.memory_space<vmem>>, vector<1x16xf32>,
        %swap3A_519 = vector.shape_cast %swap3A_518 : vector<1x16xf32> to vector<16xf32>
        %swap3A_520 = vector.shape_cast %add3A_515 : vector<16xf32> to vector<1x16xf32>
        tpu.vector_store %arg18[%swap3A_516, %swap3A_517], %swap3A_520 {strides = array<i32>} : memref<16x128xf32, #tpu.memory_space<vmem>>, vector<1x16xf32>,
        %mul3A_521 = arith.constant 8 : i32
        %mul3A_522 = arith.muli %scan3A_258, %mul3A_521 : i32
        %add3A_523 = arith.constant 3 : i32
        %add3A_524 = arith.addi %mul3A_522, %add3A_523 : i32
        %get3A_525 = arith.index_cast %add3A_524 : i32 to index
        %get3A_526 = arith.constant 0 : index
        %get3A_527 = tpu.vector_load %arg13[%get3A_525, %get3A_526] {strides = array<i32>} : memref<128x128xf32, #tpu.memory_space<vmem>>, vector<1x16xf32>,
        %get3A_528 = vector.shape_cast %get3A_527 : vector<1x16xf32> to vector<16xf32>
        %get3A_529 = arith.index_cast %add3A_524 : i32 to index
        %get3A_530 = arith.constant 0 : index
        %get3A_531 = tpu.vector_load %arg14[%get3A_529, %get3A_530] {strides = array<i32>} : memref<128x128xf32, #tpu.memory_space<vmem>>, vector<1x16xf32>,
        %get3A_532 = vector.shape_cast %get3A_531 : vector<1x16xf32> to vector<16xf32>
        %mul3A_533 = arith.mulf %get3A_528, %get3A_532 : vector<16xf32>
        %get3A_534 = arith.index_cast %add3A_524 : i32 to index
        %get3A_535 = arith.constant 16 : index
        %get3A_536 = tpu.vector_load %arg13[%get3A_534, %get3A_535] {strides = array<i32>} : memref<128x128xf32, #tpu.memory_space<vmem>>, vector<1x16xf32>,
        %get3A_537 = vector.shape_cast %get3A_536 : vector<1x16xf32> to vector<16xf32>
        %get3A_538 = arith.index_cast %add3A_524 : i32 to index
        %get3A_539 = arith.constant 16 : index
        %get3A_540 = tpu.vector_load %arg14[%get3A_538, %get3A_539] {strides = array<i32>} : memref<128x128xf32, #tpu.memory_space<vmem>>, vector<1x16xf32>,
        %get3A_541 = vector.shape_cast %get3A_540 : vector<1x16xf32> to vector<16xf32>
        %mul3A_542 = arith.mulf %get3A_537, %get3A_541 : vector<16xf32>
        %add3A_543 = arith.addf %mul3A_533, %mul3A_542 : vector<16xf32>
        %get3A_544 = arith.index_cast %add3A_524 : i32 to index
        %get3A_545 = arith.constant 32 : index
        %get3A_546 = tpu.vector_load %arg13[%get3A_544, %get3A_545] {strides = array<i32>} : memref<128x128xf32, #tpu.memory_space<vmem>>, vector<1x16xf32>,
        %get3A_547 = vector.shape_cast %get3A_546 : vector<1x16xf32> to vector<16xf32>
        %get3A_548 = arith.index_cast %add3A_524 : i32 to index
        %get3A_549 = arith.constant 32 : index
        %get3A_550 = tpu.vector_load %arg14[%get3A_548, %get3A_549] {strides = array<i32>} : memref<128x128xf32, #tpu.memory_space<vmem>>, vector<1x16xf32>,
        %get3A_551 = vector.shape_cast %get3A_550 : vector<1x16xf32> to vector<16xf32>
        %mul3A_552 = arith.mulf %get3A_547, %get3A_551 : vector<16xf32>
        %add3A_553 = arith.addf %add3A_543, %mul3A_552 : vector<16xf32>
        %get3A_554 = arith.index_cast %add3A_524 : i32 to index
        %get3A_555 = arith.constant 48 : index
        %get3A_556 = tpu.vector_load %arg13[%get3A_554, %get3A_555] {strides = array<i32>} : memref<128x128xf32, #tpu.memory_space<vmem>>, vector<1x16xf32>,
        %get3A_557 = vector.shape_cast %get3A_556 : vector<1x16xf32> to vector<16xf32>
        %get3A_558 = arith.index_cast %add3A_524 : i32 to index
        %get3A_559 = arith.constant 48 : index
        %get3A_560 = tpu.vector_load %arg14[%get3A_558, %get3A_559] {strides = array<i32>} : memref<128x128xf32, #tpu.memory_space<vmem>>, vector<1x16xf32>,
        %get3A_561 = vector.shape_cast %get3A_560 : vector<1x16xf32> to vector<16xf32>
        %mul3A_562 = arith.mulf %get3A_557, %get3A_561 : vector<16xf32>
        %add3A_563 = arith.addf %add3A_553, %mul3A_562 : vector<16xf32>
        %get3A_564 = arith.index_cast %add3A_524 : i32 to index
        %get3A_565 = arith.constant 64 : index
        %get3A_566 = tpu.vector_load %arg13[%get3A_564, %get3A_565] {strides = array<i32>} : memref<128x128xf32, #tpu.memory_space<vmem>>, vector<1x16xf32>,
        %get3A_567 = vector.shape_cast %get3A_566 : vector<1x16xf32> to vector<16xf32>
        %get3A_568 = arith.index_cast %add3A_524 : i32 to index
        %get3A_569 = arith.constant 64 : index
        %get3A_570 = tpu.vector_load %arg14[%get3A_568, %get3A_569] {strides = array<i32>} : memref<128x128xf32, #tpu.memory_space<vmem>>, vector<1x16xf32>,
        %get3A_571 = vector.shape_cast %get3A_570 : vector<1x16xf32> to vector<16xf32>
        %mul3A_572 = arith.mulf %get3A_567, %get3A_571 : vector<16xf32>
        %add3A_573 = arith.addf %add3A_563, %mul3A_572 : vector<16xf32>
        %get3A_574 = arith.index_cast %add3A_524 : i32 to index
        %get3A_575 = arith.constant 80 : index
        %get3A_576 = tpu.vector_load %arg13[%get3A_574, %get3A_575] {strides = array<i32>} : memref<128x128xf32, #tpu.memory_space<vmem>>, vector<1x16xf32>,
        %get3A_577 = vector.shape_cast %get3A_576 : vector<1x16xf32> to vector<16xf32>
        %get3A_578 = arith.index_cast %add3A_524 : i32 to index
        %get3A_579 = arith.constant 80 : index
        %get3A_580 = tpu.vector_load %arg14[%get3A_578, %get3A_579] {strides = array<i32>} : memref<128x128xf32, #tpu.memory_space<vmem>>, vector<1x16xf32>,
        %get3A_581 = vector.shape_cast %get3A_580 : vector<1x16xf32> to vector<16xf32>
        %mul3A_582 = arith.mulf %get3A_577, %get3A_581 : vector<16xf32>
        %add3A_583 = arith.addf %add3A_573, %mul3A_582 : vector<16xf32>
        %get3A_584 = arith.index_cast %add3A_524 : i32 to index
        %get3A_585 = arith.constant 96 : index
        %get3A_586 = tpu.vector_load %arg13[%get3A_584, %get3A_585] {strides = array<i32>} : memref<128x128xf32, #tpu.memory_space<vmem>>, vector<1x16xf32>,
        %get3A_587 = vector.shape_cast %get3A_586 : vector<1x16xf32> to vector<16xf32>
        %get3A_588 = arith.index_cast %add3A_524 : i32 to index
        %get3A_589 = arith.constant 96 : index
        %get3A_590 = tpu.vector_load %arg14[%get3A_588, %get3A_589] {strides = array<i32>} : memref<128x128xf32, #tpu.memory_space<vmem>>, vector<1x16xf32>,
        %get3A_591 = vector.shape_cast %get3A_590 : vector<1x16xf32> to vector<16xf32>
        %mul3A_592 = arith.mulf %get3A_587, %get3A_591 : vector<16xf32>
        %add3A_593 = arith.addf %add3A_583, %mul3A_592 : vector<16xf32>
        %get3A_594 = arith.index_cast %add3A_524 : i32 to index
        %get3A_595 = arith.constant 112 : index
        %get3A_596 = tpu.vector_load %arg13[%get3A_594, %get3A_595] {strides = array<i32>} : memref<128x128xf32, #tpu.memory_space<vmem>>, vector<1x16xf32>,
        %get3A_597 = vector.shape_cast %get3A_596 : vector<1x16xf32> to vector<16xf32>
        %get3A_598 = arith.index_cast %add3A_524 : i32 to index
        %get3A_599 = arith.constant 112 : index
        %get3A_600 = tpu.vector_load %arg14[%get3A_598, %get3A_599] {strides = array<i32>} : memref<128x128xf32, #tpu.memory_space<vmem>>, vector<1x16xf32>,
        %get3A_601 = vector.shape_cast %get3A_600 : vector<1x16xf32> to vector<16xf32>
        %mul3A_602 = arith.mulf %get3A_597, %get3A_601 : vector<16xf32>
        %add3A_603 = arith.addf %add3A_593, %mul3A_602 : vector<16xf32>
        %swap3A_604 = arith.index_cast %scan3A_258 : i32 to index
        %swap3A_605 = arith.constant 48 : index
        %swap3A_606 = tpu.vector_load %arg18[%swap3A_604, %swap3A_605] {strides = array<i32>} : memref<16x128xf32, #tpu.memory_space<vmem>>, vector<1x16xf32>,
        %swap3A_607 = vector.shape_cast %swap3A_606 : vector<1x16xf32> to vector<16xf32>
        %swap3A_608 = vector.shape_cast %add3A_603 : vector<16xf32> to vector<1x16xf32>
        tpu.vector_store %arg18[%swap3A_604, %swap3A_605], %swap3A_608 {strides = array<i32>} : memref<16x128xf32, #tpu.memory_space<vmem>>, vector<1x16xf32>,
        %mul3A_609 = arith.constant 8 : i32
        %mul3A_610 = arith.muli %scan3A_258, %mul3A_609 : i32
        %add3A_611 = arith.constant 4 : i32
        %add3A_612 = arith.addi %mul3A_610, %add3A_611 : i32
        %get3A_613 = arith.index_cast %add3A_612 : i32 to index
        %get3A_614 = arith.constant 0 : index
        %get3A_615 = tpu.vector_load %arg13[%get3A_613, %get3A_614] {strides = array<i32>} : memref<128x128xf32, #tpu.memory_space<vmem>>, vector<1x16xf32>,
        %get3A_616 = vector.shape_cast %get3A_615 : vector<1x16xf32> to vector<16xf32>
        %get3A_617 = arith.index_cast %add3A_612 : i32 to index
        %get3A_618 = arith.constant 0 : index
        %get3A_619 = tpu.vector_load %arg14[%get3A_617, %get3A_618] {strides = array<i32>} : memref<128x128xf32, #tpu.memory_space<vmem>>, vector<1x16xf32>,
        %get3A_620 = vector.shape_cast %get3A_619 : vector<1x16xf32> to vector<16xf32>
        %mul3A_621 = arith.mulf %get3A_616, %get3A_620 : vector<16xf32>
        %get3A_622 = arith.index_cast %add3A_612 : i32 to index
        %get3A_623 = arith.constant 16 : index
        %get3A_624 = tpu.vector_load %arg13[%get3A_622, %get3A_623] {strides = array<i32>} : memref<128x128xf32, #tpu.memory_space<vmem>>, vector<1x16xf32>,
        %get3A_625 = vector.shape_cast %get3A_624 : vector<1x16xf32> to vector<16xf32>
        %get3A_626 = arith.index_cast %add3A_612 : i32 to index
        %get3A_627 = arith.constant 16 : index
        %get3A_628 = tpu.vector_load %arg14[%get3A_626, %get3A_627] {strides = array<i32>} : memref<128x128xf32, #tpu.memory_space<vmem>>, vector<1x16xf32>,
        %get3A_629 = vector.shape_cast %get3A_628 : vector<1x16xf32> to vector<16xf32>
        %mul3A_630 = arith.mulf %get3A_625, %get3A_629 : vector<16xf32>
        %add3A_631 = arith.addf %mul3A_621, %mul3A_630 : vector<16xf32>
        %get3A_632 = arith.index_cast %add3A_612 : i32 to index
        %get3A_633 = arith.constant 32 : index
        %get3A_634 = tpu.vector_load %arg13[%get3A_632, %get3A_633] {strides = array<i32>} : memref<128x128xf32, #tpu.memory_space<vmem>>, vector<1x16xf32>,
        %get3A_635 = vector.shape_cast %get3A_634 : vector<1x16xf32> to vector<16xf32>
        %get3A_636 = arith.index_cast %add3A_612 : i32 to index
        %get3A_637 = arith.constant 32 : index
        %get3A_638 = tpu.vector_load %arg14[%get3A_636, %get3A_637] {strides = array<i32>} : memref<128x128xf32, #tpu.memory_space<vmem>>, vector<1x16xf32>,
        %get3A_639 = vector.shape_cast %get3A_638 : vector<1x16xf32> to vector<16xf32>
        %mul3A_640 = arith.mulf %get3A_635, %get3A_639 : vector<16xf32>
        %add3A_641 = arith.addf %add3A_631, %mul3A_640 : vector<16xf32>
        %get3A_642 = arith.index_cast %add3A_612 : i32 to index
        %get3A_643 = arith.constant 48 : index
        %get3A_644 = tpu.vector_load %arg13[%get3A_642, %get3A_643] {strides = array<i32>} : memref<128x128xf32, #tpu.memory_space<vmem>>, vector<1x16xf32>,
        %get3A_645 = vector.shape_cast %get3A_644 : vector<1x16xf32> to vector<16xf32>
        %get3A_646 = arith.index_cast %add3A_612 : i32 to index
        %get3A_647 = arith.constant 48 : index
        %get3A_648 = tpu.vector_load %arg14[%get3A_646, %get3A_647] {strides = array<i32>} : memref<128x128xf32, #tpu.memory_space<vmem>>, vector<1x16xf32>,
        %get3A_649 = vector.shape_cast %get3A_648 : vector<1x16xf32> to vector<16xf32>
        %mul3A_650 = arith.mulf %get3A_645, %get3A_649 : vector<16xf32>
        %add3A_651 = arith.addf %add3A_641, %mul3A_650 : vector<16xf32>
        %get3A_652 = arith.index_cast %add3A_612 : i32 to index
        %get3A_653 = arith.constant 64 : index
        %get3A_654 = tpu.vector_load %arg13[%get3A_652, %get3A_653] {strides = array<i32>} : memref<128x128xf32, #tpu.memory_space<vmem>>, vector<1x16xf32>,
        %get3A_655 = vector.shape_cast %get3A_654 : vector<1x16xf32> to vector<16xf32>
        %get3A_656 = arith.index_cast %add3A_612 : i32 to index
        %get3A_657 = arith.constant 64 : index
        %get3A_658 = tpu.vector_load %arg14[%get3A_656, %get3A_657] {strides = array<i32>} : memref<128x128xf32, #tpu.memory_space<vmem>>, vector<1x16xf32>,
        %get3A_659 = vector.shape_cast %get3A_658 : vector<1x16xf32> to vector<16xf32>
        %mul3A_660 = arith.mulf %get3A_655, %get3A_659 : vector<16xf32>
        %add3A_661 = arith.addf %add3A_651, %mul3A_660 : vector<16xf32>
        %get3A_662 = arith.index_cast %add3A_612 : i32 to index
        %get3A_663 = arith.constant 80 : index
        %get3A_664 = tpu.vector_load %arg13[%get3A_662, %get3A_663] {strides = array<i32>} : memref<128x128xf32, #tpu.memory_space<vmem>>, vector<1x16xf32>,
        %get3A_665 = vector.shape_cast %get3A_664 : vector<1x16xf32> to vector<16xf32>
        %get3A_666 = arith.index_cast %add3A_612 : i32 to index
        %get3A_667 = arith.constant 80 : index
        %get3A_668 = tpu.vector_load %arg14[%get3A_666, %get3A_667] {strides = array<i32>} : memref<128x128xf32, #tpu.memory_space<vmem>>, vector<1x16xf32>,
        %get3A_669 = vector.shape_cast %get3A_668 : vector<1x16xf32> to vector<16xf32>
        %mul3A_670 = arith.mulf %get3A_665, %get3A_669 : vector<16xf32>
        %add3A_671 = arith.addf %add3A_661, %mul3A_670 : vector<16xf32>
        %get3A_672 = arith.index_cast %add3A_612 : i32 to index
        %get3A_673 = arith.constant 96 : index
        %get3A_674 = tpu.vector_load %arg13[%get3A_672, %get3A_673] {strides = array<i32>} : memref<128x128xf32, #tpu.memory_space<vmem>>, vector<1x16xf32>,
        %get3A_675 = vector.shape_cast %get3A_674 : vector<1x16xf32> to vector<16xf32>
        %get3A_676 = arith.index_cast %add3A_612 : i32 to index
        %get3A_677 = arith.constant 96 : index
        %get3A_678 = tpu.vector_load %arg14[%get3A_676, %get3A_677] {strides = array<i32>} : memref<128x128xf32, #tpu.memory_space<vmem>>, vector<1x16xf32>,
        %get3A_679 = vector.shape_cast %get3A_678 : vector<1x16xf32> to vector<16xf32>
        %mul3A_680 = arith.mulf %get3A_675, %get3A_679 : vector<16xf32>
        %add3A_681 = arith.addf %add3A_671, %mul3A_680 : vector<16xf32>
        %get3A_682 = arith.index_cast %add3A_612 : i32 to index
        %get3A_683 = arith.constant 112 : index
        %get3A_684 = tpu.vector_load %arg13[%get3A_682, %get3A_683] {strides = array<i32>} : memref<128x128xf32, #tpu.memory_space<vmem>>, vector<1x16xf32>,
        %get3A_685 = vector.shape_cast %get3A_684 : vector<1x16xf32> to vector<16xf32>
        %get3A_686 = arith.index_cast %add3A_612 : i32 to index
        %get3A_687 = arith.constant 112 : index
        %get3A_688 = tpu.vector_load %arg14[%get3A_686, %get3A_687] {strides = array<i32>} : memref<128x128xf32, #tpu.memory_space<vmem>>, vector<1x16xf32>,
        %get3A_689 = vector.shape_cast %get3A_688 : vector<1x16xf32> to vector<16xf32>
        %mul3A_690 = arith.mulf %get3A_685, %get3A_689 : vector<16xf32>
        %add3A_691 = arith.addf %add3A_681, %mul3A_690 : vector<16xf32>
        %swap3A_692 = arith.index_cast %scan3A_258 : i32 to index
        %swap3A_693 = arith.constant 64 : index
        %swap3A_694 = tpu.vector_load %arg18[%swap3A_692, %swap3A_693] {strides = array<i32>} : memref<16x128xf32, #tpu.memory_space<vmem>>, vector<1x16xf32>,
        %swap3A_695 = vector.shape_cast %swap3A_694 : vector<1x16xf32> to vector<16xf32>
        %swap3A_696 = vector.shape_cast %add3A_691 : vector<16xf32> to vector<1x16xf32>
        tpu.vector_store %arg18[%swap3A_692, %swap3A_693], %swap3A_696 {strides = array<i32>} : memref<16x128xf32, #tpu.memory_space<vmem>>, vector<1x16xf32>,
        %mul3A_697 = arith.constant 8 : i32
        %mul3A_698 = arith.muli %scan3A_258, %mul3A_697 : i32
        %add3A_699 = arith.constant 5 : i32
        %add3A_700 = arith.addi %mul3A_698, %add3A_699 : i32
        %get3A_701 = arith.index_cast %add3A_700 : i32 to index
        %get3A_702 = arith.constant 0 : index
        %get3A_703 = tpu.vector_load %arg13[%get3A_701, %get3A_702] {strides = array<i32>} : memref<128x128xf32, #tpu.memory_space<vmem>>, vector<1x16xf32>,
        %get3A_704 = vector.shape_cast %get3A_703 : vector<1x16xf32> to vector<16xf32>
        %get3A_705 = arith.index_cast %add3A_700 : i32 to index
        %get3A_706 = arith.constant 0 : index
        %get3A_707 = tpu.vector_load %arg14[%get3A_705, %get3A_706] {strides = array<i32>} : memref<128x128xf32, #tpu.memory_space<vmem>>, vector<1x16xf32>,
        %get3A_708 = vector.shape_cast %get3A_707 : vector<1x16xf32> to vector<16xf32>
        %mul3A_709 = arith.mulf %get3A_704, %get3A_708 : vector<16xf32>
        %get3A_710 = arith.index_cast %add3A_700 : i32 to index
        %get3A_711 = arith.constant 16 : index
        %get3A_712 = tpu.vector_load %arg13[%get3A_710, %get3A_711] {strides = array<i32>} : memref<128x128xf32, #tpu.memory_space<vmem>>, vector<1x16xf32>,
        %get3A_713 = vector.shape_cast %get3A_712 : vector<1x16xf32> to vector<16xf32>
        %get3A_714 = arith.index_cast %add3A_700 : i32 to index
        %get3A_715 = arith.constant 16 : index
        %get3A_716 = tpu.vector_load %arg14[%get3A_714, %get3A_715] {strides = array<i32>} : memref<128x128xf32, #tpu.memory_space<vmem>>, vector<1x16xf32>,
        %get3A_717 = vector.shape_cast %get3A_716 : vector<1x16xf32> to vector<16xf32>
        %mul3A_718 = arith.mulf %get3A_713, %get3A_717 : vector<16xf32>
        %add3A_719 = arith.addf %mul3A_709, %mul3A_718 : vector<16xf32>
        %get3A_720 = arith.index_cast %add3A_700 : i32 to index
        %get3A_721 = arith.constant 32 : index
        %get3A_722 = tpu.vector_load %arg13[%get3A_720, %get3A_721] {strides = array<i32>} : memref<128x128xf32, #tpu.memory_space<vmem>>, vector<1x16xf32>,
        %get3A_723 = vector.shape_cast %get3A_722 : vector<1x16xf32> to vector<16xf32>
        %get3A_724 = arith.index_cast %add3A_700 : i32 to index
        %get3A_725 = arith.constant 32 : index
        %get3A_726 = tpu.vector_load %arg14[%get3A_724, %get3A_725] {strides = array<i32>} : memref<128x128xf32, #tpu.memory_space<vmem>>, vector<1x16xf32>,
        %get3A_727 = vector.shape_cast %get3A_726 : vector<1x16xf32> to vector<16xf32>
        %mul3A_728 = arith.mulf %get3A_723, %get3A_727 : vector<16xf32>
        %add3A_729 = arith.addf %add3A_719, %mul3A_728 : vector<16xf32>
        %get3A_730 = arith.index_cast %add3A_700 : i32 to index
        %get3A_731 = arith.constant 48 : index
        %get3A_732 = tpu.vector_load %arg13[%get3A_730, %get3A_731] {strides = array<i32>} : memref<128x128xf32, #tpu.memory_space<vmem>>, vector<1x16xf32>,
        %get3A_733 = vector.shape_cast %get3A_732 : vector<1x16xf32> to vector<16xf32>
        %get3A_734 = arith.index_cast %add3A_700 : i32 to index
        %get3A_735 = arith.constant 48 : index
        %get3A_736 = tpu.vector_load %arg14[%get3A_734, %get3A_735] {strides = array<i32>} : memref<128x128xf32, #tpu.memory_space<vmem>>, vector<1x16xf32>,
        %get3A_737 = vector.shape_cast %get3A_736 : vector<1x16xf32> to vector<16xf32>
        %mul3A_738 = arith.mulf %get3A_733, %get3A_737 : vector<16xf32>
        %add3A_739 = arith.addf %add3A_729, %mul3A_738 : vector<16xf32>
        %get3A_740 = arith.index_cast %add3A_700 : i32 to index
        %get3A_741 = arith.constant 64 : index
        %get3A_742 = tpu.vector_load %arg13[%get3A_740, %get3A_741] {strides = array<i32>} : memref<128x128xf32, #tpu.memory_space<vmem>>, vector<1x16xf32>,
        %get3A_743 = vector.shape_cast %get3A_742 : vector<1x16xf32> to vector<16xf32>
        %get3A_744 = arith.index_cast %add3A_700 : i32 to index
        %get3A_745 = arith.constant 64 : index
        %get3A_746 = tpu.vector_load %arg14[%get3A_744, %get3A_745] {strides = array<i32>} : memref<128x128xf32, #tpu.memory_space<vmem>>, vector<1x16xf32>,
        %get3A_747 = vector.shape_cast %get3A_746 : vector<1x16xf32> to vector<16xf32>
        %mul3A_748 = arith.mulf %get3A_743, %get3A_747 : vector<16xf32>
        %add3A_749 = arith.addf %add3A_739, %mul3A_748 : vector<16xf32>
        %get3A_750 = arith.index_cast %add3A_700 : i32 to index
        %get3A_751 = arith.constant 80 : index
        %get3A_752 = tpu.vector_load %arg13[%get3A_750, %get3A_751] {strides = array<i32>} : memref<128x128xf32, #tpu.memory_space<vmem>>, vector<1x16xf32>,
        %get3A_753 = vector.shape_cast %get3A_752 : vector<1x16xf32> to vector<16xf32>
        %get3A_754 = arith.index_cast %add3A_700 : i32 to index
        %get3A_755 = arith.constant 80 : index
        %get3A_756 = tpu.vector_load %arg14[%get3A_754, %get3A_755] {strides = array<i32>} : memref<128x128xf32, #tpu.memory_space<vmem>>, vector<1x16xf32>,
        %get3A_757 = vector.shape_cast %get3A_756 : vector<1x16xf32> to vector<16xf32>
        %mul3A_758 = arith.mulf %get3A_753, %get3A_757 : vector<16xf32>
        %add3A_759 = arith.addf %add3A_749, %mul3A_758 : vector<16xf32>
        %get3A_760 = arith.index_cast %add3A_700 : i32 to index
        %get3A_761 = arith.constant 96 : index
        %get3A_762 = tpu.vector_load %arg13[%get3A_760, %get3A_761] {strides = array<i32>} : memref<128x128xf32, #tpu.memory_space<vmem>>, vector<1x16xf32>,
        %get3A_763 = vector.shape_cast %get3A_762 : vector<1x16xf32> to vector<16xf32>
        %get3A_764 = arith.index_cast %add3A_700 : i32 to index
        %get3A_765 = arith.constant 96 : index
        %get3A_766 = tpu.vector_load %arg14[%get3A_764, %get3A_765] {strides = array<i32>} : memref<128x128xf32, #tpu.memory_space<vmem>>, vector<1x16xf32>,
        %get3A_767 = vector.shape_cast %get3A_766 : vector<1x16xf32> to vector<16xf32>
        %mul3A_768 = arith.mulf %get3A_763, %get3A_767 : vector<16xf32>
        %add3A_769 = arith.addf %add3A_759, %mul3A_768 : vector<16xf32>
        %get3A_770 = arith.index_cast %add3A_700 : i32 to index
        %get3A_771 = arith.constant 112 : index
        %get3A_772 = tpu.vector_load %arg13[%get3A_770, %get3A_771] {strides = array<i32>} : memref<128x128xf32, #tpu.memory_space<vmem>>, vector<1x16xf32>,
        %get3A_773 = vector.shape_cast %get3A_772 : vector<1x16xf32> to vector<16xf32>
        %get3A_774 = arith.index_cast %add3A_700 : i32 to index
        %get3A_775 = arith.constant 112 : index
        %get3A_776 = tpu.vector_load %arg14[%get3A_774, %get3A_775] {strides = array<i32>} : memref<128x128xf32, #tpu.memory_space<vmem>>, vector<1x16xf32>,
        %get3A_777 = vector.shape_cast %get3A_776 : vector<1x16xf32> to vector<16xf32>
        %mul3A_778 = arith.mulf %get3A_773, %get3A_777 : vector<16xf32>
        %add3A_779 = arith.addf %add3A_769, %mul3A_778 : vector<16xf32>
        %swap3A_780 = arith.index_cast %scan3A_258 : i32 to index
        %swap3A_781 = arith.constant 80 : index
        %swap3A_782 = tpu.vector_load %arg18[%swap3A_780, %swap3A_781] {strides = array<i32>} : memref<16x128xf32, #tpu.memory_space<vmem>>, vector<1x16xf32>,
        %swap3A_783 = vector.shape_cast %swap3A_782 : vector<1x16xf32> to vector<16xf32>
        %swap3A_784 = vector.shape_cast %add3A_779 : vector<16xf32> to vector<1x16xf32>
        tpu.vector_store %arg18[%swap3A_780, %swap3A_781], %swap3A_784 {strides = array<i32>} : memref<16x128xf32, #tpu.memory_space<vmem>>, vector<1x16xf32>,
        %mul3A_785 = arith.constant 8 : i32
        %mul3A_786 = arith.muli %scan3A_258, %mul3A_785 : i32
        %add3A_787 = arith.constant 6 : i32
        %add3A_788 = arith.addi %mul3A_786, %add3A_787 : i32
        %get3A_789 = arith.index_cast %add3A_788 : i32 to index
        %get3A_790 = arith.constant 0 : index
        %get3A_791 = tpu.vector_load %arg13[%get3A_789, %get3A_790] {strides = array<i32>} : memref<128x128xf32, #tpu.memory_space<vmem>>, vector<1x16xf32>,
        %get3A_792 = vector.shape_cast %get3A_791 : vector<1x16xf32> to vector<16xf32>
        %get3A_793 = arith.index_cast %add3A_788 : i32 to index
        %get3A_794 = arith.constant 0 : index
        %get3A_795 = tpu.vector_load %arg14[%get3A_793, %get3A_794] {strides = array<i32>} : memref<128x128xf32, #tpu.memory_space<vmem>>, vector<1x16xf32>,
        %get3A_796 = vector.shape_cast %get3A_795 : vector<1x16xf32> to vector<16xf32>
        %mul3A_797 = arith.mulf %get3A_792, %get3A_796 : vector<16xf32>
        %get3A_798 = arith.index_cast %add3A_788 : i32 to index
        %get3A_799 = arith.constant 16 : index
        %get3A_800 = tpu.vector_load %arg13[%get3A_798, %get3A_799] {strides = array<i32>} : memref<128x128xf32, #tpu.memory_space<vmem>>, vector<1x16xf32>,
        %get3A_801 = vector.shape_cast %get3A_800 : vector<1x16xf32> to vector<16xf32>
        %get3A_802 = arith.index_cast %add3A_788 : i32 to index
        %get3A_803 = arith.constant 16 : index
        %get3A_804 = tpu.vector_load %arg14[%get3A_802, %get3A_803] {strides = array<i32>} : memref<128x128xf32, #tpu.memory_space<vmem>>, vector<1x16xf32>,
        %get3A_805 = vector.shape_cast %get3A_804 : vector<1x16xf32> to vector<16xf32>
        %mul3A_806 = arith.mulf %get3A_801, %get3A_805 : vector<16xf32>
        %add3A_807 = arith.addf %mul3A_797, %mul3A_806 : vector<16xf32>
        %get3A_808 = arith.index_cast %add3A_788 : i32 to index
        %get3A_809 = arith.constant 32 : index
        %get3A_810 = tpu.vector_load %arg13[%get3A_808, %get3A_809] {strides = array<i32>} : memref<128x128xf32, #tpu.memory_space<vmem>>, vector<1x16xf32>,
        %get3A_811 = vector.shape_cast %get3A_810 : vector<1x16xf32> to vector<16xf32>
        %get3A_812 = arith.index_cast %add3A_788 : i32 to index
        %get3A_813 = arith.constant 32 : index
        %get3A_814 = tpu.vector_load %arg14[%get3A_812, %get3A_813] {strides = array<i32>} : memref<128x128xf32, #tpu.memory_space<vmem>>, vector<1x16xf32>,
        %get3A_815 = vector.shape_cast %get3A_814 : vector<1x16xf32> to vector<16xf32>
        %mul3A_816 = arith.mulf %get3A_811, %get3A_815 : vector<16xf32>
        %add3A_817 = arith.addf %add3A_807, %mul3A_816 : vector<16xf32>
        %get3A_818 = arith.index_cast %add3A_788 : i32 to index
        %get3A_819 = arith.constant 48 : index
        %get3A_820 = tpu.vector_load %arg13[%get3A_818, %get3A_819] {strides = array<i32>} : memref<128x128xf32, #tpu.memory_space<vmem>>, vector<1x16xf32>,
        %get3A_821 = vector.shape_cast %get3A_820 : vector<1x16xf32> to vector<16xf32>
        %get3A_822 = arith.index_cast %add3A_788 : i32 to index
        %get3A_823 = arith.constant 48 : index
        %get3A_824 = tpu.vector_load %arg14[%get3A_822, %get3A_823] {strides = array<i32>} : memref<128x128xf32, #tpu.memory_space<vmem>>, vector<1x16xf32>,
        %get3A_825 = vector.shape_cast %get3A_824 : vector<1x16xf32> to vector<16xf32>
        %mul3A_826 = arith.mulf %get3A_821, %get3A_825 : vector<16xf32>
        %add3A_827 = arith.addf %add3A_817, %mul3A_826 : vector<16xf32>
        %get3A_828 = arith.index_cast %add3A_788 : i32 to index
        %get3A_829 = arith.constant 64 : index
        %get3A_830 = tpu.vector_load %arg13[%get3A_828, %get3A_829] {strides = array<i32>} : memref<128x128xf32, #tpu.memory_space<vmem>>, vector<1x16xf32>,
        %get3A_831 = vector.shape_cast %get3A_830 : vector<1x16xf32> to vector<16xf32>
        %get3A_832 = arith.index_cast %add3A_788 : i32 to index
        %get3A_833 = arith.constant 64 : index
        %get3A_834 = tpu.vector_load %arg14[%get3A_832, %get3A_833] {strides = array<i32>} : memref<128x128xf32, #tpu.memory_space<vmem>>, vector<1x16xf32>,
        %get3A_835 = vector.shape_cast %get3A_834 : vector<1x16xf32> to vector<16xf32>
        %mul3A_836 = arith.mulf %get3A_831, %get3A_835 : vector<16xf32>
        %add3A_837 = arith.addf %add3A_827, %mul3A_836 : vector<16xf32>
        %get3A_838 = arith.index_cast %add3A_788 : i32 to index
        %get3A_839 = arith.constant 80 : index
        %get3A_840 = tpu.vector_load %arg13[%get3A_838, %get3A_839] {strides = array<i32>} : memref<128x128xf32, #tpu.memory_space<vmem>>, vector<1x16xf32>,
        %get3A_841 = vector.shape_cast %get3A_840 : vector<1x16xf32> to vector<16xf32>
        %get3A_842 = arith.index_cast %add3A_788 : i32 to index
        %get3A_843 = arith.constant 80 : index
        %get3A_844 = tpu.vector_load %arg14[%get3A_842, %get3A_843] {strides = array<i32>} : memref<128x128xf32, #tpu.memory_space<vmem>>, vector<1x16xf32>,
        %get3A_845 = vector.shape_cast %get3A_844 : vector<1x16xf32> to vector<16xf32>
        %mul3A_846 = arith.mulf %get3A_841, %get3A_845 : vector<16xf32>
        %add3A_847 = arith.addf %add3A_837, %mul3A_846 : vector<16xf32>
        %get3A_848 = arith.index_cast %add3A_788 : i32 to index
        %get3A_849 = arith.constant 96 : index
        %get3A_850 = tpu.vector_load %arg13[%get3A_848, %get3A_849] {strides = array<i32>} : memref<128x128xf32, #tpu.memory_space<vmem>>, vector<1x16xf32>,
        %get3A_851 = vector.shape_cast %get3A_850 : vector<1x16xf32> to vector<16xf32>
        %get3A_852 = arith.index_cast %add3A_788 : i32 to index
        %get3A_853 = arith.constant 96 : index
        %get3A_854 = tpu.vector_load %arg14[%get3A_852, %get3A_853] {strides = array<i32>} : memref<128x128xf32, #tpu.memory_space<vmem>>, vector<1x16xf32>,
        %get3A_855 = vector.shape_cast %get3A_854 : vector<1x16xf32> to vector<16xf32>
        %mul3A_856 = arith.mulf %get3A_851, %get3A_855 : vector<16xf32>
        %add3A_857 = arith.addf %add3A_847, %mul3A_856 : vector<16xf32>
        %get3A_858 = arith.index_cast %add3A_788 : i32 to index
        %get3A_859 = arith.constant 112 : index
        %get3A_860 = tpu.vector_load %arg13[%get3A_858, %get3A_859] {strides = array<i32>} : memref<128x128xf32, #tpu.memory_space<vmem>>, vector<1x16xf32>,
        %get3A_861 = vector.shape_cast %get3A_860 : vector<1x16xf32> to vector<16xf32>
        %get3A_862 = arith.index_cast %add3A_788 : i32 to index
        %get3A_863 = arith.constant 112 : index
        %get3A_864 = tpu.vector_load %arg14[%get3A_862, %get3A_863] {strides = array<i32>} : memref<128x128xf32, #tpu.memory_space<vmem>>, vector<1x16xf32>,
        %get3A_865 = vector.shape_cast %get3A_864 : vector<1x16xf32> to vector<16xf32>
        %mul3A_866 = arith.mulf %get3A_861, %get3A_865 : vector<16xf32>
        %add3A_867 = arith.addf %add3A_857, %mul3A_866 : vector<16xf32>
        %swap3A_868 = arith.index_cast %scan3A_258 : i32 to index
        %swap3A_869 = arith.constant 96 : index
        %swap3A_870 = tpu.vector_load %arg18[%swap3A_868, %swap3A_869] {strides = array<i32>} : memref<16x128xf32, #tpu.memory_space<vmem>>, vector<1x16xf32>,
        %swap3A_871 = vector.shape_cast %swap3A_870 : vector<1x16xf32> to vector<16xf32>
        %swap3A_872 = vector.shape_cast %add3A_867 : vector<16xf32> to vector<1x16xf32>
        tpu.vector_store %arg18[%swap3A_868, %swap3A_869], %swap3A_872 {strides = array<i32>} : memref<16x128xf32, #tpu.memory_space<vmem>>, vector<1x16xf32>,
        %mul3A_873 = arith.constant 8 : i32
        %mul3A_874 = arith.muli %scan3A_258, %mul3A_873 : i32
        %add3A_875 = arith.constant 7 : i32
        %add3A_876 = arith.addi %mul3A_874, %add3A_875 : i32
        %get3A_877 = arith.index_cast %add3A_876 : i32 to index
        %get3A_878 = arith.constant 0 : index
        %get3A_879 = tpu.vector_load %arg13[%get3A_877, %get3A_878] {strides = array<i32>} : memref<128x128xf32, #tpu.memory_space<vmem>>, vector<1x16xf32>,
        %get3A_880 = vector.shape_cast %get3A_879 : vector<1x16xf32> to vector<16xf32>
        %get3A_881 = arith.index_cast %add3A_876 : i32 to index
        %get3A_882 = arith.constant 0 : index
        %get3A_883 = tpu.vector_load %arg14[%get3A_881, %get3A_882] {strides = array<i32>} : memref<128x128xf32, #tpu.memory_space<vmem>>, vector<1x16xf32>,
        %get3A_884 = vector.shape_cast %get3A_883 : vector<1x16xf32> to vector<16xf32>
        %mul3A_885 = arith.mulf %get3A_880, %get3A_884 : vector<16xf32>
        %get3A_886 = arith.index_cast %add3A_876 : i32 to index
        %get3A_887 = arith.constant 16 : index
        %get3A_888 = tpu.vector_load %arg13[%get3A_886, %get3A_887] {strides = array<i32>} : memref<128x128xf32, #tpu.memory_space<vmem>>, vector<1x16xf32>,
        %get3A_889 = vector.shape_cast %get3A_888 : vector<1x16xf32> to vector<16xf32>
        %get3A_890 = arith.index_cast %add3A_876 : i32 to index
        %get3A_891 = arith.constant 16 : index
        %get3A_892 = tpu.vector_load %arg14[%get3A_890, %get3A_891] {strides = array<i32>} : memref<128x128xf32, #tpu.memory_space<vmem>>, vector<1x16xf32>,
        %get3A_893 = vector.shape_cast %get3A_892 : vector<1x16xf32> to vector<16xf32>
        %mul3A_894 = arith.mulf %get3A_889, %get3A_893 : vector<16xf32>
        %add3A_895 = arith.addf %mul3A_885, %mul3A_894 : vector<16xf32>
        %get3A_896 = arith.index_cast %add3A_876 : i32 to index
        %get3A_897 = arith.constant 32 : index
        %get3A_898 = tpu.vector_load %arg13[%get3A_896, %get3A_897] {strides = array<i32>} : memref<128x128xf32, #tpu.memory_space<vmem>>, vector<1x16xf32>,
        %get3A_899 = vector.shape_cast %get3A_898 : vector<1x16xf32> to vector<16xf32>
        %get3A_900 = arith.index_cast %add3A_876 : i32 to index
        %get3A_901 = arith.constant 32 : index
        %get3A_902 = tpu.vector_load %arg14[%get3A_900, %get3A_901] {strides = array<i32>} : memref<128x128xf32, #tpu.memory_space<vmem>>, vector<1x16xf32>,
        %get3A_903 = vector.shape_cast %get3A_902 : vector<1x16xf32> to vector<16xf32>
        %mul3A_904 = arith.mulf %get3A_899, %get3A_903 : vector<16xf32>
        %add3A_905 = arith.addf %add3A_895, %mul3A_904 : vector<16xf32>
        %get3A_906 = arith.index_cast %add3A_876 : i32 to index
        %get3A_907 = arith.constant 48 : index
        %get3A_908 = tpu.vector_load %arg13[%get3A_906, %get3A_907] {strides = array<i32>} : memref<128x128xf32, #tpu.memory_space<vmem>>, vector<1x16xf32>,
        %get3A_909 = vector.shape_cast %get3A_908 : vector<1x16xf32> to vector<16xf32>
        %get3A_910 = arith.index_cast %add3A_876 : i32 to index
        %get3A_911 = arith.constant 48 : index
        %get3A_912 = tpu.vector_load %arg14[%get3A_910, %get3A_911] {strides = array<i32>} : memref<128x128xf32, #tpu.memory_space<vmem>>, vector<1x16xf32>,
        %get3A_913 = vector.shape_cast %get3A_912 : vector<1x16xf32> to vector<16xf32>
        %mul3A_914 = arith.mulf %get3A_909, %get3A_913 : vector<16xf32>
        %add3A_915 = arith.addf %add3A_905, %mul3A_914 : vector<16xf32>
        %get3A_916 = arith.index_cast %add3A_876 : i32 to index
        %get3A_917 = arith.constant 64 : index
        %get3A_918 = tpu.vector_load %arg13[%get3A_916, %get3A_917] {strides = array<i32>} : memref<128x128xf32, #tpu.memory_space<vmem>>, vector<1x16xf32>,
        %get3A_919 = vector.shape_cast %get3A_918 : vector<1x16xf32> to vector<16xf32>
        %get3A_920 = arith.index_cast %add3A_876 : i32 to index
        %get3A_921 = arith.constant 64 : index
        %get3A_922 = tpu.vector_load %arg14[%get3A_920, %get3A_921] {strides = array<i32>} : memref<128x128xf32, #tpu.memory_space<vmem>>, vector<1x16xf32>,
        %get3A_923 = vector.shape_cast %get3A_922 : vector<1x16xf32> to vector<16xf32>
        %mul3A_924 = arith.mulf %get3A_919, %get3A_923 : vector<16xf32>
        %add3A_925 = arith.addf %add3A_915, %mul3A_924 : vector<16xf32>
        %get3A_926 = arith.index_cast %add3A_876 : i32 to index
        %get3A_927 = arith.constant 80 : index
        %get3A_928 = tpu.vector_load %arg13[%get3A_926, %get3A_927] {strides = array<i32>} : memref<128x128xf32, #tpu.memory_space<vmem>>, vector<1x16xf32>,
        %get3A_929 = vector.shape_cast %get3A_928 : vector<1x16xf32> to vector<16xf32>
        %get3A_930 = arith.index_cast %add3A_876 : i32 to index
        %get3A_931 = arith.constant 80 : index
        %get3A_932 = tpu.vector_load %arg14[%get3A_930, %get3A_931] {strides = array<i32>} : memref<128x128xf32, #tpu.memory_space<vmem>>, vector<1x16xf32>,
        %get3A_933 = vector.shape_cast %get3A_932 : vector<1x16xf32> to vector<16xf32>
        %mul3A_934 = arith.mulf %get3A_929, %get3A_933 : vector<16xf32>
        %add3A_935 = arith.addf %add3A_925, %mul3A_934 : vector<16xf32>
        %get3A_936 = arith.index_cast %add3A_876 : i32 to index
        %get3A_937 = arith.constant 96 : index
        %get3A_938 = tpu.vector_load %arg13[%get3A_936, %get3A_937] {strides = array<i32>} : memref<128x128xf32, #tpu.memory_space<vmem>>, vector<1x16xf32>,
        %get3A_939 = vector.shape_cast %get3A_938 : vector<1x16xf32> to vector<16xf32>
        %get3A_940 = arith.index_cast %add3A_876 : i32 to index
        %get3A_941 = arith.constant 96 : index
        %get3A_942 = tpu.vector_load %arg14[%get3A_940, %get3A_941] {strides = array<i32>} : memref<128x128xf32, #tpu.memory_space<vmem>>, vector<1x16xf32>,
        %get3A_943 = vector.shape_cast %get3A_942 : vector<1x16xf32> to vector<16xf32>
        %mul3A_944 = arith.mulf %get3A_939, %get3A_943 : vector<16xf32>
        %add3A_945 = arith.addf %add3A_935, %mul3A_944 : vector<16xf32>
        %get3A_946 = arith.index_cast %add3A_876 : i32 to index
        %get3A_947 = arith.constant 112 : index
        %get3A_948 = tpu.vector_load %arg13[%get3A_946, %get3A_947] {strides = array<i32>} : memref<128x128xf32, #tpu.memory_space<vmem>>, vector<1x16xf32>,
        %get3A_949 = vector.shape_cast %get3A_948 : vector<1x16xf32> to vector<16xf32>
        %get3A_950 = arith.index_cast %add3A_876 : i32 to index
        %get3A_951 = arith.constant 112 : index
        %get3A_952 = tpu.vector_load %arg14[%get3A_950, %get3A_951] {strides = array<i32>} : memref<128x128xf32, #tpu.memory_space<vmem>>, vector<1x16xf32>,
        %get3A_953 = vector.shape_cast %get3A_952 : vector<1x16xf32> to vector<16xf32>
        %mul3A_954 = arith.mulf %get3A_949, %get3A_953 : vector<16xf32>
        %add3A_955 = arith.addf %add3A_945, %mul3A_954 : vector<16xf32>
        %swap3A_956 = arith.index_cast %scan3A_258 : i32 to index
        %swap3A_957 = arith.constant 112 : index
        %swap3A_958 = tpu.vector_load %arg18[%swap3A_956, %swap3A_957] {strides = array<i32>} : memref<16x128xf32, #tpu.memory_space<vmem>>, vector<1x16xf32>,
        %swap3A_959 = vector.shape_cast %swap3A_958 : vector<1x16xf32> to vector<16xf32>
        %swap3A_960 = vector.shape_cast %add3A_955 : vector<16xf32> to vector<1x16xf32>
        tpu.vector_store %arg18[%swap3A_956, %swap3A_957], %swap3A_960 {strides = array<i32>} : memref<16x128xf32, #tpu.memory_space<vmem>>, vector<1x16xf32>,
      }
      %scan3A_181 = arith.constant 16 : i32
      %lt3A_182 = arith.constant 4 : i32
      %lt3A_183 = arith.cmpi slt, %add3A_151, %lt3A_182 : i32
      %mul3A_184 = arith.constant 64 : i32
      %mul3A_185 = arith.muli %add3A, %mul3A_184 : i32
      %mul3A_186 = arith.constant 16 : i32
      %mul3A_187 = arith.muli %add3A_151, %mul3A_186 : i32
      %add3A_188 = arith.addi %mul3A_185, %mul3A_187 : i32
      %mul3A_189 = arith.constant 320 : i32
      %mul3A_190 = arith.muli %add3A, %mul3A_189 : i32
      %add3A_191 = arith.constant 2048 : i32
      %add3A_192 = arith.addi %add3A_191, %mul3A_190 : i32
      %sub3A_193 = arith.constant 4 : i32
      %sub3A_194 = arith.subi %add3A_151, %sub3A_193 : i32
      %mul3A_195 = arith.constant 16 : i32
      %mul3A_196 = arith.muli %sub3A_194, %mul3A_195 : i32
      %add3A_197 = arith.addi %add3A_192, %mul3A_196 : i32
      %select_n3A_198 = arith.select %lt3A_183, %add3A_188, %add3A_197 : i32
      %dma_start3A_199 = arith.constant 0 : i32
      %dma_start3A_200 = tpu.memref_slice %arg8[%select_n3A_198, %dma_start3A_199] : memref<12288x128xf32, #tpu.memory_space<hbm>> -> memref<16x128xf32, #tpu.memory_space<hbm>>
      %dma_start3A_201 = arith.constant 0 : i32
      %dma_start3A_202 = tpu.memref_slice %arg8[%select_n3A_198, %dma_start3A_201] : memref<12288x128xf32, #tpu.memory_space<hbm>> -> memref<16x128xf32, #tpu.memory_space<hbm>>
      tpu.enqueue_dma source(%arg18 : memref<16x128xf32, #tpu.memory_space<vmem>>) target(%dma_start3A_202 : memref<16x128xf32, #tpu.memory_space<hbm>>) target_semaphore(%arg24 : memref<!tpu.dma_semaphore, #tpu.memory_space<semaphore_mem>>)
      %mul3A_203 = arith.constant 3 : i32
      %mul3A_204 = arith.muli %mul3A_203, %scan3A_98 : i32
      %add3A_205 = arith.constant 2 : i32
      %add3A_206 = arith.addi %mul3A_204, %add3A_205 : i32
      %add3A_207 = arith.constant 2 : i32
      %add3A_208 = arith.addi %add3A_206, %add3A_207 : i32
      %lt3A_209 = arith.constant 24 : i32
      %lt3A_210 = arith.cmpi slt, %add3A_208, %lt3A_209 : i32
      %convert_element_type3A_211 = arith.extui %lt3A_210 : i1 to i32
      %cond3A_212 = arith.constant 0 : i32
      %cond3A_213 = arith.cmpi ne, %convert_element_type3A_211, %cond3A_212 : i32
      scf.if %cond3A_213 {
        %mul3A_258 = arith.constant 128 : i32
        %mul3A_259 = arith.muli %add3A_208, %mul3A_258 : i32
        %mul3A_260 = arith.constant 128 : i32
        %mul3A_261 = arith.muli %add3A_208, %mul3A_260 : i32
        %lt3A_262 = arith.constant 4 : i32
        %lt3A_263 = arith.cmpi slt, %add3A_208, %lt3A_262 : i32
        %convert_element_type3A_264 = arith.extui %lt3A_263 : i1 to i32
        %cond3A_265 = arith.constant 0 : i32
        %cond3A_266 = arith.cmpi ne, %convert_element_type3A_264, %cond3A_265 : i32
        scf.if %cond3A_266 {
          %dma_start3A_276 = tpu.memref_slice %arg9[%mul3A_259] : memref<3072xi32, #tpu.memory_space<vmem>> -> memref<128xi32, #tpu.memory_space<vmem>>
          %dma_start3A_277 = arith.constant 0 : i32
          %dma_start3A_278 = arith.constant 0 : i32
          %dma_start3A_279 = tpu.memref_slice %arg6[%dma_start3A_277, %dma_start3A_278] : memref<199999x128xf32, #tpu.memory_space<hbm>> -> memref<199999x128xf32, #tpu.memory_space<hbm>>
          tpu.enqueue_indirect_dma source(%dma_start3A_279 : memref<199999x128xf32, #tpu.memory_space<hbm>>) target(%arg13 : memref<128x128xf32, #tpu.memory_space<vmem>>) offsets(%dma_start3A_276 : memref<128xi32, #tpu.memory_space<vmem>>) semaphore(%arg21 : memref<!tpu.dma_semaphore, #tpu.memory_space<semaphore_mem>>)
        } else {
        }
        %ge3A_267 = arith.constant 4 : i32
        %ge3A_268 = arith.cmpi sge, %add3A_208, %ge3A_267 : i32
        %convert_element_type3A_269 = arith.extui %ge3A_268 : i1 to i32
        %cond3A_270 = arith.constant 0 : i32
        %cond3A_271 = arith.cmpi ne, %convert_element_type3A_269, %cond3A_270 : i32
        scf.if %cond3A_271 {
          %dma_start3A_276 = tpu.memref_slice %arg9[%mul3A_259] : memref<3072xi32, #tpu.memory_space<vmem>> -> memref<128xi32, #tpu.memory_space<vmem>>
          %dma_start3A_277 = arith.constant 0 : i32
          %dma_start3A_278 = arith.constant 0 : i32
          %dma_start3A_279 = tpu.memref_slice %arg7[%dma_start3A_277, %dma_start3A_278] : memref<199999x128xf32, #tpu.memory_space<hbm>> -> memref<199999x128xf32, #tpu.memory_space<hbm>>
          tpu.enqueue_indirect_dma source(%dma_start3A_279 : memref<199999x128xf32, #tpu.memory_space<hbm>>) target(%arg13 : memref<128x128xf32, #tpu.memory_space<vmem>>) offsets(%dma_start3A_276 : memref<128xi32, #tpu.memory_space<vmem>>) semaphore(%arg21 : memref<!tpu.dma_semaphore, #tpu.memory_space<semaphore_mem>>)
        } else {
        }
        %dma_start3A_272 = tpu.memref_slice %arg10[%mul3A_261] : memref<3072xi32, #tpu.memory_space<vmem>> -> memref<128xi32, #tpu.memory_space<vmem>>
        %dma_start3A_273 = arith.constant 0 : i32
        %dma_start3A_274 = arith.constant 0 : i32
        %dma_start3A_275 = tpu.memref_slice %arg7[%dma_start3A_273, %dma_start3A_274] : memref<199999x128xf32, #tpu.memory_space<hbm>> -> memref<199999x128xf32, #tpu.memory_space<hbm>>
        tpu.enqueue_indirect_dma source(%dma_start3A_275 : memref<199999x128xf32, #tpu.memory_space<hbm>>) target(%arg14 : memref<128x128xf32, #tpu.memory_space<vmem>>) offsets(%dma_start3A_272 : memref<128xi32, #tpu.memory_space<vmem>>) semaphore(%arg21 : memref<!tpu.dma_semaphore, #tpu.memory_space<semaphore_mem>>)
      } else {
      }
      %mul3A_214 = arith.constant 128 : i32
      %mul3A_215 = arith.muli %add3A_206, %mul3A_214 : i32
      %mul3A_216 = arith.constant 128 : i32
      %mul3A_217 = arith.muli %add3A_206, %mul3A_216 : i32
      %dma_wait3A_218 = tpu.memref_slice %arg9[%mul3A_215] : memref<3072xi32, #tpu.memory_space<vmem>> -> memref<128xi32, #tpu.memory_space<vmem>>
      %dma_wait3A_219 = arith.constant 0 : i32
      %dma_wait3A_220 = arith.constant 0 : i32
      %dma_wait3A_221 = tpu.memref_slice %arg7[%dma_wait3A_219, %dma_wait3A_220] : memref<199999x128xf32, #tpu.memory_space<hbm>> -> memref<199999x128xf32, #tpu.memory_space<hbm>>
      tpu.wait_indirect_dma semaphore(%arg22 : memref<!tpu.dma_semaphore, #tpu.memory_space<semaphore_mem>>) src(%dma_wait3A_221 : memref<199999x128xf32, #tpu.memory_space<hbm>>) dst(%arg15 : memref<128x128xf32, #tpu.memory_space<vmem>>)
      %dma_wait3A_222 = tpu.memref_slice %arg10[%mul3A_217] : memref<3072xi32, #tpu.memory_space<vmem>> -> memref<128xi32, #tpu.memory_space<vmem>>
      %dma_wait3A_223 = arith.constant 0 : i32
      %dma_wait3A_224 = arith.constant 0 : i32
      %dma_wait3A_225 = tpu.memref_slice %arg7[%dma_wait3A_223, %dma_wait3A_224] : memref<199999x128xf32, #tpu.memory_space<hbm>> -> memref<199999x128xf32, #tpu.memory_space<hbm>>
      tpu.wait_indirect_dma semaphore(%arg22 : memref<!tpu.dma_semaphore, #tpu.memory_space<semaphore_mem>>) src(%dma_wait3A_225 : memref<199999x128xf32, #tpu.memory_space<hbm>>) dst(%arg16 : memref<128x128xf32, #tpu.memory_space<vmem>>)
      %ge3A_226 = arith.constant 3 : i32
      %ge3A_227 = arith.cmpi sge, %add3A_206, %ge3A_226 : i32
      %convert_element_type3A_228 = arith.extui %ge3A_227 : i1 to i32
      %cond3A_229 = arith.constant 0 : i32
      %cond3A_230 = arith.cmpi ne, %convert_element_type3A_228, %cond3A_229 : i32
      scf.if %cond3A_230 {
        %dma_wait3A_258 = arith.constant 0 : i32
        %dma_wait3A_259 = arith.constant 0 : i32
        %dma_wait3A_260 = tpu.memref_slice %arg8[%dma_wait3A_258, %dma_wait3A_259] : memref<12288x128xf32, #tpu.memory_space<hbm>> -> memref<16x128xf32, #tpu.memory_space<hbm>>
        %dma_wait3A_261 = arith.constant 0 : i32
        %dma_wait3A_262 = arith.constant 0 : i32
        %dma_wait3A_263 = tpu.memref_slice %arg8[%dma_wait3A_261, %dma_wait3A_262] : memref<12288x128xf32, #tpu.memory_space<hbm>> -> memref<16x128xf32, #tpu.memory_space<hbm>>
        tpu.wait_dma2 semaphore(%arg25 : memref<!tpu.dma_semaphore, #tpu.memory_space<semaphore_mem>>) src(%arg19 : memref<16x128xf32, #tpu.memory_space<vmem>>) dst(%dma_wait3A_263 : memref<16x128xf32, #tpu.memory_space<hbm>>)
      } else {
      }
      %scan3A_231 = arith.constant 0 : i32
      %scan3A_232 = arith.constant 0 : i32
      %scan3A_233 = arith.constant 16 : i32
      %scan3A_234 = arith.addi %scan3A_232, %scan3A_233 : i32
      %scan3A_235 = arith.constant 1 : i32
      scf.for %scan3A_258 = %scan3A_232 to %scan3A_234 step %scan3A_235  : i32 {
        %mul3A_259 = arith.constant 8 : i32
        %mul3A_260 = arith.muli %scan3A_258, %mul3A_259 : i32
        %add3A_261 = arith.constant 0 : i32
        %add3A_262 = arith.addi %mul3A_260, %add3A_261 : i32
        %get3A = arith.index_cast %add3A_262 : i32 to index
        %get3A_263 = arith.constant 0 : index
        %get3A_264 = tpu.vector_load %arg15[%get3A, %get3A_263] {strides = array<i32>} : memref<128x128xf32, #tpu.memory_space<vmem>>, vector<1x16xf32>,
        %get3A_265 = vector.shape_cast %get3A_264 : vector<1x16xf32> to vector<16xf32>
        %get3A_266 = arith.index_cast %add3A_262 : i32 to index
        %get3A_267 = arith.constant 0 : index
        %get3A_268 = tpu.vector_load %arg16[%get3A_266, %get3A_267] {strides = array<i32>} : memref<128x128xf32, #tpu.memory_space<vmem>>, vector<1x16xf32>,
        %get3A_269 = vector.shape_cast %get3A_268 : vector<1x16xf32> to vector<16xf32>
        %mul3A_270 = arith.mulf %get3A_265, %get3A_269 : vector<16xf32>
        %get3A_271 = arith.index_cast %add3A_262 : i32 to index
        %get3A_272 = arith.constant 16 : index
        %get3A_273 = tpu.vector_load %arg15[%get3A_271, %get3A_272] {strides = array<i32>} : memref<128x128xf32, #tpu.memory_space<vmem>>, vector<1x16xf32>,
        %get3A_274 = vector.shape_cast %get3A_273 : vector<1x16xf32> to vector<16xf32>
        %get3A_275 = arith.index_cast %add3A_262 : i32 to index
        %get3A_276 = arith.constant 16 : index
        %get3A_277 = tpu.vector_load %arg16[%get3A_275, %get3A_276] {strides = array<i32>} : memref<128x128xf32, #tpu.memory_space<vmem>>, vector<1x16xf32>,
        %get3A_278 = vector.shape_cast %get3A_277 : vector<1x16xf32> to vector<16xf32>
        %mul3A_279 = arith.mulf %get3A_274, %get3A_278 : vector<16xf32>
        %add3A_280 = arith.addf %mul3A_270, %mul3A_279 : vector<16xf32>
        %get3A_281 = arith.index_cast %add3A_262 : i32 to index
        %get3A_282 = arith.constant 32 : index
        %get3A_283 = tpu.vector_load %arg15[%get3A_281, %get3A_282] {strides = array<i32>} : memref<128x128xf32, #tpu.memory_space<vmem>>, vector<1x16xf32>,
        %get3A_284 = vector.shape_cast %get3A_283 : vector<1x16xf32> to vector<16xf32>
        %get3A_285 = arith.index_cast %add3A_262 : i32 to index
        %get3A_286 = arith.constant 32 : index
        %get3A_287 = tpu.vector_load %arg16[%get3A_285, %get3A_286] {strides = array<i32>} : memref<128x128xf32, #tpu.memory_space<vmem>>, vector<1x16xf32>,
        %get3A_288 = vector.shape_cast %get3A_287 : vector<1x16xf32> to vector<16xf32>
        %mul3A_289 = arith.mulf %get3A_284, %get3A_288 : vector<16xf32>
        %add3A_290 = arith.addf %add3A_280, %mul3A_289 : vector<16xf32>
        %get3A_291 = arith.index_cast %add3A_262 : i32 to index
        %get3A_292 = arith.constant 48 : index
        %get3A_293 = tpu.vector_load %arg15[%get3A_291, %get3A_292] {strides = array<i32>} : memref<128x128xf32, #tpu.memory_space<vmem>>, vector<1x16xf32>,
        %get3A_294 = vector.shape_cast %get3A_293 : vector<1x16xf32> to vector<16xf32>
        %get3A_295 = arith.index_cast %add3A_262 : i32 to index
        %get3A_296 = arith.constant 48 : index
        %get3A_297 = tpu.vector_load %arg16[%get3A_295, %get3A_296] {strides = array<i32>} : memref<128x128xf32, #tpu.memory_space<vmem>>, vector<1x16xf32>,
        %get3A_298 = vector.shape_cast %get3A_297 : vector<1x16xf32> to vector<16xf32>
        %mul3A_299 = arith.mulf %get3A_294, %get3A_298 : vector<16xf32>
        %add3A_300 = arith.addf %add3A_290, %mul3A_299 : vector<16xf32>
        %get3A_301 = arith.index_cast %add3A_262 : i32 to index
        %get3A_302 = arith.constant 64 : index
        %get3A_303 = tpu.vector_load %arg15[%get3A_301, %get3A_302] {strides = array<i32>} : memref<128x128xf32, #tpu.memory_space<vmem>>, vector<1x16xf32>,
        %get3A_304 = vector.shape_cast %get3A_303 : vector<1x16xf32> to vector<16xf32>
        %get3A_305 = arith.index_cast %add3A_262 : i32 to index
        %get3A_306 = arith.constant 64 : index
        %get3A_307 = tpu.vector_load %arg16[%get3A_305, %get3A_306] {strides = array<i32>} : memref<128x128xf32, #tpu.memory_space<vmem>>, vector<1x16xf32>,
        %get3A_308 = vector.shape_cast %get3A_307 : vector<1x16xf32> to vector<16xf32>
        %mul3A_309 = arith.mulf %get3A_304, %get3A_308 : vector<16xf32>
        %add3A_310 = arith.addf %add3A_300, %mul3A_309 : vector<16xf32>
        %get3A_311 = arith.index_cast %add3A_262 : i32 to index
        %get3A_312 = arith.constant 80 : index
        %get3A_313 = tpu.vector_load %arg15[%get3A_311, %get3A_312] {strides = array<i32>} : memref<128x128xf32, #tpu.memory_space<vmem>>, vector<1x16xf32>,
        %get3A_314 = vector.shape_cast %get3A_313 : vector<1x16xf32> to vector<16xf32>
        %get3A_315 = arith.index_cast %add3A_262 : i32 to index
        %get3A_316 = arith.constant 80 : index
        %get3A_317 = tpu.vector_load %arg16[%get3A_315, %get3A_316] {strides = array<i32>} : memref<128x128xf32, #tpu.memory_space<vmem>>, vector<1x16xf32>,
        %get3A_318 = vector.shape_cast %get3A_317 : vector<1x16xf32> to vector<16xf32>
        %mul3A_319 = arith.mulf %get3A_314, %get3A_318 : vector<16xf32>
        %add3A_320 = arith.addf %add3A_310, %mul3A_319 : vector<16xf32>
        %get3A_321 = arith.index_cast %add3A_262 : i32 to index
        %get3A_322 = arith.constant 96 : index
        %get3A_323 = tpu.vector_load %arg15[%get3A_321, %get3A_322] {strides = array<i32>} : memref<128x128xf32, #tpu.memory_space<vmem>>, vector<1x16xf32>,
        %get3A_324 = vector.shape_cast %get3A_323 : vector<1x16xf32> to vector<16xf32>
        %get3A_325 = arith.index_cast %add3A_262 : i32 to index
        %get3A_326 = arith.constant 96 : index
        %get3A_327 = tpu.vector_load %arg16[%get3A_325, %get3A_326] {strides = array<i32>} : memref<128x128xf32, #tpu.memory_space<vmem>>, vector<1x16xf32>,
        %get3A_328 = vector.shape_cast %get3A_327 : vector<1x16xf32> to vector<16xf32>
        %mul3A_329 = arith.mulf %get3A_324, %get3A_328 : vector<16xf32>
        %add3A_330 = arith.addf %add3A_320, %mul3A_329 : vector<16xf32>
        %get3A_331 = arith.index_cast %add3A_262 : i32 to index
        %get3A_332 = arith.constant 112 : index
        %get3A_333 = tpu.vector_load %arg15[%get3A_331, %get3A_332] {strides = array<i32>} : memref<128x128xf32, #tpu.memory_space<vmem>>, vector<1x16xf32>,
        %get3A_334 = vector.shape_cast %get3A_333 : vector<1x16xf32> to vector<16xf32>
        %get3A_335 = arith.index_cast %add3A_262 : i32 to index
        %get3A_336 = arith.constant 112 : index
        %get3A_337 = tpu.vector_load %arg16[%get3A_335, %get3A_336] {strides = array<i32>} : memref<128x128xf32, #tpu.memory_space<vmem>>, vector<1x16xf32>,
        %get3A_338 = vector.shape_cast %get3A_337 : vector<1x16xf32> to vector<16xf32>
        %mul3A_339 = arith.mulf %get3A_334, %get3A_338 : vector<16xf32>
        %add3A_340 = arith.addf %add3A_330, %mul3A_339 : vector<16xf32>
        %swap3A = arith.index_cast %scan3A_258 : i32 to index
        %swap3A_341 = arith.constant 0 : index
        %swap3A_342 = tpu.vector_load %arg19[%swap3A, %swap3A_341] {strides = array<i32>} : memref<16x128xf32, #tpu.memory_space<vmem>>, vector<1x16xf32>,
        %swap3A_343 = vector.shape_cast %swap3A_342 : vector<1x16xf32> to vector<16xf32>
        %swap3A_344 = vector.shape_cast %add3A_340 : vector<16xf32> to vector<1x16xf32>
        tpu.vector_store %arg19[%swap3A, %swap3A_341], %swap3A_344 {strides = array<i32>} : memref<16x128xf32, #tpu.memory_space<vmem>>, vector<1x16xf32>,
        %mul3A_345 = arith.constant 8 : i32
        %mul3A_346 = arith.muli %scan3A_258, %mul3A_345 : i32
        %add3A_347 = arith.constant 1 : i32
        %add3A_348 = arith.addi %mul3A_346, %add3A_347 : i32
        %get3A_349 = arith.index_cast %add3A_348 : i32 to index
        %get3A_350 = arith.constant 0 : index
        %get3A_351 = tpu.vector_load %arg15[%get3A_349, %get3A_350] {strides = array<i32>} : memref<128x128xf32, #tpu.memory_space<vmem>>, vector<1x16xf32>,
        %get3A_352 = vector.shape_cast %get3A_351 : vector<1x16xf32> to vector<16xf32>
        %get3A_353 = arith.index_cast %add3A_348 : i32 to index
        %get3A_354 = arith.constant 0 : index
        %get3A_355 = tpu.vector_load %arg16[%get3A_353, %get3A_354] {strides = array<i32>} : memref<128x128xf32, #tpu.memory_space<vmem>>, vector<1x16xf32>,
        %get3A_356 = vector.shape_cast %get3A_355 : vector<1x16xf32> to vector<16xf32>
        %mul3A_357 = arith.mulf %get3A_352, %get3A_356 : vector<16xf32>
        %get3A_358 = arith.index_cast %add3A_348 : i32 to index
        %get3A_359 = arith.constant 16 : index
        %get3A_360 = tpu.vector_load %arg15[%get3A_358, %get3A_359] {strides = array<i32>} : memref<128x128xf32, #tpu.memory_space<vmem>>, vector<1x16xf32>,
        %get3A_361 = vector.shape_cast %get3A_360 : vector<1x16xf32> to vector<16xf32>
        %get3A_362 = arith.index_cast %add3A_348 : i32 to index
        %get3A_363 = arith.constant 16 : index
        %get3A_364 = tpu.vector_load %arg16[%get3A_362, %get3A_363] {strides = array<i32>} : memref<128x128xf32, #tpu.memory_space<vmem>>, vector<1x16xf32>,
        %get3A_365 = vector.shape_cast %get3A_364 : vector<1x16xf32> to vector<16xf32>
        %mul3A_366 = arith.mulf %get3A_361, %get3A_365 : vector<16xf32>
        %add3A_367 = arith.addf %mul3A_357, %mul3A_366 : vector<16xf32>
        %get3A_368 = arith.index_cast %add3A_348 : i32 to index
        %get3A_369 = arith.constant 32 : index
        %get3A_370 = tpu.vector_load %arg15[%get3A_368, %get3A_369] {strides = array<i32>} : memref<128x128xf32, #tpu.memory_space<vmem>>, vector<1x16xf32>,
        %get3A_371 = vector.shape_cast %get3A_370 : vector<1x16xf32> to vector<16xf32>
        %get3A_372 = arith.index_cast %add3A_348 : i32 to index
        %get3A_373 = arith.constant 32 : index
        %get3A_374 = tpu.vector_load %arg16[%get3A_372, %get3A_373] {strides = array<i32>} : memref<128x128xf32, #tpu.memory_space<vmem>>, vector<1x16xf32>,
        %get3A_375 = vector.shape_cast %get3A_374 : vector<1x16xf32> to vector<16xf32>
        %mul3A_376 = arith.mulf %get3A_371, %get3A_375 : vector<16xf32>
        %add3A_377 = arith.addf %add3A_367, %mul3A_376 : vector<16xf32>
        %get3A_378 = arith.index_cast %add3A_348 : i32 to index
        %get3A_379 = arith.constant 48 : index
        %get3A_380 = tpu.vector_load %arg15[%get3A_378, %get3A_379] {strides = array<i32>} : memref<128x128xf32, #tpu.memory_space<vmem>>, vector<1x16xf32>,
        %get3A_381 = vector.shape_cast %get3A_380 : vector<1x16xf32> to vector<16xf32>
        %get3A_382 = arith.index_cast %add3A_348 : i32 to index
        %get3A_383 = arith.constant 48 : index
        %get3A_384 = tpu.vector_load %arg16[%get3A_382, %get3A_383] {strides = array<i32>} : memref<128x128xf32, #tpu.memory_space<vmem>>, vector<1x16xf32>,
        %get3A_385 = vector.shape_cast %get3A_384 : vector<1x16xf32> to vector<16xf32>
        %mul3A_386 = arith.mulf %get3A_381, %get3A_385 : vector<16xf32>
        %add3A_387 = arith.addf %add3A_377, %mul3A_386 : vector<16xf32>
        %get3A_388 = arith.index_cast %add3A_348 : i32 to index
        %get3A_389 = arith.constant 64 : index
        %get3A_390 = tpu.vector_load %arg15[%get3A_388, %get3A_389] {strides = array<i32>} : memref<128x128xf32, #tpu.memory_space<vmem>>, vector<1x16xf32>,
        %get3A_391 = vector.shape_cast %get3A_390 : vector<1x16xf32> to vector<16xf32>
        %get3A_392 = arith.index_cast %add3A_348 : i32 to index
        %get3A_393 = arith.constant 64 : index
        %get3A_394 = tpu.vector_load %arg16[%get3A_392, %get3A_393] {strides = array<i32>} : memref<128x128xf32, #tpu.memory_space<vmem>>, vector<1x16xf32>,
        %get3A_395 = vector.shape_cast %get3A_394 : vector<1x16xf32> to vector<16xf32>
        %mul3A_396 = arith.mulf %get3A_391, %get3A_395 : vector<16xf32>
        %add3A_397 = arith.addf %add3A_387, %mul3A_396 : vector<16xf32>
        %get3A_398 = arith.index_cast %add3A_348 : i32 to index
        %get3A_399 = arith.constant 80 : index
        %get3A_400 = tpu.vector_load %arg15[%get3A_398, %get3A_399] {strides = array<i32>} : memref<128x128xf32, #tpu.memory_space<vmem>>, vector<1x16xf32>,
        %get3A_401 = vector.shape_cast %get3A_400 : vector<1x16xf32> to vector<16xf32>
        %get3A_402 = arith.index_cast %add3A_348 : i32 to index
        %get3A_403 = arith.constant 80 : index
        %get3A_404 = tpu.vector_load %arg16[%get3A_402, %get3A_403] {strides = array<i32>} : memref<128x128xf32, #tpu.memory_space<vmem>>, vector<1x16xf32>,
        %get3A_405 = vector.shape_cast %get3A_404 : vector<1x16xf32> to vector<16xf32>
        %mul3A_406 = arith.mulf %get3A_401, %get3A_405 : vector<16xf32>
        %add3A_407 = arith.addf %add3A_397, %mul3A_406 : vector<16xf32>
        %get3A_408 = arith.index_cast %add3A_348 : i32 to index
        %get3A_409 = arith.constant 96 : index
        %get3A_410 = tpu.vector_load %arg15[%get3A_408, %get3A_409] {strides = array<i32>} : memref<128x128xf32, #tpu.memory_space<vmem>>, vector<1x16xf32>,
        %get3A_411 = vector.shape_cast %get3A_410 : vector<1x16xf32> to vector<16xf32>
        %get3A_412 = arith.index_cast %add3A_348 : i32 to index
        %get3A_413 = arith.constant 96 : index
        %get3A_414 = tpu.vector_load %arg16[%get3A_412, %get3A_413] {strides = array<i32>} : memref<128x128xf32, #tpu.memory_space<vmem>>, vector<1x16xf32>,
        %get3A_415 = vector.shape_cast %get3A_414 : vector<1x16xf32> to vector<16xf32>
        %mul3A_416 = arith.mulf %get3A_411, %get3A_415 : vector<16xf32>
        %add3A_417 = arith.addf %add3A_407, %mul3A_416 : vector<16xf32>
        %get3A_418 = arith.index_cast %add3A_348 : i32 to index
        %get3A_419 = arith.constant 112 : index
        %get3A_420 = tpu.vector_load %arg15[%get3A_418, %get3A_419] {strides = array<i32>} : memref<128x128xf32, #tpu.memory_space<vmem>>, vector<1x16xf32>,
        %get3A_421 = vector.shape_cast %get3A_420 : vector<1x16xf32> to vector<16xf32>
        %get3A_422 = arith.index_cast %add3A_348 : i32 to index
        %get3A_423 = arith.constant 112 : index
        %get3A_424 = tpu.vector_load %arg16[%get3A_422, %get3A_423] {strides = array<i32>} : memref<128x128xf32, #tpu.memory_space<vmem>>, vector<1x16xf32>,
        %get3A_425 = vector.shape_cast %get3A_424 : vector<1x16xf32> to vector<16xf32>
        %mul3A_426 = arith.mulf %get3A_421, %get3A_425 : vector<16xf32>
        %add3A_427 = arith.addf %add3A_417, %mul3A_426 : vector<16xf32>
        %swap3A_428 = arith.index_cast %scan3A_258 : i32 to index
        %swap3A_429 = arith.constant 16 : index
        %swap3A_430 = tpu.vector_load %arg19[%swap3A_428, %swap3A_429] {strides = array<i32>} : memref<16x128xf32, #tpu.memory_space<vmem>>, vector<1x16xf32>,
        %swap3A_431 = vector.shape_cast %swap3A_430 : vector<1x16xf32> to vector<16xf32>
        %swap3A_432 = vector.shape_cast %add3A_427 : vector<16xf32> to vector<1x16xf32>
        tpu.vector_store %arg19[%swap3A_428, %swap3A_429], %swap3A_432 {strides = array<i32>} : memref<16x128xf32, #tpu.memory_space<vmem>>, vector<1x16xf32>,
        %mul3A_433 = arith.constant 8 : i32
        %mul3A_434 = arith.muli %scan3A_258, %mul3A_433 : i32
        %add3A_435 = arith.constant 2 : i32
        %add3A_436 = arith.addi %mul3A_434, %add3A_435 : i32
        %get3A_437 = arith.index_cast %add3A_436 : i32 to index
        %get3A_438 = arith.constant 0 : index
        %get3A_439 = tpu.vector_load %arg15[%get3A_437, %get3A_438] {strides = array<i32>} : memref<128x128xf32, #tpu.memory_space<vmem>>, vector<1x16xf32>,
        %get3A_440 = vector.shape_cast %get3A_439 : vector<1x16xf32> to vector<16xf32>
        %get3A_441 = arith.index_cast %add3A_436 : i32 to index
        %get3A_442 = arith.constant 0 : index
        %get3A_443 = tpu.vector_load %arg16[%get3A_441, %get3A_442] {strides = array<i32>} : memref<128x128xf32, #tpu.memory_space<vmem>>, vector<1x16xf32>,
        %get3A_444 = vector.shape_cast %get3A_443 : vector<1x16xf32> to vector<16xf32>
        %mul3A_445 = arith.mulf %get3A_440, %get3A_444 : vector<16xf32>
        %get3A_446 = arith.index_cast %add3A_436 : i32 to index
        %get3A_447 = arith.constant 16 : index
        %get3A_448 = tpu.vector_load %arg15[%get3A_446, %get3A_447] {strides = array<i32>} : memref<128x128xf32, #tpu.memory_space<vmem>>, vector<1x16xf32>,
        %get3A_449 = vector.shape_cast %get3A_448 : vector<1x16xf32> to vector<16xf32>
        %get3A_450 = arith.index_cast %add3A_436 : i32 to index
        %get3A_451 = arith.constant 16 : index
        %get3A_452 = tpu.vector_load %arg16[%get3A_450, %get3A_451] {strides = array<i32>} : memref<128x128xf32, #tpu.memory_space<vmem>>, vector<1x16xf32>,
        %get3A_453 = vector.shape_cast %get3A_452 : vector<1x16xf32> to vector<16xf32>
        %mul3A_454 = arith.mulf %get3A_449, %get3A_453 : vector<16xf32>
        %add3A_455 = arith.addf %mul3A_445, %mul3A_454 : vector<16xf32>
        %get3A_456 = arith.index_cast %add3A_436 : i32 to index
        %get3A_457 = arith.constant 32 : index
        %get3A_458 = tpu.vector_load %arg15[%get3A_456, %get3A_457] {strides = array<i32>} : memref<128x128xf32, #tpu.memory_space<vmem>>, vector<1x16xf32>,
        %get3A_459 = vector.shape_cast %get3A_458 : vector<1x16xf32> to vector<16xf32>
        %get3A_460 = arith.index_cast %add3A_436 : i32 to index
        %get3A_461 = arith.constant 32 : index
        %get3A_462 = tpu.vector_load %arg16[%get3A_460, %get3A_461] {strides = array<i32>} : memref<128x128xf32, #tpu.memory_space<vmem>>, vector<1x16xf32>,
        %get3A_463 = vector.shape_cast %get3A_462 : vector<1x16xf32> to vector<16xf32>
        %mul3A_464 = arith.mulf %get3A_459, %get3A_463 : vector<16xf32>
        %add3A_465 = arith.addf %add3A_455, %mul3A_464 : vector<16xf32>
        %get3A_466 = arith.index_cast %add3A_436 : i32 to index
        %get3A_467 = arith.constant 48 : index
        %get3A_468 = tpu.vector_load %arg15[%get3A_466, %get3A_467] {strides = array<i32>} : memref<128x128xf32, #tpu.memory_space<vmem>>, vector<1x16xf32>,
        %get3A_469 = vector.shape_cast %get3A_468 : vector<1x16xf32> to vector<16xf32>
        %get3A_470 = arith.index_cast %add3A_436 : i32 to index
        %get3A_471 = arith.constant 48 : index
        %get3A_472 = tpu.vector_load %arg16[%get3A_470, %get3A_471] {strides = array<i32>} : memref<128x128xf32, #tpu.memory_space<vmem>>, vector<1x16xf32>,
        %get3A_473 = vector.shape_cast %get3A_472 : vector<1x16xf32> to vector<16xf32>
        %mul3A_474 = arith.mulf %get3A_469, %get3A_473 : vector<16xf32>
        %add3A_475 = arith.addf %add3A_465, %mul3A_474 : vector<16xf32>
        %get3A_476 = arith.index_cast %add3A_436 : i32 to index
        %get3A_477 = arith.constant 64 : index
        %get3A_478 = tpu.vector_load %arg15[%get3A_476, %get3A_477] {strides = array<i32>} : memref<128x128xf32, #tpu.memory_space<vmem>>, vector<1x16xf32>,
        %get3A_479 = vector.shape_cast %get3A_478 : vector<1x16xf32> to vector<16xf32>
        %get3A_480 = arith.index_cast %add3A_436 : i32 to index
        %get3A_481 = arith.constant 64 : index
        %get3A_482 = tpu.vector_load %arg16[%get3A_480, %get3A_481] {strides = array<i32>} : memref<128x128xf32, #tpu.memory_space<vmem>>, vector<1x16xf32>,
        %get3A_483 = vector.shape_cast %get3A_482 : vector<1x16xf32> to vector<16xf32>
        %mul3A_484 = arith.mulf %get3A_479, %get3A_483 : vector<16xf32>
        %add3A_485 = arith.addf %add3A_475, %mul3A_484 : vector<16xf32>
        %get3A_486 = arith.index_cast %add3A_436 : i32 to index
        %get3A_487 = arith.constant 80 : index
        %get3A_488 = tpu.vector_load %arg15[%get3A_486, %get3A_487] {strides = array<i32>} : memref<128x128xf32, #tpu.memory_space<vmem>>, vector<1x16xf32>,
        %get3A_489 = vector.shape_cast %get3A_488 : vector<1x16xf32> to vector<16xf32>
        %get3A_490 = arith.index_cast %add3A_436 : i32 to index
        %get3A_491 = arith.constant 80 : index
        %get3A_492 = tpu.vector_load %arg16[%get3A_490, %get3A_491] {strides = array<i32>} : memref<128x128xf32, #tpu.memory_space<vmem>>, vector<1x16xf32>,
        %get3A_493 = vector.shape_cast %get3A_492 : vector<1x16xf32> to vector<16xf32>
        %mul3A_494 = arith.mulf %get3A_489, %get3A_493 : vector<16xf32>
        %add3A_495 = arith.addf %add3A_485, %mul3A_494 : vector<16xf32>
        %get3A_496 = arith.index_cast %add3A_436 : i32 to index
        %get3A_497 = arith.constant 96 : index
        %get3A_498 = tpu.vector_load %arg15[%get3A_496, %get3A_497] {strides = array<i32>} : memref<128x128xf32, #tpu.memory_space<vmem>>, vector<1x16xf32>,
        %get3A_499 = vector.shape_cast %get3A_498 : vector<1x16xf32> to vector<16xf32>
        %get3A_500 = arith.index_cast %add3A_436 : i32 to index
        %get3A_501 = arith.constant 96 : index
        %get3A_502 = tpu.vector_load %arg16[%get3A_500, %get3A_501] {strides = array<i32>} : memref<128x128xf32, #tpu.memory_space<vmem>>, vector<1x16xf32>,
        %get3A_503 = vector.shape_cast %get3A_502 : vector<1x16xf32> to vector<16xf32>
        %mul3A_504 = arith.mulf %get3A_499, %get3A_503 : vector<16xf32>
        %add3A_505 = arith.addf %add3A_495, %mul3A_504 : vector<16xf32>
        %get3A_506 = arith.index_cast %add3A_436 : i32 to index
        %get3A_507 = arith.constant 112 : index
        %get3A_508 = tpu.vector_load %arg15[%get3A_506, %get3A_507] {strides = array<i32>} : memref<128x128xf32, #tpu.memory_space<vmem>>, vector<1x16xf32>,
        %get3A_509 = vector.shape_cast %get3A_508 : vector<1x16xf32> to vector<16xf32>
        %get3A_510 = arith.index_cast %add3A_436 : i32 to index
        %get3A_511 = arith.constant 112 : index
        %get3A_512 = tpu.vector_load %arg16[%get3A_510, %get3A_511] {strides = array<i32>} : memref<128x128xf32, #tpu.memory_space<vmem>>, vector<1x16xf32>,
        %get3A_513 = vector.shape_cast %get3A_512 : vector<1x16xf32> to vector<16xf32>
        %mul3A_514 = arith.mulf %get3A_509, %get3A_513 : vector<16xf32>
        %add3A_515 = arith.addf %add3A_505, %mul3A_514 : vector<16xf32>
        %swap3A_516 = arith.index_cast %scan3A_258 : i32 to index
        %swap3A_517 = arith.constant 32 : index
        %swap3A_518 = tpu.vector_load %arg19[%swap3A_516, %swap3A_517] {strides = array<i32>} : memref<16x128xf32, #tpu.memory_space<vmem>>, vector<1x16xf32>,
        %swap3A_519 = vector.shape_cast %swap3A_518 : vector<1x16xf32> to vector<16xf32>
        %swap3A_520 = vector.shape_cast %add3A_515 : vector<16xf32> to vector<1x16xf32>
        tpu.vector_store %arg19[%swap3A_516, %swap3A_517], %swap3A_520 {strides = array<i32>} : memref<16x128xf32, #tpu.memory_space<vmem>>, vector<1x16xf32>,
        %mul3A_521 = arith.constant 8 : i32
        %mul3A_522 = arith.muli %scan3A_258, %mul3A_521 : i32
        %add3A_523 = arith.constant 3 : i32
        %add3A_524 = arith.addi %mul3A_522, %add3A_523 : i32
        %get3A_525 = arith.index_cast %add3A_524 : i32 to index
        %get3A_526 = arith.constant 0 : index
        %get3A_527 = tpu.vector_load %arg15[%get3A_525, %get3A_526] {strides = array<i32>} : memref<128x128xf32, #tpu.memory_space<vmem>>, vector<1x16xf32>,
        %get3A_528 = vector.shape_cast %get3A_527 : vector<1x16xf32> to vector<16xf32>
        %get3A_529 = arith.index_cast %add3A_524 : i32 to index
        %get3A_530 = arith.constant 0 : index
        %get3A_531 = tpu.vector_load %arg16[%get3A_529, %get3A_530] {strides = array<i32>} : memref<128x128xf32, #tpu.memory_space<vmem>>, vector<1x16xf32>,
        %get3A_532 = vector.shape_cast %get3A_531 : vector<1x16xf32> to vector<16xf32>
        %mul3A_533 = arith.mulf %get3A_528, %get3A_532 : vector<16xf32>
        %get3A_534 = arith.index_cast %add3A_524 : i32 to index
        %get3A_535 = arith.constant 16 : index
        %get3A_536 = tpu.vector_load %arg15[%get3A_534, %get3A_535] {strides = array<i32>} : memref<128x128xf32, #tpu.memory_space<vmem>>, vector<1x16xf32>,
        %get3A_537 = vector.shape_cast %get3A_536 : vector<1x16xf32> to vector<16xf32>
        %get3A_538 = arith.index_cast %add3A_524 : i32 to index
        %get3A_539 = arith.constant 16 : index
        %get3A_540 = tpu.vector_load %arg16[%get3A_538, %get3A_539] {strides = array<i32>} : memref<128x128xf32, #tpu.memory_space<vmem>>, vector<1x16xf32>,
        %get3A_541 = vector.shape_cast %get3A_540 : vector<1x16xf32> to vector<16xf32>
        %mul3A_542 = arith.mulf %get3A_537, %get3A_541 : vector<16xf32>
        %add3A_543 = arith.addf %mul3A_533, %mul3A_542 : vector<16xf32>
        %get3A_544 = arith.index_cast %add3A_524 : i32 to index
        %get3A_545 = arith.constant 32 : index
        %get3A_546 = tpu.vector_load %arg15[%get3A_544, %get3A_545] {strides = array<i32>} : memref<128x128xf32, #tpu.memory_space<vmem>>, vector<1x16xf32>,
        %get3A_547 = vector.shape_cast %get3A_546 : vector<1x16xf32> to vector<16xf32>
        %get3A_548 = arith.index_cast %add3A_524 : i32 to index
        %get3A_549 = arith.constant 32 : index
        %get3A_550 = tpu.vector_load %arg16[%get3A_548, %get3A_549] {strides = array<i32>} : memref<128x128xf32, #tpu.memory_space<vmem>>, vector<1x16xf32>,
        %get3A_551 = vector.shape_cast %get3A_550 : vector<1x16xf32> to vector<16xf32>
        %mul3A_552 = arith.mulf %get3A_547, %get3A_551 : vector<16xf32>
        %add3A_553 = arith.addf %add3A_543, %mul3A_552 : vector<16xf32>
        %get3A_554 = arith.index_cast %add3A_524 : i32 to index
        %get3A_555 = arith.constant 48 : index
        %get3A_556 = tpu.vector_load %arg15[%get3A_554, %get3A_555] {strides = array<i32>} : memref<128x128xf32, #tpu.memory_space<vmem>>, vector<1x16xf32>,
        %get3A_557 = vector.shape_cast %get3A_556 : vector<1x16xf32> to vector<16xf32>
        %get3A_558 = arith.index_cast %add3A_524 : i32 to index
        %get3A_559 = arith.constant 48 : index
        %get3A_560 = tpu.vector_load %arg16[%get3A_558, %get3A_559] {strides = array<i32>} : memref<128x128xf32, #tpu.memory_space<vmem>>, vector<1x16xf32>,
        %get3A_561 = vector.shape_cast %get3A_560 : vector<1x16xf32> to vector<16xf32>
        %mul3A_562 = arith.mulf %get3A_557, %get3A_561 : vector<16xf32>
        %add3A_563 = arith.addf %add3A_553, %mul3A_562 : vector<16xf32>
        %get3A_564 = arith.index_cast %add3A_524 : i32 to index
        %get3A_565 = arith.constant 64 : index
        %get3A_566 = tpu.vector_load %arg15[%get3A_564, %get3A_565] {strides = array<i32>} : memref<128x128xf32, #tpu.memory_space<vmem>>, vector<1x16xf32>,
        %get3A_567 = vector.shape_cast %get3A_566 : vector<1x16xf32> to vector<16xf32>
        %get3A_568 = arith.index_cast %add3A_524 : i32 to index
        %get3A_569 = arith.constant 64 : index
        %get3A_570 = tpu.vector_load %arg16[%get3A_568, %get3A_569] {strides = array<i32>} : memref<128x128xf32, #tpu.memory_space<vmem>>, vector<1x16xf32>,
        %get3A_571 = vector.shape_cast %get3A_570 : vector<1x16xf32> to vector<16xf32>
        %mul3A_572 = arith.mulf %get3A_567, %get3A_571 : vector<16xf32>
        %add3A_573 = arith.addf %add3A_563, %mul3A_572 : vector<16xf32>
        %get3A_574 = arith.index_cast %add3A_524 : i32 to index
        %get3A_575 = arith.constant 80 : index
        %get3A_576 = tpu.vector_load %arg15[%get3A_574, %get3A_575] {strides = array<i32>} : memref<128x128xf32, #tpu.memory_space<vmem>>, vector<1x16xf32>,
        %get3A_577 = vector.shape_cast %get3A_576 : vector<1x16xf32> to vector<16xf32>
        %get3A_578 = arith.index_cast %add3A_524 : i32 to index
        %get3A_579 = arith.constant 80 : index
        %get3A_580 = tpu.vector_load %arg16[%get3A_578, %get3A_579] {strides = array<i32>} : memref<128x128xf32, #tpu.memory_space<vmem>>, vector<1x16xf32>,
        %get3A_581 = vector.shape_cast %get3A_580 : vector<1x16xf32> to vector<16xf32>
        %mul3A_582 = arith.mulf %get3A_577, %get3A_581 : vector<16xf32>
        %add3A_583 = arith.addf %add3A_573, %mul3A_582 : vector<16xf32>
        %get3A_584 = arith.index_cast %add3A_524 : i32 to index
        %get3A_585 = arith.constant 96 : index
        %get3A_586 = tpu.vector_load %arg15[%get3A_584, %get3A_585] {strides = array<i32>} : memref<128x128xf32, #tpu.memory_space<vmem>>, vector<1x16xf32>,
        %get3A_587 = vector.shape_cast %get3A_586 : vector<1x16xf32> to vector<16xf32>
        %get3A_588 = arith.index_cast %add3A_524 : i32 to index
        %get3A_589 = arith.constant 96 : index
        %get3A_590 = tpu.vector_load %arg16[%get3A_588, %get3A_589] {strides = array<i32>} : memref<128x128xf32, #tpu.memory_space<vmem>>, vector<1x16xf32>,
        %get3A_591 = vector.shape_cast %get3A_590 : vector<1x16xf32> to vector<16xf32>
        %mul3A_592 = arith.mulf %get3A_587, %get3A_591 : vector<16xf32>
        %add3A_593 = arith.addf %add3A_583, %mul3A_592 : vector<16xf32>
        %get3A_594 = arith.index_cast %add3A_524 : i32 to index
        %get3A_595 = arith.constant 112 : index
        %get3A_596 = tpu.vector_load %arg15[%get3A_594, %get3A_595] {strides = array<i32>} : memref<128x128xf32, #tpu.memory_space<vmem>>, vector<1x16xf32>,
        %get3A_597 = vector.shape_cast %get3A_596 : vector<1x16xf32> to vector<16xf32>
        %get3A_598 = arith.index_cast %add3A_524 : i32 to index
        %get3A_599 = arith.constant 112 : index
        %get3A_600 = tpu.vector_load %arg16[%get3A_598, %get3A_599] {strides = array<i32>} : memref<128x128xf32, #tpu.memory_space<vmem>>, vector<1x16xf32>,
        %get3A_601 = vector.shape_cast %get3A_600 : vector<1x16xf32> to vector<16xf32>
        %mul3A_602 = arith.mulf %get3A_597, %get3A_601 : vector<16xf32>
        %add3A_603 = arith.addf %add3A_593, %mul3A_602 : vector<16xf32>
        %swap3A_604 = arith.index_cast %scan3A_258 : i32 to index
        %swap3A_605 = arith.constant 48 : index
        %swap3A_606 = tpu.vector_load %arg19[%swap3A_604, %swap3A_605] {strides = array<i32>} : memref<16x128xf32, #tpu.memory_space<vmem>>, vector<1x16xf32>,
        %swap3A_607 = vector.shape_cast %swap3A_606 : vector<1x16xf32> to vector<16xf32>
        %swap3A_608 = vector.shape_cast %add3A_603 : vector<16xf32> to vector<1x16xf32>
        tpu.vector_store %arg19[%swap3A_604, %swap3A_605], %swap3A_608 {strides = array<i32>} : memref<16x128xf32, #tpu.memory_space<vmem>>, vector<1x16xf32>,
        %mul3A_609 = arith.constant 8 : i32
        %mul3A_610 = arith.muli %scan3A_258, %mul3A_609 : i32
        %add3A_611 = arith.constant 4 : i32
        %add3A_612 = arith.addi %mul3A_610, %add3A_611 : i32
        %get3A_613 = arith.index_cast %add3A_612 : i32 to index
        %get3A_614 = arith.constant 0 : index
        %get3A_615 = tpu.vector_load %arg15[%get3A_613, %get3A_614] {strides = array<i32>} : memref<128x128xf32, #tpu.memory_space<vmem>>, vector<1x16xf32>,
        %get3A_616 = vector.shape_cast %get3A_615 : vector<1x16xf32> to vector<16xf32>
        %get3A_617 = arith.index_cast %add3A_612 : i32 to index
        %get3A_618 = arith.constant 0 : index
        %get3A_619 = tpu.vector_load %arg16[%get3A_617, %get3A_618] {strides = array<i32>} : memref<128x128xf32, #tpu.memory_space<vmem>>, vector<1x16xf32>,
        %get3A_620 = vector.shape_cast %get3A_619 : vector<1x16xf32> to vector<16xf32>
        %mul3A_621 = arith.mulf %get3A_616, %get3A_620 : vector<16xf32>
        %get3A_622 = arith.index_cast %add3A_612 : i32 to index
        %get3A_623 = arith.constant 16 : index
        %get3A_624 = tpu.vector_load %arg15[%get3A_622, %get3A_623] {strides = array<i32>} : memref<128x128xf32, #tpu.memory_space<vmem>>, vector<1x16xf32>,
        %get3A_625 = vector.shape_cast %get3A_624 : vector<1x16xf32> to vector<16xf32>
        %get3A_626 = arith.index_cast %add3A_612 : i32 to index
        %get3A_627 = arith.constant 16 : index
        %get3A_628 = tpu.vector_load %arg16[%get3A_626, %get3A_627] {strides = array<i32>} : memref<128x128xf32, #tpu.memory_space<vmem>>, vector<1x16xf32>,
        %get3A_629 = vector.shape_cast %get3A_628 : vector<1x16xf32> to vector<16xf32>
        %mul3A_630 = arith.mulf %get3A_625, %get3A_629 : vector<16xf32>
        %add3A_631 = arith.addf %mul3A_621, %mul3A_630 : vector<16xf32>
        %get3A_632 = arith.index_cast %add3A_612 : i32 to index
        %get3A_633 = arith.constant 32 : index
        %get3A_634 = tpu.vector_load %arg15[%get3A_632, %get3A_633] {strides = array<i32>} : memref<128x128xf32, #tpu.memory_space<vmem>>, vector<1x16xf32>,
        %get3A_635 = vector.shape_cast %get3A_634 : vector<1x16xf32> to vector<16xf32>
        %get3A_636 = arith.index_cast %add3A_612 : i32 to index
        %get3A_637 = arith.constant 32 : index
        %get3A_638 = tpu.vector_load %arg16[%get3A_636, %get3A_637] {strides = array<i32>} : memref<128x128xf32, #tpu.memory_space<vmem>>, vector<1x16xf32>,
        %get3A_639 = vector.shape_cast %get3A_638 : vector<1x16xf32> to vector<16xf32>
        %mul3A_640 = arith.mulf %get3A_635, %get3A_639 : vector<16xf32>
        %add3A_641 = arith.addf %add3A_631, %mul3A_640 : vector<16xf32>
        %get3A_642 = arith.index_cast %add3A_612 : i32 to index
        %get3A_643 = arith.constant 48 : index
        %get3A_644 = tpu.vector_load %arg15[%get3A_642, %get3A_643] {strides = array<i32>} : memref<128x128xf32, #tpu.memory_space<vmem>>, vector<1x16xf32>,
        %get3A_645 = vector.shape_cast %get3A_644 : vector<1x16xf32> to vector<16xf32>
        %get3A_646 = arith.index_cast %add3A_612 : i32 to index
        %get3A_647 = arith.constant 48 : index
        %get3A_648 = tpu.vector_load %arg16[%get3A_646, %get3A_647] {strides = array<i32>} : memref<128x128xf32, #tpu.memory_space<vmem>>, vector<1x16xf32>,
        %get3A_649 = vector.shape_cast %get3A_648 : vector<1x16xf32> to vector<16xf32>
        %mul3A_650 = arith.mulf %get3A_645, %get3A_649 : vector<16xf32>
        %add3A_651 = arith.addf %add3A_641, %mul3A_650 : vector<16xf32>
        %get3A_652 = arith.index_cast %add3A_612 : i32 to index
        %get3A_653 = arith.constant 64 : index
        %get3A_654 = tpu.vector_load %arg15[%get3A_652, %get3A_653] {strides = array<i32>} : memref<128x128xf32, #tpu.memory_space<vmem>>, vector<1x16xf32>,
        %get3A_655 = vector.shape_cast %get3A_654 : vector<1x16xf32> to vector<16xf32>
        %get3A_656 = arith.index_cast %add3A_612 : i32 to index
        %get3A_657 = arith.constant 64 : index
        %get3A_658 = tpu.vector_load %arg16[%get3A_656, %get3A_657] {strides = array<i32>} : memref<128x128xf32, #tpu.memory_space<vmem>>, vector<1x16xf32>,
        %get3A_659 = vector.shape_cast %get3A_658 : vector<1x16xf32> to vector<16xf32>
        %mul3A_660 = arith.mulf %get3A_655, %get3A_659 : vector<16xf32>
        %add3A_661 = arith.addf %add3A_651, %mul3A_660 : vector<16xf32>
        %get3A_662 = arith.index_cast %add3A_612 : i32 to index
        %get3A_663 = arith.constant 80 : index
        %get3A_664 = tpu.vector_load %arg15[%get3A_662, %get3A_663] {strides = array<i32>} : memref<128x128xf32, #tpu.memory_space<vmem>>, vector<1x16xf32>,
        %get3A_665 = vector.shape_cast %get3A_664 : vector<1x16xf32> to vector<16xf32>
        %get3A_666 = arith.index_cast %add3A_612 : i32 to index
        %get3A_667 = arith.constant 80 : index
        %get3A_668 = tpu.vector_load %arg16[%get3A_666, %get3A_667] {strides = array<i32>} : memref<128x128xf32, #tpu.memory_space<vmem>>, vector<1x16xf32>,
        %get3A_669 = vector.shape_cast %get3A_668 : vector<1x16xf32> to vector<16xf32>
        %mul3A_670 = arith.mulf %get3A_665, %get3A_669 : vector<16xf32>
        %add3A_671 = arith.addf %add3A_661, %mul3A_670 : vector<16xf32>
        %get3A_672 = arith.index_cast %add3A_612 : i32 to index
        %get3A_673 = arith.constant 96 : index
        %get3A_674 = tpu.vector_load %arg15[%get3A_672, %get3A_673] {strides = array<i32>} : memref<128x128xf32, #tpu.memory_space<vmem>>, vector<1x16xf32>,
        %get3A_675 = vector.shape_cast %get3A_674 : vector<1x16xf32> to vector<16xf32>
        %get3A_676 = arith.index_cast %add3A_612 : i32 to index
        %get3A_677 = arith.constant 96 : index
        %get3A_678 = tpu.vector_load %arg16[%get3A_676, %get3A_677] {strides = array<i32>} : memref<128x128xf32, #tpu.memory_space<vmem>>, vector<1x16xf32>,
        %get3A_679 = vector.shape_cast %get3A_678 : vector<1x16xf32> to vector<16xf32>
        %mul3A_680 = arith.mulf %get3A_675, %get3A_679 : vector<16xf32>
        %add3A_681 = arith.addf %add3A_671, %mul3A_680 : vector<16xf32>
        %get3A_682 = arith.index_cast %add3A_612 : i32 to index
        %get3A_683 = arith.constant 112 : index
        %get3A_684 = tpu.vector_load %arg15[%get3A_682, %get3A_683] {strides = array<i32>} : memref<128x128xf32, #tpu.memory_space<vmem>>, vector<1x16xf32>,
        %get3A_685 = vector.shape_cast %get3A_684 : vector<1x16xf32> to vector<16xf32>
        %get3A_686 = arith.index_cast %add3A_612 : i32 to index
        %get3A_687 = arith.constant 112 : index
        %get3A_688 = tpu.vector_load %arg16[%get3A_686, %get3A_687] {strides = array<i32>} : memref<128x128xf32, #tpu.memory_space<vmem>>, vector<1x16xf32>,
        %get3A_689 = vector.shape_cast %get3A_688 : vector<1x16xf32> to vector<16xf32>
        %mul3A_690 = arith.mulf %get3A_685, %get3A_689 : vector<16xf32>
        %add3A_691 = arith.addf %add3A_681, %mul3A_690 : vector<16xf32>
        %swap3A_692 = arith.index_cast %scan3A_258 : i32 to index
        %swap3A_693 = arith.constant 64 : index
        %swap3A_694 = tpu.vector_load %arg19[%swap3A_692, %swap3A_693] {strides = array<i32>} : memref<16x128xf32, #tpu.memory_space<vmem>>, vector<1x16xf32>,
        %swap3A_695 = vector.shape_cast %swap3A_694 : vector<1x16xf32> to vector<16xf32>
        %swap3A_696 = vector.shape_cast %add3A_691 : vector<16xf32> to vector<1x16xf32>
        tpu.vector_store %arg19[%swap3A_692, %swap3A_693], %swap3A_696 {strides = array<i32>} : memref<16x128xf32, #tpu.memory_space<vmem>>, vector<1x16xf32>,
        %mul3A_697 = arith.constant 8 : i32
        %mul3A_698 = arith.muli %scan3A_258, %mul3A_697 : i32
        %add3A_699 = arith.constant 5 : i32
        %add3A_700 = arith.addi %mul3A_698, %add3A_699 : i32
        %get3A_701 = arith.index_cast %add3A_700 : i32 to index
        %get3A_702 = arith.constant 0 : index
        %get3A_703 = tpu.vector_load %arg15[%get3A_701, %get3A_702] {strides = array<i32>} : memref<128x128xf32, #tpu.memory_space<vmem>>, vector<1x16xf32>,
        %get3A_704 = vector.shape_cast %get3A_703 : vector<1x16xf32> to vector<16xf32>
        %get3A_705 = arith.index_cast %add3A_700 : i32 to index
        %get3A_706 = arith.constant 0 : index
        %get3A_707 = tpu.vector_load %arg16[%get3A_705, %get3A_706] {strides = array<i32>} : memref<128x128xf32, #tpu.memory_space<vmem>>, vector<1x16xf32>,
        %get3A_708 = vector.shape_cast %get3A_707 : vector<1x16xf32> to vector<16xf32>
        %mul3A_709 = arith.mulf %get3A_704, %get3A_708 : vector<16xf32>
        %get3A_710 = arith.index_cast %add3A_700 : i32 to index
        %get3A_711 = arith.constant 16 : index
        %get3A_712 = tpu.vector_load %arg15[%get3A_710, %get3A_711] {strides = array<i32>} : memref<128x128xf32, #tpu.memory_space<vmem>>, vector<1x16xf32>,
        %get3A_713 = vector.shape_cast %get3A_712 : vector<1x16xf32> to vector<16xf32>
        %get3A_714 = arith.index_cast %add3A_700 : i32 to index
        %get3A_715 = arith.constant 16 : index
        %get3A_716 = tpu.vector_load %arg16[%get3A_714, %get3A_715] {strides = array<i32>} : memref<128x128xf32, #tpu.memory_space<vmem>>, vector<1x16xf32>,
        %get3A_717 = vector.shape_cast %get3A_716 : vector<1x16xf32> to vector<16xf32>
        %mul3A_718 = arith.mulf %get3A_713, %get3A_717 : vector<16xf32>
        %add3A_719 = arith.addf %mul3A_709, %mul3A_718 : vector<16xf32>
        %get3A_720 = arith.index_cast %add3A_700 : i32 to index
        %get3A_721 = arith.constant 32 : index
        %get3A_722 = tpu.vector_load %arg15[%get3A_720, %get3A_721] {strides = array<i32>} : memref<128x128xf32, #tpu.memory_space<vmem>>, vector<1x16xf32>,
        %get3A_723 = vector.shape_cast %get3A_722 : vector<1x16xf32> to vector<16xf32>
        %get3A_724 = arith.index_cast %add3A_700 : i32 to index
        %get3A_725 = arith.constant 32 : index
        %get3A_726 = tpu.vector_load %arg16[%get3A_724, %get3A_725] {strides = array<i32>} : memref<128x128xf32, #tpu.memory_space<vmem>>, vector<1x16xf32>,
        %get3A_727 = vector.shape_cast %get3A_726 : vector<1x16xf32> to vector<16xf32>
        %mul3A_728 = arith.mulf %get3A_723, %get3A_727 : vector<16xf32>
        %add3A_729 = arith.addf %add3A_719, %mul3A_728 : vector<16xf32>
        %get3A_730 = arith.index_cast %add3A_700 : i32 to index
        %get3A_731 = arith.constant 48 : index
        %get3A_732 = tpu.vector_load %arg15[%get3A_730, %get3A_731] {strides = array<i32>} : memref<128x128xf32, #tpu.memory_space<vmem>>, vector<1x16xf32>,
        %get3A_733 = vector.shape_cast %get3A_732 : vector<1x16xf32> to vector<16xf32>
        %get3A_734 = arith.index_cast %add3A_700 : i32 to index
        %get3A_735 = arith.constant 48 : index
        %get3A_736 = tpu.vector_load %arg16[%get3A_734, %get3A_735] {strides = array<i32>} : memref<128x128xf32, #tpu.memory_space<vmem>>, vector<1x16xf32>,
        %get3A_737 = vector.shape_cast %get3A_736 : vector<1x16xf32> to vector<16xf32>
        %mul3A_738 = arith.mulf %get3A_733, %get3A_737 : vector<16xf32>
        %add3A_739 = arith.addf %add3A_729, %mul3A_738 : vector<16xf32>
        %get3A_740 = arith.index_cast %add3A_700 : i32 to index
        %get3A_741 = arith.constant 64 : index
        %get3A_742 = tpu.vector_load %arg15[%get3A_740, %get3A_741] {strides = array<i32>} : memref<128x128xf32, #tpu.memory_space<vmem>>, vector<1x16xf32>,
        %get3A_743 = vector.shape_cast %get3A_742 : vector<1x16xf32> to vector<16xf32>
        %get3A_744 = arith.index_cast %add3A_700 : i32 to index
        %get3A_745 = arith.constant 64 : index
        %get3A_746 = tpu.vector_load %arg16[%get3A_744, %get3A_745] {strides = array<i32>} : memref<128x128xf32, #tpu.memory_space<vmem>>, vector<1x16xf32>,
        %get3A_747 = vector.shape_cast %get3A_746 : vector<1x16xf32> to vector<16xf32>
        %mul3A_748 = arith.mulf %get3A_743, %get3A_747 : vector<16xf32>
        %add3A_749 = arith.addf %add3A_739, %mul3A_748 : vector<16xf32>
        %get3A_750 = arith.index_cast %add3A_700 : i32 to index
        %get3A_751 = arith.constant 80 : index
        %get3A_752 = tpu.vector_load %arg15[%get3A_750, %get3A_751] {strides = array<i32>} : memref<128x128xf32, #tpu.memory_space<vmem>>, vector<1x16xf32>,
        %get3A_753 = vector.shape_cast %get3A_752 : vector<1x16xf32> to vector<16xf32>
        %get3A_754 = arith.index_cast %add3A_700 : i32 to index
        %get3A_755 = arith.constant 80 : index
        %get3A_756 = tpu.vector_load %arg16[%get3A_754, %get3A_755] {strides = array<i32>} : memref<128x128xf32, #tpu.memory_space<vmem>>, vector<1x16xf32>,
        %get3A_757 = vector.shape_cast %get3A_756 : vector<1x16xf32> to vector<16xf32>
        %mul3A_758 = arith.mulf %get3A_753, %get3A_757 : vector<16xf32>
        %add3A_759 = arith.addf %add3A_749, %mul3A_758 : vector<16xf32>
        %get3A_760 = arith.index_cast %add3A_700 : i32 to index
        %get3A_761 = arith.constant 96 : index
        %get3A_762 = tpu.vector_load %arg15[%get3A_760, %get3A_761] {strides = array<i32>} : memref<128x128xf32, #tpu.memory_space<vmem>>, vector<1x16xf32>,
        %get3A_763 = vector.shape_cast %get3A_762 : vector<1x16xf32> to vector<16xf32>
        %get3A_764 = arith.index_cast %add3A_700 : i32 to index
        %get3A_765 = arith.constant 96 : index
        %get3A_766 = tpu.vector_load %arg16[%get3A_764, %get3A_765] {strides = array<i32>} : memref<128x128xf32, #tpu.memory_space<vmem>>, vector<1x16xf32>,
        %get3A_767 = vector.shape_cast %get3A_766 : vector<1x16xf32> to vector<16xf32>
        %mul3A_768 = arith.mulf %get3A_763, %get3A_767 : vector<16xf32>
        %add3A_769 = arith.addf %add3A_759, %mul3A_768 : vector<16xf32>
        %get3A_770 = arith.index_cast %add3A_700 : i32 to index
        %get3A_771 = arith.constant 112 : index
        %get3A_772 = tpu.vector_load %arg15[%get3A_770, %get3A_771] {strides = array<i32>} : memref<128x128xf32, #tpu.memory_space<vmem>>, vector<1x16xf32>,
        %get3A_773 = vector.shape_cast %get3A_772 : vector<1x16xf32> to vector<16xf32>
        %get3A_774 = arith.index_cast %add3A_700 : i32 to index
        %get3A_775 = arith.constant 112 : index
        %get3A_776 = tpu.vector_load %arg16[%get3A_774, %get3A_775] {strides = array<i32>} : memref<128x128xf32, #tpu.memory_space<vmem>>, vector<1x16xf32>,
        %get3A_777 = vector.shape_cast %get3A_776 : vector<1x16xf32> to vector<16xf32>
        %mul3A_778 = arith.mulf %get3A_773, %get3A_777 : vector<16xf32>
        %add3A_779 = arith.addf %add3A_769, %mul3A_778 : vector<16xf32>
        %swap3A_780 = arith.index_cast %scan3A_258 : i32 to index
        %swap3A_781 = arith.constant 80 : index
        %swap3A_782 = tpu.vector_load %arg19[%swap3A_780, %swap3A_781] {strides = array<i32>} : memref<16x128xf32, #tpu.memory_space<vmem>>, vector<1x16xf32>,
        %swap3A_783 = vector.shape_cast %swap3A_782 : vector<1x16xf32> to vector<16xf32>
        %swap3A_784 = vector.shape_cast %add3A_779 : vector<16xf32> to vector<1x16xf32>
        tpu.vector_store %arg19[%swap3A_780, %swap3A_781], %swap3A_784 {strides = array<i32>} : memref<16x128xf32, #tpu.memory_space<vmem>>, vector<1x16xf32>,
        %mul3A_785 = arith.constant 8 : i32
        %mul3A_786 = arith.muli %scan3A_258, %mul3A_785 : i32
        %add3A_787 = arith.constant 6 : i32
        %add3A_788 = arith.addi %mul3A_786, %add3A_787 : i32
        %get3A_789 = arith.index_cast %add3A_788 : i32 to index
        %get3A_790 = arith.constant 0 : index
        %get3A_791 = tpu.vector_load %arg15[%get3A_789, %get3A_790] {strides = array<i32>} : memref<128x128xf32, #tpu.memory_space<vmem>>, vector<1x16xf32>,
        %get3A_792 = vector.shape_cast %get3A_791 : vector<1x16xf32> to vector<16xf32>
        %get3A_793 = arith.index_cast %add3A_788 : i32 to index
        %get3A_794 = arith.constant 0 : index
        %get3A_795 = tpu.vector_load %arg16[%get3A_793, %get3A_794] {strides = array<i32>} : memref<128x128xf32, #tpu.memory_space<vmem>>, vector<1x16xf32>,
        %get3A_796 = vector.shape_cast %get3A_795 : vector<1x16xf32> to vector<16xf32>
        %mul3A_797 = arith.mulf %get3A_792, %get3A_796 : vector<16xf32>
        %get3A_798 = arith.index_cast %add3A_788 : i32 to index
        %get3A_799 = arith.constant 16 : index
        %get3A_800 = tpu.vector_load %arg15[%get3A_798, %get3A_799] {strides = array<i32>} : memref<128x128xf32, #tpu.memory_space<vmem>>, vector<1x16xf32>,
        %get3A_801 = vector.shape_cast %get3A_800 : vector<1x16xf32> to vector<16xf32>
        %get3A_802 = arith.index_cast %add3A_788 : i32 to index
        %get3A_803 = arith.constant 16 : index
        %get3A_804 = tpu.vector_load %arg16[%get3A_802, %get3A_803] {strides = array<i32>} : memref<128x128xf32, #tpu.memory_space<vmem>>, vector<1x16xf32>,
        %get3A_805 = vector.shape_cast %get3A_804 : vector<1x16xf32> to vector<16xf32>
        %mul3A_806 = arith.mulf %get3A_801, %get3A_805 : vector<16xf32>
        %add3A_807 = arith.addf %mul3A_797, %mul3A_806 : vector<16xf32>
        %get3A_808 = arith.index_cast %add3A_788 : i32 to index
        %get3A_809 = arith.constant 32 : index
        %get3A_810 = tpu.vector_load %arg15[%get3A_808, %get3A_809] {strides = array<i32>} : memref<128x128xf32, #tpu.memory_space<vmem>>, vector<1x16xf32>,
        %get3A_811 = vector.shape_cast %get3A_810 : vector<1x16xf32> to vector<16xf32>
        %get3A_812 = arith.index_cast %add3A_788 : i32 to index
        %get3A_813 = arith.constant 32 : index
        %get3A_814 = tpu.vector_load %arg16[%get3A_812, %get3A_813] {strides = array<i32>} : memref<128x128xf32, #tpu.memory_space<vmem>>, vector<1x16xf32>,
        %get3A_815 = vector.shape_cast %get3A_814 : vector<1x16xf32> to vector<16xf32>
        %mul3A_816 = arith.mulf %get3A_811, %get3A_815 : vector<16xf32>
        %add3A_817 = arith.addf %add3A_807, %mul3A_816 : vector<16xf32>
        %get3A_818 = arith.index_cast %add3A_788 : i32 to index
        %get3A_819 = arith.constant 48 : index
        %get3A_820 = tpu.vector_load %arg15[%get3A_818, %get3A_819] {strides = array<i32>} : memref<128x128xf32, #tpu.memory_space<vmem>>, vector<1x16xf32>,
        %get3A_821 = vector.shape_cast %get3A_820 : vector<1x16xf32> to vector<16xf32>
        %get3A_822 = arith.index_cast %add3A_788 : i32 to index
        %get3A_823 = arith.constant 48 : index
        %get3A_824 = tpu.vector_load %arg16[%get3A_822, %get3A_823] {strides = array<i32>} : memref<128x128xf32, #tpu.memory_space<vmem>>, vector<1x16xf32>,
        %get3A_825 = vector.shape_cast %get3A_824 : vector<1x16xf32> to vector<16xf32>
        %mul3A_826 = arith.mulf %get3A_821, %get3A_825 : vector<16xf32>
        %add3A_827 = arith.addf %add3A_817, %mul3A_826 : vector<16xf32>
        %get3A_828 = arith.index_cast %add3A_788 : i32 to index
        %get3A_829 = arith.constant 64 : index
        %get3A_830 = tpu.vector_load %arg15[%get3A_828, %get3A_829] {strides = array<i32>} : memref<128x128xf32, #tpu.memory_space<vmem>>, vector<1x16xf32>,
        %get3A_831 = vector.shape_cast %get3A_830 : vector<1x16xf32> to vector<16xf32>
        %get3A_832 = arith.index_cast %add3A_788 : i32 to index
        %get3A_833 = arith.constant 64 : index
        %get3A_834 = tpu.vector_load %arg16[%get3A_832, %get3A_833] {strides = array<i32>} : memref<128x128xf32, #tpu.memory_space<vmem>>, vector<1x16xf32>,
        %get3A_835 = vector.shape_cast %get3A_834 : vector<1x16xf32> to vector<16xf32>
        %mul3A_836 = arith.mulf %get3A_831, %get3A_835 : vector<16xf32>
        %add3A_837 = arith.addf %add3A_827, %mul3A_836 : vector<16xf32>
        %get3A_838 = arith.index_cast %add3A_788 : i32 to index
        %get3A_839 = arith.constant 80 : index
        %get3A_840 = tpu.vector_load %arg15[%get3A_838, %get3A_839] {strides = array<i32>} : memref<128x128xf32, #tpu.memory_space<vmem>>, vector<1x16xf32>,
        %get3A_841 = vector.shape_cast %get3A_840 : vector<1x16xf32> to vector<16xf32>
        %get3A_842 = arith.index_cast %add3A_788 : i32 to index
        %get3A_843 = arith.constant 80 : index
        %get3A_844 = tpu.vector_load %arg16[%get3A_842, %get3A_843] {strides = array<i32>} : memref<128x128xf32, #tpu.memory_space<vmem>>, vector<1x16xf32>,
        %get3A_845 = vector.shape_cast %get3A_844 : vector<1x16xf32> to vector<16xf32>
        %mul3A_846 = arith.mulf %get3A_841, %get3A_845 : vector<16xf32>
        %add3A_847 = arith.addf %add3A_837, %mul3A_846 : vector<16xf32>
        %get3A_848 = arith.index_cast %add3A_788 : i32 to index
        %get3A_849 = arith.constant 96 : index
        %get3A_850 = tpu.vector_load %arg15[%get3A_848, %get3A_849] {strides = array<i32>} : memref<128x128xf32, #tpu.memory_space<vmem>>, vector<1x16xf32>,
        %get3A_851 = vector.shape_cast %get3A_850 : vector<1x16xf32> to vector<16xf32>
        %get3A_852 = arith.index_cast %add3A_788 : i32 to index
        %get3A_853 = arith.constant 96 : index
        %get3A_854 = tpu.vector_load %arg16[%get3A_852, %get3A_853] {strides = array<i32>} : memref<128x128xf32, #tpu.memory_space<vmem>>, vector<1x16xf32>,
        %get3A_855 = vector.shape_cast %get3A_854 : vector<1x16xf32> to vector<16xf32>
        %mul3A_856 = arith.mulf %get3A_851, %get3A_855 : vector<16xf32>
        %add3A_857 = arith.addf %add3A_847, %mul3A_856 : vector<16xf32>
        %get3A_858 = arith.index_cast %add3A_788 : i32 to index
        %get3A_859 = arith.constant 112 : index
        %get3A_860 = tpu.vector_load %arg15[%get3A_858, %get3A_859] {strides = array<i32>} : memref<128x128xf32, #tpu.memory_space<vmem>>, vector<1x16xf32>,
        %get3A_861 = vector.shape_cast %get3A_860 : vector<1x16xf32> to vector<16xf32>
        %get3A_862 = arith.index_cast %add3A_788 : i32 to index
        %get3A_863 = arith.constant 112 : index
        %get3A_864 = tpu.vector_load %arg16[%get3A_862, %get3A_863] {strides = array<i32>} : memref<128x128xf32, #tpu.memory_space<vmem>>, vector<1x16xf32>,
        %get3A_865 = vector.shape_cast %get3A_864 : vector<1x16xf32> to vector<16xf32>
        %mul3A_866 = arith.mulf %get3A_861, %get3A_865 : vector<16xf32>
        %add3A_867 = arith.addf %add3A_857, %mul3A_866 : vector<16xf32>
        %swap3A_868 = arith.index_cast %scan3A_258 : i32 to index
        %swap3A_869 = arith.constant 96 : index
        %swap3A_870 = tpu.vector_load %arg19[%swap3A_868, %swap3A_869] {strides = array<i32>} : memref<16x128xf32, #tpu.memory_space<vmem>>, vector<1x16xf32>,
        %swap3A_871 = vector.shape_cast %swap3A_870 : vector<1x16xf32> to vector<16xf32>
        %swap3A_872 = vector.shape_cast %add3A_867 : vector<16xf32> to vector<1x16xf32>
        tpu.vector_store %arg19[%swap3A_868, %swap3A_869], %swap3A_872 {strides = array<i32>} : memref<16x128xf32, #tpu.memory_space<vmem>>, vector<1x16xf32>,
        %mul3A_873 = arith.constant 8 : i32
        %mul3A_874 = arith.muli %scan3A_258, %mul3A_873 : i32
        %add3A_875 = arith.constant 7 : i32
        %add3A_876 = arith.addi %mul3A_874, %add3A_875 : i32
        %get3A_877 = arith.index_cast %add3A_876 : i32 to index
        %get3A_878 = arith.constant 0 : index
        %get3A_879 = tpu.vector_load %arg15[%get3A_877, %get3A_878] {strides = array<i32>} : memref<128x128xf32, #tpu.memory_space<vmem>>, vector<1x16xf32>,
        %get3A_880 = vector.shape_cast %get3A_879 : vector<1x16xf32> to vector<16xf32>
        %get3A_881 = arith.index_cast %add3A_876 : i32 to index
        %get3A_882 = arith.constant 0 : index
        %get3A_883 = tpu.vector_load %arg16[%get3A_881, %get3A_882] {strides = array<i32>} : memref<128x128xf32, #tpu.memory_space<vmem>>, vector<1x16xf32>,
        %get3A_884 = vector.shape_cast %get3A_883 : vector<1x16xf32> to vector<16xf32>
        %mul3A_885 = arith.mulf %get3A_880, %get3A_884 : vector<16xf32>
        %get3A_886 = arith.index_cast %add3A_876 : i32 to index
        %get3A_887 = arith.constant 16 : index
        %get3A_888 = tpu.vector_load %arg15[%get3A_886, %get3A_887] {strides = array<i32>} : memref<128x128xf32, #tpu.memory_space<vmem>>, vector<1x16xf32>,
        %get3A_889 = vector.shape_cast %get3A_888 : vector<1x16xf32> to vector<16xf32>
        %get3A_890 = arith.index_cast %add3A_876 : i32 to index
        %get3A_891 = arith.constant 16 : index
        %get3A_892 = tpu.vector_load %arg16[%get3A_890, %get3A_891] {strides = array<i32>} : memref<128x128xf32, #tpu.memory_space<vmem>>, vector<1x16xf32>,
        %get3A_893 = vector.shape_cast %get3A_892 : vector<1x16xf32> to vector<16xf32>
        %mul3A_894 = arith.mulf %get3A_889, %get3A_893 : vector<16xf32>
        %add3A_895 = arith.addf %mul3A_885, %mul3A_894 : vector<16xf32>
        %get3A_896 = arith.index_cast %add3A_876 : i32 to index
        %get3A_897 = arith.constant 32 : index
        %get3A_898 = tpu.vector_load %arg15[%get3A_896, %get3A_897] {strides = array<i32>} : memref<128x128xf32, #tpu.memory_space<vmem>>, vector<1x16xf32>,
        %get3A_899 = vector.shape_cast %get3A_898 : vector<1x16xf32> to vector<16xf32>
        %get3A_900 = arith.index_cast %add3A_876 : i32 to index
        %get3A_901 = arith.constant 32 : index
        %get3A_902 = tpu.vector_load %arg16[%get3A_900, %get3A_901] {strides = array<i32>} : memref<128x128xf32, #tpu.memory_space<vmem>>, vector<1x16xf32>,
        %get3A_903 = vector.shape_cast %get3A_902 : vector<1x16xf32> to vector<16xf32>
        %mul3A_904 = arith.mulf %get3A_899, %get3A_903 : vector<16xf32>
        %add3A_905 = arith.addf %add3A_895, %mul3A_904 : vector<16xf32>
        %get3A_906 = arith.index_cast %add3A_876 : i32 to index
        %get3A_907 = arith.constant 48 : index
        %get3A_908 = tpu.vector_load %arg15[%get3A_906, %get3A_907] {strides = array<i32>} : memref<128x128xf32, #tpu.memory_space<vmem>>, vector<1x16xf32>,
        %get3A_909 = vector.shape_cast %get3A_908 : vector<1x16xf32> to vector<16xf32>
        %get3A_910 = arith.index_cast %add3A_876 : i32 to index
        %get3A_911 = arith.constant 48 : index
        %get3A_912 = tpu.vector_load %arg16[%get3A_910, %get3A_911] {strides = array<i32>} : memref<128x128xf32, #tpu.memory_space<vmem>>, vector<1x16xf32>,
        %get3A_913 = vector.shape_cast %get3A_912 : vector<1x16xf32> to vector<16xf32>
        %mul3A_914 = arith.mulf %get3A_909, %get3A_913 : vector<16xf32>
        %add3A_915 = arith.addf %add3A_905, %mul3A_914 : vector<16xf32>
        %get3A_916 = arith.index_cast %add3A_876 : i32 to index
        %get3A_917 = arith.constant 64 : index
        %get3A_918 = tpu.vector_load %arg15[%get3A_916, %get3A_917] {strides = array<i32>} : memref<128x128xf32, #tpu.memory_space<vmem>>, vector<1x16xf32>,
        %get3A_919 = vector.shape_cast %get3A_918 : vector<1x16xf32> to vector<16xf32>
        %get3A_920 = arith.index_cast %add3A_876 : i32 to index
        %get3A_921 = arith.constant 64 : index
        %get3A_922 = tpu.vector_load %arg16[%get3A_920, %get3A_921] {strides = array<i32>} : memref<128x128xf32, #tpu.memory_space<vmem>>, vector<1x16xf32>,
        %get3A_923 = vector.shape_cast %get3A_922 : vector<1x16xf32> to vector<16xf32>
        %mul3A_924 = arith.mulf %get3A_919, %get3A_923 : vector<16xf32>
        %add3A_925 = arith.addf %add3A_915, %mul3A_924 : vector<16xf32>
        %get3A_926 = arith.index_cast %add3A_876 : i32 to index
        %get3A_927 = arith.constant 80 : index
        %get3A_928 = tpu.vector_load %arg15[%get3A_926, %get3A_927] {strides = array<i32>} : memref<128x128xf32, #tpu.memory_space<vmem>>, vector<1x16xf32>,
        %get3A_929 = vector.shape_cast %get3A_928 : vector<1x16xf32> to vector<16xf32>
        %get3A_930 = arith.index_cast %add3A_876 : i32 to index
        %get3A_931 = arith.constant 80 : index
        %get3A_932 = tpu.vector_load %arg16[%get3A_930, %get3A_931] {strides = array<i32>} : memref<128x128xf32, #tpu.memory_space<vmem>>, vector<1x16xf32>,
        %get3A_933 = vector.shape_cast %get3A_932 : vector<1x16xf32> to vector<16xf32>
        %mul3A_934 = arith.mulf %get3A_929, %get3A_933 : vector<16xf32>
        %add3A_935 = arith.addf %add3A_925, %mul3A_934 : vector<16xf32>
        %get3A_936 = arith.index_cast %add3A_876 : i32 to index
        %get3A_937 = arith.constant 96 : index
        %get3A_938 = tpu.vector_load %arg15[%get3A_936, %get3A_937] {strides = array<i32>} : memref<128x128xf32, #tpu.memory_space<vmem>>, vector<1x16xf32>,
        %get3A_939 = vector.shape_cast %get3A_938 : vector<1x16xf32> to vector<16xf32>
        %get3A_940 = arith.index_cast %add3A_876 : i32 to index
        %get3A_941 = arith.constant 96 : index
        %get3A_942 = tpu.vector_load %arg16[%get3A_940, %get3A_941] {strides = array<i32>} : memref<128x128xf32, #tpu.memory_space<vmem>>, vector<1x16xf32>,
        %get3A_943 = vector.shape_cast %get3A_942 : vector<1x16xf32> to vector<16xf32>
        %mul3A_944 = arith.mulf %get3A_939, %get3A_943 : vector<16xf32>
        %add3A_945 = arith.addf %add3A_935, %mul3A_944 : vector<16xf32>
        %get3A_946 = arith.index_cast %add3A_876 : i32 to index
        %get3A_947 = arith.constant 112 : index
        %get3A_948 = tpu.vector_load %arg15[%get3A_946, %get3A_947] {strides = array<i32>} : memref<128x128xf32, #tpu.memory_space<vmem>>, vector<1x16xf32>,
        %get3A_949 = vector.shape_cast %get3A_948 : vector<1x16xf32> to vector<16xf32>
        %get3A_950 = arith.index_cast %add3A_876 : i32 to index
        %get3A_951 = arith.constant 112 : index
        %get3A_952 = tpu.vector_load %arg16[%get3A_950, %get3A_951] {strides = array<i32>} : memref<128x128xf32, #tpu.memory_space<vmem>>, vector<1x16xf32>,
        %get3A_953 = vector.shape_cast %get3A_952 : vector<1x16xf32> to vector<16xf32>
        %mul3A_954 = arith.mulf %get3A_949, %get3A_953 : vector<16xf32>
        %add3A_955 = arith.addf %add3A_945, %mul3A_954 : vector<16xf32>
        %swap3A_956 = arith.index_cast %scan3A_258 : i32 to index
        %swap3A_957 = arith.constant 112 : index
        %swap3A_958 = tpu.vector_load %arg19[%swap3A_956, %swap3A_957] {strides = array<i32>} : memref<16x128xf32, #tpu.memory_space<vmem>>, vector<1x16xf32>,
        %swap3A_959 = vector.shape_cast %swap3A_958 : vector<1x16xf32> to vector<16xf32>
        %swap3A_960 = vector.shape_cast %add3A_955 : vector<16xf32> to vector<1x16xf32>
        tpu.vector_store %arg19[%swap3A_956, %swap3A_957], %swap3A_960 {strides = array<i32>} : memref<16x128xf32, #tpu.memory_space<vmem>>, vector<1x16xf32>,
      }
      %scan3A_236 = arith.constant 16 : i32
      %lt3A_237 = arith.constant 4 : i32
      %lt3A_238 = arith.cmpi slt, %add3A_206, %lt3A_237 : i32
      %mul3A_239 = arith.constant 64 : i32
      %mul3A_240 = arith.muli %add3A, %mul3A_239 : i32
      %mul3A_241 = arith.constant 16 : i32
      %mul3A_242 = arith.muli %add3A_206, %mul3A_241 : i32
      %add3A_243 = arith.addi %mul3A_240, %mul3A_242 : i32
      %mul3A_244 = arith.constant 320 : i32
      %mul3A_245 = arith.muli %add3A, %mul3A_244 : i32
      %add3A_246 = arith.constant 2048 : i32
      %add3A_247 = arith.addi %add3A_246, %mul3A_245 : i32
      %sub3A_248 = arith.constant 4 : i32
      %sub3A_249 = arith.subi %add3A_206, %sub3A_248 : i32
      %mul3A_250 = arith.constant 16 : i32
      %mul3A_251 = arith.muli %sub3A_249, %mul3A_250 : i32
      %add3A_252 = arith.addi %add3A_247, %mul3A_251 : i32
      %select_n3A_253 = arith.select %lt3A_238, %add3A_243, %add3A_252 : i32
      %dma_start3A_254 = arith.constant 0 : i32
      %dma_start3A_255 = tpu.memref_slice %arg8[%select_n3A_253, %dma_start3A_254] : memref<12288x128xf32, #tpu.memory_space<hbm>> -> memref<16x128xf32, #tpu.memory_space<hbm>>
      %dma_start3A_256 = arith.constant 0 : i32
      %dma_start3A_257 = tpu.memref_slice %arg8[%select_n3A_253, %dma_start3A_256] : memref<12288x128xf32, #tpu.memory_space<hbm>> -> memref<16x128xf32, #tpu.memory_space<hbm>>
      tpu.enqueue_dma source(%arg19 : memref<16x128xf32, #tpu.memory_space<vmem>>) target(%dma_start3A_257 : memref<16x128xf32, #tpu.memory_space<hbm>>) target_semaphore(%arg25 : memref<!tpu.dma_semaphore, #tpu.memory_space<semaphore_mem>>)
    }
    %scan3A_79 = arith.constant 8 : i32
    %dma_wait3A_80 = arith.constant 0 : i32
    %dma_wait3A_81 = arith.constant 0 : i32
    %dma_wait3A_82 = tpu.memref_slice %arg8[%dma_wait3A_80, %dma_wait3A_81] : memref<12288x128xf32, #tpu.memory_space<hbm>> -> memref<16x128xf32, #tpu.memory_space<hbm>>
    %dma_wait3A_83 = arith.constant 0 : i32
    %dma_wait3A_84 = arith.constant 0 : i32
    %dma_wait3A_85 = tpu.memref_slice %arg8[%dma_wait3A_83, %dma_wait3A_84] : memref<12288x128xf32, #tpu.memory_space<hbm>> -> memref<16x128xf32, #tpu.memory_space<hbm>>
    tpu.wait_dma2 semaphore(%arg23 : memref<!tpu.dma_semaphore, #tpu.memory_space<semaphore_mem>>) src(%arg17 : memref<16x128xf32, #tpu.memory_space<vmem>>) dst(%dma_wait3A_85 : memref<16x128xf32, #tpu.memory_space<hbm>>)
    %dma_wait3A_86 = arith.constant 0 : i32
    %dma_wait3A_87 = arith.constant 0 : i32
    %dma_wait3A_88 = tpu.memref_slice %arg8[%dma_wait3A_86, %dma_wait3A_87] : memref<12288x128xf32, #tpu.memory_space<hbm>> -> memref<16x128xf32, #tpu.memory_space<hbm>>
    %dma_wait3A_89 = arith.constant 0 : i32
    %dma_wait3A_90 = arith.constant 0 : i32
    %dma_wait3A_91 = tpu.memref_slice %arg8[%dma_wait3A_89, %dma_wait3A_90] : memref<12288x128xf32, #tpu.memory_space<hbm>> -> memref<16x128xf32, #tpu.memory_space<hbm>>
    tpu.wait_dma2 semaphore(%arg24 : memref<!tpu.dma_semaphore, #tpu.memory_space<semaphore_mem>>) src(%arg18 : memref<16x128xf32, #tpu.memory_space<vmem>>) dst(%dma_wait3A_91 : memref<16x128xf32, #tpu.memory_space<hbm>>)
    %dma_wait3A_92 = arith.constant 0 : i32
    %dma_wait3A_93 = arith.constant 0 : i32
    %dma_wait3A_94 = tpu.memref_slice %arg8[%dma_wait3A_92, %dma_wait3A_93] : memref<12288x128xf32, #tpu.memory_space<hbm>> -> memref<16x128xf32, #tpu.memory_space<hbm>>
    %dma_wait3A_95 = arith.constant 0 : i32
    %dma_wait3A_96 = arith.constant 0 : i32
    %dma_wait3A_97 = tpu.memref_slice %arg8[%dma_wait3A_95, %dma_wait3A_96] : memref<12288x128xf32, #tpu.memory_space<hbm>> -> memref<16x128xf32, #tpu.memory_space<hbm>>
    tpu.wait_dma2 semaphore(%arg25 : memref<!tpu.dma_semaphore, #tpu.memory_space<semaphore_mem>>) src(%arg19 : memref<16x128xf32, #tpu.memory_space<vmem>>) dst(%dma_wait3A_97 : memref<16x128xf32, #tpu.memory_space<hbm>>)
    return
  }
}

module attributes {stable_mosaic.version = 14 : i64} {
  func.func @_tc_loss_body(%arg0: memref<12288x128xf32, #tpu.memory_space<vmem>>, %arg1: memref<1x1xf32, #tpu.memory_space<smem>>) attributes {dimension_semantics = [], scalar_prefetch = 0 : i64, scratch_operands = 0 : i64, tpu.core_type = #tpu.core_type<tc>} {
    %get3A = arith.constant 0 : index
    %get3A_0 = arith.constant 0 : index
    %get3A_1 = vector.load %arg0[%get3A, %get3A_0] : memref<12288x128xf32, #tpu.memory_space<vmem>>, vector<12288x128xf32>
    %iota3A = tpu.iota {dimensions = array<i32: 0>} : vector<128x8xi32>
    %iota3A_2 = tpu.iota {dimensions = array<i32: 1>} : vector<128x8xi32>
    %jit3A = arith.constant 16 : i32
    %div3A = vector.broadcast %jit3A : i32 to vector<128x8xi32>
    %div3A_3 = arith.divsi %iota3A, %div3A : vector<128x8xi32>
    %sign3A = arith.constant 0 : i32
    %sign3A_4 = vector.broadcast %sign3A : i32 to vector<128x8xi32>
    %sign3A_5 = arith.cmpi sgt, %iota3A, %sign3A_4 : vector<128x8xi32>
    %sign3A_6 = arith.extui %sign3A_5 : vector<128x8xi1> to vector<128x8xi32>
    %sign3A_7 = arith.constant 0 : i32
    %sign3A_8 = vector.broadcast %sign3A_7 : i32 to vector<128x8xi32>
    %sign3A_9 = arith.cmpi slt, %iota3A, %sign3A_8 : vector<128x8xi32>
    %sign3A_10 = arith.extui %sign3A_9 : vector<128x8xi1> to vector<128x8xi32>
    %sign3A_11 = arith.subi %sign3A_6, %sign3A_10 : vector<128x8xi32>
    %sign3A_12 = arith.constant 0 : i32
    %sign3A_13 = arith.cmpi sgt, %jit3A, %sign3A_12 : i32
    %sign3A_14 = arith.extui %sign3A_13 : i1 to i32
    %sign3A_15 = arith.constant 0 : i32
    %sign3A_16 = arith.cmpi slt, %jit3A, %sign3A_15 : i32
    %sign3A_17 = arith.extui %sign3A_16 : i1 to i32
    %sign3A_18 = arith.subi %sign3A_14, %sign3A_17 : i32
    %ne3A = vector.broadcast %sign3A_18 : i32 to vector<128x8xi32>
    %ne3A_19 = arith.cmpi ne, %sign3A_11, %ne3A : vector<128x8xi32>
    %rem3A = vector.broadcast %jit3A : i32 to vector<128x8xi32>
    %rem3A_20 = arith.remsi %iota3A, %rem3A : vector<128x8xi32>
    %ne3A_21 = arith.constant 0 : i32
    %ne3A_22 = vector.broadcast %ne3A_21 : i32 to vector<128x8xi32>
    %ne3A_23 = arith.cmpi ne, %rem3A_20, %ne3A_22 : vector<128x8xi32>
    %and3A = arith.andi %ne3A_19, %ne3A_23 : vector<128x8xi1>
    %sub3A = arith.constant 1 : i32
    %sub3A_24 = vector.broadcast %sub3A : i32 to vector<128x8xi32>
    %sub3A_25 = arith.subi %div3A_3, %sub3A_24 : vector<128x8xi32>
    %select_n3A = arith.select %and3A, %sub3A_25, %div3A_3 : vector<128x8xi1>, vector<128x8xi32>
    %eq3A = arith.cmpi eq, %select_n3A, %iota3A_2 : vector<128x8xi32>
    %jit3A_26 = arith.constant 1.000000e+00 : f32
    %jit3A_27 = arith.constant 0.000000e+00 : f32
    %broadcast_in_dim3A = vector.broadcast %jit3A_26 : f32 to vector<128x8xf32>
    %broadcast_in_dim3A_28 = vector.broadcast %jit3A_27 : f32 to vector<128x8xf32>
    %select_n3A_29 = arith.select %eq3A, %broadcast_in_dim3A, %broadcast_in_dim3A_28 : vector<128x8xi1>, vector<128x8xf32>
    %dot_general3A = arith.constant dense<0.000000e+00> : vector<12288x8xf32>
    %dot_general3A_30 = tpu.matmul %get3A_1, %select_n3A_29, %dot_general3A {dimension_numbers = #tpu.dot_dimension_numbers<[1], [0], [0], [1], [0, 0, 1, 1], [], []>, transpose_lhs_hint = false} : vector<12288x128xf32>, vector<128x8xf32>, vector<12288x8xf32> -> vector<12288x8xf32>
    %jit3A_31 = arith.constant -1.000000e+01 : f32
    %jit3A_32 = arith.constant 1.000000e+01 : f32
    %max3A = vector.broadcast %jit3A_31 : f32 to vector<12288x8xf32>
    %max3A_33 = arith.maximumf %max3A, %dot_general3A_30 : vector<12288x8xf32>
    %min3A = vector.broadcast %jit3A_32 : f32 to vector<12288x8xf32>
    %min3A_34 = arith.minimumf %min3A, %max3A_33 : vector<12288x8xf32>
    %iota3A_35 = tpu.iota {dimensions = array<i32: 0>} : vector<12288x8xi32>
    %lt3A = arith.constant 2048 : i32
    %lt3A_36 = vector.broadcast %lt3A : i32 to vector<12288x8xi32>
    %lt3A_37 = arith.cmpi slt, %iota3A_35, %lt3A_36 : vector<12288x8xi32>
    %jit3A_38 = arith.constant 1.000000e+00 : f32
    %jit3A_39 = arith.constant -1.000000e+00 : f32
    %broadcast_in_dim3A_40 = vector.broadcast %jit3A_38 : f32 to vector<12288x8xf32>
    %broadcast_in_dim3A_41 = vector.broadcast %jit3A_39 : f32 to vector<12288x8xf32>
    %select_n3A_42 = arith.select %lt3A_37, %broadcast_in_dim3A_40, %broadcast_in_dim3A_41 : vector<12288x8xi1>, vector<12288x8xf32>
    %mul3A = arith.mulf %min3A_34, %select_n3A_42 : vector<12288x8xf32>
    %neg3A = arith.constant 0.000000e+00 : f32
    %neg3A_43 = vector.broadcast %neg3A : f32 to vector<12288x8xf32>
    %neg3A_44 = arith.subf %neg3A_43, %mul3A : vector<12288x8xf32>
    %custom_jvp_call3A = arith.constant 0.000000e+00 : f32
    %max3A_45 = vector.broadcast %custom_jvp_call3A : f32 to vector<12288x8xf32>
    %max3A_46 = arith.maximumf %neg3A_44, %max3A_45 : vector<12288x8xf32>
    %sub3A_47 = vector.broadcast %custom_jvp_call3A : f32 to vector<12288x8xf32>
    %sub3A_48 = arith.subf %neg3A_44, %sub3A_47 : vector<12288x8xf32>
    %ne3A_49 = arith.cmpf one, %sub3A_48, %sub3A_48 : vector<12288x8xf32>
    %add3A = vector.broadcast %custom_jvp_call3A : f32 to vector<12288x8xf32>
    %add3A_50 = arith.addf %neg3A_44, %add3A : vector<12288x8xf32>
    %abs3A = math.absf %sub3A_48 : vector<12288x8xf32>
    %neg3A_51 = arith.constant 0.000000e+00 : f32
    %neg3A_52 = vector.broadcast %neg3A_51 : f32 to vector<12288x8xf32>
    %neg3A_53 = arith.subf %neg3A_52, %abs3A : vector<12288x8xf32>
    %exp3A = math.exp %neg3A_53 : vector<12288x8xf32>
    %log1p3A = math.log1p %exp3A : vector<12288x8xf32>
    %add3A_54 = arith.addf %max3A_46, %log1p3A : vector<12288x8xf32>
    %select_n3A_55 = arith.select %ne3A_49, %add3A_50, %add3A_54 : vector<12288x8xi1>, vector<12288x8xf32>
    %neg3A_56 = arith.constant 0.000000e+00 : f32
    %neg3A_57 = vector.broadcast %neg3A_56 : f32 to vector<12288x8xf32>
    %neg3A_58 = arith.subf %neg3A_57, %select_n3A_55 : vector<12288x8xf32>
    %reduce_sum3A = vector.shape_cast %neg3A_58 : vector<12288x8xf32> to vector<1x12288x8xf32>
    %reduce_sum3A_59 = arith.constant dense<0.000000e+00> : vector<1xf32>
    %reduce_sum3A_60 = vector.multi_reduction <add>, %reduce_sum3A, %reduce_sum3A_59 [1, 2] : vector<1x12288x8xf32> to vector<1xf32>
    %reduce_sum3A_61 = vector.shape_cast %reduce_sum3A_60 : vector<1xf32> to vector<1x1x1xf32>
    %reduce_sum3A_62 = vector.extract %reduce_sum3A_61[0, 0, 0] : f32 from vector<1x1x1xf32>
    %neg3A_63 = arith.constant 0.000000e+00 : f32
    %neg3A_64 = arith.subf %neg3A_63, %reduce_sum3A_62 : f32
    %swap3A = arith.constant 0 : index
    %swap3A_65 = arith.constant 0 : index
    %swap3A_66 = memref.load %arg1[%swap3A, %swap3A_65] : memref<1x1xf32, #tpu.memory_space<smem>>
    memref.store %neg3A_64, %arg1[%swap3A, %swap3A_65] : memref<1x1xf32, #tpu.memory_space<smem>>
    return
  }
}

</mosaic_0001>

<sc_bundles>
// kernel: kernel.4.cloned.1.call-start
scs
__scs_entry_jumppad:
0x0: {  	(pc) =	sbr.rel $0x88, $3  }
0x1: {  	(tag) =	ssettag $0x0;
	lr =	simm.s32 $0x1  }
0x2: {  	[smem:$0x3F9B] =	sst lr;
	_ =	strace $0xD0000000  }
0x3: {  	_ = 	snop  }
0x4: {  	_ = 	snop  }
0x5: {  	_ = 	snop  }
0x6: {  	_ = 	snop  }
0x7: {  	_ = 	snop  }
__scs_overlays_trampoline_lowered:
0x8: {  	[smem:$0x3FAA] =	sst s0  }
0x9: {  	[smem:$0x3FAB] =	sst s1  }
0xa: {  	[smem:$0x3FAC] =	sst s2  }
0xb: {  	[smem:$0x3FAD] =	sst s3  }
0xc: {  	[smem:$0x3FAE] =	sst s4  }
0xd: {  	[smem:$0x3FAF] =	sst s5  }
0xe: {  	[smem:$0x3FB0] =	sst s6  }
0xf: {  	[smem:$0x3FB1] =	sst s7  }
0x10: {  	[smem:$0x3FB2] =	sst s8  }
0x11: {  	[smem:$0x3FB3] =	sst s9;
	s0 =	simm.s32 @!p0 $0x0  }
0x12: {  	s1 =	sld [smem:$0x3F99];
	s0 =	simm.s32 @p0 $0x1  }
0x13: {  	[smem:$0x3FB4] =	sst s0;
	s0 =	simm.s32 @!p1 $0x0  }
0x14: {  	s2 =	sld [smem:$0x3F98];
	s0 =	simm.s32 @p1 $0x1  }
0x15: {  	[smem:$0x3FB5] =	sst s0;
	s0 =	simm.s32 @!p2 $0x0  }
0x16: {  	s3 =	sld [smem:$0x3FDB];
	s0 =	simm.s32 @p2 $0x1  }
0x17: {  	s4 =	simm.s32 $0x1BF5;
	[smem:$0x3FB7] =	sst s0  }
0x18: {  	s0 =	sld [smem:$0x3F9A];
	_ =	swait.ge [sflag:s4], $0x0  }
0x19: {  	s7 =	sld [smem:$0x3F9B]  }
0x1a: {  	s8 =	sadd.s32 $0xFFFFE003, lr  }
0x1b: {  	s9 =	sadd.s32 $0xFFFFFEF7, lr;
	s5 =	simm.s32 $0xFFFFFFFF;
	p2 =	slt.u32 s8, $0xFFFFF086  }
0x1c: {  	p1 =	slt.u32 s9, $0xF7A;
	s5 =	simm.s32 @!p2 $0x0  }
0x1d: {  	s5 =	simm.s32 @p1 $0x1;
	p0 =	seq.s32 s7, s2  }
0x1e: {  	s7 =	smul.u32 @!p0 $0xF7A, s2;
	p2 =	seq.s32 @!p0 s5, $0x0  }
0x1f: {  	s9 =	smul.u32 $0xF7A, s1;
	s8 =	simm.s32 @!p0 $0x1BF5;
	p2 =	por !p2, p0  }
0x20: {  	[sflag:s8] =	ssyncset.s32 @!p0 $0xFFFFF086;
	s6 =	sadd.s32 @!p0 s3, s7;
	s7 =	simm.s32 @!p0 $0x108  }
0x21: {  	s3 =	sadd.s32 s3, s9;
	s6 =	sadd.s32 @!p0 $0x88, s6;
	s7 =	simm.s32 @p2 $0x1082  }
0x22: {  	[simem:s7], [sflag:s8] =	dma.local @!p0 [hbm:s6], $0xF7A  }
0x23: {  	s9 =	sor.u32 $0xD0000000, s2;
	s6 =	simm.s32 $0x108;
	_ =	swait.ge @!p0 [sflag:s8], $0x0  }
0x24: {  	s3 =	sadd.s32 $0x88, s3;
	s6 =	simm.s32 @!p1 $0x1082;
	[sflag:s4] =	ssyncset.s32 $0xFFFFF086  }
0x25: {  	[simem:s6], [sflag:s4] =	dma.local [hbm:s3], $0xF7A  }
0x26: {  	[smem:$0x3F9B] =	sst s1;
	(tag) =	ssettag s2;
	_ =	strace s9  }
0x27: {  	s1 =	sld [smem:$0x3FAB]  }
0x28: {  	s2 =	sld [smem:$0x3FAC]  }
0x29: {  	s4 =	sld [smem:$0x3FAE]  }
0x2a: {  	p0 =	seq.s32 s5, $0x0;
	s5 =	sld [smem:$0x3FAF]  }
0x2b: {  	s6 =	sld [smem:$0x3FB0]  }
0x2c: {  	s7 =	sld [smem:$0x3FB1]  }
0x2d: {  	s3 =	simm.s32 $0x108;
	s8 =	sld [smem:$0x3FB2]  }
0x2e: {  	s3 =	simm.s32 @!p0 $0x1082;
	s9 =	sld [smem:$0x3FB3]  }
0x2f: {  	lr =	sadd.s32 s0, s3;
	s0 =	sld [smem:$0x3FAA]  }
0x30: {  	s3 =	sld [smem:$0x3FAD]  }
0x31: {  	[smem:$0x3FB6] =	sst s10  }
0x32: {  	s10 =	sld [smem:$0x3FB4];
	_ =	sdelay $0x3  }
0x33: {  	p0 =	seq.s32 s10, $0x1;
	s10 =	sld [smem:$0x3FB6];
	_ =	sdelay $0x3  }
0x34: {  	[smem:$0x3FB6] =	sst s10  }
0x35: {  	s10 =	sld [smem:$0x3FB5];
	_ =	sdelay $0x3  }
0x36: {  	p1 =	seq.s32 s10, $0x1;
	s10 =	sld [smem:$0x3FB6];
	_ =	sdelay $0x3  }
0x37: {  	[smem:$0x3FB6] =	sst s10  }
0x38: {  	s10 =	sld [smem:$0x3FB7]  }
0x39: {  	_ = 	snop;
	(pc) =	sbr.ind lr, $3  }
0x3a: {  	_ = 	snop  }
0x3b: {  	_ = 	snop  }
0x3c: {  	p2 =	seq.s32 s10, $0x1;
	s10 =	sld [smem:$0x3FB6]  }
0x3d: {  	_ =	shalt  }
0x3e: {  	_ =	shalt  }
0x3f: {  	_ =	shalt  }
0x40: {  	_ =	shalt  }
0x41: {  	_ =	shalt  }
0x42: {  	_ =	shalt  }
0x43: {  	_ =	shalt  }
0x44: {  	_ =	shalt  }
0x45: {  	_ =	shalt  }
0x46: {  	_ =	shalt  }
0x47: {  	_ =	shalt  }
0x48: {  	_ =	shalt  }
0x49: {  	_ =	shalt  }
0x4a: {  	_ =	shalt  }
0x4b: {  	_ =	shalt  }
0x4c: {  	_ =	shalt  }
0x4d: {  	_ =	shalt  }
0x4e: {  	_ =	shalt  }
0x4f: {  	_ =	shalt  }
0x50: {  	_ =	shalt  }
0x51: {  	_ =	shalt  }
0x52: {  	_ =	shalt  }
0x53: {  	_ =	shalt  }
0x54: {  	_ =	shalt  }
0x55: {  	_ =	shalt  }
0x56: {  	_ =	shalt  }
0x57: {  	_ =	shalt  }
0x58: {  	_ =	shalt  }
0x59: {  	_ =	shalt  }
0x5a: {  	_ =	shalt  }
0x5b: {  	_ =	shalt  }
0x5c: {  	_ =	shalt  }
0x5d: {  	_ =	shalt  }
0x5e: {  	_ =	shalt  }
0x5f: {  	_ =	shalt  }
0x60: {  	_ =	shalt  }
0x61: {  	_ =	shalt  }
0x62: {  	_ =	shalt  }
0x63: {  	_ =	shalt  }
0x64: {  	_ =	shalt  }
0x65: {  	_ =	shalt  }
0x66: {  	_ =	shalt  }
0x67: {  	_ =	shalt  }
0x68: {  	_ =	shalt  }
0x69: {  	_ =	shalt  }
0x6a: {  	_ =	shalt  }
0x6b: {  	_ =	shalt  }
0x6c: {  	_ =	shalt  }
0x6d: {  	_ =	shalt  }
0x6e: {  	_ =	shalt  }
0x6f: {  	_ =	shalt  }
0x70: {  	_ =	shalt  }
0x71: {  	_ =	shalt  }
0x72: {  	_ =	shalt  }
0x73: {  	_ =	shalt  }
0x74: {  	_ =	shalt  }
0x75: {  	_ =	shalt  }
0x76: {  	_ =	shalt  }
0x77: {  	_ =	shalt  }
0x78: {  	_ =	shalt  }
0x79: {  	_ =	shalt  }
0x7a: {  	_ =	shalt  }
0x7b: {  	_ =	shalt  }
0x7c: {  	_ =	shalt  }
0x7d: {  	_ =	shalt  }
0x7e: {  	_ =	shalt  }
0x7f: {  	_ =	shalt  }
0x80: {  	_ =	shalt  }
0x81: {  	_ =	shalt  }
0x82: {  	_ =	shalt  }
0x83: {  	_ =	shalt  }
0x84: {  	_ =	shalt  }
0x85: {  	_ =	shalt  }
0x86: {  	_ =	shalt  }
0x87: {  	_ =	shalt  }
.Lfunc_end0:
.L_simem_size_0:
called_computation_lowered:
.L_overlay_start_0:
0x88: {  	s2 =	sld [smem:$0x3FD9]  }
0x89: {  	s3 =	sld [smem:$0x3FFE];
	_ =	sdelay $0x1  }
0x8a: {  	s1 =	srdreg.scid  }
0x8b: {  	s0 =	sand.u32 $0x1, s1  }
0x8c: {  	s17 =	sshll.u32 s0, $0xA;
	s2 =	sadd.s32 s3, s2  }
0x8d: {  	s2 =	sadd.s32 s2, s17  }
0x8e: {  	[smem:$0x3FC2] =	sst s2  }
0x8f: {  	_ = 	snop  }
0x90: {  	s2 =	sld [smem:$0x3FC9]  }
0x91: {  	s18 =	sld [smem:$0x3FC8]  }
0x92: {  	s4 =	sld [smem:$0x3FC7]  }
0x93: {  	s5 =	sld [smem:$0x3FC6]  }
0x94: {  	s6 =	sld [smem:$0x3FC5]  }
0x95: {  	s7 =	sld [smem:$0x3FC4];
	(tm) =	ssettm $0x1  }
0x96: {  	s8 =	sld [smem:$0x3FFB];
	_ =	sdelay $0x3  }
0x97: {  	_ =	strace s8  }
0x98: {  	s8 =	sld [smem:$0x3FFC];
	_ =	sdelay $0x3  }
0x99: {  	_ =	strace s8  }
0x9a: {  	s8 =	sld [smem:$0x3FFD];
	_ =	sdelay $0x3  }
0x9b: {  	_ =	strace s8  }
0x9c: {  	_ =	strace $0x8FFFFFFF  }
0x9d: {  	s19 =	sld [smem:$0x3FDB];
	_ =	sdelay $0x1  }
0x9e: {  	s9 =	simm.s32 $_scs_section_size  }
0x9f: {  	s10 =	simm.s32 $_size__tile_overlayer_lowered;
	s11 =	simm.s32 $_tile_overlayer_lowered  }
0xa0: {  	s22 =	simm.s32 $0x1BFF;
	s21 =	sshll.u32 s11, $0x1;
	s8 =	sadd.s32 s9, s19  }
0xa1: {  	s12 =	simm.s32 $0x0;
	s20 =	sshll.u32 s10, $0x1;
	s10 =	sadd.s32 s21, s8  }
0xa2: {  	[timem:s12], [sflag:s22] =	dma.local [hbm:s10], s20  }
0xa3: {  	_ =	swait.ge [sflag:s22], s20  }
0xa4: {  	s9 =	ssub.s32 $0x0, s20;
	[sflag:s22] =	ssyncset.done $0x0  }
0xa5: {  	[sflag:s22] =	ssyncadd.s32 s9;
	_ =	sdelay $0x1  }
0xa6: {  	s23 =	simm.s32 $0x1B8B  }
0xa7: {  	_ =	swait.ge [sflag:s23], $0x1  }
0xa8: {  	[sflag:s23] =	ssyncset.done $0x0  }
0xa9: {  	s25 =	simm.s32 $0x1B8E;
	s24 =	sld [smem:$0x3FFE];
	[sflag:s23] =	ssyncadd.s32 $0xFFFFFFFF  }
0xaa: {  	s26 =	simm.s32 $execute0_lowered;
	[smem:$0x3FD2] =	sst s25  }
0xab: {  	s10 =	sshll.u32 s26, $0x1;
	_ =	strace $0x80000046;
	[dreg:$0x1] =	wrdreg $0xFFFFFFFF  }
0xac: {  	s28 =	simm.s32 $_size_execute0_lowered;
	s8 =	sadd.s32 s8, s10;
	[dreg:$0x0] =	wrdreg $0x0  }
0xad: {  	s10 =	sshll.u32 s28, $0x1;
	[dreg:$0x2] =	wrdreg s8  }
0xae: {  	[dreg:$0x3] =	wrdreg s10  }
0xaf: {  	[dreg:$0x4] =	wrdreg $0xC0  }
0xb0: {  	_ =	task [dreg:s12], $0x5FFFF  }
0xb1: {  	[dreg:$0x1] =	wrdreg $0xFFFFFFFF  }
0xb2: {  	[dreg:$0x0] =	wrdreg $0x60  }
0xb3: {  	[dreg:$0x2] =	wrdreg s2  }
0xb4: {  	[dreg:$0x3] =	wrdreg s18  }
0xb5: {  	[dreg:$0x4] =	wrdreg s4  }
0xb6: {  	[dreg:$0x5] =	wrdreg s5  }
0xb7: {  	[dreg:$0x6] =	wrdreg s6  }
0xb8: {  	[dreg:$0x7] =	wrdreg s7  }
0xb9: {  	[dreg:$0x8] =	wrdreg s24  }
0xba: {  	[dreg:$0x9] =	wrdreg $0x9  }
0xbb: {  	_ =	task.clear_ibuf [dreg:s12], $0xAFFFF;
	_ =	strace $0x90000046  }
0xbc: {  	s29 =	simm.s32 $0x9;
	_ =	strace $0x80000048  }
0xbd: {  	_ =	swait.ge [sflag:s29], $0x1  }
0xbe: {  	[sflag:s29] =	ssyncadd.s32 $0xFFFFFFFF  }
0xbf: {  	_ =	strace $0x90000048  }
0xc0: {  	_ =	sfence  }
0xc1: {  	s30 =	sld [smem:$0x0];
	_ =	sdelay $0x2  }
0xc2: {  	s31 =	sshll.u32 s1, $0xD;
	s1 =	sshrl.u32 s1, $0x2  }
0xc3: {  	s3 =	sand.u32 $0x4000, s31;
	s1 =	sadd.s32 s1, s30  }
0xc4: {  	s0 =	sor.u32 s3, s0;
	s1 =	sshll.u32 s1, $0x11  }
0xc5: {  	s0 =	sor.u32 s1, s0  }
0xc6: {  	s0 =	sadd.s32 $0x8F2B, s0  }
0xc7: {  	[sflag:s0] =	ssyncadd.remote.s32 $0x1  }
0xc8: {  	_ =	sfence.sel $0xFFFF  }
0xc9: {  	[dreg:$0x0] =	wrdreg $0xFFFFFFFF;
	(pc) =	sbr.abs _section_cstart, $3  }
0xca: {  	[dreg:$0x1] =	wrdreg $0xFFFFFFFF  }
0xcb: {  	_ =	task.clear_ibuf [dreg:s12], $0x2FFFF;
	_ =	strace $0x9FFFFFFF  }
0xcc: {  	(tm) =	ssettm $0x7FFFFFFF  }
0xcd: {  	_ =	shalt  }
tec
execute0_lowered:
.L_overlay_start_1:
0x0: {  	(tag) =	ssettag $0x1  }
0x1: {  	s0 =	rddreg [dreg:$0x0]  }
0x2: {  	s3 =	rddreg [dreg:$0x1]  }
0x3: {  	s7 =	rddreg [dreg:$0x2]  }
0x4: {  	s8 =	rddreg [dreg:$0x3]  }
0x5: {  	s1 =	rddreg [dreg:$0x4]  }
0x6: {  	s2 =	rddreg [dreg:$0x5]  }
0x7: {  	s5 =	rddreg [dreg:$0x6];
	s4 =	simm.s32 $0x0;
	s6 =	srdreg.scid  }
0x8: {  	s9 =	stileid.u32;
	s19 =	simm.s32 $0x4;
	s20 =	simm.s32 $0x80  }
0x9: {  	s28 =	simm.s32 $0x1;
	s29 =	simm.s32 $0x19800;
	s30 =	simm.s32 $0x2  }
0xa: {  	s31 =	simm.s32 $0x1A000;
	s17 =	simm.s32 $0x5;
	s18 =	simm.s32 $0x6  }
0xb: {  	s21 =	simm.s32 $0x0;
	s6 =	sand.u32 $0x1, s6;
	s9 =	sshll.u32 s9, $0x1  }
0xc: {  	[smem:$0x7FF] =	sst s4;
	s5 =	sadd.s32 $0x600, s5;
	s9 =	sor.u32 s6, s9  }
0xd: {  	_ =	strace $0x80000047;
	s10 =	ssub.s32 $0x2, s6;
	s6 =	sshll.u32 s9, $0x6  }
0xe: {  	s11 =	sshrl.u32 s10, $0x1;
	s14 =	smul.u32 $0x140, s9;
	s0 =	sadd.s32 s0, s6  }
0xf: {  	s15 =	ssub.s32 s10, s11;
	s25 =	sadd.s32 s3, s6;
	[dreg:$0x8] =	wrdreg s0  }
0x10: {  	s12 =	sor.u32 $0x10, s6;
	s3 =	simm.s32 $0x1A800;
	[dreg:$0x9] =	wrdreg s25  }
0x11: {  	s26 =	sadd.s32 s7, s14;
	s10 =	sadd.s32 s8, s14;
	s11 =	sadd.s32 $0x7C0, s14  }
0x12: {  	s13 =	sadd.s32 $0x7D0, s14;
	s14 =	sadd.s32 $0x7E0, s14;
	s15 =	smax.u32 s15, $0x1  }
0x13: {  	s0 =	simm.s32 $0x3;
	[dreg:$0xa] =	wrdreg s26;
	s26 =	simm.s32 $0x15800  }
.LBB2_1:
0x14: {  	s7 =	rddreg [dreg:$0x8]  }
0x15: {  	[tilespmem:s4], [sflag:$0x4] =	stream.linear.gather [hbm4b:s7+s4], $0x200, $0x38;
	[tilespmem:$0x1B000] =	vst v63  }
0x16: {  	s24 =	rddreg [dreg:$0x9];
	s8 =	simm.s32 $0xC00  }
0x17: {  	[tilespmem:s8], [sflag:$0x4] =	stream.linear.gather [hbm4b:s24+s4], $0x200, $0x38;
	[tilespmem:$0x1B000] =	vst v63  }
0x18: {  	s25 =	rddreg [dreg:$0xa];
	s9 =	simm.s32 $0x200  }
0x19: {  	[tilespmem:s9], [sflag:$0x4] =	stream.linear.gather [hbm4b:s25+s4], $0xA00, $0x38;
	[tilespmem:$0x1B000] =	vst v63  }
0x1a: {  	s9 =	simm.s32 $0xE00  }
0x1b: {  	[tilespmem:s9], [sflag:$0x4] =	stream.linear.gather [hbm4b:s10+s4], $0xA00, $0x38;
	[tilespmem:$0x1B000] =	vst v63  }
0x1c: {  	_ =	swait.ge [sflag:s19], $0x200  }
0x1d: {  	[sflag:s19] =	ssyncset.done $0x0  }
0x1e: {  	[sflag:s19] =	ssyncadd.s32 $0xFFFFFE00  }
0x1f: {  	_ =	swait.ge [sflag:s19], $0x200  }
0x20: {  	[sflag:s19] =	ssyncset.done $0x0  }
0x21: {  	[sflag:s19] =	ssyncadd.s32 $0xFFFFFE00  }
0x22: {  	_ =	swait.ge [sflag:s19], $0xA00  }
0x23: {  	[sflag:s19] =	ssyncset.done $0x0  }
0x24: {  	[sflag:s19] =	ssyncadd.s32 $0xFFFFF600  }
0x25: {  	_ =	swait.ge [sflag:s19], $0xA00  }
0x26: {  	[sflag:s19] =	ssyncset.done $0x0  }
0x27: {  	s16 =	simm.s32 $0x1800;
	[sflag:s19] =	ssyncadd.s32 $0xFFFFF600  }
0x28: {  	[tilespmem:s16], [sflag:$0x1] =	stream.indirect.gather [hbm4b:s1+s20], $0x80, s4, s20, $0xb8;
	[tilespmem:$0x1B000] =	vst v63  }
0x29: {  	s22 =	simm.s32 $0x5800  }
0x2a: {  	[tilespmem:s22], [sflag:$0x1] =	stream.indirect.gather [hbm4b:s2+s20], $0x80, s8, s20, $0xb8;
	[tilespmem:$0x1B000] =	vst v63  }
0x2b: {  	s23 =	simm.s32 $0x9800  }
0x2c: {  	[tilespmem:s23], [sflag:$0x2] =	stream.indirect.gather [hbm4b:s1+s20], $0x80, s20, s20, $0xb8;
	[tilespmem:$0x1B000] =	vst v63  }
0x2d: {  	s24 =	simm.s32 $0xC80;
	s25 =	simm.s32 $0xD800;
	s22 =	simm.s32 $0x0  }
0x2e: {  	[tilespmem:s25], [sflag:$0x2] =	stream.indirect.gather [hbm4b:s2+s20], $0x80, s24, s20, $0xb8;
	[tilespmem:$0x1B000] =	vst v63  }
.LBB2_2:
0x2f: {  	s25 =	smul.u32 $0x3, s22;
	_ =	sdelay $0x1  }
0x30: {  	p0 =	sne.s32 s22, $0x0;
	s23 =	sadd.s32 $0x2, s25  }
0x31: {  	s7 =	sshll.u32 @p0 s23, $0x9  }
0x32: {  	s16 =	simm.s32 @p0 $0x80;
	s24 =	simm.s32 @p0 $0x11800;
	s8 =	sshrl.u32 @p0 s7, $0x2  }
0x33: {  	[tilespmem:s24], [sflag:$0x3] =	stream.indirect.gather @p0 [hbm4b:s2+s16], $0x80, s8, s16, $0xb8;
	[tilespmem:$0x1B000] =	vst v63  }
0x34: {  	s7 =	simm.s32 @!p0 $0x400;
	s8 =	simm.s32 @!p0 $0x80  }
0x35: {  	s16 =	simm.s32 @!p0 $0x100;
	s24 =	simm.s32 @!p0 $0x11800;
	s7 =	sshrl.u32 s7, $0x2  }
0x36: {  	[tilespmem:s24], [sflag:$0x3] =	stream.indirect.gather @!p0 [hbm4b:s1+s8], $0x80, s16, s8, $0xb8;
	[tilespmem:$0x1B000] =	vst v63  }
0x37: {  	s7 =	sadd.s32 $0xC00, s7  }
0x38: {  	[tilespmem:s26], [sflag:$0x3] =	stream.indirect.gather [hbm4b:s2+s20], $0x80, s7, s20, $0xb8;
	[tilespmem:$0x1B000] =	vst v63  }
0x39: {  	_ =	swait.ge [sflag:s28], $0x4000  }
0x3a: {  	[sflag:s28] =	ssyncset.done $0x0  }
0x3b: {  	[sflag:s28] =	ssyncadd.s32 $0xFFFFC000  }
0x3c: {  	_ =	swait.ge [sflag:s28], $0x4000  }
0x3d: {  	p0 =	seq.s32 s22, $0x0;
	[sflag:s28] =	ssyncset.done $0x0  }
0x3e: {  	s7 =	simm.s32 @!p0 $0x4;
	[sflag:s28] =	ssyncadd.s32 $0xFFFFC000  }
0x3f: {  	_ =	swait.ge @!p0 [sflag:s7], $0x800  }
0x40: {  	[sflag:s7] =	ssyncset.done @!p0 $0x0  }
0x41: {  	s24 =	simm.s32 $0x0;
	[sflag:s7] =	ssyncadd.s32 @!p0 $0xFFFFF800  }
0x42: {  	v0 =	vld [tilespmem:s24+$0x5810]  }
0x43: {  	v1 =	vld [tilespmem:s24+$0x1800]  }
0x44: {  	v2 =	vld [tilespmem:s24+$0x1810]  }
0x45: {  	v3 =	vld [tilespmem:s24+$0x5800]  }
0x46: {  	v4 =	vld [tilespmem:s24+$0x5820]  }
0x47: {  	v5 =	vld [tilespmem:s24+$0x1820]  }
0x48: {  	v6 =	vld [tilespmem:s24+$0x5830]  }
0x49: {  	v7 =	vld [tilespmem:s24+$0x1830]  }
0x4a: {  	v32 =	vld [tilespmem:s24+$0x5840];
	v0 =	vmul.f32 v0, v2;
	v1 =	vmul.f32 v3, v1  }
0x4b: {  	v33 =	vld [tilespmem:s24+$0x1840]  }
0x4c: {  	v35 =	vld [tilespmem:s24+$0x5850];
	v34 =	vmul.f32 v4, v5;
	v0 =	vadd.f32 v0, v1  }
0x4d: {  	v36 =	vld [tilespmem:s24+$0x1850]  }
0x4e: {  	v38 =	vld [tilespmem:s24+$0x5860];
	v37 =	vmul.f32 v6, v7;
	v0 =	vadd.f32 v34, v0  }
0x4f: {  	v39 =	vld [tilespmem:s24+$0x1860]  }
0x50: {  	v41 =	vld [tilespmem:s24+$0x5870];
	v40 =	vmul.f32 v32, v33;
	v0 =	vadd.f32 v37, v0  }
0x51: {  	v42 =	vld [tilespmem:s24+$0x1870]  }
0x52: {  	v43 =	vmul.f32 v35, v36;
	v0 =	vadd.f32 v40, v0;
	_ =	sdelay $0x1  }
0x53: {  	v44 =	vmul.f32 v38, v39;
	v0 =	vadd.f32 v43, v0;
	_ =	sdelay $0x1  }
0x54: {  	v45 =	vmul.f32 v41, v42;
	v0 =	vadd.f32 v44, v0;
	_ =	sdelay $0x1  }
0x55: {  	v0 =	vadd.f32 v45, v0  }
0x56: {  	s16 =	simm.s32 $0x19840  }
0x57: {  	[tilespmem:s16+$0xFFFFFFC0] =	vst v0  }
0x58: {  	v0 =	vld [tilespmem:s24+$0x1880]  }
0x59: {  	v46 =	vld [tilespmem:s24+$0x5880]  }
0x5a: {  	v47 =	vld [tilespmem:s24+$0x1890]  }
0x5b: {  	v48 =	vld [tilespmem:s24+$0x5890]  }
0x5c: {  	v49 =	vld [tilespmem:s24+$0x18A0]  }
0x5d: {  	v50 =	vld [tilespmem:s24+$0x58A0]  }
0x5e: {  	v51 =	vld [tilespmem:s24+$0x18B0]  }
0x5f: {  	v52 =	vld [tilespmem:s24+$0x58B0]  }
0x60: {  	v54 =	vld [tilespmem:s24+$0x18C0];
	v0 =	vmul.f32 v46, v0;
	v53 =	vmul.f32 v48, v47  }
0x61: {  	v55 =	vld [tilespmem:s24+$0x58C0]  }
0x62: {  	v57 =	vld [tilespmem:s24+$0x58D0];
	v56 =	vmul.f32 v50, v49;
	v0 =	vadd.f32 v53, v0  }
0x63: {  	v58 =	vld [tilespmem:s24+$0x18D0]  }
0x64: {  	v60 =	vld [tilespmem:s24+$0x58E0];
	v59 =	vmul.f32 v52, v51;
	v0 =	vadd.f32 v56, v0  }
0x65: {  	v61 =	vld [tilespmem:s24+$0x18E0]  }
0x66: {  	v63 =	vld [tilespmem:s24+$0x58F0];
	v62 =	vmul.f32 v55, v54;
	v0 =	vadd.f32 v59, v0  }
0x67: {  	v8 =	vld [tilespmem:s24+$0x18F0]  }
0x68: {  	v9 =	vmul.f32 v57, v58;
	v0 =	vadd.f32 v62, v0;
	_ =	sdelay $0x1  }
0x69: {  	v10 =	vmul.f32 v60, v61;
	v0 =	vadd.f32 v9, v0;
	_ =	sdelay $0x1  }
0x6a: {  	v11 =	vmul.f32 v63, v8;
	v0 =	vadd.f32 v10, v0;
	_ =	sdelay $0x1  }
0x6b: {  	v0 =	vadd.f32 v11, v0;
	_ =	sdelay $0x1  }
0x6c: {  	[tilespmem:s16+$0xFFFFFFD0] =	vst v0  }
0x6d: {  	v0 =	vld [tilespmem:s24+$0x5910]  }
0x6e: {  	v12 =	vld [tilespmem:s24+$0x1900]  }
0x6f: {  	v13 =	vld [tilespmem:s24+$0x5900]  }
0x70: {  	v14 =	vld [tilespmem:s24+$0x1910]  }
0x71: {  	v15 =	vld [tilespmem:s24+$0x1920]  }
0x72: {  	v16 =	vld [tilespmem:s24+$0x5920]  }
0x73: {  	v17 =	vld [tilespmem:s24+$0x1930]  }
0x74: {  	v18 =	vld [tilespmem:s24+$0x5930]  }
0x75: {  	v19 =	vld [tilespmem:s24+$0x5940];
	v1 =	vmul.f32 v13, v12;
	v0 =	vmul.f32 v0, v14  }
0x76: {  	v20 =	vld [tilespmem:s24+$0x1940]  }
0x77: {  	v22 =	vld [tilespmem:s24+$0x5950];
	v21 =	vmul.f32 v16, v15;
	v0 =	vadd.f32 v0, v1  }
0x78: {  	v23 =	vld [tilespmem:s24+$0x1950]  }
0x79: {  	v25 =	vld [tilespmem:s24+$0x5960];
	v24 =	vmul.f32 v18, v17;
	v0 =	vadd.f32 v21, v0  }
0x7a: {  	v26 =	vld [tilespmem:s24+$0x1960]  }
0x7b: {  	v28 =	vld [tilespmem:s24+$0x5970];
	v27 =	vmul.f32 v19, v20;
	v0 =	vadd.f32 v24, v0  }
0x7c: {  	v29 =	vld [tilespmem:s24+$0x1970]  }
0x7d: {  	v30 =	vmul.f32 v22, v23;
	v0 =	vadd.f32 v27, v0;
	_ =	sdelay $0x1  }
0x7e: {  	v31 =	vmul.f32 v25, v26;
	v0 =	vadd.f32 v30, v0;
	_ =	sdelay $0x1  }
0x7f: {  	v32 =	vmul.f32 v28, v29;
	v0 =	vadd.f32 v31, v0;
	_ =	sdelay $0x1  }
0x80: {  	v0 =	vadd.f32 v32, v0;
	_ =	sdelay $0x1  }
0x81: {  	[tilespmem:s16+$0xFFFFFFE0] =	vst v0  }
0x82: {  	v0 =	vld [tilespmem:s24+$0x5990]  }
0x83: {  	v33 =	vld [tilespmem:s24+$0x1980]  }
0x84: {  	v34 =	vld [tilespmem:s24+$0x5980]  }
0x85: {  	v35 =	vld [tilespmem:s24+$0x1990]  }
0x86: {  	v36 =	vld [tilespmem:s24+$0x59A0]  }
0x87: {  	v37 =	vld [tilespmem:s24+$0x19A0]  }
0x88: {  	v38 =	vld [tilespmem:s24+$0x59B0]  }
0x89: {  	v39 =	vld [tilespmem:s24+$0x19B0]  }
0x8a: {  	v40 =	vld [tilespmem:s24+$0x59C0];
	v1 =	vmul.f32 v34, v33;
	v0 =	vmul.f32 v0, v35  }
0x8b: {  	v41 =	vld [tilespmem:s24+$0x19C0]  }
0x8c: {  	v43 =	vld [tilespmem:s24+$0x59D0];
	v42 =	vmul.f32 v36, v37;
	v0 =	vadd.f32 v0, v1  }
0x8d: {  	v44 =	vld [tilespmem:s24+$0x19D0]  }
0x8e: {  	v46 =	vld [tilespmem:s24+$0x59E0];
	v45 =	vmul.f32 v38, v39;
	v0 =	vadd.f32 v42, v0  }
0x8f: {  	v47 =	vld [tilespmem:s24+$0x19E0]  }
0x90: {  	v49 =	vld [tilespmem:s24+$0x59F0];
	v48 =	vmul.f32 v40, v41;
	v0 =	vadd.f32 v45, v0  }
0x91: {  	v50 =	vld [tilespmem:s24+$0x19F0]  }
0x92: {  	v51 =	vmul.f32 v43, v44;
	v0 =	vadd.f32 v48, v0;
	_ =	sdelay $0x1  }
0x93: {  	v52 =	vmul.f32 v46, v47;
	v0 =	vadd.f32 v51, v0;
	_ =	sdelay $0x1  }
0x94: {  	v53 =	vmul.f32 v49, v50;
	v0 =	vadd.f32 v52, v0;
	_ =	sdelay $0x1  }
0x95: {  	v0 =	vadd.f32 v53, v0;
	_ =	sdelay $0x1  }
0x96: {  	[tilespmem:s16+$0xFFFFFFF0] =	vst v0  }
0x97: {  	v0 =	vld [tilespmem:s24+$0x5A00]  }
0x98: {  	v54 =	vld [tilespmem:s24+$0x1A00]  }
0x99: {  	v55 =	vld [tilespmem:s24+$0x5A10]  }
0x9a: {  	v56 =	vld [tilespmem:s24+$0x1A10]  }
0x9b: {  	v57 =	vld [tilespmem:s24+$0x1A20]  }
0x9c: {  	v58 =	vld [tilespmem:s24+$0x5A20]  }
0x9d: {  	v59 =	vld [tilespmem:s24+$0x1A30]  }
0x9e: {  	v60 =	vld [tilespmem:s24+$0x5A30]  }
0x9f: {  	v62 =	vld [tilespmem:s24+$0x1A40];
	v0 =	vmul.f32 v0, v54;
	v61 =	vmul.f32 v55, v56  }
0xa0: {  	v63 =	vld [tilespmem:s24+$0x5A40]  }
0xa1: {  	v10 =	vld [tilespmem:s24+$0x1A50];
	v9 =	vmul.f32 v58, v57;
	v0 =	vadd.f32 v61, v0  }
0xa2: {  	v11 =	vld [tilespmem:s24+$0x5A50]  }
0xa3: {  	v13 =	vld [tilespmem:s24+$0x1A60];
	v12 =	vmul.f32 v60, v59;
	v0 =	vadd.f32 v9, v0  }
0xa4: {  	v14 =	vld [tilespmem:s24+$0x5A60]  }
0xa5: {  	v16 =	vld [tilespmem:s24+$0x1A70];
	v15 =	vmul.f32 v63, v62;
	v0 =	vadd.f32 v12, v0  }
0xa6: {  	v17 =	vld [tilespmem:s24+$0x5A70]  }
0xa7: {  	v18 =	vmul.f32 v11, v10;
	v0 =	vadd.f32 v15, v0;
	_ =	sdelay $0x1  }
0xa8: {  	v19 =	vmul.f32 v14, v13;
	v0 =	vadd.f32 v18, v0;
	_ =	sdelay $0x1  }
0xa9: {  	v20 =	vmul.f32 v17, v16;
	v0 =	vadd.f32 v19, v0;
	_ =	sdelay $0x1  }
0xaa: {  	v0 =	vadd.f32 v20, v0;
	_ =	sdelay $0x1  }
0xab: {  	[tilespmem:s16+$0x0] =	vst v0  }
0xac: {  	v0 =	vld [tilespmem:s24+$0x1A80]  }
0xad: {  	v21 =	vld [tilespmem:s24+$0x5A80]  }
0xae: {  	v22 =	vld [tilespmem:s24+$0x5A90]  }
0xaf: {  	v23 =	vld [tilespmem:s24+$0x1A90]  }
0xb0: {  	v24 =	vld [tilespmem:s24+$0x1AA0]  }
0xb1: {  	v25 =	vld [tilespmem:s24+$0x5AA0]  }
0xb2: {  	v26 =	vld [tilespmem:s24+$0x1AB0]  }
0xb3: {  	v27 =	vld [tilespmem:s24+$0x5AB0]  }
0xb4: {  	v29 =	vld [tilespmem:s24+$0x1AC0];
	v0 =	vmul.f32 v21, v0;
	v28 =	vmul.f32 v22, v23  }
0xb5: {  	v30 =	vld [tilespmem:s24+$0x5AC0]  }
0xb6: {  	v32 =	vld [tilespmem:s24+$0x1AD0];
	v31 =	vmul.f32 v25, v24;
	v0 =	vadd.f32 v28, v0  }
0xb7: {  	v33 =	vld [tilespmem:s24+$0x5AD0]  }
0xb8: {  	v35 =	vld [tilespmem:s24+$0x1AE0];
	v34 =	vmul.f32 v27, v26;
	v0 =	vadd.f32 v31, v0  }
0xb9: {  	v36 =	vld [tilespmem:s24+$0x5AE0]  }
0xba: {  	v38 =	vld [tilespmem:s24+$0x1AF0];
	v37 =	vmul.f32 v30, v29;
	v0 =	vadd.f32 v34, v0  }
0xbb: {  	v39 =	vld [tilespmem:s24+$0x5AF0]  }
0xbc: {  	v40 =	vmul.f32 v33, v32;
	v0 =	vadd.f32 v37, v0;
	_ =	sdelay $0x1  }
0xbd: {  	v41 =	vmul.f32 v36, v35;
	v0 =	vadd.f32 v40, v0;
	_ =	sdelay $0x1  }
0xbe: {  	v42 =	vmul.f32 v39, v38;
	v0 =	vadd.f32 v41, v0;
	_ =	sdelay $0x1  }
0xbf: {  	v0 =	vadd.f32 v42, v0;
	_ =	sdelay $0x1  }
0xc0: {  	[tilespmem:s16+$0x10] =	vst v0  }
0xc1: {  	v0 =	vld [tilespmem:s24+$0x5B00]  }
0xc2: {  	v43 =	vld [tilespmem:s24+$0x5B10]  }
0xc3: {  	v44 =	vld [tilespmem:s24+$0x1B00]  }
0xc4: {  	v45 =	vld [tilespmem:s24+$0x1B10]  }
0xc5: {  	v46 =	vld [tilespmem:s24+$0x1B20]  }
0xc6: {  	v47 =	vld [tilespmem:s24+$0x5B20]  }
0xc7: {  	v48 =	vld [tilespmem:s24+$0x1B30]  }
0xc8: {  	v49 =	vld [tilespmem:s24+$0x5B30]  }
0xc9: {  	v50 =	vld [tilespmem:s24+$0x1B40];
	v0 =	vmul.f32 v0, v44;
	v1 =	vmul.f32 v43, v45  }
0xca: {  	v51 =	vld [tilespmem:s24+$0x5B40]  }
0xcb: {  	v53 =	vld [tilespmem:s24+$0x1B50];
	v52 =	vmul.f32 v47, v46;
	v0 =	vadd.f32 v1, v0  }
0xcc: {  	v54 =	vld [tilespmem:s24+$0x5B50]  }
0xcd: {  	v56 =	vld [tilespmem:s24+$0x1B60];
	v55 =	vmul.f32 v49, v48;
	v0 =	vadd.f32 v52, v0  }
0xce: {  	v57 =	vld [tilespmem:s24+$0x5B60]  }
0xcf: {  	v59 =	vld [tilespmem:s24+$0x1B70];
	v58 =	vmul.f32 v51, v50;
	v0 =	vadd.f32 v55, v0  }
0xd0: {  	v60 =	vld [tilespmem:s24+$0x5B70]  }
0xd1: {  	v61 =	vmul.f32 v54, v53;
	v0 =	vadd.f32 v58, v0;
	_ =	sdelay $0x1  }
0xd2: {  	v62 =	vmul.f32 v57, v56;
	v0 =	vadd.f32 v61, v0;
	_ =	sdelay $0x1  }
0xd3: {  	v63 =	vmul.f32 v60, v59;
	v0 =	vadd.f32 v62, v0;
	_ =	sdelay $0x1  }
0xd4: {  	v0 =	vadd.f32 v63, v0;
	_ =	sdelay $0x1  }
0xd5: {  	s8 =	simm.s32 $0x1000;
	s7 =	simm.s32 $0x19840;
	[tilespmem:s16+$0x20] =	vst v0  }
.LBB2_3:
0xd6: {  	p1 =	sne.s32 s8, $0xF000  }
0xd7: {  	v0 =	vld [tilespmem:s24+$0x1BA0];
	s16 =	sadd.s32 $0x80, s16;
	s9 =	smov.u32 s8;
	s8 =	sadd.s32 $0x1000, s8  }
0xd8: {  	v1 =	vld [tilespmem:s24+$0x5BA0]  }
0xd9: {  	v2 =	vld [tilespmem:s24+$0x5B80]  }
0xda: {  	v3 =	vld [tilespmem:s24+$0x5B90]  }
0xdb: {  	v4 =	vld [tilespmem:s24+$0x1B80]  }
0xdc: {  	v5 =	vld [tilespmem:s24+$0x1B90];
	_ =	sdelay $0x1  }
0xdd: {  	v6 =	vld [tilespmem:s24+$0x5BB0]  }
0xde: {  	v7 =	vld [tilespmem:s24+$0x1BB0]  }
0xdf: {  	v0 =	vmul.f32 v1, v0;
	v2 =	vmul.f32 v2, v4;
	v1 =	vld [tilespmem:s24+$0x5BC0]  }
0xe0: {  	v3 =	vmul.f32 v3, v5;
	v4 =	vld [tilespmem:s24+$0x1BC0]  }
0xe1: {  	v5 =	vld [tilespmem:s24+$0x5BD0]  }
0xe2: {  	v2 =	vadd.f32 v3, v2;
	v3 =	vld [tilespmem:s24+$0x1BD0]  }
0xe3: {  	v6 =	vmul.f32 v6, v7;
	v7 =	vld [tilespmem:s24+$0x5BE0]  }
0xe4: {  	v0 =	vadd.f32 v0, v2;
	v2 =	vld [tilespmem:s24+$0x1BE0]  }
0xe5: {  	v1 =	vmul.f32 v1, v4;
	v4 =	vld [tilespmem:s24+$0x5BF0]  }
0xe6: {  	v0 =	vadd.f32 v6, v0;
	v6 =	vld [tilespmem:s24+$0x1BF0]  }
0xe7: {  	v3 =	vmul.f32 v5, v3  }
0xe8: {  	v0 =	vadd.f32 v1, v0  }
0xe9: {  	v1 =	vmul.f32 v7, v2  }
0xea: {  	v0 =	vadd.f32 v3, v0  }
0xeb: {  	v2 =	vmul.f32 v4, v6  }
0xec: {  	v0 =	vadd.f32 v1, v0;
	_ =	sdelay $0x1  }
0xed: {  	v0 =	vadd.f32 v2, v0;
	_ =	sdelay $0x1  }
0xee: {  	s24 =	sshra.s32 s9, $0x2;
	[tilespmem:s7+$0x30] =	vst v0;
	s7 =	smov.u32 s16  }
0xef: {  	v0 =	vld [tilespmem:s24+$0x5810]  }
0xf0: {  	v1 =	vld [tilespmem:s24+$0x1800]  }
0xf1: {  	v2 =	vld [tilespmem:s24+$0x1810]  }
0xf2: {  	v3 =	vld [tilespmem:s24+$0x5800]  }
0xf3: {  	v4 =	vld [tilespmem:s24+$0x5820]  }
0xf4: {  	v5 =	vld [tilespmem:s24+$0x1820]  }
0xf5: {  	v6 =	vld [tilespmem:s24+$0x5830]  }
0xf6: {  	v0 =	vmul.f32 v0, v2;
	v2 =	vld [tilespmem:s24+$0x1830]  }
0xf7: {  	v1 =	vmul.f32 v3, v1;
	v3 =	vld [tilespmem:s24+$0x5840]  }
0xf8: {  	v7 =	vld [tilespmem:s24+$0x1840]  }
0xf9: {  	v0 =	vadd.f32 v0, v1;
	v1 =	vmul.f32 v4, v5;
	v4 =	vld [tilespmem:s24+$0x5850]  }
0xfa: {  	v5 =	vld [tilespmem:s24+$0x1850]  }
0xfb: {  	v0 =	vadd.f32 v1, v0;
	v1 =	vmul.f32 v6, v2;
	v2 =	vld [tilespmem:s24+$0x5860]  }
0xfc: {  	v6 =	vld [tilespmem:s24+$0x1860]  }
0xfd: {  	v0 =	vadd.f32 v1, v0;
	v1 =	vmul.f32 v3, v7;
	v3 =	vld [tilespmem:s24+$0x5870]  }
0xfe: {  	v7 =	vld [tilespmem:s24+$0x1870]  }
0xff: {  	v0 =	vadd.f32 v1, v0;
	v1 =	vmul.f32 v4, v5;
	_ =	sdelay $0x1  }
0x100: {  	v0 =	vadd.f32 v1, v0;
	v1 =	vmul.f32 v2, v6;
	_ =	sdelay $0x1  }
0x101: {  	v0 =	vadd.f32 v1, v0;
	v1 =	vmul.f32 v3, v7;
	_ =	sdelay $0x1  }
0x102: {  	v0 =	vadd.f32 v1, v0;
	_ =	sdelay $0x1  }
0x103: {  	[tilespmem:s16+$0xFFFFFFC0] =	vst v0  }
0x104: {  	v0 =	vld [tilespmem:s24+$0x1880]  }
0x105: {  	v1 =	vld [tilespmem:s24+$0x5880]  }
0x106: {  	v2 =	vld [tilespmem:s24+$0x1890]  }
0x107: {  	v3 =	vld [tilespmem:s24+$0x5890]  }
0x108: {  	v4 =	vld [tilespmem:s24+$0x18A0]  }
0x109: {  	v5 =	vld [tilespmem:s24+$0x58A0]  }
0x10a: {  	v0 =	vmul.f32 v1, v0;
	v1 =	vld [tilespmem:s24+$0x18B0]  }
0x10b: {  	v6 =	vld [tilespmem:s24+$0x58B0]  }
0x10c: {  	v2 =	vmul.f32 v3, v2;
	v3 =	vld [tilespmem:s24+$0x18C0]  }
0x10d: {  	v7 =	vld [tilespmem:s24+$0x58C0]  }
0x10e: {  	v0 =	vadd.f32 v2, v0;
	v2 =	vmul.f32 v5, v4;
	v4 =	vld [tilespmem:s24+$0x58D0]  }
0x10f: {  	v5 =	vld [tilespmem:s24+$0x18D0]  }
0x110: {  	v0 =	vadd.f32 v2, v0;
	v1 =	vmul.f32 v6, v1;
	v2 =	vld [tilespmem:s24+$0x58E0]  }
0x111: {  	v6 =	vld [tilespmem:s24+$0x18E0]  }
0x112: {  	v0 =	vadd.f32 v1, v0;
	v1 =	vmul.f32 v7, v3;
	v3 =	vld [tilespmem:s24+$0x58F0]  }
0x113: {  	v7 =	vld [tilespmem:s24+$0x18F0]  }
0x114: {  	v0 =	vadd.f32 v1, v0;
	v1 =	vmul.f32 v4, v5;
	_ =	sdelay $0x1  }
0x115: {  	v0 =	vadd.f32 v1, v0;
	v1 =	vmul.f32 v2, v6;
	_ =	sdelay $0x1  }
0x116: {  	v0 =	vadd.f32 v1, v0;
	v1 =	vmul.f32 v3, v7;
	_ =	sdelay $0x1  }
0x117: {  	v0 =	vadd.f32 v1, v0;
	_ =	sdelay $0x1  }
0x118: {  	[tilespmem:s16+$0xFFFFFFD0] =	vst v0  }
0x119: {  	v0 =	vld [tilespmem:s24+$0x5910]  }
0x11a: {  	v1 =	vld [tilespmem:s24+$0x1900]  }
0x11b: {  	v2 =	vld [tilespmem:s24+$0x5900]  }
0x11c: {  	v3 =	vld [tilespmem:s24+$0x1910]  }
0x11d: {  	v4 =	vld [tilespmem:s24+$0x1920]  }
0x11e: {  	v5 =	vld [tilespmem:s24+$0x5920]  }
0x11f: {  	v6 =	vld [tilespmem:s24+$0x1930]  }
0x120: {  	v1 =	vmul.f32 v2, v1;
	v2 =	vld [tilespmem:s24+$0x5930]  }
0x121: {  	v0 =	vmul.f32 v0, v3;
	v3 =	vld [tilespmem:s24+$0x5940]  }
0x122: {  	v7 =	vld [tilespmem:s24+$0x1940]  }
0x123: {  	v0 =	vadd.f32 v0, v1;
	v1 =	vmul.f32 v5, v4;
	v4 =	vld [tilespmem:s24+$0x5950]  }
0x124: {  	v5 =	vld [tilespmem:s24+$0x1950]  }
0x125: {  	v0 =	vadd.f32 v1, v0;
	v1 =	vmul.f32 v2, v6;
	v2 =	vld [tilespmem:s24+$0x5960]  }
0x126: {  	v6 =	vld [tilespmem:s24+$0x1960]  }
0x127: {  	v0 =	vadd.f32 v1, v0;
	v1 =	vmul.f32 v3, v7;
	v3 =	vld [tilespmem:s24+$0x5970]  }
0x128: {  	v7 =	vld [tilespmem:s24+$0x1970]  }
0x129: {  	v0 =	vadd.f32 v1, v0;
	v1 =	vmul.f32 v4, v5;
	_ =	sdelay $0x1  }
0x12a: {  	v0 =	vadd.f32 v1, v0;
	v1 =	vmul.f32 v2, v6;
	_ =	sdelay $0x1  }
0x12b: {  	v0 =	vadd.f32 v1, v0;
	v1 =	vmul.f32 v3, v7;
	_ =	sdelay $0x1  }
0x12c: {  	v0 =	vadd.f32 v1, v0;
	_ =	sdelay $0x1  }
0x12d: {  	[tilespmem:s16+$0xFFFFFFE0] =	vst v0  }
0x12e: {  	v0 =	vld [tilespmem:s24+$0x5990]  }
0x12f: {  	v1 =	vld [tilespmem:s24+$0x1980]  }
0x130: {  	v2 =	vld [tilespmem:s24+$0x5980]  }
0x131: {  	v3 =	vld [tilespmem:s24+$0x1990]  }
0x132: {  	v4 =	vld [tilespmem:s24+$0x59A0]  }
0x133: {  	v5 =	vld [tilespmem:s24+$0x19A0]  }
0x134: {  	v6 =	vld [tilespmem:s24+$0x59B0]  }
0x135: {  	v1 =	vmul.f32 v2, v1;
	v2 =	vld [tilespmem:s24+$0x19B0]  }
0x136: {  	v0 =	vmul.f32 v0, v3;
	v3 =	vld [tilespmem:s24+$0x59C0]  }
0x137: {  	v7 =	vld [tilespmem:s24+$0x19C0]  }
0x138: {  	v0 =	vadd.f32 v0, v1;
	v1 =	vmul.f32 v4, v5;
	v4 =	vld [tilespmem:s24+$0x59D0]  }
0x139: {  	v5 =	vld [tilespmem:s24+$0x19D0]  }
0x13a: {  	v0 =	vadd.f32 v1, v0;
	v1 =	vmul.f32 v6, v2;
	v2 =	vld [tilespmem:s24+$0x59E0]  }
0x13b: {  	v6 =	vld [tilespmem:s24+$0x19E0]  }
0x13c: {  	v0 =	vadd.f32 v1, v0;
	v1 =	vmul.f32 v3, v7;
	v3 =	vld [tilespmem:s24+$0x59F0]  }
0x13d: {  	v7 =	vld [tilespmem:s24+$0x19F0]  }
0x13e: {  	v0 =	vadd.f32 v1, v0;
	v1 =	vmul.f32 v4, v5;
	_ =	sdelay $0x1  }
0x13f: {  	v0 =	vadd.f32 v1, v0;
	v1 =	vmul.f32 v2, v6;
	_ =	sdelay $0x1  }
0x140: {  	v0 =	vadd.f32 v1, v0;
	v1 =	vmul.f32 v3, v7;
	_ =	sdelay $0x1  }
0x141: {  	v0 =	vadd.f32 v1, v0;
	_ =	sdelay $0x1  }
0x142: {  	[tilespmem:s16+$0xFFFFFFF0] =	vst v0  }
0x143: {  	v0 =	vld [tilespmem:s24+$0x5A00]  }
0x144: {  	v1 =	vld [tilespmem:s24+$0x1A00]  }
0x145: {  	v2 =	vld [tilespmem:s24+$0x5A10]  }
0x146: {  	v3 =	vld [tilespmem:s24+$0x1A10]  }
0x147: {  	v4 =	vld [tilespmem:s24+$0x1A20]  }
0x148: {  	v5 =	vld [tilespmem:s24+$0x5A20]  }
0x149: {  	v0 =	vmul.f32 v0, v1;
	v1 =	vld [tilespmem:s24+$0x1A30]  }
0x14a: {  	v6 =	vld [tilespmem:s24+$0x5A30]  }
0x14b: {  	v2 =	vmul.f32 v2, v3;
	v3 =	vld [tilespmem:s24+$0x1A40]  }
0x14c: {  	v7 =	vld [tilespmem:s24+$0x5A40]  }
0x14d: {  	v0 =	vadd.f32 v2, v0;
	v2 =	vmul.f32 v5, v4;
	v4 =	vld [tilespmem:s24+$0x1A50]  }
0x14e: {  	v5 =	vld [tilespmem:s24+$0x5A50]  }
0x14f: {  	v0 =	vadd.f32 v2, v0;
	v1 =	vmul.f32 v6, v1;
	v2 =	vld [tilespmem:s24+$0x1A60]  }
0x150: {  	v6 =	vld [tilespmem:s24+$0x5A60]  }
0x151: {  	v0 =	vadd.f32 v1, v0;
	v1 =	vmul.f32 v7, v3;
	v3 =	vld [tilespmem:s24+$0x1A70]  }
0x152: {  	v7 =	vld [tilespmem:s24+$0x5A70]  }
0x153: {  	v0 =	vadd.f32 v1, v0;
	v1 =	vmul.f32 v5, v4;
	_ =	sdelay $0x1  }
0x154: {  	v0 =	vadd.f32 v1, v0;
	v1 =	vmul.f32 v6, v2;
	_ =	sdelay $0x1  }
0x155: {  	v0 =	vadd.f32 v1, v0;
	v1 =	vmul.f32 v7, v3;
	_ =	sdelay $0x1  }
0x156: {  	v0 =	vadd.f32 v1, v0;
	_ =	sdelay $0x1  }
0x157: {  	[tilespmem:s16+$0x0] =	vst v0  }
0x158: {  	v0 =	vld [tilespmem:s24+$0x1A80]  }
0x159: {  	v1 =	vld [tilespmem:s24+$0x5A80]  }
0x15a: {  	v2 =	vld [tilespmem:s24+$0x5A90]  }
0x15b: {  	v3 =	vld [tilespmem:s24+$0x1A90]  }
0x15c: {  	v4 =	vld [tilespmem:s24+$0x1AA0]  }
0x15d: {  	v5 =	vld [tilespmem:s24+$0x5AA0]  }
0x15e: {  	v0 =	vmul.f32 v1, v0;
	v1 =	vld [tilespmem:s24+$0x1AB0]  }
0x15f: {  	v6 =	vld [tilespmem:s24+$0x5AB0]  }
0x160: {  	v2 =	vmul.f32 v2, v3;
	v3 =	vld [tilespmem:s24+$0x1AC0]  }
0x161: {  	v7 =	vld [tilespmem:s24+$0x5AC0]  }
0x162: {  	v0 =	vadd.f32 v2, v0;
	v2 =	vmul.f32 v5, v4;
	v4 =	vld [tilespmem:s24+$0x1AD0]  }
0x163: {  	v5 =	vld [tilespmem:s24+$0x5AD0]  }
0x164: {  	v0 =	vadd.f32 v2, v0;
	v1 =	vmul.f32 v6, v1;
	v2 =	vld [tilespmem:s24+$0x1AE0]  }
0x165: {  	v6 =	vld [tilespmem:s24+$0x5AE0]  }
0x166: {  	v0 =	vadd.f32 v1, v0;
	v1 =	vmul.f32 v7, v3;
	v3 =	vld [tilespmem:s24+$0x1AF0]  }
0x167: {  	v7 =	vld [tilespmem:s24+$0x5AF0]  }
0x168: {  	v0 =	vadd.f32 v1, v0;
	v1 =	vmul.f32 v5, v4;
	_ =	sdelay $0x1  }
0x169: {  	v0 =	vadd.f32 v1, v0;
	v1 =	vmul.f32 v6, v2;
	_ =	sdelay $0x1  }
0x16a: {  	v0 =	vadd.f32 v1, v0;
	v1 =	vmul.f32 v7, v3;
	_ =	sdelay $0x1  }
0x16b: {  	v0 =	vadd.f32 v1, v0;
	_ =	sdelay $0x1  }
0x16c: {  	[tilespmem:s16+$0x10] =	vst v0  }
0x16d: {  	v0 =	vld [tilespmem:s24+$0x5B00]  }
0x16e: {  	v1 =	vld [tilespmem:s24+$0x5B10]  }
0x16f: {  	v2 =	vld [tilespmem:s24+$0x1B00]  }
0x170: {  	v3 =	vld [tilespmem:s24+$0x1B10]  }
0x171: {  	v4 =	vld [tilespmem:s24+$0x1B20]  }
0x172: {  	v5 =	vld [tilespmem:s24+$0x5B20]  }
0x173: {  	v6 =	vld [tilespmem:s24+$0x1B30]  }
0x174: {  	v0 =	vmul.f32 v0, v2;
	v2 =	vld [tilespmem:s24+$0x5B30]  }
0x175: {  	v1 =	vmul.f32 v1, v3;
	v3 =	vld [tilespmem:s24+$0x1B40]  }
0x176: {  	v7 =	vld [tilespmem:s24+$0x5B40]  }
0x177: {  	v0 =	vadd.f32 v1, v0;
	v1 =	vmul.f32 v5, v4;
	v4 =	vld [tilespmem:s24+$0x1B50]  }
0x178: {  	v5 =	vld [tilespmem:s24+$0x5B50]  }
0x179: {  	v0 =	vadd.f32 v1, v0;
	v1 =	vmul.f32 v2, v6;
	v2 =	vld [tilespmem:s24+$0x1B60]  }
0x17a: {  	v6 =	vld [tilespmem:s24+$0x5B60]  }
0x17b: {  	v0 =	vadd.f32 v1, v0;
	v1 =	vmul.f32 v7, v3;
	v3 =	vld [tilespmem:s24+$0x1B70]  }
0x17c: {  	v7 =	vld [tilespmem:s24+$0x5B70]  }
0x17d: {  	v0 =	vadd.f32 v1, v0;
	v1 =	vmul.f32 v5, v4;
	_ =	sdelay $0x1  }
0x17e: {  	v0 =	vadd.f32 v1, v0;
	v1 =	vmul.f32 v6, v2;
	_ =	sdelay $0x1  }
.Ltmp0:
0x17f: {  	v0 =	vadd.f32 v1, v0;
	v1 =	vmul.f32 v7, v3;
	(pc) =	sbr.rel @p1 .LBB2_3-.Ltmp0, $3  }
0x180: {  	_ = 	snop  }
0x181: {  	v0 =	vadd.f32 v1, v0;
	_ =	sdelay $0x1  }
0x182: {  	[tilespmem:s16+$0x20] =	vst v0  }
0x183: {  	v0 =	vld [tilespmem:s24+$0x5B80]  }
0x184: {  	v1 =	vld [tilespmem:s24+$0x5B90]  }
0x185: {  	v2 =	vld [tilespmem:s24+$0x1B80]  }
0x186: {  	v3 =	vld [tilespmem:s24+$0x1B90]  }
0x187: {  	v4 =	vld [tilespmem:s24+$0x1BA0]  }
0x188: {  	v5 =	vld [tilespmem:s24+$0x5BA0]  }
0x189: {  	v6 =	vld [tilespmem:s24+$0x5BB0]  }
0x18a: {  	v7 =	vld [tilespmem:s24+$0x1BB0]  }
0x18b: {  	v14 =	vld [tilespmem:s24+$0x5BC0];
	v0 =	vmul.f32 v0, v2;
	v1 =	vmul.f32 v1, v3  }
0x18c: {  	v15 =	vld [tilespmem:s24+$0x1BC0]  }
0x18d: {  	v16 =	vld [tilespmem:s24+$0x5BD0];
	v4 =	vmul.f32 v5, v4;
	v0 =	vadd.f32 v1, v0  }
0x18e: {  	v17 =	vld [tilespmem:s24+$0x1BD0]  }
0x18f: {  	v18 =	vld [tilespmem:s24+$0x5BE0];
	v6 =	vmul.f32 v6, v7;
	v0 =	vadd.f32 v4, v0  }
0x190: {  	v19 =	vld [tilespmem:s24+$0x1BE0]  }
0x191: {  	v20 =	vld [tilespmem:s24+$0x5BF0];
	v2 =	vmul.f32 v14, v15;
	v0 =	vadd.f32 v6, v0  }
0x192: {  	v21 =	vld [tilespmem:s24+$0x1BF0]  }
0x193: {  	v1 =	vmul.f32 v16, v17;
	v0 =	vadd.f32 v2, v0;
	_ =	sdelay $0x1  }
0x194: {  	v22 =	vmul.f32 v18, v19;
	v0 =	vadd.f32 v1, v0;
	_ =	sdelay $0x1  }
0x195: {  	p1 =	slt.u32 s22, $0x2;
	s24 =	smul.u32 $0x30, s22;
	s8 =	smov.u32 s11;
	v23 =	vmul.f32 v20, v21;
	v0 =	vadd.f32 v22, v0  }
0x196: {  	s8 =	smov.u32 @p1 s6  }
0x197: {  	p1 =	seq.s32 s22, $0x7;
	s8 =	sadd.s32 s8, s24;
	v0 =	vadd.f32 v23, v0  }
0x198: {  	p2 =	sne.s32 @!p1 s22, $0x0;
	s8 =	sshll.u32 s8, $0x4  }
0x199: {  	p3 =	por !p2, p1;
	s16 =	sadd.s32 s5, s8;
	[tilespmem:s7+$0x30] =	vst v0;
	s7 =	sadd.s32 $0x3, s25  }
0x19a: {  	[hbm4b:s16+s4] =	stream.linear.scatter [tilespmem:s29], [sflag:$0x4], $0x800, $0x38;
	[tilespmem:$0x1B000] =	vst v63  }
0x19b: {  	p2 =	por p2, p1;
	s25 =	simm.s32 @!p3 $0x1800;
	s8 =	sshll.u32 @!p3 s7, $0x9  }
0x19c: {  	s16 =	simm.s32 @!p3 $0x80;
	s7 =	sshll.u32 @!p2 s7, $0x9;
	s9 =	sshrl.u32 @!p3 s8, $0x2  }
0x19d: {  	[tilespmem:s25], [sflag:$0x1] =	stream.indirect.gather @!p3 [hbm4b:s2+s16], $0x80, s9, s16, $0xb8;
	[tilespmem:$0x1B000] =	vst v63  }
0x19e: {  	s8 =	smov.u32 @p3 s7;
	s9 =	simm.s32 @!p2 $0x80  }
0x19f: {  	s16 =	simm.s32 @!p2 $0x180;
	s25 =	simm.s32 @!p2 $0x1800;
	s7 =	sshrl.u32 @!p1 s8, $0x2  }
0x1a0: {  	[tilespmem:s25], [sflag:$0x1] =	stream.indirect.gather @!p2 [hbm4b:s1+s9], $0x80, s16, s9, $0xb8;
	[tilespmem:$0x1B000] =	vst v63  }
0x1a1: {  	s8 =	simm.s32 @!p1 $0x80;
	s7 =	sadd.s32 @!p1 $0xC00, s7;
	s9 =	simm.s32 @!p1 $0x5800  }
0x1a2: {  	[tilespmem:s9], [sflag:$0x1] =	stream.indirect.gather @!p1 [hbm4b:s2+s8], $0x80, s7, s8, $0xb8;
	[tilespmem:$0x1B000] =	vst v63  }
0x1a3: {  	_ =	swait.ge [sflag:s30], $0x4000  }
0x1a4: {  	[sflag:s30] =	ssyncset.done $0x0  }
0x1a5: {  	[sflag:s30] =	ssyncadd.s32 $0xFFFFC000  }
0x1a6: {  	_ =	swait.ge [sflag:s30], $0x4000  }
0x1a7: {  	[sflag:s30] =	ssyncset.done $0x0  }
0x1a8: {  	s7 =	simm.s32 @!p0 $0x5;
	[sflag:s30] =	ssyncadd.s32 $0xFFFFC000  }
0x1a9: {  	_ =	swait.ge @!p0 [sflag:s7], $0x800  }
0x1aa: {  	[sflag:s7] =	ssyncset.done @!p0 $0x0  }
0x1ab: {  	s25 =	simm.s32 $0x0;
	[sflag:s7] =	ssyncadd.s32 @!p0 $0xFFFFF800  }
0x1ac: {  	v24 =	vld [tilespmem:s25+$0xD810]  }
0x1ad: {  	v25 =	vld [tilespmem:s25+$0x9800]  }
0x1ae: {  	v26 =	vld [tilespmem:s25+$0x9810]  }
0x1af: {  	v27 =	vld [tilespmem:s25+$0xD800]  }
0x1b0: {  	v28 =	vld [tilespmem:s25+$0xD820]  }
0x1b1: {  	v29 =	vld [tilespmem:s25+$0x9820]  }
0x1b2: {  	v30 =	vld [tilespmem:s25+$0xD830]  }
0x1b3: {  	v31 =	vld [tilespmem:s25+$0x9830]  }
0x1b4: {  	v32 =	vld [tilespmem:s25+$0xD840];
	v0 =	vmul.f32 v24, v26;
	v1 =	vmul.f32 v27, v25  }
0x1b5: {  	v33 =	vld [tilespmem:s25+$0x9840]  }
0x1b6: {  	v35 =	vld [tilespmem:s25+$0xD850];
	v34 =	vmul.f32 v28, v29;
	v0 =	vadd.f32 v0, v1  }
0x1b7: {  	v36 =	vld [tilespmem:s25+$0x9850]  }
0x1b8: {  	v38 =	vld [tilespmem:s25+$0xD860];
	v37 =	vmul.f32 v30, v31;
	v0 =	vadd.f32 v34, v0  }
0x1b9: {  	v39 =	vld [tilespmem:s25+$0x9860]  }
0x1ba: {  	v41 =	vld [tilespmem:s25+$0xD870];
	v40 =	vmul.f32 v32, v33;
	v0 =	vadd.f32 v37, v0  }
0x1bb: {  	v42 =	vld [tilespmem:s25+$0x9870]  }
0x1bc: {  	v43 =	vmul.f32 v35, v36;
	v0 =	vadd.f32 v40, v0;
	_ =	sdelay $0x1  }
0x1bd: {  	v44 =	vmul.f32 v38, v39;
	v0 =	vadd.f32 v43, v0;
	_ =	sdelay $0x1  }
0x1be: {  	v45 =	vmul.f32 v41, v42;
	v0 =	vadd.f32 v44, v0;
	_ =	sdelay $0x1  }
0x1bf: {  	v0 =	vadd.f32 v45, v0  }
0x1c0: {  	s16 =	simm.s32 $0x1A040  }
0x1c1: {  	[tilespmem:s16+$0xFFFFFFC0] =	vst v0  }
0x1c2: {  	v0 =	vld [tilespmem:s25+$0x9880]  }
0x1c3: {  	v46 =	vld [tilespmem:s25+$0xD880]  }
0x1c4: {  	v47 =	vld [tilespmem:s25+$0x9890]  }
0x1c5: {  	v48 =	vld [tilespmem:s25+$0xD890]  }
0x1c6: {  	v49 =	vld [tilespmem:s25+$0x98A0]  }
0x1c7: {  	v50 =	vld [tilespmem:s25+$0xD8A0]  }
0x1c8: {  	v51 =	vld [tilespmem:s25+$0x98B0]  }
0x1c9: {  	v52 =	vld [tilespmem:s25+$0xD8B0]  }
0x1ca: {  	v54 =	vld [tilespmem:s25+$0x98C0];
	v0 =	vmul.f32 v46, v0;
	v53 =	vmul.f32 v48, v47  }
0x1cb: {  	v55 =	vld [tilespmem:s25+$0xD8C0]  }
0x1cc: {  	v57 =	vld [tilespmem:s25+$0xD8D0];
	v56 =	vmul.f32 v50, v49;
	v0 =	vadd.f32 v53, v0  }
0x1cd: {  	v58 =	vld [tilespmem:s25+$0x98D0]  }
0x1ce: {  	v60 =	vld [tilespmem:s25+$0xD8E0];
	v59 =	vmul.f32 v52, v51;
	v0 =	vadd.f32 v56, v0  }
0x1cf: {  	v61 =	vld [tilespmem:s25+$0x98E0]  }
0x1d0: {  	v63 =	vld [tilespmem:s25+$0xD8F0];
	v62 =	vmul.f32 v55, v54;
	v0 =	vadd.f32 v59, v0  }
0x1d1: {  	v8 =	vld [tilespmem:s25+$0x98F0]  }
0x1d2: {  	v9 =	vmul.f32 v57, v58;
	v0 =	vadd.f32 v62, v0;
	_ =	sdelay $0x1  }
0x1d3: {  	v10 =	vmul.f32 v60, v61;
	v0 =	vadd.f32 v9, v0;
	_ =	sdelay $0x1  }
0x1d4: {  	v11 =	vmul.f32 v63, v8;
	v0 =	vadd.f32 v10, v0;
	_ =	sdelay $0x1  }
0x1d5: {  	v0 =	vadd.f32 v11, v0;
	_ =	sdelay $0x1  }
0x1d6: {  	[tilespmem:s16+$0xFFFFFFD0] =	vst v0  }
0x1d7: {  	v0 =	vld [tilespmem:s25+$0xD910]  }
0x1d8: {  	v12 =	vld [tilespmem:s25+$0x9900]  }
0x1d9: {  	v13 =	vld [tilespmem:s25+$0xD900]  }
0x1da: {  	v14 =	vld [tilespmem:s25+$0x9910]  }
0x1db: {  	v15 =	vld [tilespmem:s25+$0x9920]  }
0x1dc: {  	v16 =	vld [tilespmem:s25+$0xD920]  }
0x1dd: {  	v17 =	vld [tilespmem:s25+$0x9930]  }
0x1de: {  	v18 =	vld [tilespmem:s25+$0xD930]  }
0x1df: {  	v19 =	vld [tilespmem:s25+$0xD940];
	v1 =	vmul.f32 v13, v12;
	v0 =	vmul.f32 v0, v14  }
0x1e0: {  	v20 =	vld [tilespmem:s25+$0x9940]  }
0x1e1: {  	v22 =	vld [tilespmem:s25+$0xD950];
	v21 =	vmul.f32 v16, v15;
	v0 =	vadd.f32 v0, v1  }
0x1e2: {  	v23 =	vld [tilespmem:s25+$0x9950]  }
0x1e3: {  	v25 =	vld [tilespmem:s25+$0xD960];
	v24 =	vmul.f32 v18, v17;
	v0 =	vadd.f32 v21, v0  }
0x1e4: {  	v26 =	vld [tilespmem:s25+$0x9960]  }
0x1e5: {  	v28 =	vld [tilespmem:s25+$0xD970];
	v27 =	vmul.f32 v19, v20;
	v0 =	vadd.f32 v24, v0  }
0x1e6: {  	v29 =	vld [tilespmem:s25+$0x9970]  }
0x1e7: {  	v30 =	vmul.f32 v22, v23;
	v0 =	vadd.f32 v27, v0;
	_ =	sdelay $0x1  }
0x1e8: {  	v31 =	vmul.f32 v25, v26;
	v0 =	vadd.f32 v30, v0;
	_ =	sdelay $0x1  }
0x1e9: {  	v32 =	vmul.f32 v28, v29;
	v0 =	vadd.f32 v31, v0;
	_ =	sdelay $0x1  }
0x1ea: {  	v0 =	vadd.f32 v32, v0;
	_ =	sdelay $0x1  }
0x1eb: {  	[tilespmem:s16+$0xFFFFFFE0] =	vst v0  }
0x1ec: {  	v0 =	vld [tilespmem:s25+$0xD990]  }
0x1ed: {  	v33 =	vld [tilespmem:s25+$0x9980]  }
0x1ee: {  	v34 =	vld [tilespmem:s25+$0xD980]  }
0x1ef: {  	v35 =	vld [tilespmem:s25+$0x9990]  }
0x1f0: {  	v36 =	vld [tilespmem:s25+$0xD9A0]  }
0x1f1: {  	v37 =	vld [tilespmem:s25+$0x99A0]  }
0x1f2: {  	v38 =	vld [tilespmem:s25+$0xD9B0]  }
0x1f3: {  	v39 =	vld [tilespmem:s25+$0x99B0]  }
0x1f4: {  	v40 =	vld [tilespmem:s25+$0xD9C0];
	v1 =	vmul.f32 v34, v33;
	v0 =	vmul.f32 v0, v35  }
0x1f5: {  	v41 =	vld [tilespmem:s25+$0x99C0]  }
0x1f6: {  	v43 =	vld [tilespmem:s25+$0xD9D0];
	v42 =	vmul.f32 v36, v37;
	v0 =	vadd.f32 v0, v1  }
0x1f7: {  	v44 =	vld [tilespmem:s25+$0x99D0]  }
0x1f8: {  	v46 =	vld [tilespmem:s25+$0xD9E0];
	v45 =	vmul.f32 v38, v39;
	v0 =	vadd.f32 v42, v0  }
0x1f9: {  	v47 =	vld [tilespmem:s25+$0x99E0]  }
0x1fa: {  	v49 =	vld [tilespmem:s25+$0xD9F0];
	v48 =	vmul.f32 v40, v41;
	v0 =	vadd.f32 v45, v0  }
0x1fb: {  	v50 =	vld [tilespmem:s25+$0x99F0]  }
0x1fc: {  	v51 =	vmul.f32 v43, v44;
	v0 =	vadd.f32 v48, v0;
	_ =	sdelay $0x1  }
0x1fd: {  	v52 =	vmul.f32 v46, v47;
	v0 =	vadd.f32 v51, v0;
	_ =	sdelay $0x1  }
0x1fe: {  	v53 =	vmul.f32 v49, v50;
	v0 =	vadd.f32 v52, v0;
	_ =	sdelay $0x1  }
0x1ff: {  	v0 =	vadd.f32 v53, v0;
	_ =	sdelay $0x1  }
0x200: {  	[tilespmem:s16+$0xFFFFFFF0] =	vst v0  }
0x201: {  	v0 =	vld [tilespmem:s25+$0xDA00]  }
0x202: {  	v54 =	vld [tilespmem:s25+$0x9A00]  }
0x203: {  	v55 =	vld [tilespmem:s25+$0xDA10]  }
0x204: {  	v56 =	vld [tilespmem:s25+$0x9A10]  }
0x205: {  	v57 =	vld [tilespmem:s25+$0x9A20]  }
0x206: {  	v58 =	vld [tilespmem:s25+$0xDA20]  }
0x207: {  	v59 =	vld [tilespmem:s25+$0x9A30]  }
0x208: {  	v60 =	vld [tilespmem:s25+$0xDA30]  }
0x209: {  	v62 =	vld [tilespmem:s25+$0x9A40];
	v0 =	vmul.f32 v0, v54;
	v61 =	vmul.f32 v55, v56  }
0x20a: {  	v63 =	vld [tilespmem:s25+$0xDA40]  }
0x20b: {  	v10 =	vld [tilespmem:s25+$0x9A50];
	v9 =	vmul.f32 v58, v57;
	v0 =	vadd.f32 v61, v0  }
0x20c: {  	v11 =	vld [tilespmem:s25+$0xDA50]  }
0x20d: {  	v13 =	vld [tilespmem:s25+$0x9A60];
	v12 =	vmul.f32 v60, v59;
	v0 =	vadd.f32 v9, v0  }
0x20e: {  	v14 =	vld [tilespmem:s25+$0xDA60]  }
0x20f: {  	v16 =	vld [tilespmem:s25+$0x9A70];
	v15 =	vmul.f32 v63, v62;
	v0 =	vadd.f32 v12, v0  }
0x210: {  	v17 =	vld [tilespmem:s25+$0xDA70]  }
0x211: {  	v18 =	vmul.f32 v11, v10;
	v0 =	vadd.f32 v15, v0;
	_ =	sdelay $0x1  }
0x212: {  	v19 =	vmul.f32 v14, v13;
	v0 =	vadd.f32 v18, v0;
	_ =	sdelay $0x1  }
0x213: {  	v20 =	vmul.f32 v17, v16;
	v0 =	vadd.f32 v19, v0;
	_ =	sdelay $0x1  }
0x214: {  	v0 =	vadd.f32 v20, v0;
	_ =	sdelay $0x1  }
0x215: {  	[tilespmem:s16+$0x0] =	vst v0  }
0x216: {  	v0 =	vld [tilespmem:s25+$0x9A80]  }
0x217: {  	v21 =	vld [tilespmem:s25+$0xDA80]  }
0x218: {  	v22 =	vld [tilespmem:s25+$0xDA90]  }
0x219: {  	v23 =	vld [tilespmem:s25+$0x9A90]  }
0x21a: {  	v24 =	vld [tilespmem:s25+$0x9AA0]  }
0x21b: {  	v25 =	vld [tilespmem:s25+$0xDAA0]  }
0x21c: {  	v26 =	vld [tilespmem:s25+$0x9AB0]  }
0x21d: {  	v27 =	vld [tilespmem:s25+$0xDAB0]  }
0x21e: {  	v29 =	vld [tilespmem:s25+$0x9AC0];
	v0 =	vmul.f32 v21, v0;
	v28 =	vmul.f32 v22, v23  }
0x21f: {  	v30 =	vld [tilespmem:s25+$0xDAC0]  }
0x220: {  	v32 =	vld [tilespmem:s25+$0x9AD0];
	v31 =	vmul.f32 v25, v24;
	v0 =	vadd.f32 v28, v0  }
0x221: {  	v33 =	vld [tilespmem:s25+$0xDAD0]  }
0x222: {  	v35 =	vld [tilespmem:s25+$0x9AE0];
	v34 =	vmul.f32 v27, v26;
	v0 =	vadd.f32 v31, v0  }
0x223: {  	v36 =	vld [tilespmem:s25+$0xDAE0]  }
0x224: {  	v38 =	vld [tilespmem:s25+$0x9AF0];
	v37 =	vmul.f32 v30, v29;
	v0 =	vadd.f32 v34, v0  }
0x225: {  	v39 =	vld [tilespmem:s25+$0xDAF0]  }
0x226: {  	v40 =	vmul.f32 v33, v32;
	v0 =	vadd.f32 v37, v0;
	_ =	sdelay $0x1  }
0x227: {  	v41 =	vmul.f32 v36, v35;
	v0 =	vadd.f32 v40, v0;
	_ =	sdelay $0x1  }
0x228: {  	v42 =	vmul.f32 v39, v38;
	v0 =	vadd.f32 v41, v0;
	_ =	sdelay $0x1  }
0x229: {  	v0 =	vadd.f32 v42, v0;
	_ =	sdelay $0x1  }
0x22a: {  	[tilespmem:s16+$0x10] =	vst v0  }
0x22b: {  	v0 =	vld [tilespmem:s25+$0xDB00]  }
0x22c: {  	v43 =	vld [tilespmem:s25+$0xDB10]  }
0x22d: {  	v44 =	vld [tilespmem:s25+$0x9B00]  }
0x22e: {  	v45 =	vld [tilespmem:s25+$0x9B10]  }
0x22f: {  	v46 =	vld [tilespmem:s25+$0x9B20]  }
0x230: {  	v47 =	vld [tilespmem:s25+$0xDB20]  }
0x231: {  	v48 =	vld [tilespmem:s25+$0x9B30]  }
0x232: {  	v49 =	vld [tilespmem:s25+$0xDB30]  }
0x233: {  	v50 =	vld [tilespmem:s25+$0x9B40];
	v0 =	vmul.f32 v0, v44;
	v1 =	vmul.f32 v43, v45  }
0x234: {  	v51 =	vld [tilespmem:s25+$0xDB40]  }
0x235: {  	v53 =	vld [tilespmem:s25+$0x9B50];
	v52 =	vmul.f32 v47, v46;
	v0 =	vadd.f32 v1, v0  }
0x236: {  	v54 =	vld [tilespmem:s25+$0xDB50]  }
0x237: {  	v56 =	vld [tilespmem:s25+$0x9B60];
	v55 =	vmul.f32 v49, v48;
	v0 =	vadd.f32 v52, v0  }
0x238: {  	v57 =	vld [tilespmem:s25+$0xDB60]  }
0x239: {  	v59 =	vld [tilespmem:s25+$0x9B70];
	v58 =	vmul.f32 v51, v50;
	v0 =	vadd.f32 v55, v0  }
0x23a: {  	v60 =	vld [tilespmem:s25+$0xDB70]  }
0x23b: {  	v61 =	vmul.f32 v54, v53;
	v0 =	vadd.f32 v58, v0;
	_ =	sdelay $0x1  }
0x23c: {  	v62 =	vmul.f32 v57, v56;
	v0 =	vadd.f32 v61, v0;
	_ =	sdelay $0x1  }
0x23d: {  	v63 =	vmul.f32 v60, v59;
	v0 =	vadd.f32 v62, v0;
	_ =	sdelay $0x1  }
0x23e: {  	v0 =	vadd.f32 v63, v0;
	_ =	sdelay $0x1  }
0x23f: {  	s8 =	simm.s32 $0x1000;
	s7 =	simm.s32 $0x1A040;
	[tilespmem:s16+$0x20] =	vst v0  }
.LBB2_5:
0x240: {  	p2 =	sne.s32 s8, $0xF000  }
0x241: {  	v0 =	vld [tilespmem:s25+$0x9BA0];
	s16 =	sadd.s32 $0x80, s16;
	s9 =	smov.u32 s8;
	s8 =	sadd.s32 $0x1000, s8  }
0x242: {  	v1 =	vld [tilespmem:s25+$0xDBA0]  }
0x243: {  	v2 =	vld [tilespmem:s25+$0xDB80]  }
0x244: {  	v3 =	vld [tilespmem:s25+$0xDB90]  }
0x245: {  	v4 =	vld [tilespmem:s25+$0x9B80]  }
0x246: {  	v5 =	vld [tilespmem:s25+$0x9B90];
	_ =	sdelay $0x1  }
0x247: {  	v6 =	vld [tilespmem:s25+$0xDBB0]  }
0x248: {  	v7 =	vld [tilespmem:s25+$0x9BB0]  }
0x249: {  	v0 =	vmul.f32 v1, v0;
	v2 =	vmul.f32 v2, v4;
	v1 =	vld [tilespmem:s25+$0xDBC0]  }
0x24a: {  	v3 =	vmul.f32 v3, v5;
	v4 =	vld [tilespmem:s25+$0x9BC0]  }
0x24b: {  	v5 =	vld [tilespmem:s25+$0xDBD0]  }
0x24c: {  	v2 =	vadd.f32 v3, v2;
	v3 =	vld [tilespmem:s25+$0x9BD0]  }
0x24d: {  	v6 =	vmul.f32 v6, v7;
	v7 =	vld [tilespmem:s25+$0xDBE0]  }
0x24e: {  	v0 =	vadd.f32 v0, v2;
	v2 =	vld [tilespmem:s25+$0x9BE0]  }
0x24f: {  	v1 =	vmul.f32 v1, v4;
	v4 =	vld [tilespmem:s25+$0xDBF0]  }
0x250: {  	v0 =	vadd.f32 v6, v0;
	v6 =	vld [tilespmem:s25+$0x9BF0]  }
0x251: {  	v3 =	vmul.f32 v5, v3  }
0x252: {  	v0 =	vadd.f32 v1, v0  }
0x253: {  	v1 =	vmul.f32 v7, v2  }
0x254: {  	v0 =	vadd.f32 v3, v0  }
0x255: {  	v2 =	vmul.f32 v4, v6  }
0x256: {  	v0 =	vadd.f32 v1, v0;
	_ =	sdelay $0x1  }
0x257: {  	v0 =	vadd.f32 v2, v0;
	_ =	sdelay $0x1  }
0x258: {  	s25 =	sshra.s32 s9, $0x2;
	[tilespmem:s7+$0x30] =	vst v0;
	s7 =	smov.u32 s16  }
0x259: {  	v0 =	vld [tilespmem:s25+$0xD810]  }
0x25a: {  	v1 =	vld [tilespmem:s25+$0x9800]  }
0x25b: {  	v2 =	vld [tilespmem:s25+$0x9810]  }
0x25c: {  	v3 =	vld [tilespmem:s25+$0xD800]  }
0x25d: {  	v4 =	vld [tilespmem:s25+$0xD820]  }
0x25e: {  	v5 =	vld [tilespmem:s25+$0x9820]  }
0x25f: {  	v6 =	vld [tilespmem:s25+$0xD830]  }
0x260: {  	v0 =	vmul.f32 v0, v2;
	v2 =	vld [tilespmem:s25+$0x9830]  }
0x261: {  	v1 =	vmul.f32 v3, v1;
	v3 =	vld [tilespmem:s25+$0xD840]  }
0x262: {  	v7 =	vld [tilespmem:s25+$0x9840]  }
0x263: {  	v0 =	vadd.f32 v0, v1;
	v1 =	vmul.f32 v4, v5;
	v4 =	vld [tilespmem:s25+$0xD850]  }
0x264: {  	v5 =	vld [tilespmem:s25+$0x9850]  }
0x265: {  	v0 =	vadd.f32 v1, v0;
	v1 =	vmul.f32 v6, v2;
	v2 =	vld [tilespmem:s25+$0xD860]  }
0x266: {  	v6 =	vld [tilespmem:s25+$0x9860]  }
0x267: {  	v0 =	vadd.f32 v1, v0;
	v1 =	vmul.f32 v3, v7;
	v3 =	vld [tilespmem:s25+$0xD870]  }
0x268: {  	v7 =	vld [tilespmem:s25+$0x9870]  }
0x269: {  	v0 =	vadd.f32 v1, v0;
	v1 =	vmul.f32 v4, v5;
	_ =	sdelay $0x1  }
0x26a: {  	v0 =	vadd.f32 v1, v0;
	v1 =	vmul.f32 v2, v6;
	_ =	sdelay $0x1  }
0x26b: {  	v0 =	vadd.f32 v1, v0;
	v1 =	vmul.f32 v3, v7;
	_ =	sdelay $0x1  }
0x26c: {  	v0 =	vadd.f32 v1, v0;
	_ =	sdelay $0x1  }
0x26d: {  	[tilespmem:s16+$0xFFFFFFC0] =	vst v0  }
0x26e: {  	v0 =	vld [tilespmem:s25+$0x9880]  }
0x26f: {  	v1 =	vld [tilespmem:s25+$0xD880]  }
0x270: {  	v2 =	vld [tilespmem:s25+$0x9890]  }
0x271: {  	v3 =	vld [tilespmem:s25+$0xD890]  }
0x272: {  	v4 =	vld [tilespmem:s25+$0x98A0]  }
0x273: {  	v5 =	vld [tilespmem:s25+$0xD8A0]  }
0x274: {  	v0 =	vmul.f32 v1, v0;
	v1 =	vld [tilespmem:s25+$0x98B0]  }
0x275: {  	v6 =	vld [tilespmem:s25+$0xD8B0]  }
0x276: {  	v2 =	vmul.f32 v3, v2;
	v3 =	vld [tilespmem:s25+$0x98C0]  }
0x277: {  	v7 =	vld [tilespmem:s25+$0xD8C0]  }
0x278: {  	v0 =	vadd.f32 v2, v0;
	v2 =	vmul.f32 v5, v4;
	v4 =	vld [tilespmem:s25+$0xD8D0]  }
0x279: {  	v5 =	vld [tilespmem:s25+$0x98D0]  }
0x27a: {  	v0 =	vadd.f32 v2, v0;
	v1 =	vmul.f32 v6, v1;
	v2 =	vld [tilespmem:s25+$0xD8E0]  }
0x27b: {  	v6 =	vld [tilespmem:s25+$0x98E0]  }
0x27c: {  	v0 =	vadd.f32 v1, v0;
	v1 =	vmul.f32 v7, v3;
	v3 =	vld [tilespmem:s25+$0xD8F0]  }
0x27d: {  	v7 =	vld [tilespmem:s25+$0x98F0]  }
0x27e: {  	v0 =	vadd.f32 v1, v0;
	v1 =	vmul.f32 v4, v5;
	_ =	sdelay $0x1  }
0x27f: {  	v0 =	vadd.f32 v1, v0;
	v1 =	vmul.f32 v2, v6;
	_ =	sdelay $0x1  }
0x280: {  	v0 =	vadd.f32 v1, v0;
	v1 =	vmul.f32 v3, v7;
	_ =	sdelay $0x1  }
0x281: {  	v0 =	vadd.f32 v1, v0;
	_ =	sdelay $0x1  }
0x282: {  	[tilespmem:s16+$0xFFFFFFD0] =	vst v0  }
0x283: {  	v0 =	vld [tilespmem:s25+$0xD910]  }
0x284: {  	v1 =	vld [tilespmem:s25+$0x9900]  }
0x285: {  	v2 =	vld [tilespmem:s25+$0xD900]  }
0x286: {  	v3 =	vld [tilespmem:s25+$0x9910]  }
0x287: {  	v4 =	vld [tilespmem:s25+$0x9920]  }
0x288: {  	v5 =	vld [tilespmem:s25+$0xD920]  }
0x289: {  	v6 =	vld [tilespmem:s25+$0x9930]  }
0x28a: {  	v1 =	vmul.f32 v2, v1;
	v2 =	vld [tilespmem:s25+$0xD930]  }
0x28b: {  	v0 =	vmul.f32 v0, v3;
	v3 =	vld [tilespmem:s25+$0xD940]  }
0x28c: {  	v7 =	vld [tilespmem:s25+$0x9940]  }
0x28d: {  	v0 =	vadd.f32 v0, v1;
	v1 =	vmul.f32 v5, v4;
	v4 =	vld [tilespmem:s25+$0xD950]  }
0x28e: {  	v5 =	vld [tilespmem:s25+$0x9950]  }
0x28f: {  	v0 =	vadd.f32 v1, v0;
	v1 =	vmul.f32 v2, v6;
	v2 =	vld [tilespmem:s25+$0xD960]  }
0x290: {  	v6 =	vld [tilespmem:s25+$0x9960]  }
0x291: {  	v0 =	vadd.f32 v1, v0;
	v1 =	vmul.f32 v3, v7;
	v3 =	vld [tilespmem:s25+$0xD970]  }
0x292: {  	v7 =	vld [tilespmem:s25+$0x9970]  }
0x293: {  	v0 =	vadd.f32 v1, v0;
	v1 =	vmul.f32 v4, v5;
	_ =	sdelay $0x1  }
0x294: {  	v0 =	vadd.f32 v1, v0;
	v1 =	vmul.f32 v2, v6;
	_ =	sdelay $0x1  }
0x295: {  	v0 =	vadd.f32 v1, v0;
	v1 =	vmul.f32 v3, v7;
	_ =	sdelay $0x1  }
0x296: {  	v0 =	vadd.f32 v1, v0;
	_ =	sdelay $0x1  }
0x297: {  	[tilespmem:s16+$0xFFFFFFE0] =	vst v0  }
0x298: {  	v0 =	vld [tilespmem:s25+$0xD990]  }
0x299: {  	v1 =	vld [tilespmem:s25+$0x9980]  }
0x29a: {  	v2 =	vld [tilespmem:s25+$0xD980]  }
0x29b: {  	v3 =	vld [tilespmem:s25+$0x9990]  }
0x29c: {  	v4 =	vld [tilespmem:s25+$0xD9A0]  }
0x29d: {  	v5 =	vld [tilespmem:s25+$0x99A0]  }
0x29e: {  	v6 =	vld [tilespmem:s25+$0xD9B0]  }
0x29f: {  	v1 =	vmul.f32 v2, v1;
	v2 =	vld [tilespmem:s25+$0x99B0]  }
0x2a0: {  	v0 =	vmul.f32 v0, v3;
	v3 =	vld [tilespmem:s25+$0xD9C0]  }
0x2a1: {  	v7 =	vld [tilespmem:s25+$0x99C0]  }
0x2a2: {  	v0 =	vadd.f32 v0, v1;
	v1 =	vmul.f32 v4, v5;
	v4 =	vld [tilespmem:s25+$0xD9D0]  }
0x2a3: {  	v5 =	vld [tilespmem:s25+$0x99D0]  }
0x2a4: {  	v0 =	vadd.f32 v1, v0;
	v1 =	vmul.f32 v6, v2;
	v2 =	vld [tilespmem:s25+$0xD9E0]  }
0x2a5: {  	v6 =	vld [tilespmem:s25+$0x99E0]  }
0x2a6: {  	v0 =	vadd.f32 v1, v0;
	v1 =	vmul.f32 v3, v7;
	v3 =	vld [tilespmem:s25+$0xD9F0]  }
0x2a7: {  	v7 =	vld [tilespmem:s25+$0x99F0]  }
0x2a8: {  	v0 =	vadd.f32 v1, v0;
	v1 =	vmul.f32 v4, v5;
	_ =	sdelay $0x1  }
0x2a9: {  	v0 =	vadd.f32 v1, v0;
	v1 =	vmul.f32 v2, v6;
	_ =	sdelay $0x1  }
0x2aa: {  	v0 =	vadd.f32 v1, v0;
	v1 =	vmul.f32 v3, v7;
	_ =	sdelay $0x1  }
0x2ab: {  	v0 =	vadd.f32 v1, v0;
	_ =	sdelay $0x1  }
0x2ac: {  	[tilespmem:s16+$0xFFFFFFF0] =	vst v0  }
0x2ad: {  	v0 =	vld [tilespmem:s25+$0xDA00]  }
0x2ae: {  	v1 =	vld [tilespmem:s25+$0x9A00]  }
0x2af: {  	v2 =	vld [tilespmem:s25+$0xDA10]  }
0x2b0: {  	v3 =	vld [tilespmem:s25+$0x9A10]  }
0x2b1: {  	v4 =	vld [tilespmem:s25+$0x9A20]  }
0x2b2: {  	v5 =	vld [tilespmem:s25+$0xDA20]  }
0x2b3: {  	v0 =	vmul.f32 v0, v1;
	v1 =	vld [tilespmem:s25+$0x9A30]  }
0x2b4: {  	v6 =	vld [tilespmem:s25+$0xDA30]  }
0x2b5: {  	v2 =	vmul.f32 v2, v3;
	v3 =	vld [tilespmem:s25+$0x9A40]  }
0x2b6: {  	v7 =	vld [tilespmem:s25+$0xDA40]  }
0x2b7: {  	v0 =	vadd.f32 v2, v0;
	v2 =	vmul.f32 v5, v4;
	v4 =	vld [tilespmem:s25+$0x9A50]  }
0x2b8: {  	v5 =	vld [tilespmem:s25+$0xDA50]  }
0x2b9: {  	v0 =	vadd.f32 v2, v0;
	v1 =	vmul.f32 v6, v1;
	v2 =	vld [tilespmem:s25+$0x9A60]  }
0x2ba: {  	v6 =	vld [tilespmem:s25+$0xDA60]  }
0x2bb: {  	v0 =	vadd.f32 v1, v0;
	v1 =	vmul.f32 v7, v3;
	v3 =	vld [tilespmem:s25+$0x9A70]  }
0x2bc: {  	v7 =	vld [tilespmem:s25+$0xDA70]  }
0x2bd: {  	v0 =	vadd.f32 v1, v0;
	v1 =	vmul.f32 v5, v4;
	_ =	sdelay $0x1  }
0x2be: {  	v0 =	vadd.f32 v1, v0;
	v1 =	vmul.f32 v6, v2;
	_ =	sdelay $0x1  }
0x2bf: {  	v0 =	vadd.f32 v1, v0;
	v1 =	vmul.f32 v7, v3;
	_ =	sdelay $0x1  }
0x2c0: {  	v0 =	vadd.f32 v1, v0;
	_ =	sdelay $0x1  }
0x2c1: {  	[tilespmem:s16+$0x0] =	vst v0  }
0x2c2: {  	v0 =	vld [tilespmem:s25+$0x9A80]  }
0x2c3: {  	v1 =	vld [tilespmem:s25+$0xDA80]  }
0x2c4: {  	v2 =	vld [tilespmem:s25+$0xDA90]  }
0x2c5: {  	v3 =	vld [tilespmem:s25+$0x9A90]  }
0x2c6: {  	v4 =	vld [tilespmem:s25+$0x9AA0]  }
0x2c7: {  	v5 =	vld [tilespmem:s25+$0xDAA0]  }
0x2c8: {  	v0 =	vmul.f32 v1, v0;
	v1 =	vld [tilespmem:s25+$0x9AB0]  }
0x2c9: {  	v6 =	vld [tilespmem:s25+$0xDAB0]  }
0x2ca: {  	v2 =	vmul.f32 v2, v3;
	v3 =	vld [tilespmem:s25+$0x9AC0]  }
0x2cb: {  	v7 =	vld [tilespmem:s25+$0xDAC0]  }
0x2cc: {  	v0 =	vadd.f32 v2, v0;
	v2 =	vmul.f32 v5, v4;
	v4 =	vld [tilespmem:s25+$0x9AD0]  }
0x2cd: {  	v5 =	vld [tilespmem:s25+$0xDAD0]  }
0x2ce: {  	v0 =	vadd.f32 v2, v0;
	v1 =	vmul.f32 v6, v1;
	v2 =	vld [tilespmem:s25+$0x9AE0]  }
0x2cf: {  	v6 =	vld [tilespmem:s25+$0xDAE0]  }
0x2d0: {  	v0 =	vadd.f32 v1, v0;
	v1 =	vmul.f32 v7, v3;
	v3 =	vld [tilespmem:s25+$0x9AF0]  }
0x2d1: {  	v7 =	vld [tilespmem:s25+$0xDAF0]  }
0x2d2: {  	v0 =	vadd.f32 v1, v0;
	v1 =	vmul.f32 v5, v4;
	_ =	sdelay $0x1  }
0x2d3: {  	v0 =	vadd.f32 v1, v0;
	v1 =	vmul.f32 v6, v2;
	_ =	sdelay $0x1  }
0x2d4: {  	v0 =	vadd.f32 v1, v0;
	v1 =	vmul.f32 v7, v3;
	_ =	sdelay $0x1  }
0x2d5: {  	v0 =	vadd.f32 v1, v0;
	_ =	sdelay $0x1  }
0x2d6: {  	[tilespmem:s16+$0x10] =	vst v0  }
0x2d7: {  	v0 =	vld [tilespmem:s25+$0xDB00]  }
0x2d8: {  	v1 =	vld [tilespmem:s25+$0xDB10]  }
0x2d9: {  	v2 =	vld [tilespmem:s25+$0x9B00]  }
0x2da: {  	v3 =	vld [tilespmem:s25+$0x9B10]  }
0x2db: {  	v4 =	vld [tilespmem:s25+$0x9B20]  }
0x2dc: {  	v5 =	vld [tilespmem:s25+$0xDB20]  }
0x2dd: {  	v6 =	vld [tilespmem:s25+$0x9B30]  }
0x2de: {  	v0 =	vmul.f32 v0, v2;
	v2 =	vld [tilespmem:s25+$0xDB30]  }
0x2df: {  	v1 =	vmul.f32 v1, v3;
	v3 =	vld [tilespmem:s25+$0x9B40]  }
0x2e0: {  	v7 =	vld [tilespmem:s25+$0xDB40]  }
0x2e1: {  	v0 =	vadd.f32 v1, v0;
	v1 =	vmul.f32 v5, v4;
	v4 =	vld [tilespmem:s25+$0x9B50]  }
0x2e2: {  	v5 =	vld [tilespmem:s25+$0xDB50]  }
0x2e3: {  	v0 =	vadd.f32 v1, v0;
	v1 =	vmul.f32 v2, v6;
	v2 =	vld [tilespmem:s25+$0x9B60]  }
0x2e4: {  	v6 =	vld [tilespmem:s25+$0xDB60]  }
0x2e5: {  	v0 =	vadd.f32 v1, v0;
	v1 =	vmul.f32 v7, v3;
	v3 =	vld [tilespmem:s25+$0x9B70]  }
0x2e6: {  	v7 =	vld [tilespmem:s25+$0xDB70]  }
0x2e7: {  	v0 =	vadd.f32 v1, v0;
	v1 =	vmul.f32 v5, v4;
	_ =	sdelay $0x1  }
0x2e8: {  	v0 =	vadd.f32 v1, v0;
	v1 =	vmul.f32 v6, v2;
	_ =	sdelay $0x1  }
.Ltmp1:
0x2e9: {  	v0 =	vadd.f32 v1, v0;
	v1 =	vmul.f32 v7, v3;
	(pc) =	sbr.rel @p2 .LBB2_5-.Ltmp1, $3  }
0x2ea: {  	_ = 	snop  }
0x2eb: {  	v0 =	vadd.f32 v1, v0;
	_ =	sdelay $0x1  }
0x2ec: {  	[tilespmem:s16+$0x20] =	vst v0  }
0x2ed: {  	v0 =	vld [tilespmem:s25+$0xDB80]  }
0x2ee: {  	v1 =	vld [tilespmem:s25+$0xDB90]  }
0x2ef: {  	v2 =	vld [tilespmem:s25+$0x9B80]  }
0x2f0: {  	v3 =	vld [tilespmem:s25+$0x9B90]  }
0x2f1: {  	v4 =	vld [tilespmem:s25+$0x9BA0]  }
0x2f2: {  	v5 =	vld [tilespmem:s25+$0xDBA0]  }
0x2f3: {  	v6 =	vld [tilespmem:s25+$0xDBB0]  }
0x2f4: {  	v7 =	vld [tilespmem:s25+$0x9BB0]  }
0x2f5: {  	v14 =	vld [tilespmem:s25+$0xDBC0];
	v0 =	vmul.f32 v0, v2;
	v1 =	vmul.f32 v1, v3  }
0x2f6: {  	v15 =	vld [tilespmem:s25+$0x9BC0]  }
0x2f7: {  	v16 =	vld [tilespmem:s25+$0xDBD0];
	v4 =	vmul.f32 v5, v4;
	v0 =	vadd.f32 v1, v0  }
0x2f8: {  	v17 =	vld [tilespmem:s25+$0x9BD0]  }
0x2f9: {  	v18 =	vld [tilespmem:s25+$0xDBE0];
	v6 =	vmul.f32 v6, v7;
	v0 =	vadd.f32 v4, v0  }
0x2fa: {  	v19 =	vld [tilespmem:s25+$0x9BE0]  }
0x2fb: {  	v20 =	vld [tilespmem:s25+$0xDBF0];
	v2 =	vmul.f32 v14, v15;
	v0 =	vadd.f32 v6, v0  }
0x2fc: {  	v21 =	vld [tilespmem:s25+$0x9BF0]  }
0x2fd: {  	v1 =	vmul.f32 v16, v17;
	v0 =	vadd.f32 v2, v0;
	_ =	sdelay $0x1  }
0x2fe: {  	v22 =	vmul.f32 v18, v19;
	v0 =	vadd.f32 v1, v0  }
0x2ff: {  	s8 =	sadd.s32 s13, s24  }
0x300: {  	s8 =	smov.u32 @p0 s12;
	v23 =	vmul.f32 v20, v21;
	v0 =	vadd.f32 v22, v0  }
0x301: {  	s8 =	sshll.u32 s8, $0x4  }
0x302: {  	s25 =	sadd.s32 s5, s8;
	s8 =	smul.u32 @!p1 $0x600, s22;
	v0 =	vadd.f32 v23, v0;
	_ =	sdelay $0x1  }
0x303: {  	[tilespmem:s7+$0x30] =	vst v0;
	s7 =	sshra.s32 @!p1 s8, $0x2  }
0x304: {  	[hbm4b:s25+s4] =	stream.linear.scatter [tilespmem:s31], [sflag:$0x5], $0x800, $0x38;
	[tilespmem:$0x1B000] =	vst v63  }
0x305: {  	s9 =	simm.s32 @!p1 $0x80;
	s16 =	simm.s32 @!p1 $0x9800;
	s8 =	sadd.s32 @!p1 $0x200, s7  }
0x306: {  	[tilespmem:s16], [sflag:$0x2] =	stream.indirect.gather @!p1 [hbm4b:s2+s9], $0x80, s8, s9, $0xb8;
	[tilespmem:$0x1B000] =	vst v63  }
0x307: {  	s7 =	sadd.s32 @!p1 $0xE00, s7;
	s8 =	simm.s32 @!p1 $0xD800  }
0x308: {  	[tilespmem:s8], [sflag:$0x2] =	stream.indirect.gather @!p1 [hbm4b:s2+s9], $0x80, s7, s9, $0xb8;
	[tilespmem:$0x1B000] =	vst v63  }
0x309: {  	_ =	swait.ge [sflag:s0], $0x4000  }
0x30a: {  	[sflag:s0] =	ssyncset.done $0x0  }
0x30b: {  	[sflag:s0] =	ssyncadd.s32 $0xFFFFC000  }
0x30c: {  	_ =	swait.ge [sflag:s0], $0x4000  }
0x30d: {  	[sflag:s0] =	ssyncset.done $0x0  }
0x30e: {  	s7 =	simm.s32 @!p0 $0x6;
	[sflag:s0] =	ssyncadd.s32 $0xFFFFC000  }
0x30f: {  	_ =	swait.ge @!p0 [sflag:s7], $0x800  }
0x310: {  	[sflag:s7] =	ssyncset.done @!p0 $0x0  }
0x311: {  	s25 =	simm.s32 $0x0;
	[sflag:s7] =	ssyncadd.s32 @!p0 $0xFFFFF800  }
0x312: {  	v24 =	vld [tilespmem:s25+$0x15810]  }
0x313: {  	v25 =	vld [tilespmem:s25+$0x11800]  }
0x314: {  	v26 =	vld [tilespmem:s25+$0x11810]  }
0x315: {  	v27 =	vld [tilespmem:s25+$0x15800]  }
0x316: {  	v28 =	vld [tilespmem:s25+$0x15820]  }
0x317: {  	v29 =	vld [tilespmem:s25+$0x11820]  }
0x318: {  	v30 =	vld [tilespmem:s25+$0x15830]  }
0x319: {  	v31 =	vld [tilespmem:s25+$0x11830]  }
0x31a: {  	v32 =	vld [tilespmem:s25+$0x15840];
	v0 =	vmul.f32 v24, v26;
	v1 =	vmul.f32 v27, v25  }
0x31b: {  	v33 =	vld [tilespmem:s25+$0x11840]  }
0x31c: {  	v35 =	vld [tilespmem:s25+$0x15850];
	v34 =	vmul.f32 v28, v29;
	v0 =	vadd.f32 v0, v1  }
0x31d: {  	v36 =	vld [tilespmem:s25+$0x11850]  }
0x31e: {  	v38 =	vld [tilespmem:s25+$0x15860];
	v37 =	vmul.f32 v30, v31;
	v0 =	vadd.f32 v34, v0  }
0x31f: {  	v39 =	vld [tilespmem:s25+$0x11860]  }
0x320: {  	v41 =	vld [tilespmem:s25+$0x15870];
	v40 =	vmul.f32 v32, v33;
	v0 =	vadd.f32 v37, v0  }
0x321: {  	v42 =	vld [tilespmem:s25+$0x11870]  }
0x322: {  	v43 =	vmul.f32 v35, v36;
	v0 =	vadd.f32 v40, v0;
	_ =	sdelay $0x1  }
0x323: {  	v44 =	vmul.f32 v38, v39;
	v0 =	vadd.f32 v43, v0;
	_ =	sdelay $0x1  }
0x324: {  	v45 =	vmul.f32 v41, v42;
	v0 =	vadd.f32 v44, v0;
	_ =	sdelay $0x1  }
0x325: {  	v0 =	vadd.f32 v45, v0  }
0x326: {  	s16 =	simm.s32 $0x1A840  }
0x327: {  	[tilespmem:s16+$0xFFFFFFC0] =	vst v0  }
0x328: {  	v0 =	vld [tilespmem:s25+$0x11880]  }
0x329: {  	v46 =	vld [tilespmem:s25+$0x15880]  }
0x32a: {  	v47 =	vld [tilespmem:s25+$0x11890]  }
0x32b: {  	v48 =	vld [tilespmem:s25+$0x15890]  }
0x32c: {  	v49 =	vld [tilespmem:s25+$0x118A0]  }
0x32d: {  	v50 =	vld [tilespmem:s25+$0x158A0]  }
0x32e: {  	v51 =	vld [tilespmem:s25+$0x118B0]  }
0x32f: {  	v52 =	vld [tilespmem:s25+$0x158B0]  }
0x330: {  	v54 =	vld [tilespmem:s25+$0x118C0];
	v0 =	vmul.f32 v46, v0;
	v53 =	vmul.f32 v48, v47  }
0x331: {  	v55 =	vld [tilespmem:s25+$0x158C0]  }
0x332: {  	v57 =	vld [tilespmem:s25+$0x158D0];
	v56 =	vmul.f32 v50, v49;
	v0 =	vadd.f32 v53, v0  }
0x333: {  	v58 =	vld [tilespmem:s25+$0x118D0]  }
0x334: {  	v60 =	vld [tilespmem:s25+$0x158E0];
	v59 =	vmul.f32 v52, v51;
	v0 =	vadd.f32 v56, v0  }
0x335: {  	v61 =	vld [tilespmem:s25+$0x118E0]  }
0x336: {  	v63 =	vld [tilespmem:s25+$0x158F0];
	v62 =	vmul.f32 v55, v54;
	v0 =	vadd.f32 v59, v0  }
0x337: {  	v8 =	vld [tilespmem:s25+$0x118F0]  }
0x338: {  	v9 =	vmul.f32 v57, v58;
	v0 =	vadd.f32 v62, v0;
	_ =	sdelay $0x1  }
0x339: {  	v10 =	vmul.f32 v60, v61;
	v0 =	vadd.f32 v9, v0;
	_ =	sdelay $0x1  }
0x33a: {  	v11 =	vmul.f32 v63, v8;
	v0 =	vadd.f32 v10, v0;
	_ =	sdelay $0x1  }
0x33b: {  	v0 =	vadd.f32 v11, v0;
	_ =	sdelay $0x1  }
0x33c: {  	[tilespmem:s16+$0xFFFFFFD0] =	vst v0  }
0x33d: {  	v0 =	vld [tilespmem:s25+$0x15910]  }
0x33e: {  	v12 =	vld [tilespmem:s25+$0x11900]  }
0x33f: {  	v13 =	vld [tilespmem:s25+$0x15900]  }
0x340: {  	v14 =	vld [tilespmem:s25+$0x11910]  }
0x341: {  	v15 =	vld [tilespmem:s25+$0x11920]  }
0x342: {  	v16 =	vld [tilespmem:s25+$0x15920]  }
0x343: {  	v17 =	vld [tilespmem:s25+$0x11930]  }
0x344: {  	v18 =	vld [tilespmem:s25+$0x15930]  }
0x345: {  	v19 =	vld [tilespmem:s25+$0x15940];
	v1 =	vmul.f32 v13, v12;
	v0 =	vmul.f32 v0, v14  }
0x346: {  	v20 =	vld [tilespmem:s25+$0x11940]  }
0x347: {  	v22 =	vld [tilespmem:s25+$0x15950];
	v21 =	vmul.f32 v16, v15;
	v0 =	vadd.f32 v0, v1  }
0x348: {  	v23 =	vld [tilespmem:s25+$0x11950]  }
0x349: {  	v25 =	vld [tilespmem:s25+$0x15960];
	v24 =	vmul.f32 v18, v17;
	v0 =	vadd.f32 v21, v0  }
0x34a: {  	v26 =	vld [tilespmem:s25+$0x11960]  }
0x34b: {  	v28 =	vld [tilespmem:s25+$0x15970];
	v27 =	vmul.f32 v19, v20;
	v0 =	vadd.f32 v24, v0  }
0x34c: {  	v29 =	vld [tilespmem:s25+$0x11970]  }
0x34d: {  	v30 =	vmul.f32 v22, v23;
	v0 =	vadd.f32 v27, v0;
	_ =	sdelay $0x1  }
0x34e: {  	v31 =	vmul.f32 v25, v26;
	v0 =	vadd.f32 v30, v0;
	_ =	sdelay $0x1  }
0x34f: {  	v32 =	vmul.f32 v28, v29;
	v0 =	vadd.f32 v31, v0;
	_ =	sdelay $0x1  }
0x350: {  	v0 =	vadd.f32 v32, v0;
	_ =	sdelay $0x1  }
0x351: {  	[tilespmem:s16+$0xFFFFFFE0] =	vst v0  }
0x352: {  	v0 =	vld [tilespmem:s25+$0x15990]  }
0x353: {  	v33 =	vld [tilespmem:s25+$0x11980]  }
0x354: {  	v34 =	vld [tilespmem:s25+$0x15980]  }
0x355: {  	v35 =	vld [tilespmem:s25+$0x11990]  }
0x356: {  	v36 =	vld [tilespmem:s25+$0x159A0]  }
0x357: {  	v37 =	vld [tilespmem:s25+$0x119A0]  }
0x358: {  	v38 =	vld [tilespmem:s25+$0x159B0]  }
0x359: {  	v39 =	vld [tilespmem:s25+$0x119B0]  }
0x35a: {  	v40 =	vld [tilespmem:s25+$0x159C0];
	v1 =	vmul.f32 v34, v33;
	v0 =	vmul.f32 v0, v35  }
0x35b: {  	v41 =	vld [tilespmem:s25+$0x119C0]  }
0x35c: {  	v43 =	vld [tilespmem:s25+$0x159D0];
	v42 =	vmul.f32 v36, v37;
	v0 =	vadd.f32 v0, v1  }
0x35d: {  	v44 =	vld [tilespmem:s25+$0x119D0]  }
0x35e: {  	v46 =	vld [tilespmem:s25+$0x159E0];
	v45 =	vmul.f32 v38, v39;
	v0 =	vadd.f32 v42, v0  }
0x35f: {  	v47 =	vld [tilespmem:s25+$0x119E0]  }
0x360: {  	v49 =	vld [tilespmem:s25+$0x159F0];
	v48 =	vmul.f32 v40, v41;
	v0 =	vadd.f32 v45, v0  }
0x361: {  	v50 =	vld [tilespmem:s25+$0x119F0]  }
0x362: {  	v51 =	vmul.f32 v43, v44;
	v0 =	vadd.f32 v48, v0;
	_ =	sdelay $0x1  }
0x363: {  	v52 =	vmul.f32 v46, v47;
	v0 =	vadd.f32 v51, v0;
	_ =	sdelay $0x1  }
0x364: {  	v53 =	vmul.f32 v49, v50;
	v0 =	vadd.f32 v52, v0;
	_ =	sdelay $0x1  }
0x365: {  	v0 =	vadd.f32 v53, v0;
	_ =	sdelay $0x1  }
0x366: {  	[tilespmem:s16+$0xFFFFFFF0] =	vst v0  }
0x367: {  	v0 =	vld [tilespmem:s25+$0x15A00]  }
0x368: {  	v54 =	vld [tilespmem:s25+$0x11A00]  }
0x369: {  	v55 =	vld [tilespmem:s25+$0x15A10]  }
0x36a: {  	v56 =	vld [tilespmem:s25+$0x11A10]  }
0x36b: {  	v57 =	vld [tilespmem:s25+$0x11A20]  }
0x36c: {  	v58 =	vld [tilespmem:s25+$0x15A20]  }
0x36d: {  	v59 =	vld [tilespmem:s25+$0x11A30]  }
0x36e: {  	v60 =	vld [tilespmem:s25+$0x15A30]  }
0x36f: {  	v62 =	vld [tilespmem:s25+$0x11A40];
	v0 =	vmul.f32 v0, v54;
	v61 =	vmul.f32 v55, v56  }
0x370: {  	v63 =	vld [tilespmem:s25+$0x15A40]  }
0x371: {  	v10 =	vld [tilespmem:s25+$0x11A50];
	v9 =	vmul.f32 v58, v57;
	v0 =	vadd.f32 v61, v0  }
0x372: {  	v11 =	vld [tilespmem:s25+$0x15A50]  }
0x373: {  	v13 =	vld [tilespmem:s25+$0x11A60];
	v12 =	vmul.f32 v60, v59;
	v0 =	vadd.f32 v9, v0  }
0x374: {  	v14 =	vld [tilespmem:s25+$0x15A60]  }
0x375: {  	v16 =	vld [tilespmem:s25+$0x11A70];
	v15 =	vmul.f32 v63, v62;
	v0 =	vadd.f32 v12, v0  }
0x376: {  	v17 =	vld [tilespmem:s25+$0x15A70]  }
0x377: {  	v18 =	vmul.f32 v11, v10;
	v0 =	vadd.f32 v15, v0;
	_ =	sdelay $0x1  }
0x378: {  	v19 =	vmul.f32 v14, v13;
	v0 =	vadd.f32 v18, v0;
	_ =	sdelay $0x1  }
0x379: {  	v20 =	vmul.f32 v17, v16;
	v0 =	vadd.f32 v19, v0;
	_ =	sdelay $0x1  }
0x37a: {  	v0 =	vadd.f32 v20, v0;
	_ =	sdelay $0x1  }
0x37b: {  	[tilespmem:s16+$0x0] =	vst v0  }
0x37c: {  	v0 =	vld [tilespmem:s25+$0x11A80]  }
0x37d: {  	v21 =	vld [tilespmem:s25+$0x15A80]  }
0x37e: {  	v22 =	vld [tilespmem:s25+$0x15A90]  }
0x37f: {  	v23 =	vld [tilespmem:s25+$0x11A90]  }
0x380: {  	v24 =	vld [tilespmem:s25+$0x11AA0]  }
0x381: {  	v25 =	vld [tilespmem:s25+$0x15AA0]  }
0x382: {  	v26 =	vld [tilespmem:s25+$0x11AB0]  }
0x383: {  	v27 =	vld [tilespmem:s25+$0x15AB0]  }
0x384: {  	v29 =	vld [tilespmem:s25+$0x11AC0];
	v0 =	vmul.f32 v21, v0;
	v28 =	vmul.f32 v22, v23  }
0x385: {  	v30 =	vld [tilespmem:s25+$0x15AC0]  }
0x386: {  	v32 =	vld [tilespmem:s25+$0x11AD0];
	v31 =	vmul.f32 v25, v24;
	v0 =	vadd.f32 v28, v0  }
0x387: {  	v33 =	vld [tilespmem:s25+$0x15AD0]  }
0x388: {  	v35 =	vld [tilespmem:s25+$0x11AE0];
	v34 =	vmul.f32 v27, v26;
	v0 =	vadd.f32 v31, v0  }
0x389: {  	v36 =	vld [tilespmem:s25+$0x15AE0]  }
0x38a: {  	v38 =	vld [tilespmem:s25+$0x11AF0];
	v37 =	vmul.f32 v30, v29;
	v0 =	vadd.f32 v34, v0  }
0x38b: {  	v39 =	vld [tilespmem:s25+$0x15AF0]  }
0x38c: {  	v40 =	vmul.f32 v33, v32;
	v0 =	vadd.f32 v37, v0;
	_ =	sdelay $0x1  }
0x38d: {  	v41 =	vmul.f32 v36, v35;
	v0 =	vadd.f32 v40, v0;
	_ =	sdelay $0x1  }
0x38e: {  	v42 =	vmul.f32 v39, v38;
	v0 =	vadd.f32 v41, v0;
	_ =	sdelay $0x1  }
0x38f: {  	v0 =	vadd.f32 v42, v0;
	_ =	sdelay $0x1  }
0x390: {  	[tilespmem:s16+$0x10] =	vst v0  }
0x391: {  	v0 =	vld [tilespmem:s25+$0x15B00]  }
0x392: {  	v43 =	vld [tilespmem:s25+$0x15B10]  }
0x393: {  	v44 =	vld [tilespmem:s25+$0x11B00]  }
0x394: {  	v45 =	vld [tilespmem:s25+$0x11B10]  }
0x395: {  	v46 =	vld [tilespmem:s25+$0x11B20]  }
0x396: {  	v47 =	vld [tilespmem:s25+$0x15B20]  }
0x397: {  	v48 =	vld [tilespmem:s25+$0x11B30]  }
0x398: {  	v49 =	vld [tilespmem:s25+$0x15B30]  }
0x399: {  	v50 =	vld [tilespmem:s25+$0x11B40];
	v0 =	vmul.f32 v0, v44;
	v1 =	vmul.f32 v43, v45  }
0x39a: {  	v51 =	vld [tilespmem:s25+$0x15B40]  }
0x39b: {  	v53 =	vld [tilespmem:s25+$0x11B50];
	v52 =	vmul.f32 v47, v46;
	v0 =	vadd.f32 v1, v0  }
0x39c: {  	v54 =	vld [tilespmem:s25+$0x15B50]  }
0x39d: {  	v56 =	vld [tilespmem:s25+$0x11B60];
	v55 =	vmul.f32 v49, v48;
	v0 =	vadd.f32 v52, v0  }
0x39e: {  	v57 =	vld [tilespmem:s25+$0x15B60]  }
0x39f: {  	v59 =	vld [tilespmem:s25+$0x11B70];
	v58 =	vmul.f32 v51, v50;
	v0 =	vadd.f32 v55, v0  }
0x3a0: {  	v60 =	vld [tilespmem:s25+$0x15B70]  }
0x3a1: {  	v61 =	vmul.f32 v54, v53;
	v0 =	vadd.f32 v58, v0;
	_ =	sdelay $0x1  }
0x3a2: {  	v62 =	vmul.f32 v57, v56;
	v0 =	vadd.f32 v61, v0;
	_ =	sdelay $0x1  }
0x3a3: {  	v63 =	vmul.f32 v60, v59;
	v0 =	vadd.f32 v62, v0;
	_ =	sdelay $0x1  }
0x3a4: {  	v0 =	vadd.f32 v63, v0;
	_ =	sdelay $0x1  }
0x3a5: {  	s8 =	simm.s32 $0x1000;
	s7 =	simm.s32 $0x1A840;
	[tilespmem:s16+$0x20] =	vst v0  }
.LBB2_7:
0x3a6: {  	p1 =	sne.s32 s8, $0xF000  }
0x3a7: {  	v0 =	vld [tilespmem:s25+$0x11BA0];
	s16 =	sadd.s32 $0x80, s16;
	s9 =	smov.u32 s8;
	s8 =	sadd.s32 $0x1000, s8  }
0x3a8: {  	v1 =	vld [tilespmem:s25+$0x15BA0]  }
0x3a9: {  	v2 =	vld [tilespmem:s25+$0x15B80]  }
0x3aa: {  	v3 =	vld [tilespmem:s25+$0x15B90]  }
0x3ab: {  	v4 =	vld [tilespmem:s25+$0x11B80]  }
0x3ac: {  	v5 =	vld [tilespmem:s25+$0x11B90];
	_ =	sdelay $0x1  }
0x3ad: {  	v6 =	vld [tilespmem:s25+$0x15BB0]  }
0x3ae: {  	v7 =	vld [tilespmem:s25+$0x11BB0]  }
0x3af: {  	v0 =	vmul.f32 v1, v0;
	v2 =	vmul.f32 v2, v4;
	v1 =	vld [tilespmem:s25+$0x15BC0]  }
0x3b0: {  	v3 =	vmul.f32 v3, v5;
	v4 =	vld [tilespmem:s25+$0x11BC0]  }
0x3b1: {  	v5 =	vld [tilespmem:s25+$0x15BD0]  }
0x3b2: {  	v2 =	vadd.f32 v3, v2;
	v3 =	vld [tilespmem:s25+$0x11BD0]  }
0x3b3: {  	v6 =	vmul.f32 v6, v7;
	v7 =	vld [tilespmem:s25+$0x15BE0]  }
0x3b4: {  	v0 =	vadd.f32 v0, v2;
	v2 =	vld [tilespmem:s25+$0x11BE0]  }
0x3b5: {  	v1 =	vmul.f32 v1, v4;
	v4 =	vld [tilespmem:s25+$0x15BF0]  }
0x3b6: {  	v0 =	vadd.f32 v6, v0;
	v6 =	vld [tilespmem:s25+$0x11BF0]  }
0x3b7: {  	v3 =	vmul.f32 v5, v3  }
0x3b8: {  	v0 =	vadd.f32 v1, v0  }
0x3b9: {  	v1 =	vmul.f32 v7, v2  }
0x3ba: {  	v0 =	vadd.f32 v3, v0  }
0x3bb: {  	v2 =	vmul.f32 v4, v6  }
0x3bc: {  	v0 =	vadd.f32 v1, v0;
	_ =	sdelay $0x1  }
0x3bd: {  	v0 =	vadd.f32 v2, v0;
	_ =	sdelay $0x1  }
0x3be: {  	s25 =	sshra.s32 s9, $0x2;
	[tilespmem:s7+$0x30] =	vst v0;
	s7 =	smov.u32 s16  }
0x3bf: {  	v0 =	vld [tilespmem:s25+$0x15810]  }
0x3c0: {  	v1 =	vld [tilespmem:s25+$0x11800]  }
0x3c1: {  	v2 =	vld [tilespmem:s25+$0x11810]  }
0x3c2: {  	v3 =	vld [tilespmem:s25+$0x15800]  }
0x3c3: {  	v4 =	vld [tilespmem:s25+$0x15820]  }
0x3c4: {  	v5 =	vld [tilespmem:s25+$0x11820]  }
0x3c5: {  	v6 =	vld [tilespmem:s25+$0x15830]  }
0x3c6: {  	v0 =	vmul.f32 v0, v2;
	v2 =	vld [tilespmem:s25+$0x11830]  }
0x3c7: {  	v1 =	vmul.f32 v3, v1;
	v3 =	vld [tilespmem:s25+$0x15840]  }
0x3c8: {  	v7 =	vld [tilespmem:s25+$0x11840]  }
0x3c9: {  	v0 =	vadd.f32 v0, v1;
	v1 =	vmul.f32 v4, v5;
	v4 =	vld [tilespmem:s25+$0x15850]  }
0x3ca: {  	v5 =	vld [tilespmem:s25+$0x11850]  }
0x3cb: {  	v0 =	vadd.f32 v1, v0;
	v1 =	vmul.f32 v6, v2;
	v2 =	vld [tilespmem:s25+$0x15860]  }
0x3cc: {  	v6 =	vld [tilespmem:s25+$0x11860]  }
0x3cd: {  	v0 =	vadd.f32 v1, v0;
	v1 =	vmul.f32 v3, v7;
	v3 =	vld [tilespmem:s25+$0x15870]  }
0x3ce: {  	v7 =	vld [tilespmem:s25+$0x11870]  }
0x3cf: {  	v0 =	vadd.f32 v1, v0;
	v1 =	vmul.f32 v4, v5;
	_ =	sdelay $0x1  }
0x3d0: {  	v0 =	vadd.f32 v1, v0;
	v1 =	vmul.f32 v2, v6;
	_ =	sdelay $0x1  }
0x3d1: {  	v0 =	vadd.f32 v1, v0;
	v1 =	vmul.f32 v3, v7;
	_ =	sdelay $0x1  }
0x3d2: {  	v0 =	vadd.f32 v1, v0;
	_ =	sdelay $0x1  }
0x3d3: {  	[tilespmem:s16+$0xFFFFFFC0] =	vst v0  }
0x3d4: {  	v0 =	vld [tilespmem:s25+$0x11880]  }
0x3d5: {  	v1 =	vld [tilespmem:s25+$0x15880]  }
0x3d6: {  	v2 =	vld [tilespmem:s25+$0x11890]  }
0x3d7: {  	v3 =	vld [tilespmem:s25+$0x15890]  }
0x3d8: {  	v4 =	vld [tilespmem:s25+$0x118A0]  }
0x3d9: {  	v5 =	vld [tilespmem:s25+$0x158A0]  }
0x3da: {  	v0 =	vmul.f32 v1, v0;
	v1 =	vld [tilespmem:s25+$0x118B0]  }
0x3db: {  	v6 =	vld [tilespmem:s25+$0x158B0]  }
0x3dc: {  	v2 =	vmul.f32 v3, v2;
	v3 =	vld [tilespmem:s25+$0x118C0]  }
0x3dd: {  	v7 =	vld [tilespmem:s25+$0x158C0]  }
0x3de: {  	v0 =	vadd.f32 v2, v0;
	v2 =	vmul.f32 v5, v4;
	v4 =	vld [tilespmem:s25+$0x158D0]  }
0x3df: {  	v5 =	vld [tilespmem:s25+$0x118D0]  }
0x3e0: {  	v0 =	vadd.f32 v2, v0;
	v1 =	vmul.f32 v6, v1;
	v2 =	vld [tilespmem:s25+$0x158E0]  }
0x3e1: {  	v6 =	vld [tilespmem:s25+$0x118E0]  }
0x3e2: {  	v0 =	vadd.f32 v1, v0;
	v1 =	vmul.f32 v7, v3;
	v3 =	vld [tilespmem:s25+$0x158F0]  }
0x3e3: {  	v7 =	vld [tilespmem:s25+$0x118F0]  }
0x3e4: {  	v0 =	vadd.f32 v1, v0;
	v1 =	vmul.f32 v4, v5;
	_ =	sdelay $0x1  }
0x3e5: {  	v0 =	vadd.f32 v1, v0;
	v1 =	vmul.f32 v2, v6;
	_ =	sdelay $0x1  }
0x3e6: {  	v0 =	vadd.f32 v1, v0;
	v1 =	vmul.f32 v3, v7;
	_ =	sdelay $0x1  }
0x3e7: {  	v0 =	vadd.f32 v1, v0;
	_ =	sdelay $0x1  }
0x3e8: {  	[tilespmem:s16+$0xFFFFFFD0] =	vst v0  }
0x3e9: {  	v0 =	vld [tilespmem:s25+$0x15910]  }
0x3ea: {  	v1 =	vld [tilespmem:s25+$0x11900]  }
0x3eb: {  	v2 =	vld [tilespmem:s25+$0x15900]  }
0x3ec: {  	v3 =	vld [tilespmem:s25+$0x11910]  }
0x3ed: {  	v4 =	vld [tilespmem:s25+$0x11920]  }
0x3ee: {  	v5 =	vld [tilespmem:s25+$0x15920]  }
0x3ef: {  	v6 =	vld [tilespmem:s25+$0x11930]  }
0x3f0: {  	v1 =	vmul.f32 v2, v1;
	v2 =	vld [tilespmem:s25+$0x15930]  }
0x3f1: {  	v0 =	vmul.f32 v0, v3;
	v3 =	vld [tilespmem:s25+$0x15940]  }
0x3f2: {  	v7 =	vld [tilespmem:s25+$0x11940]  }
0x3f3: {  	v0 =	vadd.f32 v0, v1;
	v1 =	vmul.f32 v5, v4;
	v4 =	vld [tilespmem:s25+$0x15950]  }
0x3f4: {  	v5 =	vld [tilespmem:s25+$0x11950]  }
0x3f5: {  	v0 =	vadd.f32 v1, v0;
	v1 =	vmul.f32 v2, v6;
	v2 =	vld [tilespmem:s25+$0x15960]  }
0x3f6: {  	v6 =	vld [tilespmem:s25+$0x11960]  }
0x3f7: {  	v0 =	vadd.f32 v1, v0;
	v1 =	vmul.f32 v3, v7;
	v3 =	vld [tilespmem:s25+$0x15970]  }
0x3f8: {  	v7 =	vld [tilespmem:s25+$0x11970]  }
0x3f9: {  	v0 =	vadd.f32 v1, v0;
	v1 =	vmul.f32 v4, v5;
	_ =	sdelay $0x1  }
0x3fa: {  	v0 =	vadd.f32 v1, v0;
	v1 =	vmul.f32 v2, v6;
	_ =	sdelay $0x1  }
0x3fb: {  	v0 =	vadd.f32 v1, v0;
	v1 =	vmul.f32 v3, v7;
	_ =	sdelay $0x1  }
0x3fc: {  	v0 =	vadd.f32 v1, v0;
	_ =	sdelay $0x1  }
0x3fd: {  	[tilespmem:s16+$0xFFFFFFE0] =	vst v0  }
0x3fe: {  	v0 =	vld [tilespmem:s25+$0x15990]  }
0x3ff: {  	v1 =	vld [tilespmem:s25+$0x11980]  }
0x400: {  	v2 =	vld [tilespmem:s25+$0x15980]  }
0x401: {  	v3 =	vld [tilespmem:s25+$0x11990]  }
0x402: {  	v4 =	vld [tilespmem:s25+$0x159A0]  }
0x403: {  	v5 =	vld [tilespmem:s25+$0x119A0]  }
0x404: {  	v6 =	vld [tilespmem:s25+$0x159B0]  }
0x405: {  	v1 =	vmul.f32 v2, v1;
	v2 =	vld [tilespmem:s25+$0x119B0]  }
0x406: {  	v0 =	vmul.f32 v0, v3;
	v3 =	vld [tilespmem:s25+$0x159C0]  }
0x407: {  	v7 =	vld [tilespmem:s25+$0x119C0]  }
0x408: {  	v0 =	vadd.f32 v0, v1;
	v1 =	vmul.f32 v4, v5;
	v4 =	vld [tilespmem:s25+$0x159D0]  }
0x409: {  	v5 =	vld [tilespmem:s25+$0x119D0]  }
0x40a: {  	v0 =	vadd.f32 v1, v0;
	v1 =	vmul.f32 v6, v2;
	v2 =	vld [tilespmem:s25+$0x159E0]  }
0x40b: {  	v6 =	vld [tilespmem:s25+$0x119E0]  }
0x40c: {  	v0 =	vadd.f32 v1, v0;
	v1 =	vmul.f32 v3, v7;
	v3 =	vld [tilespmem:s25+$0x159F0]  }
0x40d: {  	v7 =	vld [tilespmem:s25+$0x119F0]  }
0x40e: {  	v0 =	vadd.f32 v1, v0;
	v1 =	vmul.f32 v4, v5;
	_ =	sdelay $0x1  }
0x40f: {  	v0 =	vadd.f32 v1, v0;
	v1 =	vmul.f32 v2, v6;
	_ =	sdelay $0x1  }
0x410: {  	v0 =	vadd.f32 v1, v0;
	v1 =	vmul.f32 v3, v7;
	_ =	sdelay $0x1  }
0x411: {  	v0 =	vadd.f32 v1, v0;
	_ =	sdelay $0x1  }
0x412: {  	[tilespmem:s16+$0xFFFFFFF0] =	vst v0  }
0x413: {  	v0 =	vld [tilespmem:s25+$0x15A00]  }
0x414: {  	v1 =	vld [tilespmem:s25+$0x11A00]  }
0x415: {  	v2 =	vld [tilespmem:s25+$0x15A10]  }
0x416: {  	v3 =	vld [tilespmem:s25+$0x11A10]  }
0x417: {  	v4 =	vld [tilespmem:s25+$0x11A20]  }
0x418: {  	v5 =	vld [tilespmem:s25+$0x15A20]  }
0x419: {  	v0 =	vmul.f32 v0, v1;
	v1 =	vld [tilespmem:s25+$0x11A30]  }
0x41a: {  	v6 =	vld [tilespmem:s25+$0x15A30]  }
0x41b: {  	v2 =	vmul.f32 v2, v3;
	v3 =	vld [tilespmem:s25+$0x11A40]  }
0x41c: {  	v7 =	vld [tilespmem:s25+$0x15A40]  }
0x41d: {  	v0 =	vadd.f32 v2, v0;
	v2 =	vmul.f32 v5, v4;
	v4 =	vld [tilespmem:s25+$0x11A50]  }
0x41e: {  	v5 =	vld [tilespmem:s25+$0x15A50]  }
0x41f: {  	v0 =	vadd.f32 v2, v0;
	v1 =	vmul.f32 v6, v1;
	v2 =	vld [tilespmem:s25+$0x11A60]  }
0x420: {  	v6 =	vld [tilespmem:s25+$0x15A60]  }
0x421: {  	v0 =	vadd.f32 v1, v0;
	v1 =	vmul.f32 v7, v3;
	v3 =	vld [tilespmem:s25+$0x11A70]  }
0x422: {  	v7 =	vld [tilespmem:s25+$0x15A70]  }
0x423: {  	v0 =	vadd.f32 v1, v0;
	v1 =	vmul.f32 v5, v4;
	_ =	sdelay $0x1  }
0x424: {  	v0 =	vadd.f32 v1, v0;
	v1 =	vmul.f32 v6, v2;
	_ =	sdelay $0x1  }
0x425: {  	v0 =	vadd.f32 v1, v0;
	v1 =	vmul.f32 v7, v3;
	_ =	sdelay $0x1  }
0x426: {  	v0 =	vadd.f32 v1, v0;
	_ =	sdelay $0x1  }
0x427: {  	[tilespmem:s16+$0x0] =	vst v0  }
0x428: {  	v0 =	vld [tilespmem:s25+$0x11A80]  }
0x429: {  	v1 =	vld [tilespmem:s25+$0x15A80]  }
0x42a: {  	v2 =	vld [tilespmem:s25+$0x15A90]  }
0x42b: {  	v3 =	vld [tilespmem:s25+$0x11A90]  }
0x42c: {  	v4 =	vld [tilespmem:s25+$0x11AA0]  }
0x42d: {  	v5 =	vld [tilespmem:s25+$0x15AA0]  }
0x42e: {  	v0 =	vmul.f32 v1, v0;
	v1 =	vld [tilespmem:s25+$0x11AB0]  }
0x42f: {  	v6 =	vld [tilespmem:s25+$0x15AB0]  }
0x430: {  	v2 =	vmul.f32 v2, v3;
	v3 =	vld [tilespmem:s25+$0x11AC0]  }
0x431: {  	v7 =	vld [tilespmem:s25+$0x15AC0]  }
0x432: {  	v0 =	vadd.f32 v2, v0;
	v2 =	vmul.f32 v5, v4;
	v4 =	vld [tilespmem:s25+$0x11AD0]  }
0x433: {  	v5 =	vld [tilespmem:s25+$0x15AD0]  }
0x434: {  	v0 =	vadd.f32 v2, v0;
	v1 =	vmul.f32 v6, v1;
	v2 =	vld [tilespmem:s25+$0x11AE0]  }
0x435: {  	v6 =	vld [tilespmem:s25+$0x15AE0]  }
0x436: {  	v0 =	vadd.f32 v1, v0;
	v1 =	vmul.f32 v7, v3;
	v3 =	vld [tilespmem:s25+$0x11AF0]  }
0x437: {  	v7 =	vld [tilespmem:s25+$0x15AF0]  }
0x438: {  	v0 =	vadd.f32 v1, v0;
	v1 =	vmul.f32 v5, v4;
	_ =	sdelay $0x1  }
0x439: {  	v0 =	vadd.f32 v1, v0;
	v1 =	vmul.f32 v6, v2;
	_ =	sdelay $0x1  }
0x43a: {  	v0 =	vadd.f32 v1, v0;
	v1 =	vmul.f32 v7, v3;
	_ =	sdelay $0x1  }
0x43b: {  	v0 =	vadd.f32 v1, v0;
	_ =	sdelay $0x1  }
0x43c: {  	[tilespmem:s16+$0x10] =	vst v0  }
0x43d: {  	v0 =	vld [tilespmem:s25+$0x15B00]  }
0x43e: {  	v1 =	vld [tilespmem:s25+$0x15B10]  }
0x43f: {  	v2 =	vld [tilespmem:s25+$0x11B00]  }
0x440: {  	v3 =	vld [tilespmem:s25+$0x11B10]  }
0x441: {  	v4 =	vld [tilespmem:s25+$0x11B20]  }
0x442: {  	v5 =	vld [tilespmem:s25+$0x15B20]  }
0x443: {  	v6 =	vld [tilespmem:s25+$0x11B30]  }
0x444: {  	v0 =	vmul.f32 v0, v2;
	v2 =	vld [tilespmem:s25+$0x15B30]  }
0x445: {  	v1 =	vmul.f32 v1, v3;
	v3 =	vld [tilespmem:s25+$0x11B40]  }
0x446: {  	v7 =	vld [tilespmem:s25+$0x15B40]  }
0x447: {  	v0 =	vadd.f32 v1, v0;
	v1 =	vmul.f32 v5, v4;
	v4 =	vld [tilespmem:s25+$0x11B50]  }
0x448: {  	v5 =	vld [tilespmem:s25+$0x15B50]  }
0x449: {  	v0 =	vadd.f32 v1, v0;
	v1 =	vmul.f32 v2, v6;
	v2 =	vld [tilespmem:s25+$0x11B60]  }
0x44a: {  	v6 =	vld [tilespmem:s25+$0x15B60]  }
0x44b: {  	v0 =	vadd.f32 v1, v0;
	v1 =	vmul.f32 v7, v3;
	v3 =	vld [tilespmem:s25+$0x11B70]  }
0x44c: {  	v7 =	vld [tilespmem:s25+$0x15B70]  }
0x44d: {  	v0 =	vadd.f32 v1, v0;
	v1 =	vmul.f32 v5, v4;
	_ =	sdelay $0x1  }
0x44e: {  	v0 =	vadd.f32 v1, v0;
	v1 =	vmul.f32 v6, v2;
	_ =	sdelay $0x1  }
.Ltmp2:
0x44f: {  	v0 =	vadd.f32 v1, v0;
	v1 =	vmul.f32 v7, v3;
	(pc) =	sbr.rel @p1 .LBB2_7-.Ltmp2, $3  }
0x450: {  	_ = 	snop  }
0x451: {  	v0 =	vadd.f32 v1, v0;
	_ =	sdelay $0x1  }
0x452: {  	[tilespmem:s16+$0x20] =	vst v0  }
0x453: {  	v0 =	vld [tilespmem:s25+$0x15B80]  }
0x454: {  	v1 =	vld [tilespmem:s25+$0x15B90]  }
0x455: {  	v2 =	vld [tilespmem:s25+$0x11B80]  }
0x456: {  	v3 =	vld [tilespmem:s25+$0x11B90]  }
0x457: {  	v4 =	vld [tilespmem:s25+$0x11BA0]  }
0x458: {  	v5 =	vld [tilespmem:s25+$0x15BA0]  }
0x459: {  	v6 =	vld [tilespmem:s25+$0x15BB0]  }
0x45a: {  	v7 =	vld [tilespmem:s25+$0x11BB0]  }
0x45b: {  	v54 =	vld [tilespmem:s25+$0x15BC0];
	v0 =	vmul.f32 v0, v2;
	v1 =	vmul.f32 v1, v3  }
0x45c: {  	v55 =	vld [tilespmem:s25+$0x11BC0]  }
0x45d: {  	v56 =	vld [tilespmem:s25+$0x15BD0];
	v4 =	vmul.f32 v5, v4;
	v0 =	vadd.f32 v1, v0  }
0x45e: {  	v57 =	vld [tilespmem:s25+$0x11BD0]  }
0x45f: {  	v58 =	vld [tilespmem:s25+$0x15BE0];
	v6 =	vmul.f32 v6, v7;
	v0 =	vadd.f32 v4, v0  }
0x460: {  	v59 =	vld [tilespmem:s25+$0x11BE0]  }
0x461: {  	v60 =	vld [tilespmem:s25+$0x15BF0];
	v2 =	vmul.f32 v54, v55;
	v0 =	vadd.f32 v6, v0  }
0x462: {  	v61 =	vld [tilespmem:s25+$0x11BF0]  }
0x463: {  	v1 =	vmul.f32 v56, v57;
	v0 =	vadd.f32 v2, v0;
	_ =	sdelay $0x1  }
0x464: {  	s8 =	sshll.u32 s23, $0x4;
	v62 =	vmul.f32 v58, v59;
	v0 =	vadd.f32 v1, v0  }
0x465: {  	s9 =	sadd.s32 s14, s24;
	s22 =	sadd.s32 $0x1, s22;
	s8 =	sadd.s32 s6, s8  }
0x466: {  	s9 =	smov.u32 @p0 s8;
	p0 =	sne.s32 s22, $0x8;
	v63 =	vmul.f32 v60, v61;
	v0 =	vadd.f32 v62, v0  }
.Ltmp3:
0x467: {  	_ = 	snop;
	(pc) =	sbr.rel @p0 .LBB2_2-.Ltmp3, $4  }
0x468: {  	v0 =	vadd.f32 v63, v0  }
0x469: {  	s8 =	sshll.u32 s9, $0x4  }
0x46a: {  	s25 =	sadd.s32 s5, s8;
	[tilespmem:s7+$0x30] =	vst v0  }
0x46b: {  	[hbm4b:s25+s4] =	stream.linear.scatter [tilespmem:s3], [sflag:$0x6], $0x800, $0x38;
	[tilespmem:$0x1B000] =	vst v63  }
0x46c: {  	_ =	swait.ge [sflag:s19], $0x800  }
0x46d: {  	[sflag:s19] =	ssyncset.done $0x0  }
0x46e: {  	s21 =	sadd.s32 $0x1, s21;
	[sflag:s19] =	ssyncadd.s32 $0xFFFFF800  }
0x46f: {  	p0 =	sne.s32 s21, s15;
	_ =	swait.ge [sflag:s17], $0x800  }
.Ltmp4:
0x470: {  	[sflag:s17] =	ssyncset.done $0x0;
	(pc) =	sbr.rel @p0 .LBB2_1-.Ltmp4, $4  }
0x471: {  	[sflag:s17] =	ssyncadd.s32 $0xFFFFF800  }
0x472: {  	_ =	swait.ge [sflag:s18], $0x800  }
0x473: {  	[sflag:s18] =	ssyncset.done $0x0  }
0x474: {  	[sflag:s18] =	ssyncadd.s32 $0xFFFFF800  }
0x475: {  	_ =	sfence.sel $0x180000  }
0x476: {  	[bflag:$0x0] =	sbarrier.arrive $0xFFFF  }
0x477: {  	_ =	strace $0x90000047  }
0x478: {  	s0 =	stileid.u32;
	[bflag:$0x2] =	sbarrier.arrive $0xFFFF  }
0x479: {  	p0 =	sne.s32 s0, $0x0;
	s0 =	rddreg [dreg:$0x7]  }
0x47a: {  	s0 =	sadd.s32 @!p0 $0x100000, s0  }
0x47b: {  	[sflag:s0] =	ssyncadd.tile.s32 @!p0 $0x1;
	_ =	shalt  }
.Lfunc_end2:
_tile_overlayer_lowered:
.L_overlay_start_2:
0x47c: {  	(tag) =	ssettag $0x2  }
0x47d: {  	s0 =	rddreg [dreg:$0x0];
	s2 =	stileid.u32  }
0x47e: {  	s1 =	rddreg [dreg:$0x1];
	p0 =	sne.s32 s2, $0x0  }
0x47f: {  	s3 =	rddreg [dreg:$0x2];
	[bflag:$0x3] =	sbarrier.arrive $0xFFFF;
	s2 =	simm.s32 @!p0 $0x1C07  }
0x480: {  	[timem:s3], [sflag:s2] =	dma.local @!p0 [hbm:s0], s1  }
0x481: {  	s0 =	simm.s32 @!p0 $0x7  }
0x482: {  	_ =	swait.ge @!p0 [sflag:s0], s1  }
0x483: {  	s1 =	ssub.s32 @!p0 $0x0, s1;
	[sflag:s0] =	ssyncset.done @!p0 $0x0  }
0x484: {  	[sflag:s0] =	ssyncadd.s32 @!p0 s1  }
0x485: {  	[bflag:$0x3] =	sbarrier.arrive $0xFFFF  }
0x486: {  	_ =	shalt  }

</sc_bundles>
